<compile_context>
chip_gen: v7x
topology: tpu7x:2x2x1
jax: 0.10.2.dev20260603
libtpu: 0.0.44.dev20260713+nightly
codegen_flags: <defaults>
</compile_context>

<pallas_src>
import functools
import jax
import jax.numpy as jnp
from jax import lax
from jax.experimental import pallas as pl
from jax.experimental.pallas import tpu as pltpu
from jax.experimental.pallas import tpu_sc as plsc

_B, _G, _S = 8, 128, 2
_C = 64
_N = 100000
_NC, _NS, _L = 2, 16, 16
_PPT = 6400
_NPAD = _NS * _PPT
_GROUPS = _PPT // _L
_RPASS = 16384
_PASSES = 4
_DUMMY = _RPASS
_SHROWS = _RPASS + 16
_CHUNK = 128
_RT = _RPASS // _NS
_OG = _G // _S


_TAIL = _N - (_NS - 1) * _PPT


def _sc_body(feats, cbr, csr, dense,
             cb_v, cs_v, rows_v, gidx2_v, lidx2_v, fb8_v,
             zer_v, shared, sem, sem2, gsem, ssem):
    c = lax.axis_index("c")
    s = lax.axis_index("s")
    pt_base = s * _PPT
    iota = lax.iota(jnp.int32, _L)
    zero16 = jnp.zeros((_L,), jnp.float32)

    @pl.when(s < _NS - 1)
    def _load_full():
        pltpu.sync_copy(cbr.at[pl.ds(pt_base, _PPT)], cb_v)
        pltpu.sync_copy(csr.at[pl.ds(2 * pt_base, 2 * _PPT)], cs_v)

    @pl.when(s == _NS - 1)
    def _load_tail():
        pltpu.sync_copy(cbr.at[pl.ds(pt_base, _TAIL)], cb_v.at[pl.ds(0, _TAIL)])
        pltpu.sync_copy(csr.at[pl.ds(2 * pt_base, 2 * _TAIL)],
                        cs_v.at[pl.ds(0, 2 * _TAIL)])

    def _zbuf(r, carry):
        for g in range(_C // _L):
            zer_v[r, pl.ds(g * _L, _L)] = zero16
        return carry
    lax.fori_loop(0, _CHUNK // 2, _zbuf, 0)

    co_handle = None
    for p in range(_PASSES):
        base = p * (_NC * _RPASS) + c * _RPASS
        my0 = s * _RT

        if p == 0:
            def _cmp(g, cnt):
                off = g * _L
                pi = off + iota
                cb = cb_v[pl.ds(off, _L)]
                yv = plsc.load_gather(cs_v, [2 * pi])
                xv = plsc.load_gather(cs_v, [2 * pi + 1])
                pt = pt_base + pi
                row = (((yv & 1) * _B + cb) * (2 * _OG * _OG)
                       + (yv >> 1) * (2 * _OG) + ((xv >> 1) << 1)
                       + (xv & 1))
                row = jnp.where(pt < _N, row, jnp.int32(0x40000000))
                rows_v[pl.ds(off, _L)] = row
                loc = row - base
                valid = (loc >= 0) & (loc < _RPASS)
                pos = cnt + plsc.cumsum(valid.astype(jnp.int32)) - 1
                plsc.store_scatter(gidx2_v, [pos >> 7, pos & 127],
                                   pt, mask=valid)
                plsc.store_scatter(lidx2_v, [pos >> 7, pos & 127],
                                   loc, mask=valid)
                return pos[_L - 1] + 1
        else:
            def _cmp(g, cnt):
                off = g * _L
                loc = rows_v[pl.ds(off, _L)] - base
                pt = pt_base + off + iota
                valid = (loc >= 0) & (loc < _RPASS)
                pos = cnt + plsc.cumsum(valid.astype(jnp.int32)) - 1
                plsc.store_scatter(gidx2_v, [pos >> 7, pos & 127],
                                   pt, mask=valid)
                plsc.store_scatter(lidx2_v, [pos >> 7, pos & 127],
                                   loc, mask=valid)
                return pos[_L - 1] + 1
        cnt = lax.fori_loop(0, _GROUPS, _cmp, jnp.int32(0))

        nch = (cnt + _CHUNK - 1) >> 7

        def _fill(g2, carry):
            fpos = g2 * _L + iota
            m = fpos >= cnt
            plsc.store_scatter(gidx2_v, [fpos >> 7, fpos & 127],
                               jnp.zeros((_L,), jnp.int32), mask=m)
            plsc.store_scatter(lidx2_v, [fpos >> 7, fpos & 127],
                               jnp.full((_L,), _DUMMY, jnp.int32), mask=m)
            return carry
        lax.fori_loop(cnt >> 4, nch * 8, _fill, 0)

        if co_handle is not None:
            co_handle.wait()
        zh = [pltpu.async_copy(zer_v,
                               shared.at[pl.ds(my0 + i * (_CHUNK // 2),
                                               _CHUNK // 2)],
                               sem)
              for i in range(_RT // (_CHUNK // 2))]

        @pl.when(s == 0)
        def _zd():
            pltpu.sync_copy(zer_v.at[pl.ds(0, 16)],
                            shared.at[pl.ds(_RPASS, 16)])
        for h in zh:
            h.wait()
        plsc.subcore_barrier()

        def _sb(j, carry):
            h0 = j & 1

            @pl.when(j >= 2)
            def _wait_prev():
                pltpu.make_async_copy(feats.at[pl.ds(0, _CHUNK)],
                                      fb8_v.at[h0], ssem).wait()
            pltpu.async_copy(feats.at[gidx2_v.at[j]],
                             fb8_v.at[h0], gsem).wait()
            pltpu.async_copy(fb8_v.at[h0],
                             shared.at[lidx2_v.at[j]], ssem, add=True)
            return carry
        lax.fori_loop(0, nch, _sb, 0)

        def _dr(i, carry):
            pltpu.make_async_copy(feats.at[pl.ds(0, _CHUNK)],
                                  fb8_v.at[0], ssem).wait()
            return carry
        lax.fori_loop(0, jnp.minimum(nch, 2), _dr, 0)
        plsc.subcore_barrier()

        co_handle = pltpu.async_copy(shared.at[pl.ds(my0, _RT)],
                                     dense.at[pl.ds(base + my0, _RT)], sem2)
    co_handle.wait()


@functools.cache
def _build_scatter():
    return pl.kernel(
        _sc_body,
        out_type=jax.ShapeDtypeStruct((_B * _G * _G, _C), jnp.float32),
        mesh=plsc.VectorSubcoreMesh(core_axis_name="c", subcore_axis_name="s",
                                    num_cores=_NC, num_subcores=_NS),
        compiler_params=pltpu.CompilerParams(needs_layout_passes=False,
                                             use_tc_tiling_on_sc=False),
        scratch_types=[
            pltpu.VMEM((_PPT,), jnp.int32),
            pltpu.VMEM((2 * _PPT,), jnp.int32),
            pltpu.VMEM((_PPT,), jnp.int32),
            pltpu.VMEM((52, _CHUNK), jnp.int32),
            pltpu.VMEM((52, _CHUNK), jnp.int32),
            pltpu.VMEM((2, _CHUNK, _C), jnp.float32),
            pltpu.VMEM((_CHUNK // 2, _C), jnp.float32),
            pltpu.VMEM_SHARED((_SHROWS, _C), jnp.float32),
            pltpu.SemaphoreType.DMA,
            pltpu.SemaphoreType.DMA,
            pltpu.SemaphoreType.DMA,
            pltpu.SemaphoreType.DMA,
        ],
    )


def _conv_body(dns_ref, w_ref, a_ref, out_ref, aout_ref):
    w = w_ref[...]
    z = jnp.zeros((_C, _C), jnp.float32)
    f = _OG * _OG

    def wblk(k0, k1, km):
        return jnp.concatenate(
            [jnp.concatenate([w[k0], z], axis=1),
             jnp.concatenate([w[k1], w[km]], axis=1)], axis=0)

    p0 = dns_ref[0, 0]
    p1 = dns_ref[1, 0]
    u0 = jnp.dot(p0, wblk(4, 5, 3), preferred_element_type=jnp.float32)
    u1 = jnp.dot(p1, wblk(7, 8, 6), preferred_element_type=jnp.float32)
    um = jnp.dot(p1, wblk(1, 2, 0), preferred_element_type=jnp.float32)
    s = u0 + u1 + jnp.concatenate(
        [jnp.zeros((_OG, 2 * _C), jnp.float32), um[:-_OG]], axis=0)
    xs = jnp.concatenate(
        [jnp.zeros((1, _C), jnp.float32), s[:-1, _C:]], axis=0)
    ox0 = (lax.broadcasted_iota(jnp.int32, (f, 1), 0) & (_OG - 1)) == 0
    out_ref[...] = s[:, :_C] + jnp.where(ox0, 0.0, xs)
    aout_ref[0, 0] = a_ref[0, 0] * jnp.sqrt(jnp.sum(w * w))


_conv = pl.pallas_call(
    _conv_body,
    grid=(_B,),
    in_specs=[
        pl.BlockSpec((2, 1, _OG * _OG, 2 * _C), lambda b: (0, b, 0, 0)),
        pl.BlockSpec((3 * 3, _C, _C), lambda b: (0, 0, 0)),
        pl.BlockSpec(memory_space=pltpu.SMEM),
    ],
    out_specs=[
        pl.BlockSpec((_OG * _OG, _C), lambda b: (b, 0)),
        pl.BlockSpec(memory_space=pltpu.SMEM),
    ],
    out_shape=[
        jax.ShapeDtypeStruct((_B * _OG * _OG, _C), jnp.float32),
        jax.ShapeDtypeStruct((1, 1), jnp.float32),
    ],
)


def kernel(feats, coords_batch, coords_spatial, alpha_upper, weight):
    dense = _build_scatter()(feats, coords_batch,
                             coords_spatial.reshape(-1))
    out, aout = _conv(dense.reshape(2, _B, _OG * _OG, 2 * _C), weight,
                      alpha_upper.reshape(1, 1))
    b_ = jnp.arange(_B, dtype=jnp.int32)
    o_ = jnp.arange(_OG, dtype=jnp.int32)
    bb, oyv, oxv = jnp.meshgrid(b_, o_, o_, indexing="ij")
    oc = jnp.stack([bb.reshape(-1), oyv.reshape(-1), oxv.reshape(-1)],
                   axis=-1)
    return out, oc, aout.reshape(1)

# --- scband reference (transcript-rebuilt; emitter-appended) ---
"""Pipeline reference for scband-wrapped-minkowski-strided-operation-4784593568092 (READ-ONLY COPY).

The authoritative reference and input builder live on the scoring server;
editing this copy changes nothing except your own understanding.
"""

import jax, jax.numpy as jnp
import numpy as np

B, G, S = 8, 128, 2
KS = 3
C_IN, C_OUT = 64, 64
N = 100000


def setup_inputs(seed: int = 0) -> dict:
    key = jax.random.key(seed)
    k1, k2, k3, k4, k5 = jax.random.split(key, 5)
    feats = jax.random.normal(k1, (N, C_IN), dtype=jnp.float32)
    coords_batch = jax.random.randint(k2, (N,), 0, B, dtype=jnp.int32)
    coords_spatial = jax.random.randint(k3, (N, 2), 0, G, dtype=jnp.int32)
    alpha_upper = jax.random.uniform(k4, (1,), dtype=jnp.float32)
    weight = jax.random.normal(k5, (KS * KS, C_IN, C_OUT), dtype=jnp.float32) * 0.05
    return {
        'feats': feats,
        'coords_batch': coords_batch,
        'coords_spatial': coords_spatial,
        'alpha_upper': alpha_upper,
        'weight': weight,
    }


def reference(feats, coords_batch, coords_spatial, alpha_upper, weight):
    # --- coordinate bookkeeping from WrappedMinkowskiStridedOperation.__init__ ---
    # kernel_size=3, dilation=1, padding=1 (per spatial dim):
    #   kernel_origin = 1; dilated_kernel_size = 3
    #   index_start_offset = 1 - 1 = 0; index_end_offset = 1 + 1 - 3 + 2 = 1
    # => output coordinate range per batch is [0, max_coord + 1) stepped by stride.
    # With sites spanning the full grid this is the static grid arange(0, G, S).
    lin = coords_batch * (G * G) + coords_spatial[:, 0] * G + coords_spatial[:, 1]
    dense = jnp.zeros((B * G * G, C_IN), dtype=feats.dtype).at[lin].add(feats)

    b = jnp.arange(B, dtype=jnp.int32)
    oy = jnp.arange(0, G, S, dtype=jnp.int32)
    ox = jnp.arange(0, G, S, dtype=jnp.int32)
    bb, yy, xx = jnp.meshgrid(b, oy, ox, indexing='ij')
    out_coords = jnp.stack([bb.reshape(-1), yy.reshape(-1), xx.reshape(-1)], axis=-1)
    M = out_coords.shape[0]

    # --- _apply_function: strided sparse conv over 3x3 kernel region offsets ---
    offsets = [(dy, dx) for dy in (-1, 0, 1) for dx in (-1, 0, 1)]
    out = jnp.zeros((M, C_OUT), dtype=feats.dtype)
    for k, (dy, dx) in enumerate(offsets):
        iy = out_coords[:, 1] + dy
        ix = out_coords[:, 2] + dx
        valid = (iy >= 0) & (iy < G) & (ix >= 0) & (ix < G)
        iyc = jnp.clip(iy, 0, G - 1)
        ixc = jnp.clip(ix, 0, G - 1)
        lin_in = out_coords[:, 0] * (G * G) + iyc * G + ixc
        g = jnp.take(dense, lin_in, axis=0) * valid[:, None].astype(feats.dtype)
        out = out + g @ weight[k]

    # post-process coordinates: out_coords[:, 1:] //= stride
    out_coords_final = out_coords.at[:, 1:].set(out_coords[:, 1:] // S)
    # alpha_upper propagation (stand-in for abstract _apply_function alpha update)
    alpha_out = alpha_upper * jnp.sqrt(jnp.sum(weight * weight))
    return out, out_coords_final, alpha_out

if __name__ == "__main__":
    import jax
    _d = setup_inputs()
    print(jax.jit(kernel)(*tuple(_d.values())))

</pallas_src>

<mosaic_0001>
#map = affine_map<(d0, d1) -> (0, 0)>
#map1 = affine_map<(d0, d1) -> (0)>
module attributes {stable_mosaic.version = 14 : i64} {
  func.func @_sc_body(%arg0: i32, %arg1: i32, %arg2: memref<100000x64xf32, #tpu.memory_space<hbm>>, %arg3: memref<100000xi32, #tpu.memory_space<hbm>>, %arg4: memref<200000xi32, #tpu.memory_space<hbm>>, %arg5: memref<131072x64xf32, #tpu.memory_space<hbm>>, %arg6: memref<6400xi32, #tpu.memory_space<vmem>>, %arg7: memref<12800xi32, #tpu.memory_space<vmem>>, %arg8: memref<6400xi32, #tpu.memory_space<vmem>>, %arg9: memref<52x128xi32, #tpu.memory_space<vmem>>, %arg10: memref<52x128xi32, #tpu.memory_space<vmem>>, %arg11: memref<2x128x64xf32, #tpu.memory_space<vmem>>, %arg12: memref<64x64xf32, #tpu.memory_space<vmem>>, %arg13: memref<16400x64xf32, #tpu.memory_space<vmem_shared>>, %arg14: memref<!tpu.dma_semaphore, #tpu.memory_space<semaphore_mem>>, %arg15: memref<!tpu.dma_semaphore, #tpu.memory_space<semaphore_mem>>, %arg16: memref<!tpu.dma_semaphore, #tpu.memory_space<semaphore_mem>>, %arg17: memref<!tpu.dma_semaphore, #tpu.memory_space<semaphore_mem>>) attributes {dimension_semantics = [#tpu.dimension_semantics<core_parallel>, #tpu.dimension_semantics<subcore_parallel>], iteration_bounds = array<i64: 2, 16>, scalar_prefetch = 0 : i64, scratch_operands = 12 : i64, tpu.core_type = #tpu.core_type<sc_vector_subcore>, window_params = [{transform_indices = #map}, {transform_indices = #map1}, {transform_indices = #map1}, {transform_indices = #map}]} {
    %mul3A = arith.constant 6400 : i32
    %mul3A_0 = arith.muli %arg1, %mul3A : i32
    %iota3A = tpu.iota {dimensions = array<i32: 0>} : vector<16xi32>
    %broadcast_in_dim3A = arith.constant 0.000000e+00 : f32
    %broadcast_in_dim3A_1 = vector.broadcast %broadcast_in_dim3A : f32 to vector<16xf32>
    %lt3A = arith.constant 15 : i32
    %lt3A_2 = arith.cmpi slt, %arg1, %lt3A : i32
    %convert_element_type3A = arith.extui %lt3A_2 : i1 to i32
    %cond3A = arith.constant 0 : i32
    %cond3A_3 = arith.cmpi ne, %convert_element_type3A, %cond3A : i32
    scf.if %cond3A_3 {
      "tpu.region"() ({
        %run_scoped3A = tpu.sem_alloc : memref<!tpu.dma_semaphore, #tpu.memory_space<semaphore_mem>>
        %dma_start3A_927 = tpu.memref_slice %arg3[%mul3A_0] : memref<100000xi32, #tpu.memory_space<hbm>> -> memref<6400xi32, #tpu.memory_space<hbm>>
        %dma_start3A_928 = tpu.memref_slice %arg3[%mul3A_0] : memref<100000xi32, #tpu.memory_space<hbm>> -> memref<6400xi32, #tpu.memory_space<hbm>>
        tpu.enqueue_dma source(%dma_start3A_928 : memref<6400xi32, #tpu.memory_space<hbm>>) target(%arg6 : memref<6400xi32, #tpu.memory_space<vmem>>) target_semaphore(%run_scoped3A : memref<!tpu.dma_semaphore, #tpu.memory_space<semaphore_mem>>)
        %dma_wait3A_929 = tpu.memref_slice %arg3[%mul3A_0] : memref<100000xi32, #tpu.memory_space<hbm>> -> memref<6400xi32, #tpu.memory_space<hbm>>
        %dma_wait3A_930 = tpu.memref_slice %arg3[%mul3A_0] : memref<100000xi32, #tpu.memory_space<hbm>> -> memref<6400xi32, #tpu.memory_space<hbm>>
        tpu.wait_dma2 semaphore(%run_scoped3A : memref<!tpu.dma_semaphore, #tpu.memory_space<semaphore_mem>>) src(%dma_wait3A_930 : memref<6400xi32, #tpu.memory_space<hbm>>) dst(%arg6 : memref<6400xi32, #tpu.memory_space<vmem>>)
        tpu.yield
      }) : () -> ()
      %mul3A_925 = arith.constant 2 : i32
      %mul3A_926 = arith.muli %mul3A_925, %mul3A_0 : i32
      "tpu.region"() ({
        %run_scoped3A = tpu.sem_alloc : memref<!tpu.dma_semaphore, #tpu.memory_space<semaphore_mem>>
        %dma_start3A_927 = tpu.memref_slice %arg4[%mul3A_926] : memref<200000xi32, #tpu.memory_space<hbm>> -> memref<12800xi32, #tpu.memory_space<hbm>>
        %dma_start3A_928 = tpu.memref_slice %arg4[%mul3A_926] : memref<200000xi32, #tpu.memory_space<hbm>> -> memref<12800xi32, #tpu.memory_space<hbm>>
        tpu.enqueue_dma source(%dma_start3A_928 : memref<12800xi32, #tpu.memory_space<hbm>>) target(%arg7 : memref<12800xi32, #tpu.memory_space<vmem>>) target_semaphore(%run_scoped3A : memref<!tpu.dma_semaphore, #tpu.memory_space<semaphore_mem>>)
        %dma_wait3A_929 = tpu.memref_slice %arg4[%mul3A_926] : memref<200000xi32, #tpu.memory_space<hbm>> -> memref<12800xi32, #tpu.memory_space<hbm>>
        %dma_wait3A_930 = tpu.memref_slice %arg4[%mul3A_926] : memref<200000xi32, #tpu.memory_space<hbm>> -> memref<12800xi32, #tpu.memory_space<hbm>>
        tpu.wait_dma2 semaphore(%run_scoped3A : memref<!tpu.dma_semaphore, #tpu.memory_space<semaphore_mem>>) src(%dma_wait3A_930 : memref<12800xi32, #tpu.memory_space<hbm>>) dst(%arg7 : memref<12800xi32, #tpu.memory_space<vmem>>)
        tpu.yield
      }) : () -> ()
    } else {
    }
    %eq3A = arith.constant 15 : i32
    %eq3A_4 = arith.cmpi eq, %arg1, %eq3A : i32
    %convert_element_type3A_5 = arith.extui %eq3A_4 : i1 to i32
    %cond3A_6 = arith.constant 0 : i32
    %cond3A_7 = arith.cmpi ne, %convert_element_type3A_5, %cond3A_6 : i32
    scf.if %cond3A_7 {
      "tpu.region"() ({
        %run_scoped3A = tpu.sem_alloc : memref<!tpu.dma_semaphore, #tpu.memory_space<semaphore_mem>>
        %dma_start3A_927 = arith.constant 0 : i32
        %dma_start3A_928 = tpu.memref_slice %arg6[%dma_start3A_927] : memref<6400xi32, #tpu.memory_space<vmem>> -> memref<4000xi32, #tpu.memory_space<vmem>>
        %dma_start3A_929 = tpu.memref_slice %arg3[%mul3A_0] : memref<100000xi32, #tpu.memory_space<hbm>> -> memref<4000xi32, #tpu.memory_space<hbm>>
        %dma_start3A_930 = arith.constant 0 : i32
        %dma_start3A_931 = tpu.memref_slice %arg6[%dma_start3A_930] : memref<6400xi32, #tpu.memory_space<vmem>> -> memref<4000xi32, #tpu.memory_space<vmem>>
        %dma_start3A_932 = tpu.memref_slice %arg3[%mul3A_0] : memref<100000xi32, #tpu.memory_space<hbm>> -> memref<4000xi32, #tpu.memory_space<hbm>>
        tpu.enqueue_dma source(%dma_start3A_932 : memref<4000xi32, #tpu.memory_space<hbm>>) target(%dma_start3A_931 : memref<4000xi32, #tpu.memory_space<vmem>>) target_semaphore(%run_scoped3A : memref<!tpu.dma_semaphore, #tpu.memory_space<semaphore_mem>>)
        %dma_wait3A_933 = arith.constant 0 : i32
        %dma_wait3A_934 = tpu.memref_slice %arg6[%dma_wait3A_933] : memref<6400xi32, #tpu.memory_space<vmem>> -> memref<4000xi32, #tpu.memory_space<vmem>>
        %dma_wait3A_935 = tpu.memref_slice %arg3[%mul3A_0] : memref<100000xi32, #tpu.memory_space<hbm>> -> memref<4000xi32, #tpu.memory_space<hbm>>
        %dma_wait3A_936 = arith.constant 0 : i32
        %dma_wait3A_937 = tpu.memref_slice %arg6[%dma_wait3A_936] : memref<6400xi32, #tpu.memory_space<vmem>> -> memref<4000xi32, #tpu.memory_space<vmem>>
        %dma_wait3A_938 = tpu.memref_slice %arg3[%mul3A_0] : memref<100000xi32, #tpu.memory_space<hbm>> -> memref<4000xi32, #tpu.memory_space<hbm>>
        tpu.wait_dma2 semaphore(%run_scoped3A : memref<!tpu.dma_semaphore, #tpu.memory_space<semaphore_mem>>) src(%dma_wait3A_938 : memref<4000xi32, #tpu.memory_space<hbm>>) dst(%dma_wait3A_937 : memref<4000xi32, #tpu.memory_space<vmem>>)
        tpu.yield
      }) : () -> ()
      %mul3A_925 = arith.constant 2 : i32
      %mul3A_926 = arith.muli %mul3A_925, %mul3A_0 : i32
      "tpu.region"() ({
        %run_scoped3A = tpu.sem_alloc : memref<!tpu.dma_semaphore, #tpu.memory_space<semaphore_mem>>
        %dma_start3A_927 = arith.constant 0 : i32
        %dma_start3A_928 = tpu.memref_slice %arg7[%dma_start3A_927] : memref<12800xi32, #tpu.memory_space<vmem>> -> memref<8000xi32, #tpu.memory_space<vmem>>
        %dma_start3A_929 = tpu.memref_slice %arg4[%mul3A_926] : memref<200000xi32, #tpu.memory_space<hbm>> -> memref<8000xi32, #tpu.memory_space<hbm>>
        %dma_start3A_930 = arith.constant 0 : i32
        %dma_start3A_931 = tpu.memref_slice %arg7[%dma_start3A_930] : memref<12800xi32, #tpu.memory_space<vmem>> -> memref<8000xi32, #tpu.memory_space<vmem>>
        %dma_start3A_932 = tpu.memref_slice %arg4[%mul3A_926] : memref<200000xi32, #tpu.memory_space<hbm>> -> memref<8000xi32, #tpu.memory_space<hbm>>
        tpu.enqueue_dma source(%dma_start3A_932 : memref<8000xi32, #tpu.memory_space<hbm>>) target(%dma_start3A_931 : memref<8000xi32, #tpu.memory_space<vmem>>) target_semaphore(%run_scoped3A : memref<!tpu.dma_semaphore, #tpu.memory_space<semaphore_mem>>)
        %dma_wait3A_933 = arith.constant 0 : i32
        %dma_wait3A_934 = tpu.memref_slice %arg7[%dma_wait3A_933] : memref<12800xi32, #tpu.memory_space<vmem>> -> memref<8000xi32, #tpu.memory_space<vmem>>
        %dma_wait3A_935 = tpu.memref_slice %arg4[%mul3A_926] : memref<200000xi32, #tpu.memory_space<hbm>> -> memref<8000xi32, #tpu.memory_space<hbm>>
        %dma_wait3A_936 = arith.constant 0 : i32
        %dma_wait3A_937 = tpu.memref_slice %arg7[%dma_wait3A_936] : memref<12800xi32, #tpu.memory_space<vmem>> -> memref<8000xi32, #tpu.memory_space<vmem>>
        %dma_wait3A_938 = tpu.memref_slice %arg4[%mul3A_926] : memref<200000xi32, #tpu.memory_space<hbm>> -> memref<8000xi32, #tpu.memory_space<hbm>>
        tpu.wait_dma2 semaphore(%run_scoped3A : memref<!tpu.dma_semaphore, #tpu.memory_space<semaphore_mem>>) src(%dma_wait3A_938 : memref<8000xi32, #tpu.memory_space<hbm>>) dst(%dma_wait3A_937 : memref<8000xi32, #tpu.memory_space<vmem>>)
        tpu.yield
      }) : () -> ()
    } else {
    }
    %scan3A = arith.constant 0 : i32
    %scan3A_8 = arith.constant 0 : i32
    %scan3A_9 = arith.constant 64 : i32
    %scan3A_10 = arith.addi %scan3A_8, %scan3A_9 : i32
    %scan3A_11 = arith.constant 1 : i32
    scf.for %scan3A_925 = %scan3A_8 to %scan3A_10 step %scan3A_11  : i32 {
      %swap3A = arith.index_cast %scan3A_925 : i32 to index
      %swap3A_926 = arith.constant 0 : index
      %swap3A_927 = tpu.vector_load %arg12[%swap3A, %swap3A_926] {strides = array<i32>} : memref<64x64xf32, #tpu.memory_space<vmem>>, vector<16xf32>,
      tpu.vector_store %arg12[%swap3A, %swap3A_926], %broadcast_in_dim3A_1 {strides = array<i32>} : memref<64x64xf32, #tpu.memory_space<vmem>>, vector<16xf32>,
      %swap3A_928 = arith.index_cast %scan3A_925 : i32 to index
      %swap3A_929 = arith.constant 16 : index
      %swap3A_930 = tpu.vector_load %arg12[%swap3A_928, %swap3A_929] {strides = array<i32>} : memref<64x64xf32, #tpu.memory_space<vmem>>, vector<16xf32>,
      tpu.vector_store %arg12[%swap3A_928, %swap3A_929], %broadcast_in_dim3A_1 {strides = array<i32>} : memref<64x64xf32, #tpu.memory_space<vmem>>, vector<16xf32>,
      %swap3A_931 = arith.index_cast %scan3A_925 : i32 to index
      %swap3A_932 = arith.constant 32 : index
      %swap3A_933 = tpu.vector_load %arg12[%swap3A_931, %swap3A_932] {strides = array<i32>} : memref<64x64xf32, #tpu.memory_space<vmem>>, vector<16xf32>,
      tpu.vector_store %arg12[%swap3A_931, %swap3A_932], %broadcast_in_dim3A_1 {strides = array<i32>} : memref<64x64xf32, #tpu.memory_space<vmem>>, vector<16xf32>,
      %swap3A_934 = arith.index_cast %scan3A_925 : i32 to index
      %swap3A_935 = arith.constant 48 : index
      %swap3A_936 = tpu.vector_load %arg12[%swap3A_934, %swap3A_935] {strides = array<i32>} : memref<64x64xf32, #tpu.memory_space<vmem>>, vector<16xf32>,
      tpu.vector_store %arg12[%swap3A_934, %swap3A_935], %broadcast_in_dim3A_1 {strides = array<i32>} : memref<64x64xf32, #tpu.memory_space<vmem>>, vector<16xf32>,
    }
    %scan3A_12 = arith.constant 64 : i32
    %mul3A_13 = arith.constant 16384 : i32
    %mul3A_14 = arith.muli %arg0, %mul3A_13 : i32
    %add3A = arith.constant 0 : i32
    %add3A_15 = arith.addi %add3A, %mul3A_14 : i32
    %mul3A_16 = arith.constant 1024 : i32
    %mul3A_17 = arith.muli %arg1, %mul3A_16 : i32
    %scan3A_18 = arith.constant 0 : i32
    %scan3A_19 = arith.constant 0 : i32
    %scan3A_20 = arith.constant 400 : i32
    %scan3A_21 = arith.addi %scan3A_19, %scan3A_20 : i32
    %scan3A_22 = arith.constant 1 : i32
    %scan3A_23 = scf.for %scan3A_925 = %scan3A_19 to %scan3A_21 step %scan3A_22 iter_args(%scan3A_926 = %scan3A_18) -> (i32)  : i32 {
      %mul3A_927 = arith.constant 16 : i32
      %mul3A_928 = arith.muli %scan3A_925, %mul3A_927 : i32
      %add3A_929 = vector.broadcast %mul3A_928 : i32 to vector<16xi32>
      %add3A_930 = arith.addi %add3A_929, %iota3A : vector<16xi32>
      %get3A = arith.index_cast %mul3A_928 : i32 to index
      %get3A_931 = tpu.vector_load %arg6[%get3A] {strides = array<i32>} : memref<6400xi32, #tpu.memory_space<vmem>>, vector<16xi32>,
      %mul3A_932 = arith.constant 2 : i32
      %mul3A_933 = vector.broadcast %mul3A_932 : i32 to vector<16xi32>
      %mul3A_934 = arith.muli %mul3A_933, %add3A_930 : vector<16xi32>
      %gather3A = tpu.vector_load_idx %arg7[%mul3A_934] : memref<12800xi32, #tpu.memory_space<vmem>>[vector<16xi32>], vector<16xi32>,
      %mul3A_935 = arith.constant 2 : i32
      %mul3A_936 = vector.broadcast %mul3A_935 : i32 to vector<16xi32>
      %mul3A_937 = arith.muli %mul3A_936, %add3A_930 : vector<16xi32>
      %add3A_938 = arith.constant 1 : i32
      %add3A_939 = vector.broadcast %add3A_938 : i32 to vector<16xi32>
      %add3A_940 = arith.addi %mul3A_937, %add3A_939 : vector<16xi32>
      %gather3A_941 = tpu.vector_load_idx %arg7[%add3A_940] : memref<12800xi32, #tpu.memory_space<vmem>>[vector<16xi32>], vector<16xi32>,
      %add3A_942 = vector.broadcast %mul3A_0 : i32 to vector<16xi32>
      %add3A_943 = arith.addi %add3A_942, %add3A_930 : vector<16xi32>
      %and3A = arith.constant 1 : i32
      %and3A_944 = vector.broadcast %and3A : i32 to vector<16xi32>
      %and3A_945 = arith.andi %gather3A, %and3A_944 : vector<16xi32>
      %mul3A_946 = arith.constant 8 : i32
      %mul3A_947 = vector.broadcast %mul3A_946 : i32 to vector<16xi32>
      %mul3A_948 = arith.muli %and3A_945, %mul3A_947 : vector<16xi32>
      %add3A_949 = arith.addi %mul3A_948, %get3A_931 : vector<16xi32>
      %mul3A_950 = arith.constant 8192 : i32
      %mul3A_951 = vector.broadcast %mul3A_950 : i32 to vector<16xi32>
      %mul3A_952 = arith.muli %add3A_949, %mul3A_951 : vector<16xi32>
      %shift_right_arithmetic3A_953 = arith.constant 1 : i32
      %shift_right_arithmetic3A_954 = vector.broadcast %shift_right_arithmetic3A_953 : i32 to vector<16xi32>
      %shift_right_arithmetic3A_955 = arith.shrsi %gather3A, %shift_right_arithmetic3A_954 : vector<16xi32>
      %mul3A_956 = arith.constant 128 : i32
      %mul3A_957 = vector.broadcast %mul3A_956 : i32 to vector<16xi32>
      %mul3A_958 = arith.muli %shift_right_arithmetic3A_955, %mul3A_957 : vector<16xi32>
      %add3A_959 = arith.addi %mul3A_952, %mul3A_958 : vector<16xi32>
      %shift_right_arithmetic3A_960 = arith.constant 1 : i32
      %shift_right_arithmetic3A_961 = vector.broadcast %shift_right_arithmetic3A_960 : i32 to vector<16xi32>
      %shift_right_arithmetic3A_962 = arith.shrsi %gather3A_941, %shift_right_arithmetic3A_961 : vector<16xi32>
      %shift_left3A = arith.constant 1 : i32
      %shift_left3A_963 = vector.broadcast %shift_left3A : i32 to vector<16xi32>
      %shift_left3A_964 = arith.shli %shift_right_arithmetic3A_962, %shift_left3A_963 : vector<16xi32>
      %add3A_965 = arith.addi %add3A_959, %shift_left3A_964 : vector<16xi32>
      %and3A_966 = arith.constant 1 : i32
      %and3A_967 = vector.broadcast %and3A_966 : i32 to vector<16xi32>
      %and3A_968 = arith.andi %gather3A_941, %and3A_967 : vector<16xi32>
      %add3A_969 = arith.addi %add3A_965, %and3A_968 : vector<16xi32>
      %lt3A_970 = arith.constant 100000 : i32
      %lt3A_971 = vector.broadcast %lt3A_970 : i32 to vector<16xi32>
      %lt3A_972 = arith.cmpi slt, %add3A_943, %lt3A_971 : vector<16xi32>
      %jit3A = arith.constant 1073741824 : i32
      %broadcast_in_dim3A_973 = vector.broadcast %jit3A : i32 to vector<16xi32>
      %select_n3A = arith.select %lt3A_972, %add3A_969, %broadcast_in_dim3A_973 : vector<16xi1>, vector<16xi32>
      %swap3A = arith.index_cast %mul3A_928 : i32 to index
      %swap3A_974 = tpu.vector_load %arg8[%swap3A] {strides = array<i32>} : memref<6400xi32, #tpu.memory_space<vmem>>, vector<16xi32>,
      tpu.vector_store %arg8[%swap3A], %select_n3A {strides = array<i32>} : memref<6400xi32, #tpu.memory_space<vmem>>, vector<16xi32>,
      %sub3A_975 = vector.broadcast %add3A_15 : i32 to vector<16xi32>
      %sub3A_976 = arith.subi %select_n3A, %sub3A_975 : vector<16xi32>
      %ge3A = arith.constant 0 : i32
      %ge3A_977 = vector.broadcast %ge3A : i32 to vector<16xi32>
      %ge3A_978 = arith.cmpi sge, %sub3A_976, %ge3A_977 : vector<16xi32>
      %lt3A_979 = arith.constant 16384 : i32
      %lt3A_980 = vector.broadcast %lt3A_979 : i32 to vector<16xi32>
      %lt3A_981 = arith.cmpi slt, %sub3A_976, %lt3A_980 : vector<16xi32>
      %and3A_982 = arith.andi %ge3A_978, %lt3A_981 : vector<16xi1>
      %convert_element_type3A_983 = arith.extui %and3A_982 : vector<16xi1> to vector<16xi32>
      %broadcast_in_dim3A_984 = arith.constant true
      %broadcast_in_dim3A_985 = vector.broadcast %broadcast_in_dim3A_984 : i1 to vector<16xi1>
      %masked_cumsum3A = tpu.scan <sum>, %convert_element_type3A_983 masked %broadcast_in_dim3A_985 : vector<16xi32>, vector<16xi1> -> vector<16xi32>
      %add3A_986 = vector.broadcast %scan3A_926 : i32 to vector<16xi32>
      %add3A_987 = arith.addi %add3A_986, %masked_cumsum3A : vector<16xi32>
      %sub3A_988 = arith.constant 1 : i32
      %sub3A_989 = vector.broadcast %sub3A_988 : i32 to vector<16xi32>
      %sub3A_990 = arith.subi %add3A_987, %sub3A_989 : vector<16xi32>
      %shift_right_arithmetic3A_991 = arith.constant 7 : i32
      %shift_right_arithmetic3A_992 = vector.broadcast %shift_right_arithmetic3A_991 : i32 to vector<16xi32>
      %shift_right_arithmetic3A_993 = arith.shrsi %sub3A_990, %shift_right_arithmetic3A_992 : vector<16xi32>
      %and3A_994 = arith.constant 127 : i32
      %and3A_995 = vector.broadcast %and3A_994 : i32 to vector<16xi32>
      %and3A_996 = arith.andi %sub3A_990, %and3A_995 : vector<16xi32>
      tpu.vector_store_idx %arg9[%shift_right_arithmetic3A_993, %and3A_996], %add3A_943 masked %and3A_982 : memref<52x128xi32, #tpu.memory_space<vmem>>[vector<16xi32>, vector<16xi32>], vector<16xi32>, vector<16xi1>
      %shift_right_arithmetic3A_997 = arith.constant 7 : i32
      %shift_right_arithmetic3A_998 = vector.broadcast %shift_right_arithmetic3A_997 : i32 to vector<16xi32>
      %shift_right_arithmetic3A_999 = arith.shrsi %sub3A_990, %shift_right_arithmetic3A_998 : vector<16xi32>
      %and3A_1000 = arith.constant 127 : i32
      %and3A_1001 = vector.broadcast %and3A_1000 : i32 to vector<16xi32>
      %and3A_1002 = arith.andi %sub3A_990, %and3A_1001 : vector<16xi32>
      tpu.vector_store_idx %arg10[%shift_right_arithmetic3A_999, %and3A_1002], %sub3A_976 masked %and3A_982 : memref<52x128xi32, #tpu.memory_space<vmem>>[vector<16xi32>, vector<16xi32>], vector<16xi32>, vector<16xi1>
      %slice3A = vector.extract_strided_slice %sub3A_990 {offsets = [15], sizes = [1], strides = [1]} : vector<16xi32> to vector<1xi32>
      %squeeze3A = vector.extract %slice3A[0] : i32 from vector<1xi32>
      %add3A_1003 = arith.constant 1 : i32
      %add3A_1004 = arith.addi %squeeze3A, %add3A_1003 : i32
      scf.yield %add3A_1004 : i32
    }
    %scan3A_24 = arith.constant 400 : i32
    %add3A_25 = arith.constant 128 : i32
    %add3A_26 = arith.addi %scan3A_23, %add3A_25 : i32
    %sub3A = arith.constant 1 : i32
    %sub3A_27 = arith.subi %add3A_26, %sub3A : i32
    %shift_right_arithmetic3A = arith.constant 7 : i32
    %shift_right_arithmetic3A_28 = arith.shrsi %sub3A_27, %shift_right_arithmetic3A : i32
    %shift_right_arithmetic3A_29 = arith.constant 4 : i32
    %shift_right_arithmetic3A_30 = arith.shrsi %scan3A_23, %shift_right_arithmetic3A_29 : i32
    %mul3A_31 = arith.constant 8 : i32
    %mul3A_32 = arith.muli %shift_right_arithmetic3A_28, %mul3A_31 : i32
    %while3A = arith.constant 0 : i32
    %while3A_33 = arith.subi %mul3A_32, %shift_right_arithmetic3A_30 : i32
    %while3A_34 = arith.addi %shift_right_arithmetic3A_30, %while3A_33 : i32
    %while3A_35 = arith.constant 1 : i32
    %while3A_36 = arith.divsi %while3A_33, %while3A_35 : i32
    %while3A_37 = arith.muli %while3A_36, %while3A_35 : i32
    %while3A_38 = arith.addi %shift_right_arithmetic3A_30, %while3A_37 : i32
    %while3A_39 = arith.constant 1 : i32
    scf.for %while3A_925 = %shift_right_arithmetic3A_30 to %while3A_38 step %while3A_39  : i32 {
      %mul3A_926 = arith.constant 16 : i32
      %mul3A_927 = arith.muli %while3A_925, %mul3A_926 : i32
      %add3A_928 = vector.broadcast %mul3A_927 : i32 to vector<16xi32>
      %add3A_929 = arith.addi %add3A_928, %iota3A : vector<16xi32>
      %ge3A = vector.broadcast %scan3A_23 : i32 to vector<16xi32>
      %ge3A_930 = arith.cmpi sge, %add3A_929, %ge3A : vector<16xi32>
      %shift_right_arithmetic3A_931 = arith.constant 7 : i32
      %shift_right_arithmetic3A_932 = vector.broadcast %shift_right_arithmetic3A_931 : i32 to vector<16xi32>
      %shift_right_arithmetic3A_933 = arith.shrsi %add3A_929, %shift_right_arithmetic3A_932 : vector<16xi32>
      %and3A = arith.constant 127 : i32
      %and3A_934 = vector.broadcast %and3A : i32 to vector<16xi32>
      %and3A_935 = arith.andi %add3A_929, %and3A_934 : vector<16xi32>
      %broadcast_in_dim3A_936 = arith.constant 0 : i32
      %broadcast_in_dim3A_937 = vector.broadcast %broadcast_in_dim3A_936 : i32 to vector<16xi32>
      tpu.vector_store_idx %arg9[%shift_right_arithmetic3A_933, %and3A_935], %broadcast_in_dim3A_937 masked %ge3A_930 : memref<52x128xi32, #tpu.memory_space<vmem>>[vector<16xi32>, vector<16xi32>], vector<16xi32>, vector<16xi1>
      %shift_right_arithmetic3A_938 = arith.constant 7 : i32
      %shift_right_arithmetic3A_939 = vector.broadcast %shift_right_arithmetic3A_938 : i32 to vector<16xi32>
      %shift_right_arithmetic3A_940 = arith.shrsi %add3A_929, %shift_right_arithmetic3A_939 : vector<16xi32>
      %and3A_941 = arith.constant 127 : i32
      %and3A_942 = vector.broadcast %and3A_941 : i32 to vector<16xi32>
      %and3A_943 = arith.andi %add3A_929, %and3A_942 : vector<16xi32>
      %broadcast_in_dim3A_944 = arith.constant 16384 : i32
      %broadcast_in_dim3A_945 = vector.broadcast %broadcast_in_dim3A_944 : i32 to vector<16xi32>
      tpu.vector_store_idx %arg10[%shift_right_arithmetic3A_940, %and3A_943], %broadcast_in_dim3A_945 masked %ge3A_930 : memref<52x128xi32, #tpu.memory_space<vmem>>[vector<16xi32>, vector<16xi32>], vector<16xi32>, vector<16xi1>
    }
    %while3A_40 = arith.constant 1 : i32
    scf.for %while3A_925 = %while3A_38 to %while3A_34 step %while3A_40  : i32 {
      %mul3A_926 = arith.constant 16 : i32
      %mul3A_927 = arith.muli %while3A_925, %mul3A_926 : i32
      %add3A_928 = vector.broadcast %mul3A_927 : i32 to vector<16xi32>
      %add3A_929 = arith.addi %add3A_928, %iota3A : vector<16xi32>
      %ge3A = vector.broadcast %scan3A_23 : i32 to vector<16xi32>
      %ge3A_930 = arith.cmpi sge, %add3A_929, %ge3A : vector<16xi32>
      %shift_right_arithmetic3A_931 = arith.constant 7 : i32
      %shift_right_arithmetic3A_932 = vector.broadcast %shift_right_arithmetic3A_931 : i32 to vector<16xi32>
      %shift_right_arithmetic3A_933 = arith.shrsi %add3A_929, %shift_right_arithmetic3A_932 : vector<16xi32>
      %and3A = arith.constant 127 : i32
      %and3A_934 = vector.broadcast %and3A : i32 to vector<16xi32>
      %and3A_935 = arith.andi %add3A_929, %and3A_934 : vector<16xi32>
      %broadcast_in_dim3A_936 = arith.constant 0 : i32
      %broadcast_in_dim3A_937 = vector.broadcast %broadcast_in_dim3A_936 : i32 to vector<16xi32>
      tpu.vector_store_idx %arg9[%shift_right_arithmetic3A_933, %and3A_935], %broadcast_in_dim3A_937 masked %ge3A_930 : memref<52x128xi32, #tpu.memory_space<vmem>>[vector<16xi32>, vector<16xi32>], vector<16xi32>, vector<16xi1>
      %shift_right_arithmetic3A_938 = arith.constant 7 : i32
      %shift_right_arithmetic3A_939 = vector.broadcast %shift_right_arithmetic3A_938 : i32 to vector<16xi32>
      %shift_right_arithmetic3A_940 = arith.shrsi %add3A_929, %shift_right_arithmetic3A_939 : vector<16xi32>
      %and3A_941 = arith.constant 127 : i32
      %and3A_942 = vector.broadcast %and3A_941 : i32 to vector<16xi32>
      %and3A_943 = arith.andi %add3A_929, %and3A_942 : vector<16xi32>
      %broadcast_in_dim3A_944 = arith.constant 16384 : i32
      %broadcast_in_dim3A_945 = vector.broadcast %broadcast_in_dim3A_944 : i32 to vector<16xi32>
      tpu.vector_store_idx %arg10[%shift_right_arithmetic3A_940, %and3A_943], %broadcast_in_dim3A_945 masked %ge3A_930 : memref<52x128xi32, #tpu.memory_space<vmem>>[vector<16xi32>, vector<16xi32>], vector<16xi32>, vector<16xi1>
    }
    %add3A_41 = arith.constant 0 : i32
    %add3A_42 = arith.addi %mul3A_17, %add3A_41 : i32
    %dma_start3A = arith.constant 0 : i32
    %dma_start3A_43 = tpu.memref_slice %arg13[%add3A_42, %dma_start3A] : memref<16400x64xf32, #tpu.memory_space<vmem_shared>> -> memref<64x64xf32, #tpu.memory_space<vmem_shared>>
    %dma_start3A_44 = arith.constant 0 : i32
    %dma_start3A_45 = tpu.memref_slice %arg13[%add3A_42, %dma_start3A_44] : memref<16400x64xf32, #tpu.memory_space<vmem_shared>> -> memref<64x64xf32, #tpu.memory_space<vmem_shared>>
    tpu.enqueue_dma source(%arg12 : memref<64x64xf32, #tpu.memory_space<vmem>>) target(%dma_start3A_45 : memref<64x64xf32, #tpu.memory_space<vmem_shared>>) target_semaphore(%arg14 : memref<!tpu.dma_semaphore, #tpu.memory_space<semaphore_mem>>)
    %add3A_46 = arith.constant 64 : i32
    %add3A_47 = arith.addi %mul3A_17, %add3A_46 : i32
    %dma_start3A_48 = arith.constant 0 : i32
    %dma_start3A_49 = tpu.memref_slice %arg13[%add3A_47, %dma_start3A_48] : memref<16400x64xf32, #tpu.memory_space<vmem_shared>> -> memref<64x64xf32, #tpu.memory_space<vmem_shared>>
    %dma_start3A_50 = arith.constant 0 : i32
    %dma_start3A_51 = tpu.memref_slice %arg13[%add3A_47, %dma_start3A_50] : memref<16400x64xf32, #tpu.memory_space<vmem_shared>> -> memref<64x64xf32, #tpu.memory_space<vmem_shared>>
    tpu.enqueue_dma source(%arg12 : memref<64x64xf32, #tpu.memory_space<vmem>>) target(%dma_start3A_51 : memref<64x64xf32, #tpu.memory_space<vmem_shared>>) target_semaphore(%arg14 : memref<!tpu.dma_semaphore, #tpu.memory_space<semaphore_mem>>)
    %add3A_52 = arith.constant 128 : i32
    %add3A_53 = arith.addi %mul3A_17, %add3A_52 : i32
    %dma_start3A_54 = arith.constant 0 : i32
    %dma_start3A_55 = tpu.memref_slice %arg13[%add3A_53, %dma_start3A_54] : memref<16400x64xf32, #tpu.memory_space<vmem_shared>> -> memref<64x64xf32, #tpu.memory_space<vmem_shared>>
    %dma_start3A_56 = arith.constant 0 : i32
    %dma_start3A_57 = tpu.memref_slice %arg13[%add3A_53, %dma_start3A_56] : memref<16400x64xf32, #tpu.memory_space<vmem_shared>> -> memref<64x64xf32, #tpu.memory_space<vmem_shared>>
    tpu.enqueue_dma source(%arg12 : memref<64x64xf32, #tpu.memory_space<vmem>>) target(%dma_start3A_57 : memref<64x64xf32, #tpu.memory_space<vmem_shared>>) target_semaphore(%arg14 : memref<!tpu.dma_semaphore, #tpu.memory_space<semaphore_mem>>)
    %add3A_58 = arith.constant 192 : i32
    %add3A_59 = arith.addi %mul3A_17, %add3A_58 : i32
    %dma_start3A_60 = arith.constant 0 : i32
    %dma_start3A_61 = tpu.memref_slice %arg13[%add3A_59, %dma_start3A_60] : memref<16400x64xf32, #tpu.memory_space<vmem_shared>> -> memref<64x64xf32, #tpu.memory_space<vmem_shared>>
    %dma_start3A_62 = arith.constant 0 : i32
    %dma_start3A_63 = tpu.memref_slice %arg13[%add3A_59, %dma_start3A_62] : memref<16400x64xf32, #tpu.memory_space<vmem_shared>> -> memref<64x64xf32, #tpu.memory_space<vmem_shared>>
    tpu.enqueue_dma source(%arg12 : memref<64x64xf32, #tpu.memory_space<vmem>>) target(%dma_start3A_63 : memref<64x64xf32, #tpu.memory_space<vmem_shared>>) target_semaphore(%arg14 : memref<!tpu.dma_semaphore, #tpu.memory_space<semaphore_mem>>)
    %add3A_64 = arith.constant 256 : i32
    %add3A_65 = arith.addi %mul3A_17, %add3A_64 : i32
    %dma_start3A_66 = arith.constant 0 : i32
    %dma_start3A_67 = tpu.memref_slice %arg13[%add3A_65, %dma_start3A_66] : memref<16400x64xf32, #tpu.memory_space<vmem_shared>> -> memref<64x64xf32, #tpu.memory_space<vmem_shared>>
    %dma_start3A_68 = arith.constant 0 : i32
    %dma_start3A_69 = tpu.memref_slice %arg13[%add3A_65, %dma_start3A_68] : memref<16400x64xf32, #tpu.memory_space<vmem_shared>> -> memref<64x64xf32, #tpu.memory_space<vmem_shared>>
    tpu.enqueue_dma source(%arg12 : memref<64x64xf32, #tpu.memory_space<vmem>>) target(%dma_start3A_69 : memref<64x64xf32, #tpu.memory_space<vmem_shared>>) target_semaphore(%arg14 : memref<!tpu.dma_semaphore, #tpu.memory_space<semaphore_mem>>)
    %add3A_70 = arith.constant 320 : i32
    %add3A_71 = arith.addi %mul3A_17, %add3A_70 : i32
    %dma_start3A_72 = arith.constant 0 : i32
    %dma_start3A_73 = tpu.memref_slice %arg13[%add3A_71, %dma_start3A_72] : memref<16400x64xf32, #tpu.memory_space<vmem_shared>> -> memref<64x64xf32, #tpu.memory_space<vmem_shared>>
    %dma_start3A_74 = arith.constant 0 : i32
    %dma_start3A_75 = tpu.memref_slice %arg13[%add3A_71, %dma_start3A_74] : memref<16400x64xf32, #tpu.memory_space<vmem_shared>> -> memref<64x64xf32, #tpu.memory_space<vmem_shared>>
    tpu.enqueue_dma source(%arg12 : memref<64x64xf32, #tpu.memory_space<vmem>>) target(%dma_start3A_75 : memref<64x64xf32, #tpu.memory_space<vmem_shared>>) target_semaphore(%arg14 : memref<!tpu.dma_semaphore, #tpu.memory_space<semaphore_mem>>)
    %add3A_76 = arith.constant 384 : i32
    %add3A_77 = arith.addi %mul3A_17, %add3A_76 : i32
    %dma_start3A_78 = arith.constant 0 : i32
    %dma_start3A_79 = tpu.memref_slice %arg13[%add3A_77, %dma_start3A_78] : memref<16400x64xf32, #tpu.memory_space<vmem_shared>> -> memref<64x64xf32, #tpu.memory_space<vmem_shared>>
    %dma_start3A_80 = arith.constant 0 : i32
    %dma_start3A_81 = tpu.memref_slice %arg13[%add3A_77, %dma_start3A_80] : memref<16400x64xf32, #tpu.memory_space<vmem_shared>> -> memref<64x64xf32, #tpu.memory_space<vmem_shared>>
    tpu.enqueue_dma source(%arg12 : memref<64x64xf32, #tpu.memory_space<vmem>>) target(%dma_start3A_81 : memref<64x64xf32, #tpu.memory_space<vmem_shared>>) target_semaphore(%arg14 : memref<!tpu.dma_semaphore, #tpu.memory_space<semaphore_mem>>)
    %add3A_82 = arith.constant 448 : i32
    %add3A_83 = arith.addi %mul3A_17, %add3A_82 : i32
    %dma_start3A_84 = arith.constant 0 : i32
    %dma_start3A_85 = tpu.memref_slice %arg13[%add3A_83, %dma_start3A_84] : memref<16400x64xf32, #tpu.memory_space<vmem_shared>> -> memref<64x64xf32, #tpu.memory_space<vmem_shared>>
    %dma_start3A_86 = arith.constant 0 : i32
    %dma_start3A_87 = tpu.memref_slice %arg13[%add3A_83, %dma_start3A_86] : memref<16400x64xf32, #tpu.memory_space<vmem_shared>> -> memref<64x64xf32, #tpu.memory_space<vmem_shared>>
    tpu.enqueue_dma source(%arg12 : memref<64x64xf32, #tpu.memory_space<vmem>>) target(%dma_start3A_87 : memref<64x64xf32, #tpu.memory_space<vmem_shared>>) target_semaphore(%arg14 : memref<!tpu.dma_semaphore, #tpu.memory_space<semaphore_mem>>)
    %add3A_88 = arith.constant 512 : i32
    %add3A_89 = arith.addi %mul3A_17, %add3A_88 : i32
    %dma_start3A_90 = arith.constant 0 : i32
    %dma_start3A_91 = tpu.memref_slice %arg13[%add3A_89, %dma_start3A_90] : memref<16400x64xf32, #tpu.memory_space<vmem_shared>> -> memref<64x64xf32, #tpu.memory_space<vmem_shared>>
    %dma_start3A_92 = arith.constant 0 : i32
    %dma_start3A_93 = tpu.memref_slice %arg13[%add3A_89, %dma_start3A_92] : memref<16400x64xf32, #tpu.memory_space<vmem_shared>> -> memref<64x64xf32, #tpu.memory_space<vmem_shared>>
    tpu.enqueue_dma source(%arg12 : memref<64x64xf32, #tpu.memory_space<vmem>>) target(%dma_start3A_93 : memref<64x64xf32, #tpu.memory_space<vmem_shared>>) target_semaphore(%arg14 : memref<!tpu.dma_semaphore, #tpu.memory_space<semaphore_mem>>)
    %add3A_94 = arith.constant 576 : i32
    %add3A_95 = arith.addi %mul3A_17, %add3A_94 : i32
    %dma_start3A_96 = arith.constant 0 : i32
    %dma_start3A_97 = tpu.memref_slice %arg13[%add3A_95, %dma_start3A_96] : memref<16400x64xf32, #tpu.memory_space<vmem_shared>> -> memref<64x64xf32, #tpu.memory_space<vmem_shared>>
    %dma_start3A_98 = arith.constant 0 : i32
    %dma_start3A_99 = tpu.memref_slice %arg13[%add3A_95, %dma_start3A_98] : memref<16400x64xf32, #tpu.memory_space<vmem_shared>> -> memref<64x64xf32, #tpu.memory_space<vmem_shared>>
    tpu.enqueue_dma source(%arg12 : memref<64x64xf32, #tpu.memory_space<vmem>>) target(%dma_start3A_99 : memref<64x64xf32, #tpu.memory_space<vmem_shared>>) target_semaphore(%arg14 : memref<!tpu.dma_semaphore, #tpu.memory_space<semaphore_mem>>)
    %add3A_100 = arith.constant 640 : i32
    %add3A_101 = arith.addi %mul3A_17, %add3A_100 : i32
    %dma_start3A_102 = arith.constant 0 : i32
    %dma_start3A_103 = tpu.memref_slice %arg13[%add3A_101, %dma_start3A_102] : memref<16400x64xf32, #tpu.memory_space<vmem_shared>> -> memref<64x64xf32, #tpu.memory_space<vmem_shared>>
    %dma_start3A_104 = arith.constant 0 : i32
    %dma_start3A_105 = tpu.memref_slice %arg13[%add3A_101, %dma_start3A_104] : memref<16400x64xf32, #tpu.memory_space<vmem_shared>> -> memref<64x64xf32, #tpu.memory_space<vmem_shared>>
    tpu.enqueue_dma source(%arg12 : memref<64x64xf32, #tpu.memory_space<vmem>>) target(%dma_start3A_105 : memref<64x64xf32, #tpu.memory_space<vmem_shared>>) target_semaphore(%arg14 : memref<!tpu.dma_semaphore, #tpu.memory_space<semaphore_mem>>)
    %add3A_106 = arith.constant 704 : i32
    %add3A_107 = arith.addi %mul3A_17, %add3A_106 : i32
    %dma_start3A_108 = arith.constant 0 : i32
    %dma_start3A_109 = tpu.memref_slice %arg13[%add3A_107, %dma_start3A_108] : memref<16400x64xf32, #tpu.memory_space<vmem_shared>> -> memref<64x64xf32, #tpu.memory_space<vmem_shared>>
    %dma_start3A_110 = arith.constant 0 : i32
    %dma_start3A_111 = tpu.memref_slice %arg13[%add3A_107, %dma_start3A_110] : memref<16400x64xf32, #tpu.memory_space<vmem_shared>> -> memref<64x64xf32, #tpu.memory_space<vmem_shared>>
    tpu.enqueue_dma source(%arg12 : memref<64x64xf32, #tpu.memory_space<vmem>>) target(%dma_start3A_111 : memref<64x64xf32, #tpu.memory_space<vmem_shared>>) target_semaphore(%arg14 : memref<!tpu.dma_semaphore, #tpu.memory_space<semaphore_mem>>)
    %add3A_112 = arith.constant 768 : i32
    %add3A_113 = arith.addi %mul3A_17, %add3A_112 : i32
    %dma_start3A_114 = arith.constant 0 : i32
    %dma_start3A_115 = tpu.memref_slice %arg13[%add3A_113, %dma_start3A_114] : memref<16400x64xf32, #tpu.memory_space<vmem_shared>> -> memref<64x64xf32, #tpu.memory_space<vmem_shared>>
    %dma_start3A_116 = arith.constant 0 : i32
    %dma_start3A_117 = tpu.memref_slice %arg13[%add3A_113, %dma_start3A_116] : memref<16400x64xf32, #tpu.memory_space<vmem_shared>> -> memref<64x64xf32, #tpu.memory_space<vmem_shared>>
    tpu.enqueue_dma source(%arg12 : memref<64x64xf32, #tpu.memory_space<vmem>>) target(%dma_start3A_117 : memref<64x64xf32, #tpu.memory_space<vmem_shared>>) target_semaphore(%arg14 : memref<!tpu.dma_semaphore, #tpu.memory_space<semaphore_mem>>)
    %add3A_118 = arith.constant 832 : i32
    %add3A_119 = arith.addi %mul3A_17, %add3A_118 : i32
    %dma_start3A_120 = arith.constant 0 : i32
    %dma_start3A_121 = tpu.memref_slice %arg13[%add3A_119, %dma_start3A_120] : memref<16400x64xf32, #tpu.memory_space<vmem_shared>> -> memref<64x64xf32, #tpu.memory_space<vmem_shared>>
    %dma_start3A_122 = arith.constant 0 : i32
    %dma_start3A_123 = tpu.memref_slice %arg13[%add3A_119, %dma_start3A_122] : memref<16400x64xf32, #tpu.memory_space<vmem_shared>> -> memref<64x64xf32, #tpu.memory_space<vmem_shared>>
    tpu.enqueue_dma source(%arg12 : memref<64x64xf32, #tpu.memory_space<vmem>>) target(%dma_start3A_123 : memref<64x64xf32, #tpu.memory_space<vmem_shared>>) target_semaphore(%arg14 : memref<!tpu.dma_semaphore, #tpu.memory_space<semaphore_mem>>)
    %add3A_124 = arith.constant 896 : i32
    %add3A_125 = arith.addi %mul3A_17, %add3A_124 : i32
    %dma_start3A_126 = arith.constant 0 : i32
    %dma_start3A_127 = tpu.memref_slice %arg13[%add3A_125, %dma_start3A_126] : memref<16400x64xf32, #tpu.memory_space<vmem_shared>> -> memref<64x64xf32, #tpu.memory_space<vmem_shared>>
    %dma_start3A_128 = arith.constant 0 : i32
    %dma_start3A_129 = tpu.memref_slice %arg13[%add3A_125, %dma_start3A_128] : memref<16400x64xf32, #tpu.memory_space<vmem_shared>> -> memref<64x64xf32, #tpu.memory_space<vmem_shared>>
    tpu.enqueue_dma source(%arg12 : memref<64x64xf32, #tpu.memory_space<vmem>>) target(%dma_start3A_129 : memref<64x64xf32, #tpu.memory_space<vmem_shared>>) target_semaphore(%arg14 : memref<!tpu.dma_semaphore, #tpu.memory_space<semaphore_mem>>)
    %add3A_130 = arith.constant 960 : i32
    %add3A_131 = arith.addi %mul3A_17, %add3A_130 : i32
    %dma_start3A_132 = arith.constant 0 : i32
    %dma_start3A_133 = tpu.memref_slice %arg13[%add3A_131, %dma_start3A_132] : memref<16400x64xf32, #tpu.memory_space<vmem_shared>> -> memref<64x64xf32, #tpu.memory_space<vmem_shared>>
    %dma_start3A_134 = arith.constant 0 : i32
    %dma_start3A_135 = tpu.memref_slice %arg13[%add3A_131, %dma_start3A_134] : memref<16400x64xf32, #tpu.memory_space<vmem_shared>> -> memref<64x64xf32, #tpu.memory_space<vmem_shared>>
    tpu.enqueue_dma source(%arg12 : memref<64x64xf32, #tpu.memory_space<vmem>>) target(%dma_start3A_135 : memref<64x64xf32, #tpu.memory_space<vmem_shared>>) target_semaphore(%arg14 : memref<!tpu.dma_semaphore, #tpu.memory_space<semaphore_mem>>)
    %eq3A_136 = arith.constant 0 : i32
    %eq3A_137 = arith.cmpi eq, %arg1, %eq3A_136 : i32
    %convert_element_type3A_138 = arith.extui %eq3A_137 : i1 to i32
    %cond3A_139 = arith.constant 0 : i32
    %cond3A_140 = arith.cmpi ne, %convert_element_type3A_138, %cond3A_139 : i32
    scf.if %cond3A_140 {
      "tpu.region"() ({
        %run_scoped3A = tpu.sem_alloc : memref<!tpu.dma_semaphore, #tpu.memory_space<semaphore_mem>>
        %dma_start3A_925 = arith.constant 0 : i32
        %dma_start3A_926 = arith.constant 0 : i32
        %dma_start3A_927 = tpu.memref_slice %arg12[%dma_start3A_925, %dma_start3A_926] : memref<64x64xf32, #tpu.memory_space<vmem>> -> memref<16x64xf32, #tpu.memory_space<vmem>>
        %dma_start3A_928 = arith.constant 16384 : i32
        %dma_start3A_929 = arith.constant 0 : i32
        %dma_start3A_930 = tpu.memref_slice %arg13[%dma_start3A_928, %dma_start3A_929] : memref<16400x64xf32, #tpu.memory_space<vmem_shared>> -> memref<16x64xf32, #tpu.memory_space<vmem_shared>>
        %dma_start3A_931 = arith.constant 16384 : i32
        %dma_start3A_932 = arith.constant 0 : i32
        %dma_start3A_933 = tpu.memref_slice %arg13[%dma_start3A_931, %dma_start3A_932] : memref<16400x64xf32, #tpu.memory_space<vmem_shared>> -> memref<16x64xf32, #tpu.memory_space<vmem_shared>>
        %dma_start3A_934 = arith.constant 0 : i32
        %dma_start3A_935 = arith.constant 0 : i32
        %dma_start3A_936 = tpu.memref_slice %arg12[%dma_start3A_934, %dma_start3A_935] : memref<64x64xf32, #tpu.memory_space<vmem>> -> memref<16x64xf32, #tpu.memory_space<vmem>>
        tpu.enqueue_dma source(%dma_start3A_936 : memref<16x64xf32, #tpu.memory_space<vmem>>) target(%dma_start3A_933 : memref<16x64xf32, #tpu.memory_space<vmem_shared>>) target_semaphore(%run_scoped3A : memref<!tpu.dma_semaphore, #tpu.memory_space<semaphore_mem>>)
        %dma_wait3A_937 = arith.constant 0 : i32
        %dma_wait3A_938 = arith.constant 0 : i32
        %dma_wait3A_939 = tpu.memref_slice %arg12[%dma_wait3A_937, %dma_wait3A_938] : memref<64x64xf32, #tpu.memory_space<vmem>> -> memref<16x64xf32, #tpu.memory_space<vmem>>
        %dma_wait3A_940 = arith.constant 16384 : i32
        %dma_wait3A_941 = arith.constant 0 : i32
        %dma_wait3A_942 = tpu.memref_slice %arg13[%dma_wait3A_940, %dma_wait3A_941] : memref<16400x64xf32, #tpu.memory_space<vmem_shared>> -> memref<16x64xf32, #tpu.memory_space<vmem_shared>>
        %dma_wait3A_943 = arith.constant 16384 : i32
        %dma_wait3A_944 = arith.constant 0 : i32
        %dma_wait3A_945 = tpu.memref_slice %arg13[%dma_wait3A_943, %dma_wait3A_944] : memref<16400x64xf32, #tpu.memory_space<vmem_shared>> -> memref<16x64xf32, #tpu.memory_space<vmem_shared>>
        %dma_wait3A_946 = arith.constant 0 : i32
        %dma_wait3A_947 = arith.constant 0 : i32
        %dma_wait3A_948 = tpu.memref_slice %arg12[%dma_wait3A_946, %dma_wait3A_947] : memref<64x64xf32, #tpu.memory_space<vmem>> -> memref<16x64xf32, #tpu.memory_space<vmem>>
        tpu.wait_dma2 semaphore(%run_scoped3A : memref<!tpu.dma_semaphore, #tpu.memory_space<semaphore_mem>>) src(%dma_wait3A_948 : memref<16x64xf32, #tpu.memory_space<vmem>>) dst(%dma_wait3A_945 : memref<16x64xf32, #tpu.memory_space<vmem_shared>>)
        tpu.yield
      }) : () -> ()
    } else {
    }
    %dma_wait3A = arith.constant 0 : i32
    %dma_wait3A_141 = tpu.memref_slice %arg13[%add3A_42, %dma_wait3A] : memref<16400x64xf32, #tpu.memory_space<vmem_shared>> -> memref<64x64xf32, #tpu.memory_space<vmem_shared>>
    %dma_wait3A_142 = arith.constant 0 : i32
    %dma_wait3A_143 = tpu.memref_slice %arg13[%add3A_42, %dma_wait3A_142] : memref<16400x64xf32, #tpu.memory_space<vmem_shared>> -> memref<64x64xf32, #tpu.memory_space<vmem_shared>>
    tpu.wait_dma2 semaphore(%arg14 : memref<!tpu.dma_semaphore, #tpu.memory_space<semaphore_mem>>) src(%arg12 : memref<64x64xf32, #tpu.memory_space<vmem>>) dst(%dma_wait3A_143 : memref<64x64xf32, #tpu.memory_space<vmem_shared>>)
    %dma_wait3A_144 = arith.constant 0 : i32
    %dma_wait3A_145 = tpu.memref_slice %arg13[%add3A_47, %dma_wait3A_144] : memref<16400x64xf32, #tpu.memory_space<vmem_shared>> -> memref<64x64xf32, #tpu.memory_space<vmem_shared>>
    %dma_wait3A_146 = arith.constant 0 : i32
    %dma_wait3A_147 = tpu.memref_slice %arg13[%add3A_47, %dma_wait3A_146] : memref<16400x64xf32, #tpu.memory_space<vmem_shared>> -> memref<64x64xf32, #tpu.memory_space<vmem_shared>>
    tpu.wait_dma2 semaphore(%arg14 : memref<!tpu.dma_semaphore, #tpu.memory_space<semaphore_mem>>) src(%arg12 : memref<64x64xf32, #tpu.memory_space<vmem>>) dst(%dma_wait3A_147 : memref<64x64xf32, #tpu.memory_space<vmem_shared>>)
    %dma_wait3A_148 = arith.constant 0 : i32
    %dma_wait3A_149 = tpu.memref_slice %arg13[%add3A_53, %dma_wait3A_148] : memref<16400x64xf32, #tpu.memory_space<vmem_shared>> -> memref<64x64xf32, #tpu.memory_space<vmem_shared>>
    %dma_wait3A_150 = arith.constant 0 : i32
    %dma_wait3A_151 = tpu.memref_slice %arg13[%add3A_53, %dma_wait3A_150] : memref<16400x64xf32, #tpu.memory_space<vmem_shared>> -> memref<64x64xf32, #tpu.memory_space<vmem_shared>>
    tpu.wait_dma2 semaphore(%arg14 : memref<!tpu.dma_semaphore, #tpu.memory_space<semaphore_mem>>) src(%arg12 : memref<64x64xf32, #tpu.memory_space<vmem>>) dst(%dma_wait3A_151 : memref<64x64xf32, #tpu.memory_space<vmem_shared>>)
    %dma_wait3A_152 = arith.constant 0 : i32
    %dma_wait3A_153 = tpu.memref_slice %arg13[%add3A_59, %dma_wait3A_152] : memref<16400x64xf32, #tpu.memory_space<vmem_shared>> -> memref<64x64xf32, #tpu.memory_space<vmem_shared>>
    %dma_wait3A_154 = arith.constant 0 : i32
    %dma_wait3A_155 = tpu.memref_slice %arg13[%add3A_59, %dma_wait3A_154] : memref<16400x64xf32, #tpu.memory_space<vmem_shared>> -> memref<64x64xf32, #tpu.memory_space<vmem_shared>>
    tpu.wait_dma2 semaphore(%arg14 : memref<!tpu.dma_semaphore, #tpu.memory_space<semaphore_mem>>) src(%arg12 : memref<64x64xf32, #tpu.memory_space<vmem>>) dst(%dma_wait3A_155 : memref<64x64xf32, #tpu.memory_space<vmem_shared>>)
    %dma_wait3A_156 = arith.constant 0 : i32
    %dma_wait3A_157 = tpu.memref_slice %arg13[%add3A_65, %dma_wait3A_156] : memref<16400x64xf32, #tpu.memory_space<vmem_shared>> -> memref<64x64xf32, #tpu.memory_space<vmem_shared>>
    %dma_wait3A_158 = arith.constant 0 : i32
    %dma_wait3A_159 = tpu.memref_slice %arg13[%add3A_65, %dma_wait3A_158] : memref<16400x64xf32, #tpu.memory_space<vmem_shared>> -> memref<64x64xf32, #tpu.memory_space<vmem_shared>>
    tpu.wait_dma2 semaphore(%arg14 : memref<!tpu.dma_semaphore, #tpu.memory_space<semaphore_mem>>) src(%arg12 : memref<64x64xf32, #tpu.memory_space<vmem>>) dst(%dma_wait3A_159 : memref<64x64xf32, #tpu.memory_space<vmem_shared>>)
    %dma_wait3A_160 = arith.constant 0 : i32
    %dma_wait3A_161 = tpu.memref_slice %arg13[%add3A_71, %dma_wait3A_160] : memref<16400x64xf32, #tpu.memory_space<vmem_shared>> -> memref<64x64xf32, #tpu.memory_space<vmem_shared>>
    %dma_wait3A_162 = arith.constant 0 : i32
    %dma_wait3A_163 = tpu.memref_slice %arg13[%add3A_71, %dma_wait3A_162] : memref<16400x64xf32, #tpu.memory_space<vmem_shared>> -> memref<64x64xf32, #tpu.memory_space<vmem_shared>>
    tpu.wait_dma2 semaphore(%arg14 : memref<!tpu.dma_semaphore, #tpu.memory_space<semaphore_mem>>) src(%arg12 : memref<64x64xf32, #tpu.memory_space<vmem>>) dst(%dma_wait3A_163 : memref<64x64xf32, #tpu.memory_space<vmem_shared>>)
    %dma_wait3A_164 = arith.constant 0 : i32
    %dma_wait3A_165 = tpu.memref_slice %arg13[%add3A_77, %dma_wait3A_164] : memref<16400x64xf32, #tpu.memory_space<vmem_shared>> -> memref<64x64xf32, #tpu.memory_space<vmem_shared>>
    %dma_wait3A_166 = arith.constant 0 : i32
    %dma_wait3A_167 = tpu.memref_slice %arg13[%add3A_77, %dma_wait3A_166] : memref<16400x64xf32, #tpu.memory_space<vmem_shared>> -> memref<64x64xf32, #tpu.memory_space<vmem_shared>>
    tpu.wait_dma2 semaphore(%arg14 : memref<!tpu.dma_semaphore, #tpu.memory_space<semaphore_mem>>) src(%arg12 : memref<64x64xf32, #tpu.memory_space<vmem>>) dst(%dma_wait3A_167 : memref<64x64xf32, #tpu.memory_space<vmem_shared>>)
    %dma_wait3A_168 = arith.constant 0 : i32
    %dma_wait3A_169 = tpu.memref_slice %arg13[%add3A_83, %dma_wait3A_168] : memref<16400x64xf32, #tpu.memory_space<vmem_shared>> -> memref<64x64xf32, #tpu.memory_space<vmem_shared>>
    %dma_wait3A_170 = arith.constant 0 : i32
    %dma_wait3A_171 = tpu.memref_slice %arg13[%add3A_83, %dma_wait3A_170] : memref<16400x64xf32, #tpu.memory_space<vmem_shared>> -> memref<64x64xf32, #tpu.memory_space<vmem_shared>>
    tpu.wait_dma2 semaphore(%arg14 : memref<!tpu.dma_semaphore, #tpu.memory_space<semaphore_mem>>) src(%arg12 : memref<64x64xf32, #tpu.memory_space<vmem>>) dst(%dma_wait3A_171 : memref<64x64xf32, #tpu.memory_space<vmem_shared>>)
    %dma_wait3A_172 = arith.constant 0 : i32
    %dma_wait3A_173 = tpu.memref_slice %arg13[%add3A_89, %dma_wait3A_172] : memref<16400x64xf32, #tpu.memory_space<vmem_shared>> -> memref<64x64xf32, #tpu.memory_space<vmem_shared>>
    %dma_wait3A_174 = arith.constant 0 : i32
    %dma_wait3A_175 = tpu.memref_slice %arg13[%add3A_89, %dma_wait3A_174] : memref<16400x64xf32, #tpu.memory_space<vmem_shared>> -> memref<64x64xf32, #tpu.memory_space<vmem_shared>>
    tpu.wait_dma2 semaphore(%arg14 : memref<!tpu.dma_semaphore, #tpu.memory_space<semaphore_mem>>) src(%arg12 : memref<64x64xf32, #tpu.memory_space<vmem>>) dst(%dma_wait3A_175 : memref<64x64xf32, #tpu.memory_space<vmem_shared>>)
    %dma_wait3A_176 = arith.constant 0 : i32
    %dma_wait3A_177 = tpu.memref_slice %arg13[%add3A_95, %dma_wait3A_176] : memref<16400x64xf32, #tpu.memory_space<vmem_shared>> -> memref<64x64xf32, #tpu.memory_space<vmem_shared>>
    %dma_wait3A_178 = arith.constant 0 : i32
    %dma_wait3A_179 = tpu.memref_slice %arg13[%add3A_95, %dma_wait3A_178] : memref<16400x64xf32, #tpu.memory_space<vmem_shared>> -> memref<64x64xf32, #tpu.memory_space<vmem_shared>>
    tpu.wait_dma2 semaphore(%arg14 : memref<!tpu.dma_semaphore, #tpu.memory_space<semaphore_mem>>) src(%arg12 : memref<64x64xf32, #tpu.memory_space<vmem>>) dst(%dma_wait3A_179 : memref<64x64xf32, #tpu.memory_space<vmem_shared>>)
    %dma_wait3A_180 = arith.constant 0 : i32
    %dma_wait3A_181 = tpu.memref_slice %arg13[%add3A_101, %dma_wait3A_180] : memref<16400x64xf32, #tpu.memory_space<vmem_shared>> -> memref<64x64xf32, #tpu.memory_space<vmem_shared>>
    %dma_wait3A_182 = arith.constant 0 : i32
    %dma_wait3A_183 = tpu.memref_slice %arg13[%add3A_101, %dma_wait3A_182] : memref<16400x64xf32, #tpu.memory_space<vmem_shared>> -> memref<64x64xf32, #tpu.memory_space<vmem_shared>>
    tpu.wait_dma2 semaphore(%arg14 : memref<!tpu.dma_semaphore, #tpu.memory_space<semaphore_mem>>) src(%arg12 : memref<64x64xf32, #tpu.memory_space<vmem>>) dst(%dma_wait3A_183 : memref<64x64xf32, #tpu.memory_space<vmem_shared>>)
    %dma_wait3A_184 = arith.constant 0 : i32
    %dma_wait3A_185 = tpu.memref_slice %arg13[%add3A_107, %dma_wait3A_184] : memref<16400x64xf32, #tpu.memory_space<vmem_shared>> -> memref<64x64xf32, #tpu.memory_space<vmem_shared>>
    %dma_wait3A_186 = arith.constant 0 : i32
    %dma_wait3A_187 = tpu.memref_slice %arg13[%add3A_107, %dma_wait3A_186] : memref<16400x64xf32, #tpu.memory_space<vmem_shared>> -> memref<64x64xf32, #tpu.memory_space<vmem_shared>>
    tpu.wait_dma2 semaphore(%arg14 : memref<!tpu.dma_semaphore, #tpu.memory_space<semaphore_mem>>) src(%arg12 : memref<64x64xf32, #tpu.memory_space<vmem>>) dst(%dma_wait3A_187 : memref<64x64xf32, #tpu.memory_space<vmem_shared>>)
    %dma_wait3A_188 = arith.constant 0 : i32
    %dma_wait3A_189 = tpu.memref_slice %arg13[%add3A_113, %dma_wait3A_188] : memref<16400x64xf32, #tpu.memory_space<vmem_shared>> -> memref<64x64xf32, #tpu.memory_space<vmem_shared>>
    %dma_wait3A_190 = arith.constant 0 : i32
    %dma_wait3A_191 = tpu.memref_slice %arg13[%add3A_113, %dma_wait3A_190] : memref<16400x64xf32, #tpu.memory_space<vmem_shared>> -> memref<64x64xf32, #tpu.memory_space<vmem_shared>>
    tpu.wait_dma2 semaphore(%arg14 : memref<!tpu.dma_semaphore, #tpu.memory_space<semaphore_mem>>) src(%arg12 : memref<64x64xf32, #tpu.memory_space<vmem>>) dst(%dma_wait3A_191 : memref<64x64xf32, #tpu.memory_space<vmem_shared>>)
    %dma_wait3A_192 = arith.constant 0 : i32
    %dma_wait3A_193 = tpu.memref_slice %arg13[%add3A_119, %dma_wait3A_192] : memref<16400x64xf32, #tpu.memory_space<vmem_shared>> -> memref<64x64xf32, #tpu.memory_space<vmem_shared>>
    %dma_wait3A_194 = arith.constant 0 : i32
    %dma_wait3A_195 = tpu.memref_slice %arg13[%add3A_119, %dma_wait3A_194] : memref<16400x64xf32, #tpu.memory_space<vmem_shared>> -> memref<64x64xf32, #tpu.memory_space<vmem_shared>>
    tpu.wait_dma2 semaphore(%arg14 : memref<!tpu.dma_semaphore, #tpu.memory_space<semaphore_mem>>) src(%arg12 : memref<64x64xf32, #tpu.memory_space<vmem>>) dst(%dma_wait3A_195 : memref<64x64xf32, #tpu.memory_space<vmem_shared>>)
    %dma_wait3A_196 = arith.constant 0 : i32
    %dma_wait3A_197 = tpu.memref_slice %arg13[%add3A_125, %dma_wait3A_196] : memref<16400x64xf32, #tpu.memory_space<vmem_shared>> -> memref<64x64xf32, #tpu.memory_space<vmem_shared>>
    %dma_wait3A_198 = arith.constant 0 : i32
    %dma_wait3A_199 = tpu.memref_slice %arg13[%add3A_125, %dma_wait3A_198] : memref<16400x64xf32, #tpu.memory_space<vmem_shared>> -> memref<64x64xf32, #tpu.memory_space<vmem_shared>>
    tpu.wait_dma2 semaphore(%arg14 : memref<!tpu.dma_semaphore, #tpu.memory_space<semaphore_mem>>) src(%arg12 : memref<64x64xf32, #tpu.memory_space<vmem>>) dst(%dma_wait3A_199 : memref<64x64xf32, #tpu.memory_space<vmem_shared>>)
    %dma_wait3A_200 = arith.constant 0 : i32
    %dma_wait3A_201 = tpu.memref_slice %arg13[%add3A_131, %dma_wait3A_200] : memref<16400x64xf32, #tpu.memory_space<vmem_shared>> -> memref<64x64xf32, #tpu.memory_space<vmem_shared>>
    %dma_wait3A_202 = arith.constant 0 : i32
    %dma_wait3A_203 = tpu.memref_slice %arg13[%add3A_131, %dma_wait3A_202] : memref<16400x64xf32, #tpu.memory_space<vmem_shared>> -> memref<64x64xf32, #tpu.memory_space<vmem_shared>>
    tpu.wait_dma2 semaphore(%arg14 : memref<!tpu.dma_semaphore, #tpu.memory_space<semaphore_mem>>) src(%arg12 : memref<64x64xf32, #tpu.memory_space<vmem>>) dst(%dma_wait3A_203 : memref<64x64xf32, #tpu.memory_space<vmem_shared>>)
    %barrier3A = arith.constant 0 : index
    tpu.barrier barrier_id(%barrier3A)
    %while3A_204 = arith.constant 0 : i32
    %while3A_205 = arith.constant 0 : i32
    %while3A_206 = arith.subi %shift_right_arithmetic3A_28, %while3A_205 : i32
    %while3A_207 = arith.addi %while3A_205, %while3A_206 : i32
    %while3A_208 = arith.constant 1 : i32
    %while3A_209 = arith.divsi %while3A_206, %while3A_208 : i32
    %while3A_210 = arith.muli %while3A_209, %while3A_208 : i32
    %while3A_211 = arith.addi %while3A_205, %while3A_210 : i32
    %while3A_212 = arith.constant 1 : i32
    scf.for %while3A_925 = %while3A_205 to %while3A_211 step %while3A_212  : i32 {
      %and3A = arith.constant 1 : i32
      %and3A_926 = arith.andi %while3A_925, %and3A : i32
      %ge3A = arith.constant 2 : i32
      %ge3A_927 = arith.cmpi sge, %while3A_925, %ge3A : i32
      %convert_element_type3A_928 = arith.extui %ge3A_927 : i1 to i32
      %cond3A_929 = arith.constant 0 : i32
      %cond3A_930 = arith.cmpi ne, %convert_element_type3A_928, %cond3A_929 : i32
      scf.if %cond3A_930 {
        %dma_wait3A_961 = arith.constant 0 : i32
        %dma_wait3A_962 = arith.constant 0 : i32
        %dma_wait3A_963 = tpu.memref_slice %arg11[%and3A_926, %dma_wait3A_961, %dma_wait3A_962] : memref<2x128x64xf32, #tpu.memory_space<vmem>> -> memref<1x128x64xf32, #tpu.memory_space<vmem>>
        %dma_wait3A_964 = tpu.memref_squeeze %dma_wait3A_963 : memref<1x128x64xf32, #tpu.memory_space<vmem>> -> memref<128x64xf32, #tpu.memory_space<vmem>>
        %dma_wait3A_965 = arith.constant 0 : i32
        %dma_wait3A_966 = arith.constant 0 : i32
        %dma_wait3A_967 = tpu.memref_slice %arg2[%dma_wait3A_965, %dma_wait3A_966] : memref<100000x64xf32, #tpu.memory_space<hbm>> -> memref<128x64xf32, #tpu.memory_space<hbm>>
        %dma_wait3A_968 = arith.constant 0 : i32
        %dma_wait3A_969 = arith.constant 0 : i32
        %dma_wait3A_970 = tpu.memref_slice %arg11[%and3A_926, %dma_wait3A_968, %dma_wait3A_969] : memref<2x128x64xf32, #tpu.memory_space<vmem>> -> memref<1x128x64xf32, #tpu.memory_space<vmem>>
        %dma_wait3A_971 = tpu.memref_squeeze %dma_wait3A_970 : memref<1x128x64xf32, #tpu.memory_space<vmem>> -> memref<128x64xf32, #tpu.memory_space<vmem>>
        %dma_wait3A_972 = arith.constant 0 : i32
        %dma_wait3A_973 = arith.constant 0 : i32
        %dma_wait3A_974 = tpu.memref_slice %arg2[%dma_wait3A_972, %dma_wait3A_973] : memref<100000x64xf32, #tpu.memory_space<hbm>> -> memref<128x64xf32, #tpu.memory_space<hbm>>
        tpu.wait_dma2 semaphore(%arg17 : memref<!tpu.dma_semaphore, #tpu.memory_space<semaphore_mem>>) src(%dma_wait3A_974 : memref<128x64xf32, #tpu.memory_space<hbm>>) dst(%dma_wait3A_971 : memref<128x64xf32, #tpu.memory_space<vmem>>)
      } else {
      }
      %dma_start3A_931 = arith.constant 0 : i32
      %dma_start3A_932 = arith.constant 0 : i32
      %dma_start3A_933 = tpu.memref_slice %arg11[%and3A_926, %dma_start3A_931, %dma_start3A_932] : memref<2x128x64xf32, #tpu.memory_space<vmem>> -> memref<1x128x64xf32, #tpu.memory_space<vmem>>
      %dma_start3A_934 = tpu.memref_squeeze %dma_start3A_933 : memref<1x128x64xf32, #tpu.memory_space<vmem>> -> memref<128x64xf32, #tpu.memory_space<vmem>>
      %dma_start3A_935 = arith.constant 0 : i32
      %dma_start3A_936 = tpu.memref_slice %arg9[%while3A_925, %dma_start3A_935] : memref<52x128xi32, #tpu.memory_space<vmem>> -> memref<1x128xi32, #tpu.memory_space<vmem>>
      %dma_start3A_937 = tpu.memref_squeeze %dma_start3A_936 : memref<1x128xi32, #tpu.memory_space<vmem>> -> memref<128xi32, #tpu.memory_space<vmem>>
      %dma_start3A_938 = arith.constant 0 : i32
      %dma_start3A_939 = arith.constant 0 : i32
      %dma_start3A_940 = tpu.memref_slice %arg2[%dma_start3A_938, %dma_start3A_939] : memref<100000x64xf32, #tpu.memory_space<hbm>> -> memref<100000x64xf32, #tpu.memory_space<hbm>>
      tpu.enqueue_indirect_dma source(%dma_start3A_940 : memref<100000x64xf32, #tpu.memory_space<hbm>>) target(%dma_start3A_934 : memref<128x64xf32, #tpu.memory_space<vmem>>) offsets(%dma_start3A_937 : memref<128xi32, #tpu.memory_space<vmem>>) semaphore(%arg16 : memref<!tpu.dma_semaphore, #tpu.memory_space<semaphore_mem>>)
      %dma_wait3A_941 = arith.constant 0 : i32
      %dma_wait3A_942 = arith.constant 0 : i32
      %dma_wait3A_943 = tpu.memref_slice %arg11[%and3A_926, %dma_wait3A_941, %dma_wait3A_942] : memref<2x128x64xf32, #tpu.memory_space<vmem>> -> memref<1x128x64xf32, #tpu.memory_space<vmem>>
      %dma_wait3A_944 = tpu.memref_squeeze %dma_wait3A_943 : memref<1x128x64xf32, #tpu.memory_space<vmem>> -> memref<128x64xf32, #tpu.memory_space<vmem>>
      %dma_wait3A_945 = arith.constant 0 : i32
      %dma_wait3A_946 = tpu.memref_slice %arg9[%while3A_925, %dma_wait3A_945] : memref<52x128xi32, #tpu.memory_space<vmem>> -> memref<1x128xi32, #tpu.memory_space<vmem>>
      %dma_wait3A_947 = tpu.memref_squeeze %dma_wait3A_946 : memref<1x128xi32, #tpu.memory_space<vmem>> -> memref<128xi32, #tpu.memory_space<vmem>>
      %dma_wait3A_948 = arith.constant 0 : i32
      %dma_wait3A_949 = arith.constant 0 : i32
      %dma_wait3A_950 = tpu.memref_slice %arg2[%dma_wait3A_948, %dma_wait3A_949] : memref<100000x64xf32, #tpu.memory_space<hbm>> -> memref<100000x64xf32, #tpu.memory_space<hbm>>
      tpu.wait_indirect_dma semaphore(%arg16 : memref<!tpu.dma_semaphore, #tpu.memory_space<semaphore_mem>>) src(%dma_wait3A_950 : memref<100000x64xf32, #tpu.memory_space<hbm>>) dst(%dma_wait3A_944 : memref<128x64xf32, #tpu.memory_space<vmem>>)
      %dma_start3A_951 = arith.constant 0 : i32
      %dma_start3A_952 = arith.constant 0 : i32
      %dma_start3A_953 = tpu.memref_slice %arg11[%and3A_926, %dma_start3A_951, %dma_start3A_952] : memref<2x128x64xf32, #tpu.memory_space<vmem>> -> memref<1x128x64xf32, #tpu.memory_space<vmem>>
      %dma_start3A_954 = tpu.memref_squeeze %dma_start3A_953 : memref<1x128x64xf32, #tpu.memory_space<vmem>> -> memref<128x64xf32, #tpu.memory_space<vmem>>
      %dma_start3A_955 = arith.constant 0 : i32
      %dma_start3A_956 = tpu.memref_slice %arg10[%while3A_925, %dma_start3A_955] : memref<52x128xi32, #tpu.memory_space<vmem>> -> memref<1x128xi32, #tpu.memory_space<vmem>>
      %dma_start3A_957 = tpu.memref_squeeze %dma_start3A_956 : memref<1x128xi32, #tpu.memory_space<vmem>> -> memref<128xi32, #tpu.memory_space<vmem>>
      %dma_start3A_958 = arith.constant 0 : i32
      %dma_start3A_959 = arith.constant 0 : i32
      %dma_start3A_960 = tpu.memref_slice %arg13[%dma_start3A_958, %dma_start3A_959] : memref<16400x64xf32, #tpu.memory_space<vmem_shared>> -> memref<16400x64xf32, #tpu.memory_space<vmem_shared>>
      tpu.enqueue_indirect_dma source(%dma_start3A_954 : memref<128x64xf32, #tpu.memory_space<vmem>>) target(%dma_start3A_960 : memref<16400x64xf32, #tpu.memory_space<vmem_shared>>) offsets(%dma_start3A_957 : memref<128xi32, #tpu.memory_space<vmem>>) semaphore(%arg17 : memref<!tpu.dma_semaphore, #tpu.memory_space<semaphore_mem>>) {add = true}
    }
    %while3A_213 = arith.constant 1 : i32
    scf.for %while3A_925 = %while3A_211 to %while3A_207 step %while3A_213  : i32 {
      %and3A = arith.constant 1 : i32
      %and3A_926 = arith.andi %while3A_925, %and3A : i32
      %ge3A = arith.constant 2 : i32
      %ge3A_927 = arith.cmpi sge, %while3A_925, %ge3A : i32
      %convert_element_type3A_928 = arith.extui %ge3A_927 : i1 to i32
      %cond3A_929 = arith.constant 0 : i32
      %cond3A_930 = arith.cmpi ne, %convert_element_type3A_928, %cond3A_929 : i32
      scf.if %cond3A_930 {
        %dma_wait3A_961 = arith.constant 0 : i32
        %dma_wait3A_962 = arith.constant 0 : i32
        %dma_wait3A_963 = tpu.memref_slice %arg11[%and3A_926, %dma_wait3A_961, %dma_wait3A_962] : memref<2x128x64xf32, #tpu.memory_space<vmem>> -> memref<1x128x64xf32, #tpu.memory_space<vmem>>
        %dma_wait3A_964 = tpu.memref_squeeze %dma_wait3A_963 : memref<1x128x64xf32, #tpu.memory_space<vmem>> -> memref<128x64xf32, #tpu.memory_space<vmem>>
        %dma_wait3A_965 = arith.constant 0 : i32
        %dma_wait3A_966 = arith.constant 0 : i32
        %dma_wait3A_967 = tpu.memref_slice %arg2[%dma_wait3A_965, %dma_wait3A_966] : memref<100000x64xf32, #tpu.memory_space<hbm>> -> memref<128x64xf32, #tpu.memory_space<hbm>>
        %dma_wait3A_968 = arith.constant 0 : i32
        %dma_wait3A_969 = arith.constant 0 : i32
        %dma_wait3A_970 = tpu.memref_slice %arg11[%and3A_926, %dma_wait3A_968, %dma_wait3A_969] : memref<2x128x64xf32, #tpu.memory_space<vmem>> -> memref<1x128x64xf32, #tpu.memory_space<vmem>>
        %dma_wait3A_971 = tpu.memref_squeeze %dma_wait3A_970 : memref<1x128x64xf32, #tpu.memory_space<vmem>> -> memref<128x64xf32, #tpu.memory_space<vmem>>
        %dma_wait3A_972 = arith.constant 0 : i32
        %dma_wait3A_973 = arith.constant 0 : i32
        %dma_wait3A_974 = tpu.memref_slice %arg2[%dma_wait3A_972, %dma_wait3A_973] : memref<100000x64xf32, #tpu.memory_space<hbm>> -> memref<128x64xf32, #tpu.memory_space<hbm>>
        tpu.wait_dma2 semaphore(%arg17 : memref<!tpu.dma_semaphore, #tpu.memory_space<semaphore_mem>>) src(%dma_wait3A_974 : memref<128x64xf32, #tpu.memory_space<hbm>>) dst(%dma_wait3A_971 : memref<128x64xf32, #tpu.memory_space<vmem>>)
      } else {
      }
      %dma_start3A_931 = arith.constant 0 : i32
      %dma_start3A_932 = arith.constant 0 : i32
      %dma_start3A_933 = tpu.memref_slice %arg11[%and3A_926, %dma_start3A_931, %dma_start3A_932] : memref<2x128x64xf32, #tpu.memory_space<vmem>> -> memref<1x128x64xf32, #tpu.memory_space<vmem>>
      %dma_start3A_934 = tpu.memref_squeeze %dma_start3A_933 : memref<1x128x64xf32, #tpu.memory_space<vmem>> -> memref<128x64xf32, #tpu.memory_space<vmem>>
      %dma_start3A_935 = arith.constant 0 : i32
      %dma_start3A_936 = tpu.memref_slice %arg9[%while3A_925, %dma_start3A_935] : memref<52x128xi32, #tpu.memory_space<vmem>> -> memref<1x128xi32, #tpu.memory_space<vmem>>
      %dma_start3A_937 = tpu.memref_squeeze %dma_start3A_936 : memref<1x128xi32, #tpu.memory_space<vmem>> -> memref<128xi32, #tpu.memory_space<vmem>>
      %dma_start3A_938 = arith.constant 0 : i32
      %dma_start3A_939 = arith.constant 0 : i32
      %dma_start3A_940 = tpu.memref_slice %arg2[%dma_start3A_938, %dma_start3A_939] : memref<100000x64xf32, #tpu.memory_space<hbm>> -> memref<100000x64xf32, #tpu.memory_space<hbm>>
      tpu.enqueue_indirect_dma source(%dma_start3A_940 : memref<100000x64xf32, #tpu.memory_space<hbm>>) target(%dma_start3A_934 : memref<128x64xf32, #tpu.memory_space<vmem>>) offsets(%dma_start3A_937 : memref<128xi32, #tpu.memory_space<vmem>>) semaphore(%arg16 : memref<!tpu.dma_semaphore, #tpu.memory_space<semaphore_mem>>)
      %dma_wait3A_941 = arith.constant 0 : i32
      %dma_wait3A_942 = arith.constant 0 : i32
      %dma_wait3A_943 = tpu.memref_slice %arg11[%and3A_926, %dma_wait3A_941, %dma_wait3A_942] : memref<2x128x64xf32, #tpu.memory_space<vmem>> -> memref<1x128x64xf32, #tpu.memory_space<vmem>>
      %dma_wait3A_944 = tpu.memref_squeeze %dma_wait3A_943 : memref<1x128x64xf32, #tpu.memory_space<vmem>> -> memref<128x64xf32, #tpu.memory_space<vmem>>
      %dma_wait3A_945 = arith.constant 0 : i32
      %dma_wait3A_946 = tpu.memref_slice %arg9[%while3A_925, %dma_wait3A_945] : memref<52x128xi32, #tpu.memory_space<vmem>> -> memref<1x128xi32, #tpu.memory_space<vmem>>
      %dma_wait3A_947 = tpu.memref_squeeze %dma_wait3A_946 : memref<1x128xi32, #tpu.memory_space<vmem>> -> memref<128xi32, #tpu.memory_space<vmem>>
      %dma_wait3A_948 = arith.constant 0 : i32
      %dma_wait3A_949 = arith.constant 0 : i32
      %dma_wait3A_950 = tpu.memref_slice %arg2[%dma_wait3A_948, %dma_wait3A_949] : memref<100000x64xf32, #tpu.memory_space<hbm>> -> memref<100000x64xf32, #tpu.memory_space<hbm>>
      tpu.wait_indirect_dma semaphore(%arg16 : memref<!tpu.dma_semaphore, #tpu.memory_space<semaphore_mem>>) src(%dma_wait3A_950 : memref<100000x64xf32, #tpu.memory_space<hbm>>) dst(%dma_wait3A_944 : memref<128x64xf32, #tpu.memory_space<vmem>>)
      %dma_start3A_951 = arith.constant 0 : i32
      %dma_start3A_952 = arith.constant 0 : i32
      %dma_start3A_953 = tpu.memref_slice %arg11[%and3A_926, %dma_start3A_951, %dma_start3A_952] : memref<2x128x64xf32, #tpu.memory_space<vmem>> -> memref<1x128x64xf32, #tpu.memory_space<vmem>>
      %dma_start3A_954 = tpu.memref_squeeze %dma_start3A_953 : memref<1x128x64xf32, #tpu.memory_space<vmem>> -> memref<128x64xf32, #tpu.memory_space<vmem>>
      %dma_start3A_955 = arith.constant 0 : i32
      %dma_start3A_956 = tpu.memref_slice %arg10[%while3A_925, %dma_start3A_955] : memref<52x128xi32, #tpu.memory_space<vmem>> -> memref<1x128xi32, #tpu.memory_space<vmem>>
      %dma_start3A_957 = tpu.memref_squeeze %dma_start3A_956 : memref<1x128xi32, #tpu.memory_space<vmem>> -> memref<128xi32, #tpu.memory_space<vmem>>
      %dma_start3A_958 = arith.constant 0 : i32
      %dma_start3A_959 = arith.constant 0 : i32
      %dma_start3A_960 = tpu.memref_slice %arg13[%dma_start3A_958, %dma_start3A_959] : memref<16400x64xf32, #tpu.memory_space<vmem_shared>> -> memref<16400x64xf32, #tpu.memory_space<vmem_shared>>
      tpu.enqueue_indirect_dma source(%dma_start3A_954 : memref<128x64xf32, #tpu.memory_space<vmem>>) target(%dma_start3A_960 : memref<16400x64xf32, #tpu.memory_space<vmem_shared>>) offsets(%dma_start3A_957 : memref<128xi32, #tpu.memory_space<vmem>>) semaphore(%arg17 : memref<!tpu.dma_semaphore, #tpu.memory_space<semaphore_mem>>) {add = true}
    }
    %min3A = arith.constant 2 : i32
    %min3A_214 = arith.minsi %shift_right_arithmetic3A_28, %min3A : i32
    %while3A_215 = arith.constant 0 : i32
    %while3A_216 = arith.constant 0 : i32
    %while3A_217 = arith.subi %min3A_214, %while3A_216 : i32
    %while3A_218 = arith.addi %while3A_216, %while3A_217 : i32
    %while3A_219 = arith.constant 1 : i32
    %while3A_220 = arith.divsi %while3A_217, %while3A_219 : i32
    %while3A_221 = arith.muli %while3A_220, %while3A_219 : i32
    %while3A_222 = arith.addi %while3A_216, %while3A_221 : i32
    %while3A_223 = arith.constant 1 : i32
    scf.for %while3A_925 = %while3A_216 to %while3A_222 step %while3A_223  : i32 {
      %dma_wait3A_926 = arith.constant 0 : i32
      %dma_wait3A_927 = arith.constant 0 : i32
      %dma_wait3A_928 = arith.constant 0 : i32
      %dma_wait3A_929 = tpu.memref_slice %arg11[%dma_wait3A_926, %dma_wait3A_927, %dma_wait3A_928] : memref<2x128x64xf32, #tpu.memory_space<vmem>> -> memref<1x128x64xf32, #tpu.memory_space<vmem>>
      %dma_wait3A_930 = tpu.memref_squeeze %dma_wait3A_929 : memref<1x128x64xf32, #tpu.memory_space<vmem>> -> memref<128x64xf32, #tpu.memory_space<vmem>>
      %dma_wait3A_931 = arith.constant 0 : i32
      %dma_wait3A_932 = arith.constant 0 : i32
      %dma_wait3A_933 = tpu.memref_slice %arg2[%dma_wait3A_931, %dma_wait3A_932] : memref<100000x64xf32, #tpu.memory_space<hbm>> -> memref<128x64xf32, #tpu.memory_space<hbm>>
      %dma_wait3A_934 = arith.constant 0 : i32
      %dma_wait3A_935 = arith.constant 0 : i32
      %dma_wait3A_936 = tpu.memref_slice %arg11[%dma_wait3A_926, %dma_wait3A_934, %dma_wait3A_935] : memref<2x128x64xf32, #tpu.memory_space<vmem>> -> memref<1x128x64xf32, #tpu.memory_space<vmem>>
      %dma_wait3A_937 = tpu.memref_squeeze %dma_wait3A_936 : memref<1x128x64xf32, #tpu.memory_space<vmem>> -> memref<128x64xf32, #tpu.memory_space<vmem>>
      %dma_wait3A_938 = arith.constant 0 : i32
      %dma_wait3A_939 = arith.constant 0 : i32
      %dma_wait3A_940 = tpu.memref_slice %arg2[%dma_wait3A_938, %dma_wait3A_939] : memref<100000x64xf32, #tpu.memory_space<hbm>> -> memref<128x64xf32, #tpu.memory_space<hbm>>
      tpu.wait_dma2 semaphore(%arg17 : memref<!tpu.dma_semaphore, #tpu.memory_space<semaphore_mem>>) src(%dma_wait3A_940 : memref<128x64xf32, #tpu.memory_space<hbm>>) dst(%dma_wait3A_937 : memref<128x64xf32, #tpu.memory_space<vmem>>)
    }
    %while3A_224 = arith.constant 1 : i32
    scf.for %while3A_925 = %while3A_222 to %while3A_218 step %while3A_224  : i32 {
      %dma_wait3A_926 = arith.constant 0 : i32
      %dma_wait3A_927 = arith.constant 0 : i32
      %dma_wait3A_928 = arith.constant 0 : i32
      %dma_wait3A_929 = tpu.memref_slice %arg11[%dma_wait3A_926, %dma_wait3A_927, %dma_wait3A_928] : memref<2x128x64xf32, #tpu.memory_space<vmem>> -> memref<1x128x64xf32, #tpu.memory_space<vmem>>
      %dma_wait3A_930 = tpu.memref_squeeze %dma_wait3A_929 : memref<1x128x64xf32, #tpu.memory_space<vmem>> -> memref<128x64xf32, #tpu.memory_space<vmem>>
      %dma_wait3A_931 = arith.constant 0 : i32
      %dma_wait3A_932 = arith.constant 0 : i32
      %dma_wait3A_933 = tpu.memref_slice %arg2[%dma_wait3A_931, %dma_wait3A_932] : memref<100000x64xf32, #tpu.memory_space<hbm>> -> memref<128x64xf32, #tpu.memory_space<hbm>>
      %dma_wait3A_934 = arith.constant 0 : i32
      %dma_wait3A_935 = arith.constant 0 : i32
      %dma_wait3A_936 = tpu.memref_slice %arg11[%dma_wait3A_926, %dma_wait3A_934, %dma_wait3A_935] : memref<2x128x64xf32, #tpu.memory_space<vmem>> -> memref<1x128x64xf32, #tpu.memory_space<vmem>>
      %dma_wait3A_937 = tpu.memref_squeeze %dma_wait3A_936 : memref<1x128x64xf32, #tpu.memory_space<vmem>> -> memref<128x64xf32, #tpu.memory_space<vmem>>
      %dma_wait3A_938 = arith.constant 0 : i32
      %dma_wait3A_939 = arith.constant 0 : i32
      %dma_wait3A_940 = tpu.memref_slice %arg2[%dma_wait3A_938, %dma_wait3A_939] : memref<100000x64xf32, #tpu.memory_space<hbm>> -> memref<128x64xf32, #tpu.memory_space<hbm>>
      tpu.wait_dma2 semaphore(%arg17 : memref<!tpu.dma_semaphore, #tpu.memory_space<semaphore_mem>>) src(%dma_wait3A_940 : memref<128x64xf32, #tpu.memory_space<hbm>>) dst(%dma_wait3A_937 : memref<128x64xf32, #tpu.memory_space<vmem>>)
    }
    %barrier3A_225 = arith.constant 0 : index
    tpu.barrier barrier_id(%barrier3A_225)
    %add3A_226 = arith.addi %add3A_15, %mul3A_17 : i32
    %dma_start3A_227 = arith.constant 0 : i32
    %dma_start3A_228 = tpu.memref_slice %arg5[%add3A_226, %dma_start3A_227] : memref<131072x64xf32, #tpu.memory_space<hbm>> -> memref<1024x64xf32, #tpu.memory_space<hbm>>
    %dma_start3A_229 = arith.constant 0 : i32
    %dma_start3A_230 = tpu.memref_slice %arg13[%mul3A_17, %dma_start3A_229] : memref<16400x64xf32, #tpu.memory_space<vmem_shared>> -> memref<1024x64xf32, #tpu.memory_space<vmem_shared>>
    tpu.enqueue_dma source(%dma_start3A_230 : memref<1024x64xf32, #tpu.memory_space<vmem_shared>>) target(%dma_start3A_228 : memref<1024x64xf32, #tpu.memory_space<hbm>>) target_semaphore(%arg15 : memref<!tpu.dma_semaphore, #tpu.memory_space<semaphore_mem>>)
    %mul3A_231 = arith.constant 16384 : i32
    %mul3A_232 = arith.muli %arg0, %mul3A_231 : i32
    %add3A_233 = arith.constant 32768 : i32
    %add3A_234 = arith.addi %add3A_233, %mul3A_232 : i32
    %mul3A_235 = arith.constant 1024 : i32
    %mul3A_236 = arith.muli %arg1, %mul3A_235 : i32
    %scan3A_237 = arith.constant 0 : i32
    %scan3A_238 = arith.constant 0 : i32
    %scan3A_239 = arith.constant 400 : i32
    %scan3A_240 = arith.addi %scan3A_238, %scan3A_239 : i32
    %scan3A_241 = arith.constant 1 : i32
    %scan3A_242 = scf.for %scan3A_925 = %scan3A_238 to %scan3A_240 step %scan3A_241 iter_args(%scan3A_926 = %scan3A_237) -> (i32)  : i32 {
      %mul3A_927 = arith.constant 16 : i32
      %mul3A_928 = arith.muli %scan3A_925, %mul3A_927 : i32
      %get3A = arith.index_cast %mul3A_928 : i32 to index
      %get3A_929 = tpu.vector_load %arg8[%get3A] {strides = array<i32>} : memref<6400xi32, #tpu.memory_space<vmem>>, vector<16xi32>,
      %sub3A_930 = vector.broadcast %add3A_234 : i32 to vector<16xi32>
      %sub3A_931 = arith.subi %get3A_929, %sub3A_930 : vector<16xi32>
      %add3A_932 = arith.addi %mul3A_0, %mul3A_928 : i32
      %add3A_933 = vector.broadcast %add3A_932 : i32 to vector<16xi32>
      %add3A_934 = arith.addi %add3A_933, %iota3A : vector<16xi32>
      %ge3A = arith.constant 0 : i32
      %ge3A_935 = vector.broadcast %ge3A : i32 to vector<16xi32>
      %ge3A_936 = arith.cmpi sge, %sub3A_931, %ge3A_935 : vector<16xi32>
      %lt3A_937 = arith.constant 16384 : i32
      %lt3A_938 = vector.broadcast %lt3A_937 : i32 to vector<16xi32>
      %lt3A_939 = arith.cmpi slt, %sub3A_931, %lt3A_938 : vector<16xi32>
      %and3A = arith.andi %ge3A_936, %lt3A_939 : vector<16xi1>
      %convert_element_type3A_940 = arith.extui %and3A : vector<16xi1> to vector<16xi32>
      %broadcast_in_dim3A_941 = arith.constant true
      %broadcast_in_dim3A_942 = vector.broadcast %broadcast_in_dim3A_941 : i1 to vector<16xi1>
      %masked_cumsum3A = tpu.scan <sum>, %convert_element_type3A_940 masked %broadcast_in_dim3A_942 : vector<16xi32>, vector<16xi1> -> vector<16xi32>
      %add3A_943 = vector.broadcast %scan3A_926 : i32 to vector<16xi32>
      %add3A_944 = arith.addi %add3A_943, %masked_cumsum3A : vector<16xi32>
      %sub3A_945 = arith.constant 1 : i32
      %sub3A_946 = vector.broadcast %sub3A_945 : i32 to vector<16xi32>
      %sub3A_947 = arith.subi %add3A_944, %sub3A_946 : vector<16xi32>
      %shift_right_arithmetic3A_948 = arith.constant 7 : i32
      %shift_right_arithmetic3A_949 = vector.broadcast %shift_right_arithmetic3A_948 : i32 to vector<16xi32>
      %shift_right_arithmetic3A_950 = arith.shrsi %sub3A_947, %shift_right_arithmetic3A_949 : vector<16xi32>
      %and3A_951 = arith.constant 127 : i32
      %and3A_952 = vector.broadcast %and3A_951 : i32 to vector<16xi32>
      %and3A_953 = arith.andi %sub3A_947, %and3A_952 : vector<16xi32>
      tpu.vector_store_idx %arg9[%shift_right_arithmetic3A_950, %and3A_953], %add3A_934 masked %and3A : memref<52x128xi32, #tpu.memory_space<vmem>>[vector<16xi32>, vector<16xi32>], vector<16xi32>, vector<16xi1>
      %shift_right_arithmetic3A_954 = arith.constant 7 : i32
      %shift_right_arithmetic3A_955 = vector.broadcast %shift_right_arithmetic3A_954 : i32 to vector<16xi32>
      %shift_right_arithmetic3A_956 = arith.shrsi %sub3A_947, %shift_right_arithmetic3A_955 : vector<16xi32>
      %and3A_957 = arith.constant 127 : i32
      %and3A_958 = vector.broadcast %and3A_957 : i32 to vector<16xi32>
      %and3A_959 = arith.andi %sub3A_947, %and3A_958 : vector<16xi32>
      tpu.vector_store_idx %arg10[%shift_right_arithmetic3A_956, %and3A_959], %sub3A_931 masked %and3A : memref<52x128xi32, #tpu.memory_space<vmem>>[vector<16xi32>, vector<16xi32>], vector<16xi32>, vector<16xi1>
      %slice3A = vector.extract_strided_slice %sub3A_947 {offsets = [15], sizes = [1], strides = [1]} : vector<16xi32> to vector<1xi32>
      %squeeze3A = vector.extract %slice3A[0] : i32 from vector<1xi32>
      %add3A_960 = arith.constant 1 : i32
      %add3A_961 = arith.addi %squeeze3A, %add3A_960 : i32
      scf.yield %add3A_961 : i32
    }
    %scan3A_243 = arith.constant 400 : i32
    %add3A_244 = arith.constant 128 : i32
    %add3A_245 = arith.addi %scan3A_242, %add3A_244 : i32
    %sub3A_246 = arith.constant 1 : i32
    %sub3A_247 = arith.subi %add3A_245, %sub3A_246 : i32
    %shift_right_arithmetic3A_248 = arith.constant 7 : i32
    %shift_right_arithmetic3A_249 = arith.shrsi %sub3A_247, %shift_right_arithmetic3A_248 : i32
    %shift_right_arithmetic3A_250 = arith.constant 4 : i32
    %shift_right_arithmetic3A_251 = arith.shrsi %scan3A_242, %shift_right_arithmetic3A_250 : i32
    %mul3A_252 = arith.constant 8 : i32
    %mul3A_253 = arith.muli %shift_right_arithmetic3A_249, %mul3A_252 : i32
    %while3A_254 = arith.constant 0 : i32
    %while3A_255 = arith.subi %mul3A_253, %shift_right_arithmetic3A_251 : i32
    %while3A_256 = arith.addi %shift_right_arithmetic3A_251, %while3A_255 : i32
    %while3A_257 = arith.constant 1 : i32
    %while3A_258 = arith.divsi %while3A_255, %while3A_257 : i32
    %while3A_259 = arith.muli %while3A_258, %while3A_257 : i32
    %while3A_260 = arith.addi %shift_right_arithmetic3A_251, %while3A_259 : i32
    %while3A_261 = arith.constant 1 : i32
    scf.for %while3A_925 = %shift_right_arithmetic3A_251 to %while3A_260 step %while3A_261  : i32 {
      %mul3A_926 = arith.constant 16 : i32
      %mul3A_927 = arith.muli %while3A_925, %mul3A_926 : i32
      %add3A_928 = vector.broadcast %mul3A_927 : i32 to vector<16xi32>
      %add3A_929 = arith.addi %add3A_928, %iota3A : vector<16xi32>
      %ge3A = vector.broadcast %scan3A_242 : i32 to vector<16xi32>
      %ge3A_930 = arith.cmpi sge, %add3A_929, %ge3A : vector<16xi32>
      %shift_right_arithmetic3A_931 = arith.constant 7 : i32
      %shift_right_arithmetic3A_932 = vector.broadcast %shift_right_arithmetic3A_931 : i32 to vector<16xi32>
      %shift_right_arithmetic3A_933 = arith.shrsi %add3A_929, %shift_right_arithmetic3A_932 : vector<16xi32>
      %and3A = arith.constant 127 : i32
      %and3A_934 = vector.broadcast %and3A : i32 to vector<16xi32>
      %and3A_935 = arith.andi %add3A_929, %and3A_934 : vector<16xi32>
      %broadcast_in_dim3A_936 = arith.constant 0 : i32
      %broadcast_in_dim3A_937 = vector.broadcast %broadcast_in_dim3A_936 : i32 to vector<16xi32>
      tpu.vector_store_idx %arg9[%shift_right_arithmetic3A_933, %and3A_935], %broadcast_in_dim3A_937 masked %ge3A_930 : memref<52x128xi32, #tpu.memory_space<vmem>>[vector<16xi32>, vector<16xi32>], vector<16xi32>, vector<16xi1>
      %shift_right_arithmetic3A_938 = arith.constant 7 : i32
      %shift_right_arithmetic3A_939 = vector.broadcast %shift_right_arithmetic3A_938 : i32 to vector<16xi32>
      %shift_right_arithmetic3A_940 = arith.shrsi %add3A_929, %shift_right_arithmetic3A_939 : vector<16xi32>
      %and3A_941 = arith.constant 127 : i32
      %and3A_942 = vector.broadcast %and3A_941 : i32 to vector<16xi32>
      %and3A_943 = arith.andi %add3A_929, %and3A_942 : vector<16xi32>
      %broadcast_in_dim3A_944 = arith.constant 16384 : i32
      %broadcast_in_dim3A_945 = vector.broadcast %broadcast_in_dim3A_944 : i32 to vector<16xi32>
      tpu.vector_store_idx %arg10[%shift_right_arithmetic3A_940, %and3A_943], %broadcast_in_dim3A_945 masked %ge3A_930 : memref<52x128xi32, #tpu.memory_space<vmem>>[vector<16xi32>, vector<16xi32>], vector<16xi32>, vector<16xi1>
    }
    %while3A_262 = arith.constant 1 : i32
    scf.for %while3A_925 = %while3A_260 to %while3A_256 step %while3A_262  : i32 {
      %mul3A_926 = arith.constant 16 : i32
      %mul3A_927 = arith.muli %while3A_925, %mul3A_926 : i32
      %add3A_928 = vector.broadcast %mul3A_927 : i32 to vector<16xi32>
      %add3A_929 = arith.addi %add3A_928, %iota3A : vector<16xi32>
      %ge3A = vector.broadcast %scan3A_242 : i32 to vector<16xi32>
      %ge3A_930 = arith.cmpi sge, %add3A_929, %ge3A : vector<16xi32>
      %shift_right_arithmetic3A_931 = arith.constant 7 : i32
      %shift_right_arithmetic3A_932 = vector.broadcast %shift_right_arithmetic3A_931 : i32 to vector<16xi32>
      %shift_right_arithmetic3A_933 = arith.shrsi %add3A_929, %shift_right_arithmetic3A_932 : vector<16xi32>
      %and3A = arith.constant 127 : i32
      %and3A_934 = vector.broadcast %and3A : i32 to vector<16xi32>
      %and3A_935 = arith.andi %add3A_929, %and3A_934 : vector<16xi32>
      %broadcast_in_dim3A_936 = arith.constant 0 : i32
      %broadcast_in_dim3A_937 = vector.broadcast %broadcast_in_dim3A_936 : i32 to vector<16xi32>
      tpu.vector_store_idx %arg9[%shift_right_arithmetic3A_933, %and3A_935], %broadcast_in_dim3A_937 masked %ge3A_930 : memref<52x128xi32, #tpu.memory_space<vmem>>[vector<16xi32>, vector<16xi32>], vector<16xi32>, vector<16xi1>
      %shift_right_arithmetic3A_938 = arith.constant 7 : i32
      %shift_right_arithmetic3A_939 = vector.broadcast %shift_right_arithmetic3A_938 : i32 to vector<16xi32>
      %shift_right_arithmetic3A_940 = arith.shrsi %add3A_929, %shift_right_arithmetic3A_939 : vector<16xi32>
      %and3A_941 = arith.constant 127 : i32
      %and3A_942 = vector.broadcast %and3A_941 : i32 to vector<16xi32>
      %and3A_943 = arith.andi %add3A_929, %and3A_942 : vector<16xi32>
      %broadcast_in_dim3A_944 = arith.constant 16384 : i32
      %broadcast_in_dim3A_945 = vector.broadcast %broadcast_in_dim3A_944 : i32 to vector<16xi32>
      tpu.vector_store_idx %arg10[%shift_right_arithmetic3A_940, %and3A_943], %broadcast_in_dim3A_945 masked %ge3A_930 : memref<52x128xi32, #tpu.memory_space<vmem>>[vector<16xi32>, vector<16xi32>], vector<16xi32>, vector<16xi1>
    }
    %dma_wait3A_263 = arith.constant 0 : i32
    %dma_wait3A_264 = tpu.memref_slice %arg5[%add3A_226, %dma_wait3A_263] : memref<131072x64xf32, #tpu.memory_space<hbm>> -> memref<1024x64xf32, #tpu.memory_space<hbm>>
    %dma_wait3A_265 = arith.constant 0 : i32
    %dma_wait3A_266 = tpu.memref_slice %arg13[%mul3A_17, %dma_wait3A_265] : memref<16400x64xf32, #tpu.memory_space<vmem_shared>> -> memref<1024x64xf32, #tpu.memory_space<vmem_shared>>
    tpu.wait_dma2 semaphore(%arg15 : memref<!tpu.dma_semaphore, #tpu.memory_space<semaphore_mem>>) src(%dma_wait3A_266 : memref<1024x64xf32, #tpu.memory_space<vmem_shared>>) dst(%dma_wait3A_264 : memref<1024x64xf32, #tpu.memory_space<hbm>>)
    %add3A_267 = arith.constant 0 : i32
    %add3A_268 = arith.addi %mul3A_236, %add3A_267 : i32
    %dma_start3A_269 = arith.constant 0 : i32
    %dma_start3A_270 = tpu.memref_slice %arg13[%add3A_268, %dma_start3A_269] : memref<16400x64xf32, #tpu.memory_space<vmem_shared>> -> memref<64x64xf32, #tpu.memory_space<vmem_shared>>
    %dma_start3A_271 = arith.constant 0 : i32
    %dma_start3A_272 = tpu.memref_slice %arg13[%add3A_268, %dma_start3A_271] : memref<16400x64xf32, #tpu.memory_space<vmem_shared>> -> memref<64x64xf32, #tpu.memory_space<vmem_shared>>
    tpu.enqueue_dma source(%arg12 : memref<64x64xf32, #tpu.memory_space<vmem>>) target(%dma_start3A_272 : memref<64x64xf32, #tpu.memory_space<vmem_shared>>) target_semaphore(%arg14 : memref<!tpu.dma_semaphore, #tpu.memory_space<semaphore_mem>>)
    %add3A_273 = arith.constant 64 : i32
    %add3A_274 = arith.addi %mul3A_236, %add3A_273 : i32
    %dma_start3A_275 = arith.constant 0 : i32
    %dma_start3A_276 = tpu.memref_slice %arg13[%add3A_274, %dma_start3A_275] : memref<16400x64xf32, #tpu.memory_space<vmem_shared>> -> memref<64x64xf32, #tpu.memory_space<vmem_shared>>
    %dma_start3A_277 = arith.constant 0 : i32
    %dma_start3A_278 = tpu.memref_slice %arg13[%add3A_274, %dma_start3A_277] : memref<16400x64xf32, #tpu.memory_space<vmem_shared>> -> memref<64x64xf32, #tpu.memory_space<vmem_shared>>
    tpu.enqueue_dma source(%arg12 : memref<64x64xf32, #tpu.memory_space<vmem>>) target(%dma_start3A_278 : memref<64x64xf32, #tpu.memory_space<vmem_shared>>) target_semaphore(%arg14 : memref<!tpu.dma_semaphore, #tpu.memory_space<semaphore_mem>>)
    %add3A_279 = arith.constant 128 : i32
    %add3A_280 = arith.addi %mul3A_236, %add3A_279 : i32
    %dma_start3A_281 = arith.constant 0 : i32
    %dma_start3A_282 = tpu.memref_slice %arg13[%add3A_280, %dma_start3A_281] : memref<16400x64xf32, #tpu.memory_space<vmem_shared>> -> memref<64x64xf32, #tpu.memory_space<vmem_shared>>
    %dma_start3A_283 = arith.constant 0 : i32
    %dma_start3A_284 = tpu.memref_slice %arg13[%add3A_280, %dma_start3A_283] : memref<16400x64xf32, #tpu.memory_space<vmem_shared>> -> memref<64x64xf32, #tpu.memory_space<vmem_shared>>
    tpu.enqueue_dma source(%arg12 : memref<64x64xf32, #tpu.memory_space<vmem>>) target(%dma_start3A_284 : memref<64x64xf32, #tpu.memory_space<vmem_shared>>) target_semaphore(%arg14 : memref<!tpu.dma_semaphore, #tpu.memory_space<semaphore_mem>>)
    %add3A_285 = arith.constant 192 : i32
    %add3A_286 = arith.addi %mul3A_236, %add3A_285 : i32
    %dma_start3A_287 = arith.constant 0 : i32
    %dma_start3A_288 = tpu.memref_slice %arg13[%add3A_286, %dma_start3A_287] : memref<16400x64xf32, #tpu.memory_space<vmem_shared>> -> memref<64x64xf32, #tpu.memory_space<vmem_shared>>
    %dma_start3A_289 = arith.constant 0 : i32
    %dma_start3A_290 = tpu.memref_slice %arg13[%add3A_286, %dma_start3A_289] : memref<16400x64xf32, #tpu.memory_space<vmem_shared>> -> memref<64x64xf32, #tpu.memory_space<vmem_shared>>
    tpu.enqueue_dma source(%arg12 : memref<64x64xf32, #tpu.memory_space<vmem>>) target(%dma_start3A_290 : memref<64x64xf32, #tpu.memory_space<vmem_shared>>) target_semaphore(%arg14 : memref<!tpu.dma_semaphore, #tpu.memory_space<semaphore_mem>>)
    %add3A_291 = arith.constant 256 : i32
    %add3A_292 = arith.addi %mul3A_236, %add3A_291 : i32
    %dma_start3A_293 = arith.constant 0 : i32
    %dma_start3A_294 = tpu.memref_slice %arg13[%add3A_292, %dma_start3A_293] : memref<16400x64xf32, #tpu.memory_space<vmem_shared>> -> memref<64x64xf32, #tpu.memory_space<vmem_shared>>
    %dma_start3A_295 = arith.constant 0 : i32
    %dma_start3A_296 = tpu.memref_slice %arg13[%add3A_292, %dma_start3A_295] : memref<16400x64xf32, #tpu.memory_space<vmem_shared>> -> memref<64x64xf32, #tpu.memory_space<vmem_shared>>
    tpu.enqueue_dma source(%arg12 : memref<64x64xf32, #tpu.memory_space<vmem>>) target(%dma_start3A_296 : memref<64x64xf32, #tpu.memory_space<vmem_shared>>) target_semaphore(%arg14 : memref<!tpu.dma_semaphore, #tpu.memory_space<semaphore_mem>>)
    %add3A_297 = arith.constant 320 : i32
    %add3A_298 = arith.addi %mul3A_236, %add3A_297 : i32
    %dma_start3A_299 = arith.constant 0 : i32
    %dma_start3A_300 = tpu.memref_slice %arg13[%add3A_298, %dma_start3A_299] : memref<16400x64xf32, #tpu.memory_space<vmem_shared>> -> memref<64x64xf32, #tpu.memory_space<vmem_shared>>
    %dma_start3A_301 = arith.constant 0 : i32
    %dma_start3A_302 = tpu.memref_slice %arg13[%add3A_298, %dma_start3A_301] : memref<16400x64xf32, #tpu.memory_space<vmem_shared>> -> memref<64x64xf32, #tpu.memory_space<vmem_shared>>
    tpu.enqueue_dma source(%arg12 : memref<64x64xf32, #tpu.memory_space<vmem>>) target(%dma_start3A_302 : memref<64x64xf32, #tpu.memory_space<vmem_shared>>) target_semaphore(%arg14 : memref<!tpu.dma_semaphore, #tpu.memory_space<semaphore_mem>>)
    %add3A_303 = arith.constant 384 : i32
    %add3A_304 = arith.addi %mul3A_236, %add3A_303 : i32
    %dma_start3A_305 = arith.constant 0 : i32
    %dma_start3A_306 = tpu.memref_slice %arg13[%add3A_304, %dma_start3A_305] : memref<16400x64xf32, #tpu.memory_space<vmem_shared>> -> memref<64x64xf32, #tpu.memory_space<vmem_shared>>
    %dma_start3A_307 = arith.constant 0 : i32
    %dma_start3A_308 = tpu.memref_slice %arg13[%add3A_304, %dma_start3A_307] : memref<16400x64xf32, #tpu.memory_space<vmem_shared>> -> memref<64x64xf32, #tpu.memory_space<vmem_shared>>
    tpu.enqueue_dma source(%arg12 : memref<64x64xf32, #tpu.memory_space<vmem>>) target(%dma_start3A_308 : memref<64x64xf32, #tpu.memory_space<vmem_shared>>) target_semaphore(%arg14 : memref<!tpu.dma_semaphore, #tpu.memory_space<semaphore_mem>>)
    %add3A_309 = arith.constant 448 : i32
    %add3A_310 = arith.addi %mul3A_236, %add3A_309 : i32
    %dma_start3A_311 = arith.constant 0 : i32
    %dma_start3A_312 = tpu.memref_slice %arg13[%add3A_310, %dma_start3A_311] : memref<16400x64xf32, #tpu.memory_space<vmem_shared>> -> memref<64x64xf32, #tpu.memory_space<vmem_shared>>
    %dma_start3A_313 = arith.constant 0 : i32
    %dma_start3A_314 = tpu.memref_slice %arg13[%add3A_310, %dma_start3A_313] : memref<16400x64xf32, #tpu.memory_space<vmem_shared>> -> memref<64x64xf32, #tpu.memory_space<vmem_shared>>
    tpu.enqueue_dma source(%arg12 : memref<64x64xf32, #tpu.memory_space<vmem>>) target(%dma_start3A_314 : memref<64x64xf32, #tpu.memory_space<vmem_shared>>) target_semaphore(%arg14 : memref<!tpu.dma_semaphore, #tpu.memory_space<semaphore_mem>>)
    %add3A_315 = arith.constant 512 : i32
    %add3A_316 = arith.addi %mul3A_236, %add3A_315 : i32
    %dma_start3A_317 = arith.constant 0 : i32
    %dma_start3A_318 = tpu.memref_slice %arg13[%add3A_316, %dma_start3A_317] : memref<16400x64xf32, #tpu.memory_space<vmem_shared>> -> memref<64x64xf32, #tpu.memory_space<vmem_shared>>
    %dma_start3A_319 = arith.constant 0 : i32
    %dma_start3A_320 = tpu.memref_slice %arg13[%add3A_316, %dma_start3A_319] : memref<16400x64xf32, #tpu.memory_space<vmem_shared>> -> memref<64x64xf32, #tpu.memory_space<vmem_shared>>
    tpu.enqueue_dma source(%arg12 : memref<64x64xf32, #tpu.memory_space<vmem>>) target(%dma_start3A_320 : memref<64x64xf32, #tpu.memory_space<vmem_shared>>) target_semaphore(%arg14 : memref<!tpu.dma_semaphore, #tpu.memory_space<semaphore_mem>>)
    %add3A_321 = arith.constant 576 : i32
    %add3A_322 = arith.addi %mul3A_236, %add3A_321 : i32
    %dma_start3A_323 = arith.constant 0 : i32
    %dma_start3A_324 = tpu.memref_slice %arg13[%add3A_322, %dma_start3A_323] : memref<16400x64xf32, #tpu.memory_space<vmem_shared>> -> memref<64x64xf32, #tpu.memory_space<vmem_shared>>
    %dma_start3A_325 = arith.constant 0 : i32
    %dma_start3A_326 = tpu.memref_slice %arg13[%add3A_322, %dma_start3A_325] : memref<16400x64xf32, #tpu.memory_space<vmem_shared>> -> memref<64x64xf32, #tpu.memory_space<vmem_shared>>
    tpu.enqueue_dma source(%arg12 : memref<64x64xf32, #tpu.memory_space<vmem>>) target(%dma_start3A_326 : memref<64x64xf32, #tpu.memory_space<vmem_shared>>) target_semaphore(%arg14 : memref<!tpu.dma_semaphore, #tpu.memory_space<semaphore_mem>>)
    %add3A_327 = arith.constant 640 : i32
    %add3A_328 = arith.addi %mul3A_236, %add3A_327 : i32
    %dma_start3A_329 = arith.constant 0 : i32
    %dma_start3A_330 = tpu.memref_slice %arg13[%add3A_328, %dma_start3A_329] : memref<16400x64xf32, #tpu.memory_space<vmem_shared>> -> memref<64x64xf32, #tpu.memory_space<vmem_shared>>
    %dma_start3A_331 = arith.constant 0 : i32
    %dma_start3A_332 = tpu.memref_slice %arg13[%add3A_328, %dma_start3A_331] : memref<16400x64xf32, #tpu.memory_space<vmem_shared>> -> memref<64x64xf32, #tpu.memory_space<vmem_shared>>
    tpu.enqueue_dma source(%arg12 : memref<64x64xf32, #tpu.memory_space<vmem>>) target(%dma_start3A_332 : memref<64x64xf32, #tpu.memory_space<vmem_shared>>) target_semaphore(%arg14 : memref<!tpu.dma_semaphore, #tpu.memory_space<semaphore_mem>>)
    %add3A_333 = arith.constant 704 : i32
    %add3A_334 = arith.addi %mul3A_236, %add3A_333 : i32
    %dma_start3A_335 = arith.constant 0 : i32
    %dma_start3A_336 = tpu.memref_slice %arg13[%add3A_334, %dma_start3A_335] : memref<16400x64xf32, #tpu.memory_space<vmem_shared>> -> memref<64x64xf32, #tpu.memory_space<vmem_shared>>
    %dma_start3A_337 = arith.constant 0 : i32
    %dma_start3A_338 = tpu.memref_slice %arg13[%add3A_334, %dma_start3A_337] : memref<16400x64xf32, #tpu.memory_space<vmem_shared>> -> memref<64x64xf32, #tpu.memory_space<vmem_shared>>
    tpu.enqueue_dma source(%arg12 : memref<64x64xf32, #tpu.memory_space<vmem>>) target(%dma_start3A_338 : memref<64x64xf32, #tpu.memory_space<vmem_shared>>) target_semaphore(%arg14 : memref<!tpu.dma_semaphore, #tpu.memory_space<semaphore_mem>>)
    %add3A_339 = arith.constant 768 : i32
    %add3A_340 = arith.addi %mul3A_236, %add3A_339 : i32
    %dma_start3A_341 = arith.constant 0 : i32
    %dma_start3A_342 = tpu.memref_slice %arg13[%add3A_340, %dma_start3A_341] : memref<16400x64xf32, #tpu.memory_space<vmem_shared>> -> memref<64x64xf32, #tpu.memory_space<vmem_shared>>
    %dma_start3A_343 = arith.constant 0 : i32
    %dma_start3A_344 = tpu.memref_slice %arg13[%add3A_340, %dma_start3A_343] : memref<16400x64xf32, #tpu.memory_space<vmem_shared>> -> memref<64x64xf32, #tpu.memory_space<vmem_shared>>
    tpu.enqueue_dma source(%arg12 : memref<64x64xf32, #tpu.memory_space<vmem>>) target(%dma_start3A_344 : memref<64x64xf32, #tpu.memory_space<vmem_shared>>) target_semaphore(%arg14 : memref<!tpu.dma_semaphore, #tpu.memory_space<semaphore_mem>>)
    %add3A_345 = arith.constant 832 : i32
    %add3A_346 = arith.addi %mul3A_236, %add3A_345 : i32
    %dma_start3A_347 = arith.constant 0 : i32
    %dma_start3A_348 = tpu.memref_slice %arg13[%add3A_346, %dma_start3A_347] : memref<16400x64xf32, #tpu.memory_space<vmem_shared>> -> memref<64x64xf32, #tpu.memory_space<vmem_shared>>
    %dma_start3A_349 = arith.constant 0 : i32
    %dma_start3A_350 = tpu.memref_slice %arg13[%add3A_346, %dma_start3A_349] : memref<16400x64xf32, #tpu.memory_space<vmem_shared>> -> memref<64x64xf32, #tpu.memory_space<vmem_shared>>
    tpu.enqueue_dma source(%arg12 : memref<64x64xf32, #tpu.memory_space<vmem>>) target(%dma_start3A_350 : memref<64x64xf32, #tpu.memory_space<vmem_shared>>) target_semaphore(%arg14 : memref<!tpu.dma_semaphore, #tpu.memory_space<semaphore_mem>>)
    %add3A_351 = arith.constant 896 : i32
    %add3A_352 = arith.addi %mul3A_236, %add3A_351 : i32
    %dma_start3A_353 = arith.constant 0 : i32
    %dma_start3A_354 = tpu.memref_slice %arg13[%add3A_352, %dma_start3A_353] : memref<16400x64xf32, #tpu.memory_space<vmem_shared>> -> memref<64x64xf32, #tpu.memory_space<vmem_shared>>
    %dma_start3A_355 = arith.constant 0 : i32
    %dma_start3A_356 = tpu.memref_slice %arg13[%add3A_352, %dma_start3A_355] : memref<16400x64xf32, #tpu.memory_space<vmem_shared>> -> memref<64x64xf32, #tpu.memory_space<vmem_shared>>
    tpu.enqueue_dma source(%arg12 : memref<64x64xf32, #tpu.memory_space<vmem>>) target(%dma_start3A_356 : memref<64x64xf32, #tpu.memory_space<vmem_shared>>) target_semaphore(%arg14 : memref<!tpu.dma_semaphore, #tpu.memory_space<semaphore_mem>>)
    %add3A_357 = arith.constant 960 : i32
    %add3A_358 = arith.addi %mul3A_236, %add3A_357 : i32
    %dma_start3A_359 = arith.constant 0 : i32
    %dma_start3A_360 = tpu.memref_slice %arg13[%add3A_358, %dma_start3A_359] : memref<16400x64xf32, #tpu.memory_space<vmem_shared>> -> memref<64x64xf32, #tpu.memory_space<vmem_shared>>
    %dma_start3A_361 = arith.constant 0 : i32
    %dma_start3A_362 = tpu.memref_slice %arg13[%add3A_358, %dma_start3A_361] : memref<16400x64xf32, #tpu.memory_space<vmem_shared>> -> memref<64x64xf32, #tpu.memory_space<vmem_shared>>
    tpu.enqueue_dma source(%arg12 : memref<64x64xf32, #tpu.memory_space<vmem>>) target(%dma_start3A_362 : memref<64x64xf32, #tpu.memory_space<vmem_shared>>) target_semaphore(%arg14 : memref<!tpu.dma_semaphore, #tpu.memory_space<semaphore_mem>>)
    %eq3A_363 = arith.constant 0 : i32
    %eq3A_364 = arith.cmpi eq, %arg1, %eq3A_363 : i32
    %convert_element_type3A_365 = arith.extui %eq3A_364 : i1 to i32
    %cond3A_366 = arith.constant 0 : i32
    %cond3A_367 = arith.cmpi ne, %convert_element_type3A_365, %cond3A_366 : i32
    scf.if %cond3A_367 {
      "tpu.region"() ({
        %run_scoped3A = tpu.sem_alloc : memref<!tpu.dma_semaphore, #tpu.memory_space<semaphore_mem>>
        %dma_start3A_925 = arith.constant 0 : i32
        %dma_start3A_926 = arith.constant 0 : i32
        %dma_start3A_927 = tpu.memref_slice %arg12[%dma_start3A_925, %dma_start3A_926] : memref<64x64xf32, #tpu.memory_space<vmem>> -> memref<16x64xf32, #tpu.memory_space<vmem>>
        %dma_start3A_928 = arith.constant 16384 : i32
        %dma_start3A_929 = arith.constant 0 : i32
        %dma_start3A_930 = tpu.memref_slice %arg13[%dma_start3A_928, %dma_start3A_929] : memref<16400x64xf32, #tpu.memory_space<vmem_shared>> -> memref<16x64xf32, #tpu.memory_space<vmem_shared>>
        %dma_start3A_931 = arith.constant 16384 : i32
        %dma_start3A_932 = arith.constant 0 : i32
        %dma_start3A_933 = tpu.memref_slice %arg13[%dma_start3A_931, %dma_start3A_932] : memref<16400x64xf32, #tpu.memory_space<vmem_shared>> -> memref<16x64xf32, #tpu.memory_space<vmem_shared>>
        %dma_start3A_934 = arith.constant 0 : i32
        %dma_start3A_935 = arith.constant 0 : i32
        %dma_start3A_936 = tpu.memref_slice %arg12[%dma_start3A_934, %dma_start3A_935] : memref<64x64xf32, #tpu.memory_space<vmem>> -> memref<16x64xf32, #tpu.memory_space<vmem>>
        tpu.enqueue_dma source(%dma_start3A_936 : memref<16x64xf32, #tpu.memory_space<vmem>>) target(%dma_start3A_933 : memref<16x64xf32, #tpu.memory_space<vmem_shared>>) target_semaphore(%run_scoped3A : memref<!tpu.dma_semaphore, #tpu.memory_space<semaphore_mem>>)
        %dma_wait3A_937 = arith.constant 0 : i32
        %dma_wait3A_938 = arith.constant 0 : i32
        %dma_wait3A_939 = tpu.memref_slice %arg12[%dma_wait3A_937, %dma_wait3A_938] : memref<64x64xf32, #tpu.memory_space<vmem>> -> memref<16x64xf32, #tpu.memory_space<vmem>>
        %dma_wait3A_940 = arith.constant 16384 : i32
        %dma_wait3A_941 = arith.constant 0 : i32
        %dma_wait3A_942 = tpu.memref_slice %arg13[%dma_wait3A_940, %dma_wait3A_941] : memref<16400x64xf32, #tpu.memory_space<vmem_shared>> -> memref<16x64xf32, #tpu.memory_space<vmem_shared>>
        %dma_wait3A_943 = arith.constant 16384 : i32
        %dma_wait3A_944 = arith.constant 0 : i32
        %dma_wait3A_945 = tpu.memref_slice %arg13[%dma_wait3A_943, %dma_wait3A_944] : memref<16400x64xf32, #tpu.memory_space<vmem_shared>> -> memref<16x64xf32, #tpu.memory_space<vmem_shared>>
        %dma_wait3A_946 = arith.constant 0 : i32
        %dma_wait3A_947 = arith.constant 0 : i32
        %dma_wait3A_948 = tpu.memref_slice %arg12[%dma_wait3A_946, %dma_wait3A_947] : memref<64x64xf32, #tpu.memory_space<vmem>> -> memref<16x64xf32, #tpu.memory_space<vmem>>
        tpu.wait_dma2 semaphore(%run_scoped3A : memref<!tpu.dma_semaphore, #tpu.memory_space<semaphore_mem>>) src(%dma_wait3A_948 : memref<16x64xf32, #tpu.memory_space<vmem>>) dst(%dma_wait3A_945 : memref<16x64xf32, #tpu.memory_space<vmem_shared>>)
        tpu.yield
      }) : () -> ()
    } else {
    }
    %dma_wait3A_368 = arith.constant 0 : i32
    %dma_wait3A_369 = tpu.memref_slice %arg13[%add3A_268, %dma_wait3A_368] : memref<16400x64xf32, #tpu.memory_space<vmem_shared>> -> memref<64x64xf32, #tpu.memory_space<vmem_shared>>
    %dma_wait3A_370 = arith.constant 0 : i32
    %dma_wait3A_371 = tpu.memref_slice %arg13[%add3A_268, %dma_wait3A_370] : memref<16400x64xf32, #tpu.memory_space<vmem_shared>> -> memref<64x64xf32, #tpu.memory_space<vmem_shared>>
    tpu.wait_dma2 semaphore(%arg14 : memref<!tpu.dma_semaphore, #tpu.memory_space<semaphore_mem>>) src(%arg12 : memref<64x64xf32, #tpu.memory_space<vmem>>) dst(%dma_wait3A_371 : memref<64x64xf32, #tpu.memory_space<vmem_shared>>)
    %dma_wait3A_372 = arith.constant 0 : i32
    %dma_wait3A_373 = tpu.memref_slice %arg13[%add3A_274, %dma_wait3A_372] : memref<16400x64xf32, #tpu.memory_space<vmem_shared>> -> memref<64x64xf32, #tpu.memory_space<vmem_shared>>
    %dma_wait3A_374 = arith.constant 0 : i32
    %dma_wait3A_375 = tpu.memref_slice %arg13[%add3A_274, %dma_wait3A_374] : memref<16400x64xf32, #tpu.memory_space<vmem_shared>> -> memref<64x64xf32, #tpu.memory_space<vmem_shared>>
    tpu.wait_dma2 semaphore(%arg14 : memref<!tpu.dma_semaphore, #tpu.memory_space<semaphore_mem>>) src(%arg12 : memref<64x64xf32, #tpu.memory_space<vmem>>) dst(%dma_wait3A_375 : memref<64x64xf32, #tpu.memory_space<vmem_shared>>)
    %dma_wait3A_376 = arith.constant 0 : i32
    %dma_wait3A_377 = tpu.memref_slice %arg13[%add3A_280, %dma_wait3A_376] : memref<16400x64xf32, #tpu.memory_space<vmem_shared>> -> memref<64x64xf32, #tpu.memory_space<vmem_shared>>
    %dma_wait3A_378 = arith.constant 0 : i32
    %dma_wait3A_379 = tpu.memref_slice %arg13[%add3A_280, %dma_wait3A_378] : memref<16400x64xf32, #tpu.memory_space<vmem_shared>> -> memref<64x64xf32, #tpu.memory_space<vmem_shared>>
    tpu.wait_dma2 semaphore(%arg14 : memref<!tpu.dma_semaphore, #tpu.memory_space<semaphore_mem>>) src(%arg12 : memref<64x64xf32, #tpu.memory_space<vmem>>) dst(%dma_wait3A_379 : memref<64x64xf32, #tpu.memory_space<vmem_shared>>)
    %dma_wait3A_380 = arith.constant 0 : i32
    %dma_wait3A_381 = tpu.memref_slice %arg13[%add3A_286, %dma_wait3A_380] : memref<16400x64xf32, #tpu.memory_space<vmem_shared>> -> memref<64x64xf32, #tpu.memory_space<vmem_shared>>
    %dma_wait3A_382 = arith.constant 0 : i32
    %dma_wait3A_383 = tpu.memref_slice %arg13[%add3A_286, %dma_wait3A_382] : memref<16400x64xf32, #tpu.memory_space<vmem_shared>> -> memref<64x64xf32, #tpu.memory_space<vmem_shared>>
    tpu.wait_dma2 semaphore(%arg14 : memref<!tpu.dma_semaphore, #tpu.memory_space<semaphore_mem>>) src(%arg12 : memref<64x64xf32, #tpu.memory_space<vmem>>) dst(%dma_wait3A_383 : memref<64x64xf32, #tpu.memory_space<vmem_shared>>)
    %dma_wait3A_384 = arith.constant 0 : i32
    %dma_wait3A_385 = tpu.memref_slice %arg13[%add3A_292, %dma_wait3A_384] : memref<16400x64xf32, #tpu.memory_space<vmem_shared>> -> memref<64x64xf32, #tpu.memory_space<vmem_shared>>
    %dma_wait3A_386 = arith.constant 0 : i32
    %dma_wait3A_387 = tpu.memref_slice %arg13[%add3A_292, %dma_wait3A_386] : memref<16400x64xf32, #tpu.memory_space<vmem_shared>> -> memref<64x64xf32, #tpu.memory_space<vmem_shared>>
    tpu.wait_dma2 semaphore(%arg14 : memref<!tpu.dma_semaphore, #tpu.memory_space<semaphore_mem>>) src(%arg12 : memref<64x64xf32, #tpu.memory_space<vmem>>) dst(%dma_wait3A_387 : memref<64x64xf32, #tpu.memory_space<vmem_shared>>)
    %dma_wait3A_388 = arith.constant 0 : i32
    %dma_wait3A_389 = tpu.memref_slice %arg13[%add3A_298, %dma_wait3A_388] : memref<16400x64xf32, #tpu.memory_space<vmem_shared>> -> memref<64x64xf32, #tpu.memory_space<vmem_shared>>
    %dma_wait3A_390 = arith.constant 0 : i32
    %dma_wait3A_391 = tpu.memref_slice %arg13[%add3A_298, %dma_wait3A_390] : memref<16400x64xf32, #tpu.memory_space<vmem_shared>> -> memref<64x64xf32, #tpu.memory_space<vmem_shared>>
    tpu.wait_dma2 semaphore(%arg14 : memref<!tpu.dma_semaphore, #tpu.memory_space<semaphore_mem>>) src(%arg12 : memref<64x64xf32, #tpu.memory_space<vmem>>) dst(%dma_wait3A_391 : memref<64x64xf32, #tpu.memory_space<vmem_shared>>)
    %dma_wait3A_392 = arith.constant 0 : i32
    %dma_wait3A_393 = tpu.memref_slice %arg13[%add3A_304, %dma_wait3A_392] : memref<16400x64xf32, #tpu.memory_space<vmem_shared>> -> memref<64x64xf32, #tpu.memory_space<vmem_shared>>
    %dma_wait3A_394 = arith.constant 0 : i32
    %dma_wait3A_395 = tpu.memref_slice %arg13[%add3A_304, %dma_wait3A_394] : memref<16400x64xf32, #tpu.memory_space<vmem_shared>> -> memref<64x64xf32, #tpu.memory_space<vmem_shared>>
    tpu.wait_dma2 semaphore(%arg14 : memref<!tpu.dma_semaphore, #tpu.memory_space<semaphore_mem>>) src(%arg12 : memref<64x64xf32, #tpu.memory_space<vmem>>) dst(%dma_wait3A_395 : memref<64x64xf32, #tpu.memory_space<vmem_shared>>)
    %dma_wait3A_396 = arith.constant 0 : i32
    %dma_wait3A_397 = tpu.memref_slice %arg13[%add3A_310, %dma_wait3A_396] : memref<16400x64xf32, #tpu.memory_space<vmem_shared>> -> memref<64x64xf32, #tpu.memory_space<vmem_shared>>
    %dma_wait3A_398 = arith.constant 0 : i32
    %dma_wait3A_399 = tpu.memref_slice %arg13[%add3A_310, %dma_wait3A_398] : memref<16400x64xf32, #tpu.memory_space<vmem_shared>> -> memref<64x64xf32, #tpu.memory_space<vmem_shared>>
    tpu.wait_dma2 semaphore(%arg14 : memref<!tpu.dma_semaphore, #tpu.memory_space<semaphore_mem>>) src(%arg12 : memref<64x64xf32, #tpu.memory_space<vmem>>) dst(%dma_wait3A_399 : memref<64x64xf32, #tpu.memory_space<vmem_shared>>)
    %dma_wait3A_400 = arith.constant 0 : i32
    %dma_wait3A_401 = tpu.memref_slice %arg13[%add3A_316, %dma_wait3A_400] : memref<16400x64xf32, #tpu.memory_space<vmem_shared>> -> memref<64x64xf32, #tpu.memory_space<vmem_shared>>
    %dma_wait3A_402 = arith.constant 0 : i32
    %dma_wait3A_403 = tpu.memref_slice %arg13[%add3A_316, %dma_wait3A_402] : memref<16400x64xf32, #tpu.memory_space<vmem_shared>> -> memref<64x64xf32, #tpu.memory_space<vmem_shared>>
    tpu.wait_dma2 semaphore(%arg14 : memref<!tpu.dma_semaphore, #tpu.memory_space<semaphore_mem>>) src(%arg12 : memref<64x64xf32, #tpu.memory_space<vmem>>) dst(%dma_wait3A_403 : memref<64x64xf32, #tpu.memory_space<vmem_shared>>)
    %dma_wait3A_404 = arith.constant 0 : i32
    %dma_wait3A_405 = tpu.memref_slice %arg13[%add3A_322, %dma_wait3A_404] : memref<16400x64xf32, #tpu.memory_space<vmem_shared>> -> memref<64x64xf32, #tpu.memory_space<vmem_shared>>
    %dma_wait3A_406 = arith.constant 0 : i32
    %dma_wait3A_407 = tpu.memref_slice %arg13[%add3A_322, %dma_wait3A_406] : memref<16400x64xf32, #tpu.memory_space<vmem_shared>> -> memref<64x64xf32, #tpu.memory_space<vmem_shared>>
    tpu.wait_dma2 semaphore(%arg14 : memref<!tpu.dma_semaphore, #tpu.memory_space<semaphore_mem>>) src(%arg12 : memref<64x64xf32, #tpu.memory_space<vmem>>) dst(%dma_wait3A_407 : memref<64x64xf32, #tpu.memory_space<vmem_shared>>)
    %dma_wait3A_408 = arith.constant 0 : i32
    %dma_wait3A_409 = tpu.memref_slice %arg13[%add3A_328, %dma_wait3A_408] : memref<16400x64xf32, #tpu.memory_space<vmem_shared>> -> memref<64x64xf32, #tpu.memory_space<vmem_shared>>
    %dma_wait3A_410 = arith.constant 0 : i32
    %dma_wait3A_411 = tpu.memref_slice %arg13[%add3A_328, %dma_wait3A_410] : memref<16400x64xf32, #tpu.memory_space<vmem_shared>> -> memref<64x64xf32, #tpu.memory_space<vmem_shared>>
    tpu.wait_dma2 semaphore(%arg14 : memref<!tpu.dma_semaphore, #tpu.memory_space<semaphore_mem>>) src(%arg12 : memref<64x64xf32, #tpu.memory_space<vmem>>) dst(%dma_wait3A_411 : memref<64x64xf32, #tpu.memory_space<vmem_shared>>)
    %dma_wait3A_412 = arith.constant 0 : i32
    %dma_wait3A_413 = tpu.memref_slice %arg13[%add3A_334, %dma_wait3A_412] : memref<16400x64xf32, #tpu.memory_space<vmem_shared>> -> memref<64x64xf32, #tpu.memory_space<vmem_shared>>
    %dma_wait3A_414 = arith.constant 0 : i32
    %dma_wait3A_415 = tpu.memref_slice %arg13[%add3A_334, %dma_wait3A_414] : memref<16400x64xf32, #tpu.memory_space<vmem_shared>> -> memref<64x64xf32, #tpu.memory_space<vmem_shared>>
    tpu.wait_dma2 semaphore(%arg14 : memref<!tpu.dma_semaphore, #tpu.memory_space<semaphore_mem>>) src(%arg12 : memref<64x64xf32, #tpu.memory_space<vmem>>) dst(%dma_wait3A_415 : memref<64x64xf32, #tpu.memory_space<vmem_shared>>)
    %dma_wait3A_416 = arith.constant 0 : i32
    %dma_wait3A_417 = tpu.memref_slice %arg13[%add3A_340, %dma_wait3A_416] : memref<16400x64xf32, #tpu.memory_space<vmem_shared>> -> memref<64x64xf32, #tpu.memory_space<vmem_shared>>
    %dma_wait3A_418 = arith.constant 0 : i32
    %dma_wait3A_419 = tpu.memref_slice %arg13[%add3A_340, %dma_wait3A_418] : memref<16400x64xf32, #tpu.memory_space<vmem_shared>> -> memref<64x64xf32, #tpu.memory_space<vmem_shared>>
    tpu.wait_dma2 semaphore(%arg14 : memref<!tpu.dma_semaphore, #tpu.memory_space<semaphore_mem>>) src(%arg12 : memref<64x64xf32, #tpu.memory_space<vmem>>) dst(%dma_wait3A_419 : memref<64x64xf32, #tpu.memory_space<vmem_shared>>)
    %dma_wait3A_420 = arith.constant 0 : i32
    %dma_wait3A_421 = tpu.memref_slice %arg13[%add3A_346, %dma_wait3A_420] : memref<16400x64xf32, #tpu.memory_space<vmem_shared>> -> memref<64x64xf32, #tpu.memory_space<vmem_shared>>
    %dma_wait3A_422 = arith.constant 0 : i32
    %dma_wait3A_423 = tpu.memref_slice %arg13[%add3A_346, %dma_wait3A_422] : memref<16400x64xf32, #tpu.memory_space<vmem_shared>> -> memref<64x64xf32, #tpu.memory_space<vmem_shared>>
    tpu.wait_dma2 semaphore(%arg14 : memref<!tpu.dma_semaphore, #tpu.memory_space<semaphore_mem>>) src(%arg12 : memref<64x64xf32, #tpu.memory_space<vmem>>) dst(%dma_wait3A_423 : memref<64x64xf32, #tpu.memory_space<vmem_shared>>)
    %dma_wait3A_424 = arith.constant 0 : i32
    %dma_wait3A_425 = tpu.memref_slice %arg13[%add3A_352, %dma_wait3A_424] : memref<16400x64xf32, #tpu.memory_space<vmem_shared>> -> memref<64x64xf32, #tpu.memory_space<vmem_shared>>
    %dma_wait3A_426 = arith.constant 0 : i32
    %dma_wait3A_427 = tpu.memref_slice %arg13[%add3A_352, %dma_wait3A_426] : memref<16400x64xf32, #tpu.memory_space<vmem_shared>> -> memref<64x64xf32, #tpu.memory_space<vmem_shared>>
    tpu.wait_dma2 semaphore(%arg14 : memref<!tpu.dma_semaphore, #tpu.memory_space<semaphore_mem>>) src(%arg12 : memref<64x64xf32, #tpu.memory_space<vmem>>) dst(%dma_wait3A_427 : memref<64x64xf32, #tpu.memory_space<vmem_shared>>)
    %dma_wait3A_428 = arith.constant 0 : i32
    %dma_wait3A_429 = tpu.memref_slice %arg13[%add3A_358, %dma_wait3A_428] : memref<16400x64xf32, #tpu.memory_space<vmem_shared>> -> memref<64x64xf32, #tpu.memory_space<vmem_shared>>
    %dma_wait3A_430 = arith.constant 0 : i32
    %dma_wait3A_431 = tpu.memref_slice %arg13[%add3A_358, %dma_wait3A_430] : memref<16400x64xf32, #tpu.memory_space<vmem_shared>> -> memref<64x64xf32, #tpu.memory_space<vmem_shared>>
    tpu.wait_dma2 semaphore(%arg14 : memref<!tpu.dma_semaphore, #tpu.memory_space<semaphore_mem>>) src(%arg12 : memref<64x64xf32, #tpu.memory_space<vmem>>) dst(%dma_wait3A_431 : memref<64x64xf32, #tpu.memory_space<vmem_shared>>)
    %barrier3A_432 = arith.constant 0 : index
    tpu.barrier barrier_id(%barrier3A_432)
    %while3A_433 = arith.constant 0 : i32
    %while3A_434 = arith.constant 0 : i32
    %while3A_435 = arith.subi %shift_right_arithmetic3A_249, %while3A_434 : i32
    %while3A_436 = arith.addi %while3A_434, %while3A_435 : i32
    %while3A_437 = arith.constant 1 : i32
    %while3A_438 = arith.divsi %while3A_435, %while3A_437 : i32
    %while3A_439 = arith.muli %while3A_438, %while3A_437 : i32
    %while3A_440 = arith.addi %while3A_434, %while3A_439 : i32
    %while3A_441 = arith.constant 1 : i32
    scf.for %while3A_925 = %while3A_434 to %while3A_440 step %while3A_441  : i32 {
      %and3A = arith.constant 1 : i32
      %and3A_926 = arith.andi %while3A_925, %and3A : i32
      %ge3A = arith.constant 2 : i32
      %ge3A_927 = arith.cmpi sge, %while3A_925, %ge3A : i32
      %convert_element_type3A_928 = arith.extui %ge3A_927 : i1 to i32
      %cond3A_929 = arith.constant 0 : i32
      %cond3A_930 = arith.cmpi ne, %convert_element_type3A_928, %cond3A_929 : i32
      scf.if %cond3A_930 {
        %dma_wait3A_961 = arith.constant 0 : i32
        %dma_wait3A_962 = arith.constant 0 : i32
        %dma_wait3A_963 = tpu.memref_slice %arg11[%and3A_926, %dma_wait3A_961, %dma_wait3A_962] : memref<2x128x64xf32, #tpu.memory_space<vmem>> -> memref<1x128x64xf32, #tpu.memory_space<vmem>>
        %dma_wait3A_964 = tpu.memref_squeeze %dma_wait3A_963 : memref<1x128x64xf32, #tpu.memory_space<vmem>> -> memref<128x64xf32, #tpu.memory_space<vmem>>
        %dma_wait3A_965 = arith.constant 0 : i32
        %dma_wait3A_966 = arith.constant 0 : i32
        %dma_wait3A_967 = tpu.memref_slice %arg2[%dma_wait3A_965, %dma_wait3A_966] : memref<100000x64xf32, #tpu.memory_space<hbm>> -> memref<128x64xf32, #tpu.memory_space<hbm>>
        %dma_wait3A_968 = arith.constant 0 : i32
        %dma_wait3A_969 = arith.constant 0 : i32
        %dma_wait3A_970 = tpu.memref_slice %arg11[%and3A_926, %dma_wait3A_968, %dma_wait3A_969] : memref<2x128x64xf32, #tpu.memory_space<vmem>> -> memref<1x128x64xf32, #tpu.memory_space<vmem>>
        %dma_wait3A_971 = tpu.memref_squeeze %dma_wait3A_970 : memref<1x128x64xf32, #tpu.memory_space<vmem>> -> memref<128x64xf32, #tpu.memory_space<vmem>>
        %dma_wait3A_972 = arith.constant 0 : i32
        %dma_wait3A_973 = arith.constant 0 : i32
        %dma_wait3A_974 = tpu.memref_slice %arg2[%dma_wait3A_972, %dma_wait3A_973] : memref<100000x64xf32, #tpu.memory_space<hbm>> -> memref<128x64xf32, #tpu.memory_space<hbm>>
        tpu.wait_dma2 semaphore(%arg17 : memref<!tpu.dma_semaphore, #tpu.memory_space<semaphore_mem>>) src(%dma_wait3A_974 : memref<128x64xf32, #tpu.memory_space<hbm>>) dst(%dma_wait3A_971 : memref<128x64xf32, #tpu.memory_space<vmem>>)
      } else {
      }
      %dma_start3A_931 = arith.constant 0 : i32
      %dma_start3A_932 = arith.constant 0 : i32
      %dma_start3A_933 = tpu.memref_slice %arg11[%and3A_926, %dma_start3A_931, %dma_start3A_932] : memref<2x128x64xf32, #tpu.memory_space<vmem>> -> memref<1x128x64xf32, #tpu.memory_space<vmem>>
      %dma_start3A_934 = tpu.memref_squeeze %dma_start3A_933 : memref<1x128x64xf32, #tpu.memory_space<vmem>> -> memref<128x64xf32, #tpu.memory_space<vmem>>
      %dma_start3A_935 = arith.constant 0 : i32
      %dma_start3A_936 = tpu.memref_slice %arg9[%while3A_925, %dma_start3A_935] : memref<52x128xi32, #tpu.memory_space<vmem>> -> memref<1x128xi32, #tpu.memory_space<vmem>>
      %dma_start3A_937 = tpu.memref_squeeze %dma_start3A_936 : memref<1x128xi32, #tpu.memory_space<vmem>> -> memref<128xi32, #tpu.memory_space<vmem>>
      %dma_start3A_938 = arith.constant 0 : i32
      %dma_start3A_939 = arith.constant 0 : i32
      %dma_start3A_940 = tpu.memref_slice %arg2[%dma_start3A_938, %dma_start3A_939] : memref<100000x64xf32, #tpu.memory_space<hbm>> -> memref<100000x64xf32, #tpu.memory_space<hbm>>
      tpu.enqueue_indirect_dma source(%dma_start3A_940 : memref<100000x64xf32, #tpu.memory_space<hbm>>) target(%dma_start3A_934 : memref<128x64xf32, #tpu.memory_space<vmem>>) offsets(%dma_start3A_937 : memref<128xi32, #tpu.memory_space<vmem>>) semaphore(%arg16 : memref<!tpu.dma_semaphore, #tpu.memory_space<semaphore_mem>>)
      %dma_wait3A_941 = arith.constant 0 : i32
      %dma_wait3A_942 = arith.constant 0 : i32
      %dma_wait3A_943 = tpu.memref_slice %arg11[%and3A_926, %dma_wait3A_941, %dma_wait3A_942] : memref<2x128x64xf32, #tpu.memory_space<vmem>> -> memref<1x128x64xf32, #tpu.memory_space<vmem>>
      %dma_wait3A_944 = tpu.memref_squeeze %dma_wait3A_943 : memref<1x128x64xf32, #tpu.memory_space<vmem>> -> memref<128x64xf32, #tpu.memory_space<vmem>>
      %dma_wait3A_945 = arith.constant 0 : i32
      %dma_wait3A_946 = tpu.memref_slice %arg9[%while3A_925, %dma_wait3A_945] : memref<52x128xi32, #tpu.memory_space<vmem>> -> memref<1x128xi32, #tpu.memory_space<vmem>>
      %dma_wait3A_947 = tpu.memref_squeeze %dma_wait3A_946 : memref<1x128xi32, #tpu.memory_space<vmem>> -> memref<128xi32, #tpu.memory_space<vmem>>
      %dma_wait3A_948 = arith.constant 0 : i32
      %dma_wait3A_949 = arith.constant 0 : i32
      %dma_wait3A_950 = tpu.memref_slice %arg2[%dma_wait3A_948, %dma_wait3A_949] : memref<100000x64xf32, #tpu.memory_space<hbm>> -> memref<100000x64xf32, #tpu.memory_space<hbm>>
      tpu.wait_indirect_dma semaphore(%arg16 : memref<!tpu.dma_semaphore, #tpu.memory_space<semaphore_mem>>) src(%dma_wait3A_950 : memref<100000x64xf32, #tpu.memory_space<hbm>>) dst(%dma_wait3A_944 : memref<128x64xf32, #tpu.memory_space<vmem>>)
      %dma_start3A_951 = arith.constant 0 : i32
      %dma_start3A_952 = arith.constant 0 : i32
      %dma_start3A_953 = tpu.memref_slice %arg11[%and3A_926, %dma_start3A_951, %dma_start3A_952] : memref<2x128x64xf32, #tpu.memory_space<vmem>> -> memref<1x128x64xf32, #tpu.memory_space<vmem>>
      %dma_start3A_954 = tpu.memref_squeeze %dma_start3A_953 : memref<1x128x64xf32, #tpu.memory_space<vmem>> -> memref<128x64xf32, #tpu.memory_space<vmem>>
      %dma_start3A_955 = arith.constant 0 : i32
      %dma_start3A_956 = tpu.memref_slice %arg10[%while3A_925, %dma_start3A_955] : memref<52x128xi32, #tpu.memory_space<vmem>> -> memref<1x128xi32, #tpu.memory_space<vmem>>
      %dma_start3A_957 = tpu.memref_squeeze %dma_start3A_956 : memref<1x128xi32, #tpu.memory_space<vmem>> -> memref<128xi32, #tpu.memory_space<vmem>>
      %dma_start3A_958 = arith.constant 0 : i32
      %dma_start3A_959 = arith.constant 0 : i32
      %dma_start3A_960 = tpu.memref_slice %arg13[%dma_start3A_958, %dma_start3A_959] : memref<16400x64xf32, #tpu.memory_space<vmem_shared>> -> memref<16400x64xf32, #tpu.memory_space<vmem_shared>>
      tpu.enqueue_indirect_dma source(%dma_start3A_954 : memref<128x64xf32, #tpu.memory_space<vmem>>) target(%dma_start3A_960 : memref<16400x64xf32, #tpu.memory_space<vmem_shared>>) offsets(%dma_start3A_957 : memref<128xi32, #tpu.memory_space<vmem>>) semaphore(%arg17 : memref<!tpu.dma_semaphore, #tpu.memory_space<semaphore_mem>>) {add = true}
    }
    %while3A_442 = arith.constant 1 : i32
    scf.for %while3A_925 = %while3A_440 to %while3A_436 step %while3A_442  : i32 {
      %and3A = arith.constant 1 : i32
      %and3A_926 = arith.andi %while3A_925, %and3A : i32
      %ge3A = arith.constant 2 : i32
      %ge3A_927 = arith.cmpi sge, %while3A_925, %ge3A : i32
      %convert_element_type3A_928 = arith.extui %ge3A_927 : i1 to i32
      %cond3A_929 = arith.constant 0 : i32
      %cond3A_930 = arith.cmpi ne, %convert_element_type3A_928, %cond3A_929 : i32
      scf.if %cond3A_930 {
        %dma_wait3A_961 = arith.constant 0 : i32
        %dma_wait3A_962 = arith.constant 0 : i32
        %dma_wait3A_963 = tpu.memref_slice %arg11[%and3A_926, %dma_wait3A_961, %dma_wait3A_962] : memref<2x128x64xf32, #tpu.memory_space<vmem>> -> memref<1x128x64xf32, #tpu.memory_space<vmem>>
        %dma_wait3A_964 = tpu.memref_squeeze %dma_wait3A_963 : memref<1x128x64xf32, #tpu.memory_space<vmem>> -> memref<128x64xf32, #tpu.memory_space<vmem>>
        %dma_wait3A_965 = arith.constant 0 : i32
        %dma_wait3A_966 = arith.constant 0 : i32
        %dma_wait3A_967 = tpu.memref_slice %arg2[%dma_wait3A_965, %dma_wait3A_966] : memref<100000x64xf32, #tpu.memory_space<hbm>> -> memref<128x64xf32, #tpu.memory_space<hbm>>
        %dma_wait3A_968 = arith.constant 0 : i32
        %dma_wait3A_969 = arith.constant 0 : i32
        %dma_wait3A_970 = tpu.memref_slice %arg11[%and3A_926, %dma_wait3A_968, %dma_wait3A_969] : memref<2x128x64xf32, #tpu.memory_space<vmem>> -> memref<1x128x64xf32, #tpu.memory_space<vmem>>
        %dma_wait3A_971 = tpu.memref_squeeze %dma_wait3A_970 : memref<1x128x64xf32, #tpu.memory_space<vmem>> -> memref<128x64xf32, #tpu.memory_space<vmem>>
        %dma_wait3A_972 = arith.constant 0 : i32
        %dma_wait3A_973 = arith.constant 0 : i32
        %dma_wait3A_974 = tpu.memref_slice %arg2[%dma_wait3A_972, %dma_wait3A_973] : memref<100000x64xf32, #tpu.memory_space<hbm>> -> memref<128x64xf32, #tpu.memory_space<hbm>>
        tpu.wait_dma2 semaphore(%arg17 : memref<!tpu.dma_semaphore, #tpu.memory_space<semaphore_mem>>) src(%dma_wait3A_974 : memref<128x64xf32, #tpu.memory_space<hbm>>) dst(%dma_wait3A_971 : memref<128x64xf32, #tpu.memory_space<vmem>>)
      } else {
      }
      %dma_start3A_931 = arith.constant 0 : i32
      %dma_start3A_932 = arith.constant 0 : i32
      %dma_start3A_933 = tpu.memref_slice %arg11[%and3A_926, %dma_start3A_931, %dma_start3A_932] : memref<2x128x64xf32, #tpu.memory_space<vmem>> -> memref<1x128x64xf32, #tpu.memory_space<vmem>>
      %dma_start3A_934 = tpu.memref_squeeze %dma_start3A_933 : memref<1x128x64xf32, #tpu.memory_space<vmem>> -> memref<128x64xf32, #tpu.memory_space<vmem>>
      %dma_start3A_935 = arith.constant 0 : i32
      %dma_start3A_936 = tpu.memref_slice %arg9[%while3A_925, %dma_start3A_935] : memref<52x128xi32, #tpu.memory_space<vmem>> -> memref<1x128xi32, #tpu.memory_space<vmem>>
      %dma_start3A_937 = tpu.memref_squeeze %dma_start3A_936 : memref<1x128xi32, #tpu.memory_space<vmem>> -> memref<128xi32, #tpu.memory_space<vmem>>
      %dma_start3A_938 = arith.constant 0 : i32
      %dma_start3A_939 = arith.constant 0 : i32
      %dma_start3A_940 = tpu.memref_slice %arg2[%dma_start3A_938, %dma_start3A_939] : memref<100000x64xf32, #tpu.memory_space<hbm>> -> memref<100000x64xf32, #tpu.memory_space<hbm>>
      tpu.enqueue_indirect_dma source(%dma_start3A_940 : memref<100000x64xf32, #tpu.memory_space<hbm>>) target(%dma_start3A_934 : memref<128x64xf32, #tpu.memory_space<vmem>>) offsets(%dma_start3A_937 : memref<128xi32, #tpu.memory_space<vmem>>) semaphore(%arg16 : memref<!tpu.dma_semaphore, #tpu.memory_space<semaphore_mem>>)
      %dma_wait3A_941 = arith.constant 0 : i32
      %dma_wait3A_942 = arith.constant 0 : i32
      %dma_wait3A_943 = tpu.memref_slice %arg11[%and3A_926, %dma_wait3A_941, %dma_wait3A_942] : memref<2x128x64xf32, #tpu.memory_space<vmem>> -> memref<1x128x64xf32, #tpu.memory_space<vmem>>
      %dma_wait3A_944 = tpu.memref_squeeze %dma_wait3A_943 : memref<1x128x64xf32, #tpu.memory_space<vmem>> -> memref<128x64xf32, #tpu.memory_space<vmem>>
      %dma_wait3A_945 = arith.constant 0 : i32
      %dma_wait3A_946 = tpu.memref_slice %arg9[%while3A_925, %dma_wait3A_945] : memref<52x128xi32, #tpu.memory_space<vmem>> -> memref<1x128xi32, #tpu.memory_space<vmem>>
      %dma_wait3A_947 = tpu.memref_squeeze %dma_wait3A_946 : memref<1x128xi32, #tpu.memory_space<vmem>> -> memref<128xi32, #tpu.memory_space<vmem>>
      %dma_wait3A_948 = arith.constant 0 : i32
      %dma_wait3A_949 = arith.constant 0 : i32
      %dma_wait3A_950 = tpu.memref_slice %arg2[%dma_wait3A_948, %dma_wait3A_949] : memref<100000x64xf32, #tpu.memory_space<hbm>> -> memref<100000x64xf32, #tpu.memory_space<hbm>>
      tpu.wait_indirect_dma semaphore(%arg16 : memref<!tpu.dma_semaphore, #tpu.memory_space<semaphore_mem>>) src(%dma_wait3A_950 : memref<100000x64xf32, #tpu.memory_space<hbm>>) dst(%dma_wait3A_944 : memref<128x64xf32, #tpu.memory_space<vmem>>)
      %dma_start3A_951 = arith.constant 0 : i32
      %dma_start3A_952 = arith.constant 0 : i32
      %dma_start3A_953 = tpu.memref_slice %arg11[%and3A_926, %dma_start3A_951, %dma_start3A_952] : memref<2x128x64xf32, #tpu.memory_space<vmem>> -> memref<1x128x64xf32, #tpu.memory_space<vmem>>
      %dma_start3A_954 = tpu.memref_squeeze %dma_start3A_953 : memref<1x128x64xf32, #tpu.memory_space<vmem>> -> memref<128x64xf32, #tpu.memory_space<vmem>>
      %dma_start3A_955 = arith.constant 0 : i32
      %dma_start3A_956 = tpu.memref_slice %arg10[%while3A_925, %dma_start3A_955] : memref<52x128xi32, #tpu.memory_space<vmem>> -> memref<1x128xi32, #tpu.memory_space<vmem>>
      %dma_start3A_957 = tpu.memref_squeeze %dma_start3A_956 : memref<1x128xi32, #tpu.memory_space<vmem>> -> memref<128xi32, #tpu.memory_space<vmem>>
      %dma_start3A_958 = arith.constant 0 : i32
      %dma_start3A_959 = arith.constant 0 : i32
      %dma_start3A_960 = tpu.memref_slice %arg13[%dma_start3A_958, %dma_start3A_959] : memref<16400x64xf32, #tpu.memory_space<vmem_shared>> -> memref<16400x64xf32, #tpu.memory_space<vmem_shared>>
      tpu.enqueue_indirect_dma source(%dma_start3A_954 : memref<128x64xf32, #tpu.memory_space<vmem>>) target(%dma_start3A_960 : memref<16400x64xf32, #tpu.memory_space<vmem_shared>>) offsets(%dma_start3A_957 : memref<128xi32, #tpu.memory_space<vmem>>) semaphore(%arg17 : memref<!tpu.dma_semaphore, #tpu.memory_space<semaphore_mem>>) {add = true}
    }
    %min3A_443 = arith.constant 2 : i32
    %min3A_444 = arith.minsi %shift_right_arithmetic3A_249, %min3A_443 : i32
    %while3A_445 = arith.constant 0 : i32
    %while3A_446 = arith.constant 0 : i32
    %while3A_447 = arith.subi %min3A_444, %while3A_446 : i32
    %while3A_448 = arith.addi %while3A_446, %while3A_447 : i32
    %while3A_449 = arith.constant 1 : i32
    %while3A_450 = arith.divsi %while3A_447, %while3A_449 : i32
    %while3A_451 = arith.muli %while3A_450, %while3A_449 : i32
    %while3A_452 = arith.addi %while3A_446, %while3A_451 : i32
    %while3A_453 = arith.constant 1 : i32
    scf.for %while3A_925 = %while3A_446 to %while3A_452 step %while3A_453  : i32 {
      %dma_wait3A_926 = arith.constant 0 : i32
      %dma_wait3A_927 = arith.constant 0 : i32
      %dma_wait3A_928 = arith.constant 0 : i32
      %dma_wait3A_929 = tpu.memref_slice %arg11[%dma_wait3A_926, %dma_wait3A_927, %dma_wait3A_928] : memref<2x128x64xf32, #tpu.memory_space<vmem>> -> memref<1x128x64xf32, #tpu.memory_space<vmem>>
      %dma_wait3A_930 = tpu.memref_squeeze %dma_wait3A_929 : memref<1x128x64xf32, #tpu.memory_space<vmem>> -> memref<128x64xf32, #tpu.memory_space<vmem>>
      %dma_wait3A_931 = arith.constant 0 : i32
      %dma_wait3A_932 = arith.constant 0 : i32
      %dma_wait3A_933 = tpu.memref_slice %arg2[%dma_wait3A_931, %dma_wait3A_932] : memref<100000x64xf32, #tpu.memory_space<hbm>> -> memref<128x64xf32, #tpu.memory_space<hbm>>
      %dma_wait3A_934 = arith.constant 0 : i32
      %dma_wait3A_935 = arith.constant 0 : i32
      %dma_wait3A_936 = tpu.memref_slice %arg11[%dma_wait3A_926, %dma_wait3A_934, %dma_wait3A_935] : memref<2x128x64xf32, #tpu.memory_space<vmem>> -> memref<1x128x64xf32, #tpu.memory_space<vmem>>
      %dma_wait3A_937 = tpu.memref_squeeze %dma_wait3A_936 : memref<1x128x64xf32, #tpu.memory_space<vmem>> -> memref<128x64xf32, #tpu.memory_space<vmem>>
      %dma_wait3A_938 = arith.constant 0 : i32
      %dma_wait3A_939 = arith.constant 0 : i32
      %dma_wait3A_940 = tpu.memref_slice %arg2[%dma_wait3A_938, %dma_wait3A_939] : memref<100000x64xf32, #tpu.memory_space<hbm>> -> memref<128x64xf32, #tpu.memory_space<hbm>>
      tpu.wait_dma2 semaphore(%arg17 : memref<!tpu.dma_semaphore, #tpu.memory_space<semaphore_mem>>) src(%dma_wait3A_940 : memref<128x64xf32, #tpu.memory_space<hbm>>) dst(%dma_wait3A_937 : memref<128x64xf32, #tpu.memory_space<vmem>>)
    }
    %while3A_454 = arith.constant 1 : i32
    scf.for %while3A_925 = %while3A_452 to %while3A_448 step %while3A_454  : i32 {
      %dma_wait3A_926 = arith.constant 0 : i32
      %dma_wait3A_927 = arith.constant 0 : i32
      %dma_wait3A_928 = arith.constant 0 : i32
      %dma_wait3A_929 = tpu.memref_slice %arg11[%dma_wait3A_926, %dma_wait3A_927, %dma_wait3A_928] : memref<2x128x64xf32, #tpu.memory_space<vmem>> -> memref<1x128x64xf32, #tpu.memory_space<vmem>>
      %dma_wait3A_930 = tpu.memref_squeeze %dma_wait3A_929 : memref<1x128x64xf32, #tpu.memory_space<vmem>> -> memref<128x64xf32, #tpu.memory_space<vmem>>
      %dma_wait3A_931 = arith.constant 0 : i32
      %dma_wait3A_932 = arith.constant 0 : i32
      %dma_wait3A_933 = tpu.memref_slice %arg2[%dma_wait3A_931, %dma_wait3A_932] : memref<100000x64xf32, #tpu.memory_space<hbm>> -> memref<128x64xf32, #tpu.memory_space<hbm>>
      %dma_wait3A_934 = arith.constant 0 : i32
      %dma_wait3A_935 = arith.constant 0 : i32
      %dma_wait3A_936 = tpu.memref_slice %arg11[%dma_wait3A_926, %dma_wait3A_934, %dma_wait3A_935] : memref<2x128x64xf32, #tpu.memory_space<vmem>> -> memref<1x128x64xf32, #tpu.memory_space<vmem>>
      %dma_wait3A_937 = tpu.memref_squeeze %dma_wait3A_936 : memref<1x128x64xf32, #tpu.memory_space<vmem>> -> memref<128x64xf32, #tpu.memory_space<vmem>>
      %dma_wait3A_938 = arith.constant 0 : i32
      %dma_wait3A_939 = arith.constant 0 : i32
      %dma_wait3A_940 = tpu.memref_slice %arg2[%dma_wait3A_938, %dma_wait3A_939] : memref<100000x64xf32, #tpu.memory_space<hbm>> -> memref<128x64xf32, #tpu.memory_space<hbm>>
      tpu.wait_dma2 semaphore(%arg17 : memref<!tpu.dma_semaphore, #tpu.memory_space<semaphore_mem>>) src(%dma_wait3A_940 : memref<128x64xf32, #tpu.memory_space<hbm>>) dst(%dma_wait3A_937 : memref<128x64xf32, #tpu.memory_space<vmem>>)
    }
    %barrier3A_455 = arith.constant 0 : index
    tpu.barrier barrier_id(%barrier3A_455)
    %add3A_456 = arith.addi %add3A_234, %mul3A_236 : i32
    %dma_start3A_457 = arith.constant 0 : i32
    %dma_start3A_458 = tpu.memref_slice %arg5[%add3A_456, %dma_start3A_457] : memref<131072x64xf32, #tpu.memory_space<hbm>> -> memref<1024x64xf32, #tpu.memory_space<hbm>>
    %dma_start3A_459 = arith.constant 0 : i32
    %dma_start3A_460 = tpu.memref_slice %arg13[%mul3A_236, %dma_start3A_459] : memref<16400x64xf32, #tpu.memory_space<vmem_shared>> -> memref<1024x64xf32, #tpu.memory_space<vmem_shared>>
    tpu.enqueue_dma source(%dma_start3A_460 : memref<1024x64xf32, #tpu.memory_space<vmem_shared>>) target(%dma_start3A_458 : memref<1024x64xf32, #tpu.memory_space<hbm>>) target_semaphore(%arg15 : memref<!tpu.dma_semaphore, #tpu.memory_space<semaphore_mem>>)
    %mul3A_461 = arith.constant 16384 : i32
    %mul3A_462 = arith.muli %arg0, %mul3A_461 : i32
    %add3A_463 = arith.constant 65536 : i32
    %add3A_464 = arith.addi %add3A_463, %mul3A_462 : i32
    %mul3A_465 = arith.constant 1024 : i32
    %mul3A_466 = arith.muli %arg1, %mul3A_465 : i32
    %scan3A_467 = arith.constant 0 : i32
    %scan3A_468 = arith.constant 0 : i32
    %scan3A_469 = arith.constant 400 : i32
    %scan3A_470 = arith.addi %scan3A_468, %scan3A_469 : i32
    %scan3A_471 = arith.constant 1 : i32
    %scan3A_472 = scf.for %scan3A_925 = %scan3A_468 to %scan3A_470 step %scan3A_471 iter_args(%scan3A_926 = %scan3A_467) -> (i32)  : i32 {
      %mul3A_927 = arith.constant 16 : i32
      %mul3A_928 = arith.muli %scan3A_925, %mul3A_927 : i32
      %get3A = arith.index_cast %mul3A_928 : i32 to index
      %get3A_929 = tpu.vector_load %arg8[%get3A] {strides = array<i32>} : memref<6400xi32, #tpu.memory_space<vmem>>, vector<16xi32>,
      %sub3A_930 = vector.broadcast %add3A_464 : i32 to vector<16xi32>
      %sub3A_931 = arith.subi %get3A_929, %sub3A_930 : vector<16xi32>
      %add3A_932 = arith.addi %mul3A_0, %mul3A_928 : i32
      %add3A_933 = vector.broadcast %add3A_932 : i32 to vector<16xi32>
      %add3A_934 = arith.addi %add3A_933, %iota3A : vector<16xi32>
      %ge3A = arith.constant 0 : i32
      %ge3A_935 = vector.broadcast %ge3A : i32 to vector<16xi32>
      %ge3A_936 = arith.cmpi sge, %sub3A_931, %ge3A_935 : vector<16xi32>
      %lt3A_937 = arith.constant 16384 : i32
      %lt3A_938 = vector.broadcast %lt3A_937 : i32 to vector<16xi32>
      %lt3A_939 = arith.cmpi slt, %sub3A_931, %lt3A_938 : vector<16xi32>
      %and3A = arith.andi %ge3A_936, %lt3A_939 : vector<16xi1>
      %convert_element_type3A_940 = arith.extui %and3A : vector<16xi1> to vector<16xi32>
      %broadcast_in_dim3A_941 = arith.constant true
      %broadcast_in_dim3A_942 = vector.broadcast %broadcast_in_dim3A_941 : i1 to vector<16xi1>
      %masked_cumsum3A = tpu.scan <sum>, %convert_element_type3A_940 masked %broadcast_in_dim3A_942 : vector<16xi32>, vector<16xi1> -> vector<16xi32>
      %add3A_943 = vector.broadcast %scan3A_926 : i32 to vector<16xi32>
      %add3A_944 = arith.addi %add3A_943, %masked_cumsum3A : vector<16xi32>
      %sub3A_945 = arith.constant 1 : i32
      %sub3A_946 = vector.broadcast %sub3A_945 : i32 to vector<16xi32>
      %sub3A_947 = arith.subi %add3A_944, %sub3A_946 : vector<16xi32>
      %shift_right_arithmetic3A_948 = arith.constant 7 : i32
      %shift_right_arithmetic3A_949 = vector.broadcast %shift_right_arithmetic3A_948 : i32 to vector<16xi32>
      %shift_right_arithmetic3A_950 = arith.shrsi %sub3A_947, %shift_right_arithmetic3A_949 : vector<16xi32>
      %and3A_951 = arith.constant 127 : i32
      %and3A_952 = vector.broadcast %and3A_951 : i32 to vector<16xi32>
      %and3A_953 = arith.andi %sub3A_947, %and3A_952 : vector<16xi32>
      tpu.vector_store_idx %arg9[%shift_right_arithmetic3A_950, %and3A_953], %add3A_934 masked %and3A : memref<52x128xi32, #tpu.memory_space<vmem>>[vector<16xi32>, vector<16xi32>], vector<16xi32>, vector<16xi1>
      %shift_right_arithmetic3A_954 = arith.constant 7 : i32
      %shift_right_arithmetic3A_955 = vector.broadcast %shift_right_arithmetic3A_954 : i32 to vector<16xi32>
      %shift_right_arithmetic3A_956 = arith.shrsi %sub3A_947, %shift_right_arithmetic3A_955 : vector<16xi32>
      %and3A_957 = arith.constant 127 : i32
      %and3A_958 = vector.broadcast %and3A_957 : i32 to vector<16xi32>
      %and3A_959 = arith.andi %sub3A_947, %and3A_958 : vector<16xi32>
      tpu.vector_store_idx %arg10[%shift_right_arithmetic3A_956, %and3A_959], %sub3A_931 masked %and3A : memref<52x128xi32, #tpu.memory_space<vmem>>[vector<16xi32>, vector<16xi32>], vector<16xi32>, vector<16xi1>
      %slice3A = vector.extract_strided_slice %sub3A_947 {offsets = [15], sizes = [1], strides = [1]} : vector<16xi32> to vector<1xi32>
      %squeeze3A = vector.extract %slice3A[0] : i32 from vector<1xi32>
      %add3A_960 = arith.constant 1 : i32
      %add3A_961 = arith.addi %squeeze3A, %add3A_960 : i32
      scf.yield %add3A_961 : i32
    }
    %scan3A_473 = arith.constant 400 : i32
    %add3A_474 = arith.constant 128 : i32
    %add3A_475 = arith.addi %scan3A_472, %add3A_474 : i32
    %sub3A_476 = arith.constant 1 : i32
    %sub3A_477 = arith.subi %add3A_475, %sub3A_476 : i32
    %shift_right_arithmetic3A_478 = arith.constant 7 : i32
    %shift_right_arithmetic3A_479 = arith.shrsi %sub3A_477, %shift_right_arithmetic3A_478 : i32
    %shift_right_arithmetic3A_480 = arith.constant 4 : i32
    %shift_right_arithmetic3A_481 = arith.shrsi %scan3A_472, %shift_right_arithmetic3A_480 : i32
    %mul3A_482 = arith.constant 8 : i32
    %mul3A_483 = arith.muli %shift_right_arithmetic3A_479, %mul3A_482 : i32
    %while3A_484 = arith.constant 0 : i32
    %while3A_485 = arith.subi %mul3A_483, %shift_right_arithmetic3A_481 : i32
    %while3A_486 = arith.addi %shift_right_arithmetic3A_481, %while3A_485 : i32
    %while3A_487 = arith.constant 1 : i32
    %while3A_488 = arith.divsi %while3A_485, %while3A_487 : i32
    %while3A_489 = arith.muli %while3A_488, %while3A_487 : i32
    %while3A_490 = arith.addi %shift_right_arithmetic3A_481, %while3A_489 : i32
    %while3A_491 = arith.constant 1 : i32
    scf.for %while3A_925 = %shift_right_arithmetic3A_481 to %while3A_490 step %while3A_491  : i32 {
      %mul3A_926 = arith.constant 16 : i32
      %mul3A_927 = arith.muli %while3A_925, %mul3A_926 : i32
      %add3A_928 = vector.broadcast %mul3A_927 : i32 to vector<16xi32>
      %add3A_929 = arith.addi %add3A_928, %iota3A : vector<16xi32>
      %ge3A = vector.broadcast %scan3A_472 : i32 to vector<16xi32>
      %ge3A_930 = arith.cmpi sge, %add3A_929, %ge3A : vector<16xi32>
      %shift_right_arithmetic3A_931 = arith.constant 7 : i32
      %shift_right_arithmetic3A_932 = vector.broadcast %shift_right_arithmetic3A_931 : i32 to vector<16xi32>
      %shift_right_arithmetic3A_933 = arith.shrsi %add3A_929, %shift_right_arithmetic3A_932 : vector<16xi32>
      %and3A = arith.constant 127 : i32
      %and3A_934 = vector.broadcast %and3A : i32 to vector<16xi32>
      %and3A_935 = arith.andi %add3A_929, %and3A_934 : vector<16xi32>
      %broadcast_in_dim3A_936 = arith.constant 0 : i32
      %broadcast_in_dim3A_937 = vector.broadcast %broadcast_in_dim3A_936 : i32 to vector<16xi32>
      tpu.vector_store_idx %arg9[%shift_right_arithmetic3A_933, %and3A_935], %broadcast_in_dim3A_937 masked %ge3A_930 : memref<52x128xi32, #tpu.memory_space<vmem>>[vector<16xi32>, vector<16xi32>], vector<16xi32>, vector<16xi1>
      %shift_right_arithmetic3A_938 = arith.constant 7 : i32
      %shift_right_arithmetic3A_939 = vector.broadcast %shift_right_arithmetic3A_938 : i32 to vector<16xi32>
      %shift_right_arithmetic3A_940 = arith.shrsi %add3A_929, %shift_right_arithmetic3A_939 : vector<16xi32>
      %and3A_941 = arith.constant 127 : i32
      %and3A_942 = vector.broadcast %and3A_941 : i32 to vector<16xi32>
      %and3A_943 = arith.andi %add3A_929, %and3A_942 : vector<16xi32>
      %broadcast_in_dim3A_944 = arith.constant 16384 : i32
      %broadcast_in_dim3A_945 = vector.broadcast %broadcast_in_dim3A_944 : i32 to vector<16xi32>
      tpu.vector_store_idx %arg10[%shift_right_arithmetic3A_940, %and3A_943], %broadcast_in_dim3A_945 masked %ge3A_930 : memref<52x128xi32, #tpu.memory_space<vmem>>[vector<16xi32>, vector<16xi32>], vector<16xi32>, vector<16xi1>
    }
    %while3A_492 = arith.constant 1 : i32
    scf.for %while3A_925 = %while3A_490 to %while3A_486 step %while3A_492  : i32 {
      %mul3A_926 = arith.constant 16 : i32
      %mul3A_927 = arith.muli %while3A_925, %mul3A_926 : i32
      %add3A_928 = vector.broadcast %mul3A_927 : i32 to vector<16xi32>
      %add3A_929 = arith.addi %add3A_928, %iota3A : vector<16xi32>
      %ge3A = vector.broadcast %scan3A_472 : i32 to vector<16xi32>
      %ge3A_930 = arith.cmpi sge, %add3A_929, %ge3A : vector<16xi32>
      %shift_right_arithmetic3A_931 = arith.constant 7 : i32
      %shift_right_arithmetic3A_932 = vector.broadcast %shift_right_arithmetic3A_931 : i32 to vector<16xi32>
      %shift_right_arithmetic3A_933 = arith.shrsi %add3A_929, %shift_right_arithmetic3A_932 : vector<16xi32>
      %and3A = arith.constant 127 : i32
      %and3A_934 = vector.broadcast %and3A : i32 to vector<16xi32>
      %and3A_935 = arith.andi %add3A_929, %and3A_934 : vector<16xi32>
      %broadcast_in_dim3A_936 = arith.constant 0 : i32
      %broadcast_in_dim3A_937 = vector.broadcast %broadcast_in_dim3A_936 : i32 to vector<16xi32>
      tpu.vector_store_idx %arg9[%shift_right_arithmetic3A_933, %and3A_935], %broadcast_in_dim3A_937 masked %ge3A_930 : memref<52x128xi32, #tpu.memory_space<vmem>>[vector<16xi32>, vector<16xi32>], vector<16xi32>, vector<16xi1>
      %shift_right_arithmetic3A_938 = arith.constant 7 : i32
      %shift_right_arithmetic3A_939 = vector.broadcast %shift_right_arithmetic3A_938 : i32 to vector<16xi32>
      %shift_right_arithmetic3A_940 = arith.shrsi %add3A_929, %shift_right_arithmetic3A_939 : vector<16xi32>
      %and3A_941 = arith.constant 127 : i32
      %and3A_942 = vector.broadcast %and3A_941 : i32 to vector<16xi32>
      %and3A_943 = arith.andi %add3A_929, %and3A_942 : vector<16xi32>
      %broadcast_in_dim3A_944 = arith.constant 16384 : i32
      %broadcast_in_dim3A_945 = vector.broadcast %broadcast_in_dim3A_944 : i32 to vector<16xi32>
      tpu.vector_store_idx %arg10[%shift_right_arithmetic3A_940, %and3A_943], %broadcast_in_dim3A_945 masked %ge3A_930 : memref<52x128xi32, #tpu.memory_space<vmem>>[vector<16xi32>, vector<16xi32>], vector<16xi32>, vector<16xi1>
    }
    %dma_wait3A_493 = arith.constant 0 : i32
    %dma_wait3A_494 = tpu.memref_slice %arg5[%add3A_456, %dma_wait3A_493] : memref<131072x64xf32, #tpu.memory_space<hbm>> -> memref<1024x64xf32, #tpu.memory_space<hbm>>
    %dma_wait3A_495 = arith.constant 0 : i32
    %dma_wait3A_496 = tpu.memref_slice %arg13[%mul3A_236, %dma_wait3A_495] : memref<16400x64xf32, #tpu.memory_space<vmem_shared>> -> memref<1024x64xf32, #tpu.memory_space<vmem_shared>>
    tpu.wait_dma2 semaphore(%arg15 : memref<!tpu.dma_semaphore, #tpu.memory_space<semaphore_mem>>) src(%dma_wait3A_496 : memref<1024x64xf32, #tpu.memory_space<vmem_shared>>) dst(%dma_wait3A_494 : memref<1024x64xf32, #tpu.memory_space<hbm>>)
    %add3A_497 = arith.constant 0 : i32
    %add3A_498 = arith.addi %mul3A_466, %add3A_497 : i32
    %dma_start3A_499 = arith.constant 0 : i32
    %dma_start3A_500 = tpu.memref_slice %arg13[%add3A_498, %dma_start3A_499] : memref<16400x64xf32, #tpu.memory_space<vmem_shared>> -> memref<64x64xf32, #tpu.memory_space<vmem_shared>>
    %dma_start3A_501 = arith.constant 0 : i32
    %dma_start3A_502 = tpu.memref_slice %arg13[%add3A_498, %dma_start3A_501] : memref<16400x64xf32, #tpu.memory_space<vmem_shared>> -> memref<64x64xf32, #tpu.memory_space<vmem_shared>>
    tpu.enqueue_dma source(%arg12 : memref<64x64xf32, #tpu.memory_space<vmem>>) target(%dma_start3A_502 : memref<64x64xf32, #tpu.memory_space<vmem_shared>>) target_semaphore(%arg14 : memref<!tpu.dma_semaphore, #tpu.memory_space<semaphore_mem>>)
    %add3A_503 = arith.constant 64 : i32
    %add3A_504 = arith.addi %mul3A_466, %add3A_503 : i32
    %dma_start3A_505 = arith.constant 0 : i32
    %dma_start3A_506 = tpu.memref_slice %arg13[%add3A_504, %dma_start3A_505] : memref<16400x64xf32, #tpu.memory_space<vmem_shared>> -> memref<64x64xf32, #tpu.memory_space<vmem_shared>>
    %dma_start3A_507 = arith.constant 0 : i32
    %dma_start3A_508 = tpu.memref_slice %arg13[%add3A_504, %dma_start3A_507] : memref<16400x64xf32, #tpu.memory_space<vmem_shared>> -> memref<64x64xf32, #tpu.memory_space<vmem_shared>>
    tpu.enqueue_dma source(%arg12 : memref<64x64xf32, #tpu.memory_space<vmem>>) target(%dma_start3A_508 : memref<64x64xf32, #tpu.memory_space<vmem_shared>>) target_semaphore(%arg14 : memref<!tpu.dma_semaphore, #tpu.memory_space<semaphore_mem>>)
    %add3A_509 = arith.constant 128 : i32
    %add3A_510 = arith.addi %mul3A_466, %add3A_509 : i32
    %dma_start3A_511 = arith.constant 0 : i32
    %dma_start3A_512 = tpu.memref_slice %arg13[%add3A_510, %dma_start3A_511] : memref<16400x64xf32, #tpu.memory_space<vmem_shared>> -> memref<64x64xf32, #tpu.memory_space<vmem_shared>>
    %dma_start3A_513 = arith.constant 0 : i32
    %dma_start3A_514 = tpu.memref_slice %arg13[%add3A_510, %dma_start3A_513] : memref<16400x64xf32, #tpu.memory_space<vmem_shared>> -> memref<64x64xf32, #tpu.memory_space<vmem_shared>>
    tpu.enqueue_dma source(%arg12 : memref<64x64xf32, #tpu.memory_space<vmem>>) target(%dma_start3A_514 : memref<64x64xf32, #tpu.memory_space<vmem_shared>>) target_semaphore(%arg14 : memref<!tpu.dma_semaphore, #tpu.memory_space<semaphore_mem>>)
    %add3A_515 = arith.constant 192 : i32
    %add3A_516 = arith.addi %mul3A_466, %add3A_515 : i32
    %dma_start3A_517 = arith.constant 0 : i32
    %dma_start3A_518 = tpu.memref_slice %arg13[%add3A_516, %dma_start3A_517] : memref<16400x64xf32, #tpu.memory_space<vmem_shared>> -> memref<64x64xf32, #tpu.memory_space<vmem_shared>>
    %dma_start3A_519 = arith.constant 0 : i32
    %dma_start3A_520 = tpu.memref_slice %arg13[%add3A_516, %dma_start3A_519] : memref<16400x64xf32, #tpu.memory_space<vmem_shared>> -> memref<64x64xf32, #tpu.memory_space<vmem_shared>>
    tpu.enqueue_dma source(%arg12 : memref<64x64xf32, #tpu.memory_space<vmem>>) target(%dma_start3A_520 : memref<64x64xf32, #tpu.memory_space<vmem_shared>>) target_semaphore(%arg14 : memref<!tpu.dma_semaphore, #tpu.memory_space<semaphore_mem>>)
    %add3A_521 = arith.constant 256 : i32
    %add3A_522 = arith.addi %mul3A_466, %add3A_521 : i32
    %dma_start3A_523 = arith.constant 0 : i32
    %dma_start3A_524 = tpu.memref_slice %arg13[%add3A_522, %dma_start3A_523] : memref<16400x64xf32, #tpu.memory_space<vmem_shared>> -> memref<64x64xf32, #tpu.memory_space<vmem_shared>>
    %dma_start3A_525 = arith.constant 0 : i32
    %dma_start3A_526 = tpu.memref_slice %arg13[%add3A_522, %dma_start3A_525] : memref<16400x64xf32, #tpu.memory_space<vmem_shared>> -> memref<64x64xf32, #tpu.memory_space<vmem_shared>>
    tpu.enqueue_dma source(%arg12 : memref<64x64xf32, #tpu.memory_space<vmem>>) target(%dma_start3A_526 : memref<64x64xf32, #tpu.memory_space<vmem_shared>>) target_semaphore(%arg14 : memref<!tpu.dma_semaphore, #tpu.memory_space<semaphore_mem>>)
    %add3A_527 = arith.constant 320 : i32
    %add3A_528 = arith.addi %mul3A_466, %add3A_527 : i32
    %dma_start3A_529 = arith.constant 0 : i32
    %dma_start3A_530 = tpu.memref_slice %arg13[%add3A_528, %dma_start3A_529] : memref<16400x64xf32, #tpu.memory_space<vmem_shared>> -> memref<64x64xf32, #tpu.memory_space<vmem_shared>>
    %dma_start3A_531 = arith.constant 0 : i32
    %dma_start3A_532 = tpu.memref_slice %arg13[%add3A_528, %dma_start3A_531] : memref<16400x64xf32, #tpu.memory_space<vmem_shared>> -> memref<64x64xf32, #tpu.memory_space<vmem_shared>>
    tpu.enqueue_dma source(%arg12 : memref<64x64xf32, #tpu.memory_space<vmem>>) target(%dma_start3A_532 : memref<64x64xf32, #tpu.memory_space<vmem_shared>>) target_semaphore(%arg14 : memref<!tpu.dma_semaphore, #tpu.memory_space<semaphore_mem>>)
    %add3A_533 = arith.constant 384 : i32
    %add3A_534 = arith.addi %mul3A_466, %add3A_533 : i32
    %dma_start3A_535 = arith.constant 0 : i32
    %dma_start3A_536 = tpu.memref_slice %arg13[%add3A_534, %dma_start3A_535] : memref<16400x64xf32, #tpu.memory_space<vmem_shared>> -> memref<64x64xf32, #tpu.memory_space<vmem_shared>>
    %dma_start3A_537 = arith.constant 0 : i32
    %dma_start3A_538 = tpu.memref_slice %arg13[%add3A_534, %dma_start3A_537] : memref<16400x64xf32, #tpu.memory_space<vmem_shared>> -> memref<64x64xf32, #tpu.memory_space<vmem_shared>>
    tpu.enqueue_dma source(%arg12 : memref<64x64xf32, #tpu.memory_space<vmem>>) target(%dma_start3A_538 : memref<64x64xf32, #tpu.memory_space<vmem_shared>>) target_semaphore(%arg14 : memref<!tpu.dma_semaphore, #tpu.memory_space<semaphore_mem>>)
    %add3A_539 = arith.constant 448 : i32
    %add3A_540 = arith.addi %mul3A_466, %add3A_539 : i32
    %dma_start3A_541 = arith.constant 0 : i32
    %dma_start3A_542 = tpu.memref_slice %arg13[%add3A_540, %dma_start3A_541] : memref<16400x64xf32, #tpu.memory_space<vmem_shared>> -> memref<64x64xf32, #tpu.memory_space<vmem_shared>>
    %dma_start3A_543 = arith.constant 0 : i32
    %dma_start3A_544 = tpu.memref_slice %arg13[%add3A_540, %dma_start3A_543] : memref<16400x64xf32, #tpu.memory_space<vmem_shared>> -> memref<64x64xf32, #tpu.memory_space<vmem_shared>>
    tpu.enqueue_dma source(%arg12 : memref<64x64xf32, #tpu.memory_space<vmem>>) target(%dma_start3A_544 : memref<64x64xf32, #tpu.memory_space<vmem_shared>>) target_semaphore(%arg14 : memref<!tpu.dma_semaphore, #tpu.memory_space<semaphore_mem>>)
    %add3A_545 = arith.constant 512 : i32
    %add3A_546 = arith.addi %mul3A_466, %add3A_545 : i32
    %dma_start3A_547 = arith.constant 0 : i32
    %dma_start3A_548 = tpu.memref_slice %arg13[%add3A_546, %dma_start3A_547] : memref<16400x64xf32, #tpu.memory_space<vmem_shared>> -> memref<64x64xf32, #tpu.memory_space<vmem_shared>>
    %dma_start3A_549 = arith.constant 0 : i32
    %dma_start3A_550 = tpu.memref_slice %arg13[%add3A_546, %dma_start3A_549] : memref<16400x64xf32, #tpu.memory_space<vmem_shared>> -> memref<64x64xf32, #tpu.memory_space<vmem_shared>>
    tpu.enqueue_dma source(%arg12 : memref<64x64xf32, #tpu.memory_space<vmem>>) target(%dma_start3A_550 : memref<64x64xf32, #tpu.memory_space<vmem_shared>>) target_semaphore(%arg14 : memref<!tpu.dma_semaphore, #tpu.memory_space<semaphore_mem>>)
    %add3A_551 = arith.constant 576 : i32
    %add3A_552 = arith.addi %mul3A_466, %add3A_551 : i32
    %dma_start3A_553 = arith.constant 0 : i32
    %dma_start3A_554 = tpu.memref_slice %arg13[%add3A_552, %dma_start3A_553] : memref<16400x64xf32, #tpu.memory_space<vmem_shared>> -> memref<64x64xf32, #tpu.memory_space<vmem_shared>>
    %dma_start3A_555 = arith.constant 0 : i32
    %dma_start3A_556 = tpu.memref_slice %arg13[%add3A_552, %dma_start3A_555] : memref<16400x64xf32, #tpu.memory_space<vmem_shared>> -> memref<64x64xf32, #tpu.memory_space<vmem_shared>>
    tpu.enqueue_dma source(%arg12 : memref<64x64xf32, #tpu.memory_space<vmem>>) target(%dma_start3A_556 : memref<64x64xf32, #tpu.memory_space<vmem_shared>>) target_semaphore(%arg14 : memref<!tpu.dma_semaphore, #tpu.memory_space<semaphore_mem>>)
    %add3A_557 = arith.constant 640 : i32
    %add3A_558 = arith.addi %mul3A_466, %add3A_557 : i32
    %dma_start3A_559 = arith.constant 0 : i32
    %dma_start3A_560 = tpu.memref_slice %arg13[%add3A_558, %dma_start3A_559] : memref<16400x64xf32, #tpu.memory_space<vmem_shared>> -> memref<64x64xf32, #tpu.memory_space<vmem_shared>>
    %dma_start3A_561 = arith.constant 0 : i32
    %dma_start3A_562 = tpu.memref_slice %arg13[%add3A_558, %dma_start3A_561] : memref<16400x64xf32, #tpu.memory_space<vmem_shared>> -> memref<64x64xf32, #tpu.memory_space<vmem_shared>>
    tpu.enqueue_dma source(%arg12 : memref<64x64xf32, #tpu.memory_space<vmem>>) target(%dma_start3A_562 : memref<64x64xf32, #tpu.memory_space<vmem_shared>>) target_semaphore(%arg14 : memref<!tpu.dma_semaphore, #tpu.memory_space<semaphore_mem>>)
    %add3A_563 = arith.constant 704 : i32
    %add3A_564 = arith.addi %mul3A_466, %add3A_563 : i32
    %dma_start3A_565 = arith.constant 0 : i32
    %dma_start3A_566 = tpu.memref_slice %arg13[%add3A_564, %dma_start3A_565] : memref<16400x64xf32, #tpu.memory_space<vmem_shared>> -> memref<64x64xf32, #tpu.memory_space<vmem_shared>>
    %dma_start3A_567 = arith.constant 0 : i32
    %dma_start3A_568 = tpu.memref_slice %arg13[%add3A_564, %dma_start3A_567] : memref<16400x64xf32, #tpu.memory_space<vmem_shared>> -> memref<64x64xf32, #tpu.memory_space<vmem_shared>>
    tpu.enqueue_dma source(%arg12 : memref<64x64xf32, #tpu.memory_space<vmem>>) target(%dma_start3A_568 : memref<64x64xf32, #tpu.memory_space<vmem_shared>>) target_semaphore(%arg14 : memref<!tpu.dma_semaphore, #tpu.memory_space<semaphore_mem>>)
    %add3A_569 = arith.constant 768 : i32
    %add3A_570 = arith.addi %mul3A_466, %add3A_569 : i32
    %dma_start3A_571 = arith.constant 0 : i32
    %dma_start3A_572 = tpu.memref_slice %arg13[%add3A_570, %dma_start3A_571] : memref<16400x64xf32, #tpu.memory_space<vmem_shared>> -> memref<64x64xf32, #tpu.memory_space<vmem_shared>>
    %dma_start3A_573 = arith.constant 0 : i32
    %dma_start3A_574 = tpu.memref_slice %arg13[%add3A_570, %dma_start3A_573] : memref<16400x64xf32, #tpu.memory_space<vmem_shared>> -> memref<64x64xf32, #tpu.memory_space<vmem_shared>>
    tpu.enqueue_dma source(%arg12 : memref<64x64xf32, #tpu.memory_space<vmem>>) target(%dma_start3A_574 : memref<64x64xf32, #tpu.memory_space<vmem_shared>>) target_semaphore(%arg14 : memref<!tpu.dma_semaphore, #tpu.memory_space<semaphore_mem>>)
    %add3A_575 = arith.constant 832 : i32
    %add3A_576 = arith.addi %mul3A_466, %add3A_575 : i32
    %dma_start3A_577 = arith.constant 0 : i32
    %dma_start3A_578 = tpu.memref_slice %arg13[%add3A_576, %dma_start3A_577] : memref<16400x64xf32, #tpu.memory_space<vmem_shared>> -> memref<64x64xf32, #tpu.memory_space<vmem_shared>>
    %dma_start3A_579 = arith.constant 0 : i32
    %dma_start3A_580 = tpu.memref_slice %arg13[%add3A_576, %dma_start3A_579] : memref<16400x64xf32, #tpu.memory_space<vmem_shared>> -> memref<64x64xf32, #tpu.memory_space<vmem_shared>>
    tpu.enqueue_dma source(%arg12 : memref<64x64xf32, #tpu.memory_space<vmem>>) target(%dma_start3A_580 : memref<64x64xf32, #tpu.memory_space<vmem_shared>>) target_semaphore(%arg14 : memref<!tpu.dma_semaphore, #tpu.memory_space<semaphore_mem>>)
    %add3A_581 = arith.constant 896 : i32
    %add3A_582 = arith.addi %mul3A_466, %add3A_581 : i32
    %dma_start3A_583 = arith.constant 0 : i32
    %dma_start3A_584 = tpu.memref_slice %arg13[%add3A_582, %dma_start3A_583] : memref<16400x64xf32, #tpu.memory_space<vmem_shared>> -> memref<64x64xf32, #tpu.memory_space<vmem_shared>>
    %dma_start3A_585 = arith.constant 0 : i32
    %dma_start3A_586 = tpu.memref_slice %arg13[%add3A_582, %dma_start3A_585] : memref<16400x64xf32, #tpu.memory_space<vmem_shared>> -> memref<64x64xf32, #tpu.memory_space<vmem_shared>>
    tpu.enqueue_dma source(%arg12 : memref<64x64xf32, #tpu.memory_space<vmem>>) target(%dma_start3A_586 : memref<64x64xf32, #tpu.memory_space<vmem_shared>>) target_semaphore(%arg14 : memref<!tpu.dma_semaphore, #tpu.memory_space<semaphore_mem>>)
    %add3A_587 = arith.constant 960 : i32
    %add3A_588 = arith.addi %mul3A_466, %add3A_587 : i32
    %dma_start3A_589 = arith.constant 0 : i32
    %dma_start3A_590 = tpu.memref_slice %arg13[%add3A_588, %dma_start3A_589] : memref<16400x64xf32, #tpu.memory_space<vmem_shared>> -> memref<64x64xf32, #tpu.memory_space<vmem_shared>>
    %dma_start3A_591 = arith.constant 0 : i32
    %dma_start3A_592 = tpu.memref_slice %arg13[%add3A_588, %dma_start3A_591] : memref<16400x64xf32, #tpu.memory_space<vmem_shared>> -> memref<64x64xf32, #tpu.memory_space<vmem_shared>>
    tpu.enqueue_dma source(%arg12 : memref<64x64xf32, #tpu.memory_space<vmem>>) target(%dma_start3A_592 : memref<64x64xf32, #tpu.memory_space<vmem_shared>>) target_semaphore(%arg14 : memref<!tpu.dma_semaphore, #tpu.memory_space<semaphore_mem>>)
    %eq3A_593 = arith.constant 0 : i32
    %eq3A_594 = arith.cmpi eq, %arg1, %eq3A_593 : i32
    %convert_element_type3A_595 = arith.extui %eq3A_594 : i1 to i32
    %cond3A_596 = arith.constant 0 : i32
    %cond3A_597 = arith.cmpi ne, %convert_element_type3A_595, %cond3A_596 : i32
    scf.if %cond3A_597 {
      "tpu.region"() ({
        %run_scoped3A = tpu.sem_alloc : memref<!tpu.dma_semaphore, #tpu.memory_space<semaphore_mem>>
        %dma_start3A_925 = arith.constant 0 : i32
        %dma_start3A_926 = arith.constant 0 : i32
        %dma_start3A_927 = tpu.memref_slice %arg12[%dma_start3A_925, %dma_start3A_926] : memref<64x64xf32, #tpu.memory_space<vmem>> -> memref<16x64xf32, #tpu.memory_space<vmem>>
        %dma_start3A_928 = arith.constant 16384 : i32
        %dma_start3A_929 = arith.constant 0 : i32
        %dma_start3A_930 = tpu.memref_slice %arg13[%dma_start3A_928, %dma_start3A_929] : memref<16400x64xf32, #tpu.memory_space<vmem_shared>> -> memref<16x64xf32, #tpu.memory_space<vmem_shared>>
        %dma_start3A_931 = arith.constant 16384 : i32
        %dma_start3A_932 = arith.constant 0 : i32
        %dma_start3A_933 = tpu.memref_slice %arg13[%dma_start3A_931, %dma_start3A_932] : memref<16400x64xf32, #tpu.memory_space<vmem_shared>> -> memref<16x64xf32, #tpu.memory_space<vmem_shared>>
        %dma_start3A_934 = arith.constant 0 : i32
        %dma_start3A_935 = arith.constant 0 : i32
        %dma_start3A_936 = tpu.memref_slice %arg12[%dma_start3A_934, %dma_start3A_935] : memref<64x64xf32, #tpu.memory_space<vmem>> -> memref<16x64xf32, #tpu.memory_space<vmem>>
        tpu.enqueue_dma source(%dma_start3A_936 : memref<16x64xf32, #tpu.memory_space<vmem>>) target(%dma_start3A_933 : memref<16x64xf32, #tpu.memory_space<vmem_shared>>) target_semaphore(%run_scoped3A : memref<!tpu.dma_semaphore, #tpu.memory_space<semaphore_mem>>)
        %dma_wait3A_937 = arith.constant 0 : i32
        %dma_wait3A_938 = arith.constant 0 : i32
        %dma_wait3A_939 = tpu.memref_slice %arg12[%dma_wait3A_937, %dma_wait3A_938] : memref<64x64xf32, #tpu.memory_space<vmem>> -> memref<16x64xf32, #tpu.memory_space<vmem>>
        %dma_wait3A_940 = arith.constant 16384 : i32
        %dma_wait3A_941 = arith.constant 0 : i32
        %dma_wait3A_942 = tpu.memref_slice %arg13[%dma_wait3A_940, %dma_wait3A_941] : memref<16400x64xf32, #tpu.memory_space<vmem_shared>> -> memref<16x64xf32, #tpu.memory_space<vmem_shared>>
        %dma_wait3A_943 = arith.constant 16384 : i32
        %dma_wait3A_944 = arith.constant 0 : i32
        %dma_wait3A_945 = tpu.memref_slice %arg13[%dma_wait3A_943, %dma_wait3A_944] : memref<16400x64xf32, #tpu.memory_space<vmem_shared>> -> memref<16x64xf32, #tpu.memory_space<vmem_shared>>
        %dma_wait3A_946 = arith.constant 0 : i32
        %dma_wait3A_947 = arith.constant 0 : i32
        %dma_wait3A_948 = tpu.memref_slice %arg12[%dma_wait3A_946, %dma_wait3A_947] : memref<64x64xf32, #tpu.memory_space<vmem>> -> memref<16x64xf32, #tpu.memory_space<vmem>>
        tpu.wait_dma2 semaphore(%run_scoped3A : memref<!tpu.dma_semaphore, #tpu.memory_space<semaphore_mem>>) src(%dma_wait3A_948 : memref<16x64xf32, #tpu.memory_space<vmem>>) dst(%dma_wait3A_945 : memref<16x64xf32, #tpu.memory_space<vmem_shared>>)
        tpu.yield
      }) : () -> ()
    } else {
    }
    %dma_wait3A_598 = arith.constant 0 : i32
    %dma_wait3A_599 = tpu.memref_slice %arg13[%add3A_498, %dma_wait3A_598] : memref<16400x64xf32, #tpu.memory_space<vmem_shared>> -> memref<64x64xf32, #tpu.memory_space<vmem_shared>>
    %dma_wait3A_600 = arith.constant 0 : i32
    %dma_wait3A_601 = tpu.memref_slice %arg13[%add3A_498, %dma_wait3A_600] : memref<16400x64xf32, #tpu.memory_space<vmem_shared>> -> memref<64x64xf32, #tpu.memory_space<vmem_shared>>
    tpu.wait_dma2 semaphore(%arg14 : memref<!tpu.dma_semaphore, #tpu.memory_space<semaphore_mem>>) src(%arg12 : memref<64x64xf32, #tpu.memory_space<vmem>>) dst(%dma_wait3A_601 : memref<64x64xf32, #tpu.memory_space<vmem_shared>>)
    %dma_wait3A_602 = arith.constant 0 : i32
    %dma_wait3A_603 = tpu.memref_slice %arg13[%add3A_504, %dma_wait3A_602] : memref<16400x64xf32, #tpu.memory_space<vmem_shared>> -> memref<64x64xf32, #tpu.memory_space<vmem_shared>>
    %dma_wait3A_604 = arith.constant 0 : i32
    %dma_wait3A_605 = tpu.memref_slice %arg13[%add3A_504, %dma_wait3A_604] : memref<16400x64xf32, #tpu.memory_space<vmem_shared>> -> memref<64x64xf32, #tpu.memory_space<vmem_shared>>
    tpu.wait_dma2 semaphore(%arg14 : memref<!tpu.dma_semaphore, #tpu.memory_space<semaphore_mem>>) src(%arg12 : memref<64x64xf32, #tpu.memory_space<vmem>>) dst(%dma_wait3A_605 : memref<64x64xf32, #tpu.memory_space<vmem_shared>>)
    %dma_wait3A_606 = arith.constant 0 : i32
    %dma_wait3A_607 = tpu.memref_slice %arg13[%add3A_510, %dma_wait3A_606] : memref<16400x64xf32, #tpu.memory_space<vmem_shared>> -> memref<64x64xf32, #tpu.memory_space<vmem_shared>>
    %dma_wait3A_608 = arith.constant 0 : i32
    %dma_wait3A_609 = tpu.memref_slice %arg13[%add3A_510, %dma_wait3A_608] : memref<16400x64xf32, #tpu.memory_space<vmem_shared>> -> memref<64x64xf32, #tpu.memory_space<vmem_shared>>
    tpu.wait_dma2 semaphore(%arg14 : memref<!tpu.dma_semaphore, #tpu.memory_space<semaphore_mem>>) src(%arg12 : memref<64x64xf32, #tpu.memory_space<vmem>>) dst(%dma_wait3A_609 : memref<64x64xf32, #tpu.memory_space<vmem_shared>>)
    %dma_wait3A_610 = arith.constant 0 : i32
    %dma_wait3A_611 = tpu.memref_slice %arg13[%add3A_516, %dma_wait3A_610] : memref<16400x64xf32, #tpu.memory_space<vmem_shared>> -> memref<64x64xf32, #tpu.memory_space<vmem_shared>>
    %dma_wait3A_612 = arith.constant 0 : i32
    %dma_wait3A_613 = tpu.memref_slice %arg13[%add3A_516, %dma_wait3A_612] : memref<16400x64xf32, #tpu.memory_space<vmem_shared>> -> memref<64x64xf32, #tpu.memory_space<vmem_shared>>
    tpu.wait_dma2 semaphore(%arg14 : memref<!tpu.dma_semaphore, #tpu.memory_space<semaphore_mem>>) src(%arg12 : memref<64x64xf32, #tpu.memory_space<vmem>>) dst(%dma_wait3A_613 : memref<64x64xf32, #tpu.memory_space<vmem_shared>>)
    %dma_wait3A_614 = arith.constant 0 : i32
    %dma_wait3A_615 = tpu.memref_slice %arg13[%add3A_522, %dma_wait3A_614] : memref<16400x64xf32, #tpu.memory_space<vmem_shared>> -> memref<64x64xf32, #tpu.memory_space<vmem_shared>>
    %dma_wait3A_616 = arith.constant 0 : i32
    %dma_wait3A_617 = tpu.memref_slice %arg13[%add3A_522, %dma_wait3A_616] : memref<16400x64xf32, #tpu.memory_space<vmem_shared>> -> memref<64x64xf32, #tpu.memory_space<vmem_shared>>
    tpu.wait_dma2 semaphore(%arg14 : memref<!tpu.dma_semaphore, #tpu.memory_space<semaphore_mem>>) src(%arg12 : memref<64x64xf32, #tpu.memory_space<vmem>>) dst(%dma_wait3A_617 : memref<64x64xf32, #tpu.memory_space<vmem_shared>>)
    %dma_wait3A_618 = arith.constant 0 : i32
    %dma_wait3A_619 = tpu.memref_slice %arg13[%add3A_528, %dma_wait3A_618] : memref<16400x64xf32, #tpu.memory_space<vmem_shared>> -> memref<64x64xf32, #tpu.memory_space<vmem_shared>>
    %dma_wait3A_620 = arith.constant 0 : i32
    %dma_wait3A_621 = tpu.memref_slice %arg13[%add3A_528, %dma_wait3A_620] : memref<16400x64xf32, #tpu.memory_space<vmem_shared>> -> memref<64x64xf32, #tpu.memory_space<vmem_shared>>
    tpu.wait_dma2 semaphore(%arg14 : memref<!tpu.dma_semaphore, #tpu.memory_space<semaphore_mem>>) src(%arg12 : memref<64x64xf32, #tpu.memory_space<vmem>>) dst(%dma_wait3A_621 : memref<64x64xf32, #tpu.memory_space<vmem_shared>>)
    %dma_wait3A_622 = arith.constant 0 : i32
    %dma_wait3A_623 = tpu.memref_slice %arg13[%add3A_534, %dma_wait3A_622] : memref<16400x64xf32, #tpu.memory_space<vmem_shared>> -> memref<64x64xf32, #tpu.memory_space<vmem_shared>>
    %dma_wait3A_624 = arith.constant 0 : i32
    %dma_wait3A_625 = tpu.memref_slice %arg13[%add3A_534, %dma_wait3A_624] : memref<16400x64xf32, #tpu.memory_space<vmem_shared>> -> memref<64x64xf32, #tpu.memory_space<vmem_shared>>
    tpu.wait_dma2 semaphore(%arg14 : memref<!tpu.dma_semaphore, #tpu.memory_space<semaphore_mem>>) src(%arg12 : memref<64x64xf32, #tpu.memory_space<vmem>>) dst(%dma_wait3A_625 : memref<64x64xf32, #tpu.memory_space<vmem_shared>>)
    %dma_wait3A_626 = arith.constant 0 : i32
    %dma_wait3A_627 = tpu.memref_slice %arg13[%add3A_540, %dma_wait3A_626] : memref<16400x64xf32, #tpu.memory_space<vmem_shared>> -> memref<64x64xf32, #tpu.memory_space<vmem_shared>>
    %dma_wait3A_628 = arith.constant 0 : i32
    %dma_wait3A_629 = tpu.memref_slice %arg13[%add3A_540, %dma_wait3A_628] : memref<16400x64xf32, #tpu.memory_space<vmem_shared>> -> memref<64x64xf32, #tpu.memory_space<vmem_shared>>
    tpu.wait_dma2 semaphore(%arg14 : memref<!tpu.dma_semaphore, #tpu.memory_space<semaphore_mem>>) src(%arg12 : memref<64x64xf32, #tpu.memory_space<vmem>>) dst(%dma_wait3A_629 : memref<64x64xf32, #tpu.memory_space<vmem_shared>>)
    %dma_wait3A_630 = arith.constant 0 : i32
    %dma_wait3A_631 = tpu.memref_slice %arg13[%add3A_546, %dma_wait3A_630] : memref<16400x64xf32, #tpu.memory_space<vmem_shared>> -> memref<64x64xf32, #tpu.memory_space<vmem_shared>>
    %dma_wait3A_632 = arith.constant 0 : i32
    %dma_wait3A_633 = tpu.memref_slice %arg13[%add3A_546, %dma_wait3A_632] : memref<16400x64xf32, #tpu.memory_space<vmem_shared>> -> memref<64x64xf32, #tpu.memory_space<vmem_shared>>
    tpu.wait_dma2 semaphore(%arg14 : memref<!tpu.dma_semaphore, #tpu.memory_space<semaphore_mem>>) src(%arg12 : memref<64x64xf32, #tpu.memory_space<vmem>>) dst(%dma_wait3A_633 : memref<64x64xf32, #tpu.memory_space<vmem_shared>>)
    %dma_wait3A_634 = arith.constant 0 : i32
    %dma_wait3A_635 = tpu.memref_slice %arg13[%add3A_552, %dma_wait3A_634] : memref<16400x64xf32, #tpu.memory_space<vmem_shared>> -> memref<64x64xf32, #tpu.memory_space<vmem_shared>>
    %dma_wait3A_636 = arith.constant 0 : i32
    %dma_wait3A_637 = tpu.memref_slice %arg13[%add3A_552, %dma_wait3A_636] : memref<16400x64xf32, #tpu.memory_space<vmem_shared>> -> memref<64x64xf32, #tpu.memory_space<vmem_shared>>
    tpu.wait_dma2 semaphore(%arg14 : memref<!tpu.dma_semaphore, #tpu.memory_space<semaphore_mem>>) src(%arg12 : memref<64x64xf32, #tpu.memory_space<vmem>>) dst(%dma_wait3A_637 : memref<64x64xf32, #tpu.memory_space<vmem_shared>>)
    %dma_wait3A_638 = arith.constant 0 : i32
    %dma_wait3A_639 = tpu.memref_slice %arg13[%add3A_558, %dma_wait3A_638] : memref<16400x64xf32, #tpu.memory_space<vmem_shared>> -> memref<64x64xf32, #tpu.memory_space<vmem_shared>>
    %dma_wait3A_640 = arith.constant 0 : i32
    %dma_wait3A_641 = tpu.memref_slice %arg13[%add3A_558, %dma_wait3A_640] : memref<16400x64xf32, #tpu.memory_space<vmem_shared>> -> memref<64x64xf32, #tpu.memory_space<vmem_shared>>
    tpu.wait_dma2 semaphore(%arg14 : memref<!tpu.dma_semaphore, #tpu.memory_space<semaphore_mem>>) src(%arg12 : memref<64x64xf32, #tpu.memory_space<vmem>>) dst(%dma_wait3A_641 : memref<64x64xf32, #tpu.memory_space<vmem_shared>>)
    %dma_wait3A_642 = arith.constant 0 : i32
    %dma_wait3A_643 = tpu.memref_slice %arg13[%add3A_564, %dma_wait3A_642] : memref<16400x64xf32, #tpu.memory_space<vmem_shared>> -> memref<64x64xf32, #tpu.memory_space<vmem_shared>>
    %dma_wait3A_644 = arith.constant 0 : i32
    %dma_wait3A_645 = tpu.memref_slice %arg13[%add3A_564, %dma_wait3A_644] : memref<16400x64xf32, #tpu.memory_space<vmem_shared>> -> memref<64x64xf32, #tpu.memory_space<vmem_shared>>
    tpu.wait_dma2 semaphore(%arg14 : memref<!tpu.dma_semaphore, #tpu.memory_space<semaphore_mem>>) src(%arg12 : memref<64x64xf32, #tpu.memory_space<vmem>>) dst(%dma_wait3A_645 : memref<64x64xf32, #tpu.memory_space<vmem_shared>>)
    %dma_wait3A_646 = arith.constant 0 : i32
    %dma_wait3A_647 = tpu.memref_slice %arg13[%add3A_570, %dma_wait3A_646] : memref<16400x64xf32, #tpu.memory_space<vmem_shared>> -> memref<64x64xf32, #tpu.memory_space<vmem_shared>>
    %dma_wait3A_648 = arith.constant 0 : i32
    %dma_wait3A_649 = tpu.memref_slice %arg13[%add3A_570, %dma_wait3A_648] : memref<16400x64xf32, #tpu.memory_space<vmem_shared>> -> memref<64x64xf32, #tpu.memory_space<vmem_shared>>
    tpu.wait_dma2 semaphore(%arg14 : memref<!tpu.dma_semaphore, #tpu.memory_space<semaphore_mem>>) src(%arg12 : memref<64x64xf32, #tpu.memory_space<vmem>>) dst(%dma_wait3A_649 : memref<64x64xf32, #tpu.memory_space<vmem_shared>>)
    %dma_wait3A_650 = arith.constant 0 : i32
    %dma_wait3A_651 = tpu.memref_slice %arg13[%add3A_576, %dma_wait3A_650] : memref<16400x64xf32, #tpu.memory_space<vmem_shared>> -> memref<64x64xf32, #tpu.memory_space<vmem_shared>>
    %dma_wait3A_652 = arith.constant 0 : i32
    %dma_wait3A_653 = tpu.memref_slice %arg13[%add3A_576, %dma_wait3A_652] : memref<16400x64xf32, #tpu.memory_space<vmem_shared>> -> memref<64x64xf32, #tpu.memory_space<vmem_shared>>
    tpu.wait_dma2 semaphore(%arg14 : memref<!tpu.dma_semaphore, #tpu.memory_space<semaphore_mem>>) src(%arg12 : memref<64x64xf32, #tpu.memory_space<vmem>>) dst(%dma_wait3A_653 : memref<64x64xf32, #tpu.memory_space<vmem_shared>>)
    %dma_wait3A_654 = arith.constant 0 : i32
    %dma_wait3A_655 = tpu.memref_slice %arg13[%add3A_582, %dma_wait3A_654] : memref<16400x64xf32, #tpu.memory_space<vmem_shared>> -> memref<64x64xf32, #tpu.memory_space<vmem_shared>>
    %dma_wait3A_656 = arith.constant 0 : i32
    %dma_wait3A_657 = tpu.memref_slice %arg13[%add3A_582, %dma_wait3A_656] : memref<16400x64xf32, #tpu.memory_space<vmem_shared>> -> memref<64x64xf32, #tpu.memory_space<vmem_shared>>
    tpu.wait_dma2 semaphore(%arg14 : memref<!tpu.dma_semaphore, #tpu.memory_space<semaphore_mem>>) src(%arg12 : memref<64x64xf32, #tpu.memory_space<vmem>>) dst(%dma_wait3A_657 : memref<64x64xf32, #tpu.memory_space<vmem_shared>>)
    %dma_wait3A_658 = arith.constant 0 : i32
    %dma_wait3A_659 = tpu.memref_slice %arg13[%add3A_588, %dma_wait3A_658] : memref<16400x64xf32, #tpu.memory_space<vmem_shared>> -> memref<64x64xf32, #tpu.memory_space<vmem_shared>>
    %dma_wait3A_660 = arith.constant 0 : i32
    %dma_wait3A_661 = tpu.memref_slice %arg13[%add3A_588, %dma_wait3A_660] : memref<16400x64xf32, #tpu.memory_space<vmem_shared>> -> memref<64x64xf32, #tpu.memory_space<vmem_shared>>
    tpu.wait_dma2 semaphore(%arg14 : memref<!tpu.dma_semaphore, #tpu.memory_space<semaphore_mem>>) src(%arg12 : memref<64x64xf32, #tpu.memory_space<vmem>>) dst(%dma_wait3A_661 : memref<64x64xf32, #tpu.memory_space<vmem_shared>>)
    %barrier3A_662 = arith.constant 0 : index
    tpu.barrier barrier_id(%barrier3A_662)
    %while3A_663 = arith.constant 0 : i32
    %while3A_664 = arith.constant 0 : i32
    %while3A_665 = arith.subi %shift_right_arithmetic3A_479, %while3A_664 : i32
    %while3A_666 = arith.addi %while3A_664, %while3A_665 : i32
    %while3A_667 = arith.constant 1 : i32
    %while3A_668 = arith.divsi %while3A_665, %while3A_667 : i32
    %while3A_669 = arith.muli %while3A_668, %while3A_667 : i32
    %while3A_670 = arith.addi %while3A_664, %while3A_669 : i32
    %while3A_671 = arith.constant 1 : i32
    scf.for %while3A_925 = %while3A_664 to %while3A_670 step %while3A_671  : i32 {
      %and3A = arith.constant 1 : i32
      %and3A_926 = arith.andi %while3A_925, %and3A : i32
      %ge3A = arith.constant 2 : i32
      %ge3A_927 = arith.cmpi sge, %while3A_925, %ge3A : i32
      %convert_element_type3A_928 = arith.extui %ge3A_927 : i1 to i32
      %cond3A_929 = arith.constant 0 : i32
      %cond3A_930 = arith.cmpi ne, %convert_element_type3A_928, %cond3A_929 : i32
      scf.if %cond3A_930 {
        %dma_wait3A_961 = arith.constant 0 : i32
        %dma_wait3A_962 = arith.constant 0 : i32
        %dma_wait3A_963 = tpu.memref_slice %arg11[%and3A_926, %dma_wait3A_961, %dma_wait3A_962] : memref<2x128x64xf32, #tpu.memory_space<vmem>> -> memref<1x128x64xf32, #tpu.memory_space<vmem>>
        %dma_wait3A_964 = tpu.memref_squeeze %dma_wait3A_963 : memref<1x128x64xf32, #tpu.memory_space<vmem>> -> memref<128x64xf32, #tpu.memory_space<vmem>>
        %dma_wait3A_965 = arith.constant 0 : i32
        %dma_wait3A_966 = arith.constant 0 : i32
        %dma_wait3A_967 = tpu.memref_slice %arg2[%dma_wait3A_965, %dma_wait3A_966] : memref<100000x64xf32, #tpu.memory_space<hbm>> -> memref<128x64xf32, #tpu.memory_space<hbm>>
        %dma_wait3A_968 = arith.constant 0 : i32
        %dma_wait3A_969 = arith.constant 0 : i32
        %dma_wait3A_970 = tpu.memref_slice %arg11[%and3A_926, %dma_wait3A_968, %dma_wait3A_969] : memref<2x128x64xf32, #tpu.memory_space<vmem>> -> memref<1x128x64xf32, #tpu.memory_space<vmem>>
        %dma_wait3A_971 = tpu.memref_squeeze %dma_wait3A_970 : memref<1x128x64xf32, #tpu.memory_space<vmem>> -> memref<128x64xf32, #tpu.memory_space<vmem>>
        %dma_wait3A_972 = arith.constant 0 : i32
        %dma_wait3A_973 = arith.constant 0 : i32
        %dma_wait3A_974 = tpu.memref_slice %arg2[%dma_wait3A_972, %dma_wait3A_973] : memref<100000x64xf32, #tpu.memory_space<hbm>> -> memref<128x64xf32, #tpu.memory_space<hbm>>
        tpu.wait_dma2 semaphore(%arg17 : memref<!tpu.dma_semaphore, #tpu.memory_space<semaphore_mem>>) src(%dma_wait3A_974 : memref<128x64xf32, #tpu.memory_space<hbm>>) dst(%dma_wait3A_971 : memref<128x64xf32, #tpu.memory_space<vmem>>)
      } else {
      }
      %dma_start3A_931 = arith.constant 0 : i32
      %dma_start3A_932 = arith.constant 0 : i32
      %dma_start3A_933 = tpu.memref_slice %arg11[%and3A_926, %dma_start3A_931, %dma_start3A_932] : memref<2x128x64xf32, #tpu.memory_space<vmem>> -> memref<1x128x64xf32, #tpu.memory_space<vmem>>
      %dma_start3A_934 = tpu.memref_squeeze %dma_start3A_933 : memref<1x128x64xf32, #tpu.memory_space<vmem>> -> memref<128x64xf32, #tpu.memory_space<vmem>>
      %dma_start3A_935 = arith.constant 0 : i32
      %dma_start3A_936 = tpu.memref_slice %arg9[%while3A_925, %dma_start3A_935] : memref<52x128xi32, #tpu.memory_space<vmem>> -> memref<1x128xi32, #tpu.memory_space<vmem>>
      %dma_start3A_937 = tpu.memref_squeeze %dma_start3A_936 : memref<1x128xi32, #tpu.memory_space<vmem>> -> memref<128xi32, #tpu.memory_space<vmem>>
      %dma_start3A_938 = arith.constant 0 : i32
      %dma_start3A_939 = arith.constant 0 : i32
      %dma_start3A_940 = tpu.memref_slice %arg2[%dma_start3A_938, %dma_start3A_939] : memref<100000x64xf32, #tpu.memory_space<hbm>> -> memref<100000x64xf32, #tpu.memory_space<hbm>>
      tpu.enqueue_indirect_dma source(%dma_start3A_940 : memref<100000x64xf32, #tpu.memory_space<hbm>>) target(%dma_start3A_934 : memref<128x64xf32, #tpu.memory_space<vmem>>) offsets(%dma_start3A_937 : memref<128xi32, #tpu.memory_space<vmem>>) semaphore(%arg16 : memref<!tpu.dma_semaphore, #tpu.memory_space<semaphore_mem>>)
      %dma_wait3A_941 = arith.constant 0 : i32
      %dma_wait3A_942 = arith.constant 0 : i32
      %dma_wait3A_943 = tpu.memref_slice %arg11[%and3A_926, %dma_wait3A_941, %dma_wait3A_942] : memref<2x128x64xf32, #tpu.memory_space<vmem>> -> memref<1x128x64xf32, #tpu.memory_space<vmem>>
      %dma_wait3A_944 = tpu.memref_squeeze %dma_wait3A_943 : memref<1x128x64xf32, #tpu.memory_space<vmem>> -> memref<128x64xf32, #tpu.memory_space<vmem>>
      %dma_wait3A_945 = arith.constant 0 : i32
      %dma_wait3A_946 = tpu.memref_slice %arg9[%while3A_925, %dma_wait3A_945] : memref<52x128xi32, #tpu.memory_space<vmem>> -> memref<1x128xi32, #tpu.memory_space<vmem>>
      %dma_wait3A_947 = tpu.memref_squeeze %dma_wait3A_946 : memref<1x128xi32, #tpu.memory_space<vmem>> -> memref<128xi32, #tpu.memory_space<vmem>>
      %dma_wait3A_948 = arith.constant 0 : i32
      %dma_wait3A_949 = arith.constant 0 : i32
      %dma_wait3A_950 = tpu.memref_slice %arg2[%dma_wait3A_948, %dma_wait3A_949] : memref<100000x64xf32, #tpu.memory_space<hbm>> -> memref<100000x64xf32, #tpu.memory_space<hbm>>
      tpu.wait_indirect_dma semaphore(%arg16 : memref<!tpu.dma_semaphore, #tpu.memory_space<semaphore_mem>>) src(%dma_wait3A_950 : memref<100000x64xf32, #tpu.memory_space<hbm>>) dst(%dma_wait3A_944 : memref<128x64xf32, #tpu.memory_space<vmem>>)
      %dma_start3A_951 = arith.constant 0 : i32
      %dma_start3A_952 = arith.constant 0 : i32
      %dma_start3A_953 = tpu.memref_slice %arg11[%and3A_926, %dma_start3A_951, %dma_start3A_952] : memref<2x128x64xf32, #tpu.memory_space<vmem>> -> memref<1x128x64xf32, #tpu.memory_space<vmem>>
      %dma_start3A_954 = tpu.memref_squeeze %dma_start3A_953 : memref<1x128x64xf32, #tpu.memory_space<vmem>> -> memref<128x64xf32, #tpu.memory_space<vmem>>
      %dma_start3A_955 = arith.constant 0 : i32
      %dma_start3A_956 = tpu.memref_slice %arg10[%while3A_925, %dma_start3A_955] : memref<52x128xi32, #tpu.memory_space<vmem>> -> memref<1x128xi32, #tpu.memory_space<vmem>>
      %dma_start3A_957 = tpu.memref_squeeze %dma_start3A_956 : memref<1x128xi32, #tpu.memory_space<vmem>> -> memref<128xi32, #tpu.memory_space<vmem>>
      %dma_start3A_958 = arith.constant 0 : i32
      %dma_start3A_959 = arith.constant 0 : i32
      %dma_start3A_960 = tpu.memref_slice %arg13[%dma_start3A_958, %dma_start3A_959] : memref<16400x64xf32, #tpu.memory_space<vmem_shared>> -> memref<16400x64xf32, #tpu.memory_space<vmem_shared>>
      tpu.enqueue_indirect_dma source(%dma_start3A_954 : memref<128x64xf32, #tpu.memory_space<vmem>>) target(%dma_start3A_960 : memref<16400x64xf32, #tpu.memory_space<vmem_shared>>) offsets(%dma_start3A_957 : memref<128xi32, #tpu.memory_space<vmem>>) semaphore(%arg17 : memref<!tpu.dma_semaphore, #tpu.memory_space<semaphore_mem>>) {add = true}
    }
    %while3A_672 = arith.constant 1 : i32
    scf.for %while3A_925 = %while3A_670 to %while3A_666 step %while3A_672  : i32 {
      %and3A = arith.constant 1 : i32
      %and3A_926 = arith.andi %while3A_925, %and3A : i32
      %ge3A = arith.constant 2 : i32
      %ge3A_927 = arith.cmpi sge, %while3A_925, %ge3A : i32
      %convert_element_type3A_928 = arith.extui %ge3A_927 : i1 to i32
      %cond3A_929 = arith.constant 0 : i32
      %cond3A_930 = arith.cmpi ne, %convert_element_type3A_928, %cond3A_929 : i32
      scf.if %cond3A_930 {
        %dma_wait3A_961 = arith.constant 0 : i32
        %dma_wait3A_962 = arith.constant 0 : i32
        %dma_wait3A_963 = tpu.memref_slice %arg11[%and3A_926, %dma_wait3A_961, %dma_wait3A_962] : memref<2x128x64xf32, #tpu.memory_space<vmem>> -> memref<1x128x64xf32, #tpu.memory_space<vmem>>
        %dma_wait3A_964 = tpu.memref_squeeze %dma_wait3A_963 : memref<1x128x64xf32, #tpu.memory_space<vmem>> -> memref<128x64xf32, #tpu.memory_space<vmem>>
        %dma_wait3A_965 = arith.constant 0 : i32
        %dma_wait3A_966 = arith.constant 0 : i32
        %dma_wait3A_967 = tpu.memref_slice %arg2[%dma_wait3A_965, %dma_wait3A_966] : memref<100000x64xf32, #tpu.memory_space<hbm>> -> memref<128x64xf32, #tpu.memory_space<hbm>>
        %dma_wait3A_968 = arith.constant 0 : i32
        %dma_wait3A_969 = arith.constant 0 : i32
        %dma_wait3A_970 = tpu.memref_slice %arg11[%and3A_926, %dma_wait3A_968, %dma_wait3A_969] : memref<2x128x64xf32, #tpu.memory_space<vmem>> -> memref<1x128x64xf32, #tpu.memory_space<vmem>>
        %dma_wait3A_971 = tpu.memref_squeeze %dma_wait3A_970 : memref<1x128x64xf32, #tpu.memory_space<vmem>> -> memref<128x64xf32, #tpu.memory_space<vmem>>
        %dma_wait3A_972 = arith.constant 0 : i32
        %dma_wait3A_973 = arith.constant 0 : i32
        %dma_wait3A_974 = tpu.memref_slice %arg2[%dma_wait3A_972, %dma_wait3A_973] : memref<100000x64xf32, #tpu.memory_space<hbm>> -> memref<128x64xf32, #tpu.memory_space<hbm>>
        tpu.wait_dma2 semaphore(%arg17 : memref<!tpu.dma_semaphore, #tpu.memory_space<semaphore_mem>>) src(%dma_wait3A_974 : memref<128x64xf32, #tpu.memory_space<hbm>>) dst(%dma_wait3A_971 : memref<128x64xf32, #tpu.memory_space<vmem>>)
      } else {
      }
      %dma_start3A_931 = arith.constant 0 : i32
      %dma_start3A_932 = arith.constant 0 : i32
      %dma_start3A_933 = tpu.memref_slice %arg11[%and3A_926, %dma_start3A_931, %dma_start3A_932] : memref<2x128x64xf32, #tpu.memory_space<vmem>> -> memref<1x128x64xf32, #tpu.memory_space<vmem>>
      %dma_start3A_934 = tpu.memref_squeeze %dma_start3A_933 : memref<1x128x64xf32, #tpu.memory_space<vmem>> -> memref<128x64xf32, #tpu.memory_space<vmem>>
      %dma_start3A_935 = arith.constant 0 : i32
      %dma_start3A_936 = tpu.memref_slice %arg9[%while3A_925, %dma_start3A_935] : memref<52x128xi32, #tpu.memory_space<vmem>> -> memref<1x128xi32, #tpu.memory_space<vmem>>
      %dma_start3A_937 = tpu.memref_squeeze %dma_start3A_936 : memref<1x128xi32, #tpu.memory_space<vmem>> -> memref<128xi32, #tpu.memory_space<vmem>>
      %dma_start3A_938 = arith.constant 0 : i32
      %dma_start3A_939 = arith.constant 0 : i32
      %dma_start3A_940 = tpu.memref_slice %arg2[%dma_start3A_938, %dma_start3A_939] : memref<100000x64xf32, #tpu.memory_space<hbm>> -> memref<100000x64xf32, #tpu.memory_space<hbm>>
      tpu.enqueue_indirect_dma source(%dma_start3A_940 : memref<100000x64xf32, #tpu.memory_space<hbm>>) target(%dma_start3A_934 : memref<128x64xf32, #tpu.memory_space<vmem>>) offsets(%dma_start3A_937 : memref<128xi32, #tpu.memory_space<vmem>>) semaphore(%arg16 : memref<!tpu.dma_semaphore, #tpu.memory_space<semaphore_mem>>)
      %dma_wait3A_941 = arith.constant 0 : i32
      %dma_wait3A_942 = arith.constant 0 : i32
      %dma_wait3A_943 = tpu.memref_slice %arg11[%and3A_926, %dma_wait3A_941, %dma_wait3A_942] : memref<2x128x64xf32, #tpu.memory_space<vmem>> -> memref<1x128x64xf32, #tpu.memory_space<vmem>>
      %dma_wait3A_944 = tpu.memref_squeeze %dma_wait3A_943 : memref<1x128x64xf32, #tpu.memory_space<vmem>> -> memref<128x64xf32, #tpu.memory_space<vmem>>
      %dma_wait3A_945 = arith.constant 0 : i32
      %dma_wait3A_946 = tpu.memref_slice %arg9[%while3A_925, %dma_wait3A_945] : memref<52x128xi32, #tpu.memory_space<vmem>> -> memref<1x128xi32, #tpu.memory_space<vmem>>
      %dma_wait3A_947 = tpu.memref_squeeze %dma_wait3A_946 : memref<1x128xi32, #tpu.memory_space<vmem>> -> memref<128xi32, #tpu.memory_space<vmem>>
      %dma_wait3A_948 = arith.constant 0 : i32
      %dma_wait3A_949 = arith.constant 0 : i32
      %dma_wait3A_950 = tpu.memref_slice %arg2[%dma_wait3A_948, %dma_wait3A_949] : memref<100000x64xf32, #tpu.memory_space<hbm>> -> memref<100000x64xf32, #tpu.memory_space<hbm>>
      tpu.wait_indirect_dma semaphore(%arg16 : memref<!tpu.dma_semaphore, #tpu.memory_space<semaphore_mem>>) src(%dma_wait3A_950 : memref<100000x64xf32, #tpu.memory_space<hbm>>) dst(%dma_wait3A_944 : memref<128x64xf32, #tpu.memory_space<vmem>>)
      %dma_start3A_951 = arith.constant 0 : i32
      %dma_start3A_952 = arith.constant 0 : i32
      %dma_start3A_953 = tpu.memref_slice %arg11[%and3A_926, %dma_start3A_951, %dma_start3A_952] : memref<2x128x64xf32, #tpu.memory_space<vmem>> -> memref<1x128x64xf32, #tpu.memory_space<vmem>>
      %dma_start3A_954 = tpu.memref_squeeze %dma_start3A_953 : memref<1x128x64xf32, #tpu.memory_space<vmem>> -> memref<128x64xf32, #tpu.memory_space<vmem>>
      %dma_start3A_955 = arith.constant 0 : i32
      %dma_start3A_956 = tpu.memref_slice %arg10[%while3A_925, %dma_start3A_955] : memref<52x128xi32, #tpu.memory_space<vmem>> -> memref<1x128xi32, #tpu.memory_space<vmem>>
      %dma_start3A_957 = tpu.memref_squeeze %dma_start3A_956 : memref<1x128xi32, #tpu.memory_space<vmem>> -> memref<128xi32, #tpu.memory_space<vmem>>
      %dma_start3A_958 = arith.constant 0 : i32
      %dma_start3A_959 = arith.constant 0 : i32
      %dma_start3A_960 = tpu.memref_slice %arg13[%dma_start3A_958, %dma_start3A_959] : memref<16400x64xf32, #tpu.memory_space<vmem_shared>> -> memref<16400x64xf32, #tpu.memory_space<vmem_shared>>
      tpu.enqueue_indirect_dma source(%dma_start3A_954 : memref<128x64xf32, #tpu.memory_space<vmem>>) target(%dma_start3A_960 : memref<16400x64xf32, #tpu.memory_space<vmem_shared>>) offsets(%dma_start3A_957 : memref<128xi32, #tpu.memory_space<vmem>>) semaphore(%arg17 : memref<!tpu.dma_semaphore, #tpu.memory_space<semaphore_mem>>) {add = true}
    }
    %min3A_673 = arith.constant 2 : i32
    %min3A_674 = arith.minsi %shift_right_arithmetic3A_479, %min3A_673 : i32
    %while3A_675 = arith.constant 0 : i32
    %while3A_676 = arith.constant 0 : i32
    %while3A_677 = arith.subi %min3A_674, %while3A_676 : i32
    %while3A_678 = arith.addi %while3A_676, %while3A_677 : i32
    %while3A_679 = arith.constant 1 : i32
    %while3A_680 = arith.divsi %while3A_677, %while3A_679 : i32
    %while3A_681 = arith.muli %while3A_680, %while3A_679 : i32
    %while3A_682 = arith.addi %while3A_676, %while3A_681 : i32
    %while3A_683 = arith.constant 1 : i32
    scf.for %while3A_925 = %while3A_676 to %while3A_682 step %while3A_683  : i32 {
      %dma_wait3A_926 = arith.constant 0 : i32
      %dma_wait3A_927 = arith.constant 0 : i32
      %dma_wait3A_928 = arith.constant 0 : i32
      %dma_wait3A_929 = tpu.memref_slice %arg11[%dma_wait3A_926, %dma_wait3A_927, %dma_wait3A_928] : memref<2x128x64xf32, #tpu.memory_space<vmem>> -> memref<1x128x64xf32, #tpu.memory_space<vmem>>
      %dma_wait3A_930 = tpu.memref_squeeze %dma_wait3A_929 : memref<1x128x64xf32, #tpu.memory_space<vmem>> -> memref<128x64xf32, #tpu.memory_space<vmem>>
      %dma_wait3A_931 = arith.constant 0 : i32
      %dma_wait3A_932 = arith.constant 0 : i32
      %dma_wait3A_933 = tpu.memref_slice %arg2[%dma_wait3A_931, %dma_wait3A_932] : memref<100000x64xf32, #tpu.memory_space<hbm>> -> memref<128x64xf32, #tpu.memory_space<hbm>>
      %dma_wait3A_934 = arith.constant 0 : i32
      %dma_wait3A_935 = arith.constant 0 : i32
      %dma_wait3A_936 = tpu.memref_slice %arg11[%dma_wait3A_926, %dma_wait3A_934, %dma_wait3A_935] : memref<2x128x64xf32, #tpu.memory_space<vmem>> -> memref<1x128x64xf32, #tpu.memory_space<vmem>>
      %dma_wait3A_937 = tpu.memref_squeeze %dma_wait3A_936 : memref<1x128x64xf32, #tpu.memory_space<vmem>> -> memref<128x64xf32, #tpu.memory_space<vmem>>
      %dma_wait3A_938 = arith.constant 0 : i32
      %dma_wait3A_939 = arith.constant 0 : i32
      %dma_wait3A_940 = tpu.memref_slice %arg2[%dma_wait3A_938, %dma_wait3A_939] : memref<100000x64xf32, #tpu.memory_space<hbm>> -> memref<128x64xf32, #tpu.memory_space<hbm>>
      tpu.wait_dma2 semaphore(%arg17 : memref<!tpu.dma_semaphore, #tpu.memory_space<semaphore_mem>>) src(%dma_wait3A_940 : memref<128x64xf32, #tpu.memory_space<hbm>>) dst(%dma_wait3A_937 : memref<128x64xf32, #tpu.memory_space<vmem>>)
    }
    %while3A_684 = arith.constant 1 : i32
    scf.for %while3A_925 = %while3A_682 to %while3A_678 step %while3A_684  : i32 {
      %dma_wait3A_926 = arith.constant 0 : i32
      %dma_wait3A_927 = arith.constant 0 : i32
      %dma_wait3A_928 = arith.constant 0 : i32
      %dma_wait3A_929 = tpu.memref_slice %arg11[%dma_wait3A_926, %dma_wait3A_927, %dma_wait3A_928] : memref<2x128x64xf32, #tpu.memory_space<vmem>> -> memref<1x128x64xf32, #tpu.memory_space<vmem>>
      %dma_wait3A_930 = tpu.memref_squeeze %dma_wait3A_929 : memref<1x128x64xf32, #tpu.memory_space<vmem>> -> memref<128x64xf32, #tpu.memory_space<vmem>>
      %dma_wait3A_931 = arith.constant 0 : i32
      %dma_wait3A_932 = arith.constant 0 : i32
      %dma_wait3A_933 = tpu.memref_slice %arg2[%dma_wait3A_931, %dma_wait3A_932] : memref<100000x64xf32, #tpu.memory_space<hbm>> -> memref<128x64xf32, #tpu.memory_space<hbm>>
      %dma_wait3A_934 = arith.constant 0 : i32
      %dma_wait3A_935 = arith.constant 0 : i32
      %dma_wait3A_936 = tpu.memref_slice %arg11[%dma_wait3A_926, %dma_wait3A_934, %dma_wait3A_935] : memref<2x128x64xf32, #tpu.memory_space<vmem>> -> memref<1x128x64xf32, #tpu.memory_space<vmem>>
      %dma_wait3A_937 = tpu.memref_squeeze %dma_wait3A_936 : memref<1x128x64xf32, #tpu.memory_space<vmem>> -> memref<128x64xf32, #tpu.memory_space<vmem>>
      %dma_wait3A_938 = arith.constant 0 : i32
      %dma_wait3A_939 = arith.constant 0 : i32
      %dma_wait3A_940 = tpu.memref_slice %arg2[%dma_wait3A_938, %dma_wait3A_939] : memref<100000x64xf32, #tpu.memory_space<hbm>> -> memref<128x64xf32, #tpu.memory_space<hbm>>
      tpu.wait_dma2 semaphore(%arg17 : memref<!tpu.dma_semaphore, #tpu.memory_space<semaphore_mem>>) src(%dma_wait3A_940 : memref<128x64xf32, #tpu.memory_space<hbm>>) dst(%dma_wait3A_937 : memref<128x64xf32, #tpu.memory_space<vmem>>)
    }
    %barrier3A_685 = arith.constant 0 : index
    tpu.barrier barrier_id(%barrier3A_685)
    %add3A_686 = arith.addi %add3A_464, %mul3A_466 : i32
    %dma_start3A_687 = arith.constant 0 : i32
    %dma_start3A_688 = tpu.memref_slice %arg5[%add3A_686, %dma_start3A_687] : memref<131072x64xf32, #tpu.memory_space<hbm>> -> memref<1024x64xf32, #tpu.memory_space<hbm>>
    %dma_start3A_689 = arith.constant 0 : i32
    %dma_start3A_690 = tpu.memref_slice %arg13[%mul3A_466, %dma_start3A_689] : memref<16400x64xf32, #tpu.memory_space<vmem_shared>> -> memref<1024x64xf32, #tpu.memory_space<vmem_shared>>
    tpu.enqueue_dma source(%dma_start3A_690 : memref<1024x64xf32, #tpu.memory_space<vmem_shared>>) target(%dma_start3A_688 : memref<1024x64xf32, #tpu.memory_space<hbm>>) target_semaphore(%arg15 : memref<!tpu.dma_semaphore, #tpu.memory_space<semaphore_mem>>)
    %mul3A_691 = arith.constant 16384 : i32
    %mul3A_692 = arith.muli %arg0, %mul3A_691 : i32
    %add3A_693 = arith.constant 98304 : i32
    %add3A_694 = arith.addi %add3A_693, %mul3A_692 : i32
    %mul3A_695 = arith.constant 1024 : i32
    %mul3A_696 = arith.muli %arg1, %mul3A_695 : i32
    %scan3A_697 = arith.constant 0 : i32
    %scan3A_698 = arith.constant 0 : i32
    %scan3A_699 = arith.constant 400 : i32
    %scan3A_700 = arith.addi %scan3A_698, %scan3A_699 : i32
    %scan3A_701 = arith.constant 1 : i32
    %scan3A_702 = scf.for %scan3A_925 = %scan3A_698 to %scan3A_700 step %scan3A_701 iter_args(%scan3A_926 = %scan3A_697) -> (i32)  : i32 {
      %mul3A_927 = arith.constant 16 : i32
      %mul3A_928 = arith.muli %scan3A_925, %mul3A_927 : i32
      %get3A = arith.index_cast %mul3A_928 : i32 to index
      %get3A_929 = tpu.vector_load %arg8[%get3A] {strides = array<i32>} : memref<6400xi32, #tpu.memory_space<vmem>>, vector<16xi32>,
      %sub3A_930 = vector.broadcast %add3A_694 : i32 to vector<16xi32>
      %sub3A_931 = arith.subi %get3A_929, %sub3A_930 : vector<16xi32>
      %add3A_932 = arith.addi %mul3A_0, %mul3A_928 : i32
      %add3A_933 = vector.broadcast %add3A_932 : i32 to vector<16xi32>
      %add3A_934 = arith.addi %add3A_933, %iota3A : vector<16xi32>
      %ge3A = arith.constant 0 : i32
      %ge3A_935 = vector.broadcast %ge3A : i32 to vector<16xi32>
      %ge3A_936 = arith.cmpi sge, %sub3A_931, %ge3A_935 : vector<16xi32>
      %lt3A_937 = arith.constant 16384 : i32
      %lt3A_938 = vector.broadcast %lt3A_937 : i32 to vector<16xi32>
      %lt3A_939 = arith.cmpi slt, %sub3A_931, %lt3A_938 : vector<16xi32>
      %and3A = arith.andi %ge3A_936, %lt3A_939 : vector<16xi1>
      %convert_element_type3A_940 = arith.extui %and3A : vector<16xi1> to vector<16xi32>
      %broadcast_in_dim3A_941 = arith.constant true
      %broadcast_in_dim3A_942 = vector.broadcast %broadcast_in_dim3A_941 : i1 to vector<16xi1>
      %masked_cumsum3A = tpu.scan <sum>, %convert_element_type3A_940 masked %broadcast_in_dim3A_942 : vector<16xi32>, vector<16xi1> -> vector<16xi32>
      %add3A_943 = vector.broadcast %scan3A_926 : i32 to vector<16xi32>
      %add3A_944 = arith.addi %add3A_943, %masked_cumsum3A : vector<16xi32>
      %sub3A_945 = arith.constant 1 : i32
      %sub3A_946 = vector.broadcast %sub3A_945 : i32 to vector<16xi32>
      %sub3A_947 = arith.subi %add3A_944, %sub3A_946 : vector<16xi32>
      %shift_right_arithmetic3A_948 = arith.constant 7 : i32
      %shift_right_arithmetic3A_949 = vector.broadcast %shift_right_arithmetic3A_948 : i32 to vector<16xi32>
      %shift_right_arithmetic3A_950 = arith.shrsi %sub3A_947, %shift_right_arithmetic3A_949 : vector<16xi32>
      %and3A_951 = arith.constant 127 : i32
      %and3A_952 = vector.broadcast %and3A_951 : i32 to vector<16xi32>
      %and3A_953 = arith.andi %sub3A_947, %and3A_952 : vector<16xi32>
      tpu.vector_store_idx %arg9[%shift_right_arithmetic3A_950, %and3A_953], %add3A_934 masked %and3A : memref<52x128xi32, #tpu.memory_space<vmem>>[vector<16xi32>, vector<16xi32>], vector<16xi32>, vector<16xi1>
      %shift_right_arithmetic3A_954 = arith.constant 7 : i32
      %shift_right_arithmetic3A_955 = vector.broadcast %shift_right_arithmetic3A_954 : i32 to vector<16xi32>
      %shift_right_arithmetic3A_956 = arith.shrsi %sub3A_947, %shift_right_arithmetic3A_955 : vector<16xi32>
      %and3A_957 = arith.constant 127 : i32
      %and3A_958 = vector.broadcast %and3A_957 : i32 to vector<16xi32>
      %and3A_959 = arith.andi %sub3A_947, %and3A_958 : vector<16xi32>
      tpu.vector_store_idx %arg10[%shift_right_arithmetic3A_956, %and3A_959], %sub3A_931 masked %and3A : memref<52x128xi32, #tpu.memory_space<vmem>>[vector<16xi32>, vector<16xi32>], vector<16xi32>, vector<16xi1>
      %slice3A = vector.extract_strided_slice %sub3A_947 {offsets = [15], sizes = [1], strides = [1]} : vector<16xi32> to vector<1xi32>
      %squeeze3A = vector.extract %slice3A[0] : i32 from vector<1xi32>
      %add3A_960 = arith.constant 1 : i32
      %add3A_961 = arith.addi %squeeze3A, %add3A_960 : i32
      scf.yield %add3A_961 : i32
    }
    %scan3A_703 = arith.constant 400 : i32
    %add3A_704 = arith.constant 128 : i32
    %add3A_705 = arith.addi %scan3A_702, %add3A_704 : i32
    %sub3A_706 = arith.constant 1 : i32
    %sub3A_707 = arith.subi %add3A_705, %sub3A_706 : i32
    %shift_right_arithmetic3A_708 = arith.constant 7 : i32
    %shift_right_arithmetic3A_709 = arith.shrsi %sub3A_707, %shift_right_arithmetic3A_708 : i32
    %shift_right_arithmetic3A_710 = arith.constant 4 : i32
    %shift_right_arithmetic3A_711 = arith.shrsi %scan3A_702, %shift_right_arithmetic3A_710 : i32
    %mul3A_712 = arith.constant 8 : i32
    %mul3A_713 = arith.muli %shift_right_arithmetic3A_709, %mul3A_712 : i32
    %while3A_714 = arith.constant 0 : i32
    %while3A_715 = arith.subi %mul3A_713, %shift_right_arithmetic3A_711 : i32
    %while3A_716 = arith.addi %shift_right_arithmetic3A_711, %while3A_715 : i32
    %while3A_717 = arith.constant 1 : i32
    %while3A_718 = arith.divsi %while3A_715, %while3A_717 : i32
    %while3A_719 = arith.muli %while3A_718, %while3A_717 : i32
    %while3A_720 = arith.addi %shift_right_arithmetic3A_711, %while3A_719 : i32
    %while3A_721 = arith.constant 1 : i32
    scf.for %while3A_925 = %shift_right_arithmetic3A_711 to %while3A_720 step %while3A_721  : i32 {
      %mul3A_926 = arith.constant 16 : i32
      %mul3A_927 = arith.muli %while3A_925, %mul3A_926 : i32
      %add3A_928 = vector.broadcast %mul3A_927 : i32 to vector<16xi32>
      %add3A_929 = arith.addi %add3A_928, %iota3A : vector<16xi32>
      %ge3A = vector.broadcast %scan3A_702 : i32 to vector<16xi32>
      %ge3A_930 = arith.cmpi sge, %add3A_929, %ge3A : vector<16xi32>
      %shift_right_arithmetic3A_931 = arith.constant 7 : i32
      %shift_right_arithmetic3A_932 = vector.broadcast %shift_right_arithmetic3A_931 : i32 to vector<16xi32>
      %shift_right_arithmetic3A_933 = arith.shrsi %add3A_929, %shift_right_arithmetic3A_932 : vector<16xi32>
      %and3A = arith.constant 127 : i32
      %and3A_934 = vector.broadcast %and3A : i32 to vector<16xi32>
      %and3A_935 = arith.andi %add3A_929, %and3A_934 : vector<16xi32>
      %broadcast_in_dim3A_936 = arith.constant 0 : i32
      %broadcast_in_dim3A_937 = vector.broadcast %broadcast_in_dim3A_936 : i32 to vector<16xi32>
      tpu.vector_store_idx %arg9[%shift_right_arithmetic3A_933, %and3A_935], %broadcast_in_dim3A_937 masked %ge3A_930 : memref<52x128xi32, #tpu.memory_space<vmem>>[vector<16xi32>, vector<16xi32>], vector<16xi32>, vector<16xi1>
      %shift_right_arithmetic3A_938 = arith.constant 7 : i32
      %shift_right_arithmetic3A_939 = vector.broadcast %shift_right_arithmetic3A_938 : i32 to vector<16xi32>
      %shift_right_arithmetic3A_940 = arith.shrsi %add3A_929, %shift_right_arithmetic3A_939 : vector<16xi32>
      %and3A_941 = arith.constant 127 : i32
      %and3A_942 = vector.broadcast %and3A_941 : i32 to vector<16xi32>
      %and3A_943 = arith.andi %add3A_929, %and3A_942 : vector<16xi32>
      %broadcast_in_dim3A_944 = arith.constant 16384 : i32
      %broadcast_in_dim3A_945 = vector.broadcast %broadcast_in_dim3A_944 : i32 to vector<16xi32>
      tpu.vector_store_idx %arg10[%shift_right_arithmetic3A_940, %and3A_943], %broadcast_in_dim3A_945 masked %ge3A_930 : memref<52x128xi32, #tpu.memory_space<vmem>>[vector<16xi32>, vector<16xi32>], vector<16xi32>, vector<16xi1>
    }
    %while3A_722 = arith.constant 1 : i32
    scf.for %while3A_925 = %while3A_720 to %while3A_716 step %while3A_722  : i32 {
      %mul3A_926 = arith.constant 16 : i32
      %mul3A_927 = arith.muli %while3A_925, %mul3A_926 : i32
      %add3A_928 = vector.broadcast %mul3A_927 : i32 to vector<16xi32>
      %add3A_929 = arith.addi %add3A_928, %iota3A : vector<16xi32>
      %ge3A = vector.broadcast %scan3A_702 : i32 to vector<16xi32>
      %ge3A_930 = arith.cmpi sge, %add3A_929, %ge3A : vector<16xi32>
      %shift_right_arithmetic3A_931 = arith.constant 7 : i32
      %shift_right_arithmetic3A_932 = vector.broadcast %shift_right_arithmetic3A_931 : i32 to vector<16xi32>
      %shift_right_arithmetic3A_933 = arith.shrsi %add3A_929, %shift_right_arithmetic3A_932 : vector<16xi32>
      %and3A = arith.constant 127 : i32
      %and3A_934 = vector.broadcast %and3A : i32 to vector<16xi32>
      %and3A_935 = arith.andi %add3A_929, %and3A_934 : vector<16xi32>
      %broadcast_in_dim3A_936 = arith.constant 0 : i32
      %broadcast_in_dim3A_937 = vector.broadcast %broadcast_in_dim3A_936 : i32 to vector<16xi32>
      tpu.vector_store_idx %arg9[%shift_right_arithmetic3A_933, %and3A_935], %broadcast_in_dim3A_937 masked %ge3A_930 : memref<52x128xi32, #tpu.memory_space<vmem>>[vector<16xi32>, vector<16xi32>], vector<16xi32>, vector<16xi1>
      %shift_right_arithmetic3A_938 = arith.constant 7 : i32
      %shift_right_arithmetic3A_939 = vector.broadcast %shift_right_arithmetic3A_938 : i32 to vector<16xi32>
      %shift_right_arithmetic3A_940 = arith.shrsi %add3A_929, %shift_right_arithmetic3A_939 : vector<16xi32>
      %and3A_941 = arith.constant 127 : i32
      %and3A_942 = vector.broadcast %and3A_941 : i32 to vector<16xi32>
      %and3A_943 = arith.andi %add3A_929, %and3A_942 : vector<16xi32>
      %broadcast_in_dim3A_944 = arith.constant 16384 : i32
      %broadcast_in_dim3A_945 = vector.broadcast %broadcast_in_dim3A_944 : i32 to vector<16xi32>
      tpu.vector_store_idx %arg10[%shift_right_arithmetic3A_940, %and3A_943], %broadcast_in_dim3A_945 masked %ge3A_930 : memref<52x128xi32, #tpu.memory_space<vmem>>[vector<16xi32>, vector<16xi32>], vector<16xi32>, vector<16xi1>
    }
    %dma_wait3A_723 = arith.constant 0 : i32
    %dma_wait3A_724 = tpu.memref_slice %arg5[%add3A_686, %dma_wait3A_723] : memref<131072x64xf32, #tpu.memory_space<hbm>> -> memref<1024x64xf32, #tpu.memory_space<hbm>>
    %dma_wait3A_725 = arith.constant 0 : i32
    %dma_wait3A_726 = tpu.memref_slice %arg13[%mul3A_466, %dma_wait3A_725] : memref<16400x64xf32, #tpu.memory_space<vmem_shared>> -> memref<1024x64xf32, #tpu.memory_space<vmem_shared>>
    tpu.wait_dma2 semaphore(%arg15 : memref<!tpu.dma_semaphore, #tpu.memory_space<semaphore_mem>>) src(%dma_wait3A_726 : memref<1024x64xf32, #tpu.memory_space<vmem_shared>>) dst(%dma_wait3A_724 : memref<1024x64xf32, #tpu.memory_space<hbm>>)
    %add3A_727 = arith.constant 0 : i32
    %add3A_728 = arith.addi %mul3A_696, %add3A_727 : i32
    %dma_start3A_729 = arith.constant 0 : i32
    %dma_start3A_730 = tpu.memref_slice %arg13[%add3A_728, %dma_start3A_729] : memref<16400x64xf32, #tpu.memory_space<vmem_shared>> -> memref<64x64xf32, #tpu.memory_space<vmem_shared>>
    %dma_start3A_731 = arith.constant 0 : i32
    %dma_start3A_732 = tpu.memref_slice %arg13[%add3A_728, %dma_start3A_731] : memref<16400x64xf32, #tpu.memory_space<vmem_shared>> -> memref<64x64xf32, #tpu.memory_space<vmem_shared>>
    tpu.enqueue_dma source(%arg12 : memref<64x64xf32, #tpu.memory_space<vmem>>) target(%dma_start3A_732 : memref<64x64xf32, #tpu.memory_space<vmem_shared>>) target_semaphore(%arg14 : memref<!tpu.dma_semaphore, #tpu.memory_space<semaphore_mem>>)
    %add3A_733 = arith.constant 64 : i32
    %add3A_734 = arith.addi %mul3A_696, %add3A_733 : i32
    %dma_start3A_735 = arith.constant 0 : i32
    %dma_start3A_736 = tpu.memref_slice %arg13[%add3A_734, %dma_start3A_735] : memref<16400x64xf32, #tpu.memory_space<vmem_shared>> -> memref<64x64xf32, #tpu.memory_space<vmem_shared>>
    %dma_start3A_737 = arith.constant 0 : i32
    %dma_start3A_738 = tpu.memref_slice %arg13[%add3A_734, %dma_start3A_737] : memref<16400x64xf32, #tpu.memory_space<vmem_shared>> -> memref<64x64xf32, #tpu.memory_space<vmem_shared>>
    tpu.enqueue_dma source(%arg12 : memref<64x64xf32, #tpu.memory_space<vmem>>) target(%dma_start3A_738 : memref<64x64xf32, #tpu.memory_space<vmem_shared>>) target_semaphore(%arg14 : memref<!tpu.dma_semaphore, #tpu.memory_space<semaphore_mem>>)
    %add3A_739 = arith.constant 128 : i32
    %add3A_740 = arith.addi %mul3A_696, %add3A_739 : i32
    %dma_start3A_741 = arith.constant 0 : i32
    %dma_start3A_742 = tpu.memref_slice %arg13[%add3A_740, %dma_start3A_741] : memref<16400x64xf32, #tpu.memory_space<vmem_shared>> -> memref<64x64xf32, #tpu.memory_space<vmem_shared>>
    %dma_start3A_743 = arith.constant 0 : i32
    %dma_start3A_744 = tpu.memref_slice %arg13[%add3A_740, %dma_start3A_743] : memref<16400x64xf32, #tpu.memory_space<vmem_shared>> -> memref<64x64xf32, #tpu.memory_space<vmem_shared>>
    tpu.enqueue_dma source(%arg12 : memref<64x64xf32, #tpu.memory_space<vmem>>) target(%dma_start3A_744 : memref<64x64xf32, #tpu.memory_space<vmem_shared>>) target_semaphore(%arg14 : memref<!tpu.dma_semaphore, #tpu.memory_space<semaphore_mem>>)
    %add3A_745 = arith.constant 192 : i32
    %add3A_746 = arith.addi %mul3A_696, %add3A_745 : i32
    %dma_start3A_747 = arith.constant 0 : i32
    %dma_start3A_748 = tpu.memref_slice %arg13[%add3A_746, %dma_start3A_747] : memref<16400x64xf32, #tpu.memory_space<vmem_shared>> -> memref<64x64xf32, #tpu.memory_space<vmem_shared>>
    %dma_start3A_749 = arith.constant 0 : i32
    %dma_start3A_750 = tpu.memref_slice %arg13[%add3A_746, %dma_start3A_749] : memref<16400x64xf32, #tpu.memory_space<vmem_shared>> -> memref<64x64xf32, #tpu.memory_space<vmem_shared>>
    tpu.enqueue_dma source(%arg12 : memref<64x64xf32, #tpu.memory_space<vmem>>) target(%dma_start3A_750 : memref<64x64xf32, #tpu.memory_space<vmem_shared>>) target_semaphore(%arg14 : memref<!tpu.dma_semaphore, #tpu.memory_space<semaphore_mem>>)
    %add3A_751 = arith.constant 256 : i32
    %add3A_752 = arith.addi %mul3A_696, %add3A_751 : i32
    %dma_start3A_753 = arith.constant 0 : i32
    %dma_start3A_754 = tpu.memref_slice %arg13[%add3A_752, %dma_start3A_753] : memref<16400x64xf32, #tpu.memory_space<vmem_shared>> -> memref<64x64xf32, #tpu.memory_space<vmem_shared>>
    %dma_start3A_755 = arith.constant 0 : i32
    %dma_start3A_756 = tpu.memref_slice %arg13[%add3A_752, %dma_start3A_755] : memref<16400x64xf32, #tpu.memory_space<vmem_shared>> -> memref<64x64xf32, #tpu.memory_space<vmem_shared>>
    tpu.enqueue_dma source(%arg12 : memref<64x64xf32, #tpu.memory_space<vmem>>) target(%dma_start3A_756 : memref<64x64xf32, #tpu.memory_space<vmem_shared>>) target_semaphore(%arg14 : memref<!tpu.dma_semaphore, #tpu.memory_space<semaphore_mem>>)
    %add3A_757 = arith.constant 320 : i32
    %add3A_758 = arith.addi %mul3A_696, %add3A_757 : i32
    %dma_start3A_759 = arith.constant 0 : i32
    %dma_start3A_760 = tpu.memref_slice %arg13[%add3A_758, %dma_start3A_759] : memref<16400x64xf32, #tpu.memory_space<vmem_shared>> -> memref<64x64xf32, #tpu.memory_space<vmem_shared>>
    %dma_start3A_761 = arith.constant 0 : i32
    %dma_start3A_762 = tpu.memref_slice %arg13[%add3A_758, %dma_start3A_761] : memref<16400x64xf32, #tpu.memory_space<vmem_shared>> -> memref<64x64xf32, #tpu.memory_space<vmem_shared>>
    tpu.enqueue_dma source(%arg12 : memref<64x64xf32, #tpu.memory_space<vmem>>) target(%dma_start3A_762 : memref<64x64xf32, #tpu.memory_space<vmem_shared>>) target_semaphore(%arg14 : memref<!tpu.dma_semaphore, #tpu.memory_space<semaphore_mem>>)
    %add3A_763 = arith.constant 384 : i32
    %add3A_764 = arith.addi %mul3A_696, %add3A_763 : i32
    %dma_start3A_765 = arith.constant 0 : i32
    %dma_start3A_766 = tpu.memref_slice %arg13[%add3A_764, %dma_start3A_765] : memref<16400x64xf32, #tpu.memory_space<vmem_shared>> -> memref<64x64xf32, #tpu.memory_space<vmem_shared>>
    %dma_start3A_767 = arith.constant 0 : i32
    %dma_start3A_768 = tpu.memref_slice %arg13[%add3A_764, %dma_start3A_767] : memref<16400x64xf32, #tpu.memory_space<vmem_shared>> -> memref<64x64xf32, #tpu.memory_space<vmem_shared>>
    tpu.enqueue_dma source(%arg12 : memref<64x64xf32, #tpu.memory_space<vmem>>) target(%dma_start3A_768 : memref<64x64xf32, #tpu.memory_space<vmem_shared>>) target_semaphore(%arg14 : memref<!tpu.dma_semaphore, #tpu.memory_space<semaphore_mem>>)
    %add3A_769 = arith.constant 448 : i32
    %add3A_770 = arith.addi %mul3A_696, %add3A_769 : i32
    %dma_start3A_771 = arith.constant 0 : i32
    %dma_start3A_772 = tpu.memref_slice %arg13[%add3A_770, %dma_start3A_771] : memref<16400x64xf32, #tpu.memory_space<vmem_shared>> -> memref<64x64xf32, #tpu.memory_space<vmem_shared>>
    %dma_start3A_773 = arith.constant 0 : i32
    %dma_start3A_774 = tpu.memref_slice %arg13[%add3A_770, %dma_start3A_773] : memref<16400x64xf32, #tpu.memory_space<vmem_shared>> -> memref<64x64xf32, #tpu.memory_space<vmem_shared>>
    tpu.enqueue_dma source(%arg12 : memref<64x64xf32, #tpu.memory_space<vmem>>) target(%dma_start3A_774 : memref<64x64xf32, #tpu.memory_space<vmem_shared>>) target_semaphore(%arg14 : memref<!tpu.dma_semaphore, #tpu.memory_space<semaphore_mem>>)
    %add3A_775 = arith.constant 512 : i32
    %add3A_776 = arith.addi %mul3A_696, %add3A_775 : i32
    %dma_start3A_777 = arith.constant 0 : i32
    %dma_start3A_778 = tpu.memref_slice %arg13[%add3A_776, %dma_start3A_777] : memref<16400x64xf32, #tpu.memory_space<vmem_shared>> -> memref<64x64xf32, #tpu.memory_space<vmem_shared>>
    %dma_start3A_779 = arith.constant 0 : i32
    %dma_start3A_780 = tpu.memref_slice %arg13[%add3A_776, %dma_start3A_779] : memref<16400x64xf32, #tpu.memory_space<vmem_shared>> -> memref<64x64xf32, #tpu.memory_space<vmem_shared>>
    tpu.enqueue_dma source(%arg12 : memref<64x64xf32, #tpu.memory_space<vmem>>) target(%dma_start3A_780 : memref<64x64xf32, #tpu.memory_space<vmem_shared>>) target_semaphore(%arg14 : memref<!tpu.dma_semaphore, #tpu.memory_space<semaphore_mem>>)
    %add3A_781 = arith.constant 576 : i32
    %add3A_782 = arith.addi %mul3A_696, %add3A_781 : i32
    %dma_start3A_783 = arith.constant 0 : i32
    %dma_start3A_784 = tpu.memref_slice %arg13[%add3A_782, %dma_start3A_783] : memref<16400x64xf32, #tpu.memory_space<vmem_shared>> -> memref<64x64xf32, #tpu.memory_space<vmem_shared>>
    %dma_start3A_785 = arith.constant 0 : i32
    %dma_start3A_786 = tpu.memref_slice %arg13[%add3A_782, %dma_start3A_785] : memref<16400x64xf32, #tpu.memory_space<vmem_shared>> -> memref<64x64xf32, #tpu.memory_space<vmem_shared>>
    tpu.enqueue_dma source(%arg12 : memref<64x64xf32, #tpu.memory_space<vmem>>) target(%dma_start3A_786 : memref<64x64xf32, #tpu.memory_space<vmem_shared>>) target_semaphore(%arg14 : memref<!tpu.dma_semaphore, #tpu.memory_space<semaphore_mem>>)
    %add3A_787 = arith.constant 640 : i32
    %add3A_788 = arith.addi %mul3A_696, %add3A_787 : i32
    %dma_start3A_789 = arith.constant 0 : i32
    %dma_start3A_790 = tpu.memref_slice %arg13[%add3A_788, %dma_start3A_789] : memref<16400x64xf32, #tpu.memory_space<vmem_shared>> -> memref<64x64xf32, #tpu.memory_space<vmem_shared>>
    %dma_start3A_791 = arith.constant 0 : i32
    %dma_start3A_792 = tpu.memref_slice %arg13[%add3A_788, %dma_start3A_791] : memref<16400x64xf32, #tpu.memory_space<vmem_shared>> -> memref<64x64xf32, #tpu.memory_space<vmem_shared>>
    tpu.enqueue_dma source(%arg12 : memref<64x64xf32, #tpu.memory_space<vmem>>) target(%dma_start3A_792 : memref<64x64xf32, #tpu.memory_space<vmem_shared>>) target_semaphore(%arg14 : memref<!tpu.dma_semaphore, #tpu.memory_space<semaphore_mem>>)
    %add3A_793 = arith.constant 704 : i32
    %add3A_794 = arith.addi %mul3A_696, %add3A_793 : i32
    %dma_start3A_795 = arith.constant 0 : i32
    %dma_start3A_796 = tpu.memref_slice %arg13[%add3A_794, %dma_start3A_795] : memref<16400x64xf32, #tpu.memory_space<vmem_shared>> -> memref<64x64xf32, #tpu.memory_space<vmem_shared>>
    %dma_start3A_797 = arith.constant 0 : i32
    %dma_start3A_798 = tpu.memref_slice %arg13[%add3A_794, %dma_start3A_797] : memref<16400x64xf32, #tpu.memory_space<vmem_shared>> -> memref<64x64xf32, #tpu.memory_space<vmem_shared>>
    tpu.enqueue_dma source(%arg12 : memref<64x64xf32, #tpu.memory_space<vmem>>) target(%dma_start3A_798 : memref<64x64xf32, #tpu.memory_space<vmem_shared>>) target_semaphore(%arg14 : memref<!tpu.dma_semaphore, #tpu.memory_space<semaphore_mem>>)
    %add3A_799 = arith.constant 768 : i32
    %add3A_800 = arith.addi %mul3A_696, %add3A_799 : i32
    %dma_start3A_801 = arith.constant 0 : i32
    %dma_start3A_802 = tpu.memref_slice %arg13[%add3A_800, %dma_start3A_801] : memref<16400x64xf32, #tpu.memory_space<vmem_shared>> -> memref<64x64xf32, #tpu.memory_space<vmem_shared>>
    %dma_start3A_803 = arith.constant 0 : i32
    %dma_start3A_804 = tpu.memref_slice %arg13[%add3A_800, %dma_start3A_803] : memref<16400x64xf32, #tpu.memory_space<vmem_shared>> -> memref<64x64xf32, #tpu.memory_space<vmem_shared>>
    tpu.enqueue_dma source(%arg12 : memref<64x64xf32, #tpu.memory_space<vmem>>) target(%dma_start3A_804 : memref<64x64xf32, #tpu.memory_space<vmem_shared>>) target_semaphore(%arg14 : memref<!tpu.dma_semaphore, #tpu.memory_space<semaphore_mem>>)
    %add3A_805 = arith.constant 832 : i32
    %add3A_806 = arith.addi %mul3A_696, %add3A_805 : i32
    %dma_start3A_807 = arith.constant 0 : i32
    %dma_start3A_808 = tpu.memref_slice %arg13[%add3A_806, %dma_start3A_807] : memref<16400x64xf32, #tpu.memory_space<vmem_shared>> -> memref<64x64xf32, #tpu.memory_space<vmem_shared>>
    %dma_start3A_809 = arith.constant 0 : i32
    %dma_start3A_810 = tpu.memref_slice %arg13[%add3A_806, %dma_start3A_809] : memref<16400x64xf32, #tpu.memory_space<vmem_shared>> -> memref<64x64xf32, #tpu.memory_space<vmem_shared>>
    tpu.enqueue_dma source(%arg12 : memref<64x64xf32, #tpu.memory_space<vmem>>) target(%dma_start3A_810 : memref<64x64xf32, #tpu.memory_space<vmem_shared>>) target_semaphore(%arg14 : memref<!tpu.dma_semaphore, #tpu.memory_space<semaphore_mem>>)
    %add3A_811 = arith.constant 896 : i32
    %add3A_812 = arith.addi %mul3A_696, %add3A_811 : i32
    %dma_start3A_813 = arith.constant 0 : i32
    %dma_start3A_814 = tpu.memref_slice %arg13[%add3A_812, %dma_start3A_813] : memref<16400x64xf32, #tpu.memory_space<vmem_shared>> -> memref<64x64xf32, #tpu.memory_space<vmem_shared>>
    %dma_start3A_815 = arith.constant 0 : i32
    %dma_start3A_816 = tpu.memref_slice %arg13[%add3A_812, %dma_start3A_815] : memref<16400x64xf32, #tpu.memory_space<vmem_shared>> -> memref<64x64xf32, #tpu.memory_space<vmem_shared>>
    tpu.enqueue_dma source(%arg12 : memref<64x64xf32, #tpu.memory_space<vmem>>) target(%dma_start3A_816 : memref<64x64xf32, #tpu.memory_space<vmem_shared>>) target_semaphore(%arg14 : memref<!tpu.dma_semaphore, #tpu.memory_space<semaphore_mem>>)
    %add3A_817 = arith.constant 960 : i32
    %add3A_818 = arith.addi %mul3A_696, %add3A_817 : i32
    %dma_start3A_819 = arith.constant 0 : i32
    %dma_start3A_820 = tpu.memref_slice %arg13[%add3A_818, %dma_start3A_819] : memref<16400x64xf32, #tpu.memory_space<vmem_shared>> -> memref<64x64xf32, #tpu.memory_space<vmem_shared>>
    %dma_start3A_821 = arith.constant 0 : i32
    %dma_start3A_822 = tpu.memref_slice %arg13[%add3A_818, %dma_start3A_821] : memref<16400x64xf32, #tpu.memory_space<vmem_shared>> -> memref<64x64xf32, #tpu.memory_space<vmem_shared>>
    tpu.enqueue_dma source(%arg12 : memref<64x64xf32, #tpu.memory_space<vmem>>) target(%dma_start3A_822 : memref<64x64xf32, #tpu.memory_space<vmem_shared>>) target_semaphore(%arg14 : memref<!tpu.dma_semaphore, #tpu.memory_space<semaphore_mem>>)
    %eq3A_823 = arith.constant 0 : i32
    %eq3A_824 = arith.cmpi eq, %arg1, %eq3A_823 : i32
    %convert_element_type3A_825 = arith.extui %eq3A_824 : i1 to i32
    %cond3A_826 = arith.constant 0 : i32
    %cond3A_827 = arith.cmpi ne, %convert_element_type3A_825, %cond3A_826 : i32
    scf.if %cond3A_827 {
      "tpu.region"() ({
        %run_scoped3A = tpu.sem_alloc : memref<!tpu.dma_semaphore, #tpu.memory_space<semaphore_mem>>
        %dma_start3A_925 = arith.constant 0 : i32
        %dma_start3A_926 = arith.constant 0 : i32
        %dma_start3A_927 = tpu.memref_slice %arg12[%dma_start3A_925, %dma_start3A_926] : memref<64x64xf32, #tpu.memory_space<vmem>> -> memref<16x64xf32, #tpu.memory_space<vmem>>
        %dma_start3A_928 = arith.constant 16384 : i32
        %dma_start3A_929 = arith.constant 0 : i32
        %dma_start3A_930 = tpu.memref_slice %arg13[%dma_start3A_928, %dma_start3A_929] : memref<16400x64xf32, #tpu.memory_space<vmem_shared>> -> memref<16x64xf32, #tpu.memory_space<vmem_shared>>
        %dma_start3A_931 = arith.constant 16384 : i32
        %dma_start3A_932 = arith.constant 0 : i32
        %dma_start3A_933 = tpu.memref_slice %arg13[%dma_start3A_931, %dma_start3A_932] : memref<16400x64xf32, #tpu.memory_space<vmem_shared>> -> memref<16x64xf32, #tpu.memory_space<vmem_shared>>
        %dma_start3A_934 = arith.constant 0 : i32
        %dma_start3A_935 = arith.constant 0 : i32
        %dma_start3A_936 = tpu.memref_slice %arg12[%dma_start3A_934, %dma_start3A_935] : memref<64x64xf32, #tpu.memory_space<vmem>> -> memref<16x64xf32, #tpu.memory_space<vmem>>
        tpu.enqueue_dma source(%dma_start3A_936 : memref<16x64xf32, #tpu.memory_space<vmem>>) target(%dma_start3A_933 : memref<16x64xf32, #tpu.memory_space<vmem_shared>>) target_semaphore(%run_scoped3A : memref<!tpu.dma_semaphore, #tpu.memory_space<semaphore_mem>>)
        %dma_wait3A_937 = arith.constant 0 : i32
        %dma_wait3A_938 = arith.constant 0 : i32
        %dma_wait3A_939 = tpu.memref_slice %arg12[%dma_wait3A_937, %dma_wait3A_938] : memref<64x64xf32, #tpu.memory_space<vmem>> -> memref<16x64xf32, #tpu.memory_space<vmem>>
        %dma_wait3A_940 = arith.constant 16384 : i32
        %dma_wait3A_941 = arith.constant 0 : i32
        %dma_wait3A_942 = tpu.memref_slice %arg13[%dma_wait3A_940, %dma_wait3A_941] : memref<16400x64xf32, #tpu.memory_space<vmem_shared>> -> memref<16x64xf32, #tpu.memory_space<vmem_shared>>
        %dma_wait3A_943 = arith.constant 16384 : i32
        %dma_wait3A_944 = arith.constant 0 : i32
        %dma_wait3A_945 = tpu.memref_slice %arg13[%dma_wait3A_943, %dma_wait3A_944] : memref<16400x64xf32, #tpu.memory_space<vmem_shared>> -> memref<16x64xf32, #tpu.memory_space<vmem_shared>>
        %dma_wait3A_946 = arith.constant 0 : i32
        %dma_wait3A_947 = arith.constant 0 : i32
        %dma_wait3A_948 = tpu.memref_slice %arg12[%dma_wait3A_946, %dma_wait3A_947] : memref<64x64xf32, #tpu.memory_space<vmem>> -> memref<16x64xf32, #tpu.memory_space<vmem>>
        tpu.wait_dma2 semaphore(%run_scoped3A : memref<!tpu.dma_semaphore, #tpu.memory_space<semaphore_mem>>) src(%dma_wait3A_948 : memref<16x64xf32, #tpu.memory_space<vmem>>) dst(%dma_wait3A_945 : memref<16x64xf32, #tpu.memory_space<vmem_shared>>)
        tpu.yield
      }) : () -> ()
    } else {
    }
    %dma_wait3A_828 = arith.constant 0 : i32
    %dma_wait3A_829 = tpu.memref_slice %arg13[%add3A_728, %dma_wait3A_828] : memref<16400x64xf32, #tpu.memory_space<vmem_shared>> -> memref<64x64xf32, #tpu.memory_space<vmem_shared>>
    %dma_wait3A_830 = arith.constant 0 : i32
    %dma_wait3A_831 = tpu.memref_slice %arg13[%add3A_728, %dma_wait3A_830] : memref<16400x64xf32, #tpu.memory_space<vmem_shared>> -> memref<64x64xf32, #tpu.memory_space<vmem_shared>>
    tpu.wait_dma2 semaphore(%arg14 : memref<!tpu.dma_semaphore, #tpu.memory_space<semaphore_mem>>) src(%arg12 : memref<64x64xf32, #tpu.memory_space<vmem>>) dst(%dma_wait3A_831 : memref<64x64xf32, #tpu.memory_space<vmem_shared>>)
    %dma_wait3A_832 = arith.constant 0 : i32
    %dma_wait3A_833 = tpu.memref_slice %arg13[%add3A_734, %dma_wait3A_832] : memref<16400x64xf32, #tpu.memory_space<vmem_shared>> -> memref<64x64xf32, #tpu.memory_space<vmem_shared>>
    %dma_wait3A_834 = arith.constant 0 : i32
    %dma_wait3A_835 = tpu.memref_slice %arg13[%add3A_734, %dma_wait3A_834] : memref<16400x64xf32, #tpu.memory_space<vmem_shared>> -> memref<64x64xf32, #tpu.memory_space<vmem_shared>>
    tpu.wait_dma2 semaphore(%arg14 : memref<!tpu.dma_semaphore, #tpu.memory_space<semaphore_mem>>) src(%arg12 : memref<64x64xf32, #tpu.memory_space<vmem>>) dst(%dma_wait3A_835 : memref<64x64xf32, #tpu.memory_space<vmem_shared>>)
    %dma_wait3A_836 = arith.constant 0 : i32
    %dma_wait3A_837 = tpu.memref_slice %arg13[%add3A_740, %dma_wait3A_836] : memref<16400x64xf32, #tpu.memory_space<vmem_shared>> -> memref<64x64xf32, #tpu.memory_space<vmem_shared>>
    %dma_wait3A_838 = arith.constant 0 : i32
    %dma_wait3A_839 = tpu.memref_slice %arg13[%add3A_740, %dma_wait3A_838] : memref<16400x64xf32, #tpu.memory_space<vmem_shared>> -> memref<64x64xf32, #tpu.memory_space<vmem_shared>>
    tpu.wait_dma2 semaphore(%arg14 : memref<!tpu.dma_semaphore, #tpu.memory_space<semaphore_mem>>) src(%arg12 : memref<64x64xf32, #tpu.memory_space<vmem>>) dst(%dma_wait3A_839 : memref<64x64xf32, #tpu.memory_space<vmem_shared>>)
    %dma_wait3A_840 = arith.constant 0 : i32
    %dma_wait3A_841 = tpu.memref_slice %arg13[%add3A_746, %dma_wait3A_840] : memref<16400x64xf32, #tpu.memory_space<vmem_shared>> -> memref<64x64xf32, #tpu.memory_space<vmem_shared>>
    %dma_wait3A_842 = arith.constant 0 : i32
    %dma_wait3A_843 = tpu.memref_slice %arg13[%add3A_746, %dma_wait3A_842] : memref<16400x64xf32, #tpu.memory_space<vmem_shared>> -> memref<64x64xf32, #tpu.memory_space<vmem_shared>>
    tpu.wait_dma2 semaphore(%arg14 : memref<!tpu.dma_semaphore, #tpu.memory_space<semaphore_mem>>) src(%arg12 : memref<64x64xf32, #tpu.memory_space<vmem>>) dst(%dma_wait3A_843 : memref<64x64xf32, #tpu.memory_space<vmem_shared>>)
    %dma_wait3A_844 = arith.constant 0 : i32
    %dma_wait3A_845 = tpu.memref_slice %arg13[%add3A_752, %dma_wait3A_844] : memref<16400x64xf32, #tpu.memory_space<vmem_shared>> -> memref<64x64xf32, #tpu.memory_space<vmem_shared>>
    %dma_wait3A_846 = arith.constant 0 : i32
    %dma_wait3A_847 = tpu.memref_slice %arg13[%add3A_752, %dma_wait3A_846] : memref<16400x64xf32, #tpu.memory_space<vmem_shared>> -> memref<64x64xf32, #tpu.memory_space<vmem_shared>>
    tpu.wait_dma2 semaphore(%arg14 : memref<!tpu.dma_semaphore, #tpu.memory_space<semaphore_mem>>) src(%arg12 : memref<64x64xf32, #tpu.memory_space<vmem>>) dst(%dma_wait3A_847 : memref<64x64xf32, #tpu.memory_space<vmem_shared>>)
    %dma_wait3A_848 = arith.constant 0 : i32
    %dma_wait3A_849 = tpu.memref_slice %arg13[%add3A_758, %dma_wait3A_848] : memref<16400x64xf32, #tpu.memory_space<vmem_shared>> -> memref<64x64xf32, #tpu.memory_space<vmem_shared>>
    %dma_wait3A_850 = arith.constant 0 : i32
    %dma_wait3A_851 = tpu.memref_slice %arg13[%add3A_758, %dma_wait3A_850] : memref<16400x64xf32, #tpu.memory_space<vmem_shared>> -> memref<64x64xf32, #tpu.memory_space<vmem_shared>>
    tpu.wait_dma2 semaphore(%arg14 : memref<!tpu.dma_semaphore, #tpu.memory_space<semaphore_mem>>) src(%arg12 : memref<64x64xf32, #tpu.memory_space<vmem>>) dst(%dma_wait3A_851 : memref<64x64xf32, #tpu.memory_space<vmem_shared>>)
    %dma_wait3A_852 = arith.constant 0 : i32
    %dma_wait3A_853 = tpu.memref_slice %arg13[%add3A_764, %dma_wait3A_852] : memref<16400x64xf32, #tpu.memory_space<vmem_shared>> -> memref<64x64xf32, #tpu.memory_space<vmem_shared>>
    %dma_wait3A_854 = arith.constant 0 : i32
    %dma_wait3A_855 = tpu.memref_slice %arg13[%add3A_764, %dma_wait3A_854] : memref<16400x64xf32, #tpu.memory_space<vmem_shared>> -> memref<64x64xf32, #tpu.memory_space<vmem_shared>>
    tpu.wait_dma2 semaphore(%arg14 : memref<!tpu.dma_semaphore, #tpu.memory_space<semaphore_mem>>) src(%arg12 : memref<64x64xf32, #tpu.memory_space<vmem>>) dst(%dma_wait3A_855 : memref<64x64xf32, #tpu.memory_space<vmem_shared>>)
    %dma_wait3A_856 = arith.constant 0 : i32
    %dma_wait3A_857 = tpu.memref_slice %arg13[%add3A_770, %dma_wait3A_856] : memref<16400x64xf32, #tpu.memory_space<vmem_shared>> -> memref<64x64xf32, #tpu.memory_space<vmem_shared>>
    %dma_wait3A_858 = arith.constant 0 : i32
    %dma_wait3A_859 = tpu.memref_slice %arg13[%add3A_770, %dma_wait3A_858] : memref<16400x64xf32, #tpu.memory_space<vmem_shared>> -> memref<64x64xf32, #tpu.memory_space<vmem_shared>>
    tpu.wait_dma2 semaphore(%arg14 : memref<!tpu.dma_semaphore, #tpu.memory_space<semaphore_mem>>) src(%arg12 : memref<64x64xf32, #tpu.memory_space<vmem>>) dst(%dma_wait3A_859 : memref<64x64xf32, #tpu.memory_space<vmem_shared>>)
    %dma_wait3A_860 = arith.constant 0 : i32
    %dma_wait3A_861 = tpu.memref_slice %arg13[%add3A_776, %dma_wait3A_860] : memref<16400x64xf32, #tpu.memory_space<vmem_shared>> -> memref<64x64xf32, #tpu.memory_space<vmem_shared>>
    %dma_wait3A_862 = arith.constant 0 : i32
    %dma_wait3A_863 = tpu.memref_slice %arg13[%add3A_776, %dma_wait3A_862] : memref<16400x64xf32, #tpu.memory_space<vmem_shared>> -> memref<64x64xf32, #tpu.memory_space<vmem_shared>>
    tpu.wait_dma2 semaphore(%arg14 : memref<!tpu.dma_semaphore, #tpu.memory_space<semaphore_mem>>) src(%arg12 : memref<64x64xf32, #tpu.memory_space<vmem>>) dst(%dma_wait3A_863 : memref<64x64xf32, #tpu.memory_space<vmem_shared>>)
    %dma_wait3A_864 = arith.constant 0 : i32
    %dma_wait3A_865 = tpu.memref_slice %arg13[%add3A_782, %dma_wait3A_864] : memref<16400x64xf32, #tpu.memory_space<vmem_shared>> -> memref<64x64xf32, #tpu.memory_space<vmem_shared>>
    %dma_wait3A_866 = arith.constant 0 : i32
    %dma_wait3A_867 = tpu.memref_slice %arg13[%add3A_782, %dma_wait3A_866] : memref<16400x64xf32, #tpu.memory_space<vmem_shared>> -> memref<64x64xf32, #tpu.memory_space<vmem_shared>>
    tpu.wait_dma2 semaphore(%arg14 : memref<!tpu.dma_semaphore, #tpu.memory_space<semaphore_mem>>) src(%arg12 : memref<64x64xf32, #tpu.memory_space<vmem>>) dst(%dma_wait3A_867 : memref<64x64xf32, #tpu.memory_space<vmem_shared>>)
    %dma_wait3A_868 = arith.constant 0 : i32
    %dma_wait3A_869 = tpu.memref_slice %arg13[%add3A_788, %dma_wait3A_868] : memref<16400x64xf32, #tpu.memory_space<vmem_shared>> -> memref<64x64xf32, #tpu.memory_space<vmem_shared>>
    %dma_wait3A_870 = arith.constant 0 : i32
    %dma_wait3A_871 = tpu.memref_slice %arg13[%add3A_788, %dma_wait3A_870] : memref<16400x64xf32, #tpu.memory_space<vmem_shared>> -> memref<64x64xf32, #tpu.memory_space<vmem_shared>>
    tpu.wait_dma2 semaphore(%arg14 : memref<!tpu.dma_semaphore, #tpu.memory_space<semaphore_mem>>) src(%arg12 : memref<64x64xf32, #tpu.memory_space<vmem>>) dst(%dma_wait3A_871 : memref<64x64xf32, #tpu.memory_space<vmem_shared>>)
    %dma_wait3A_872 = arith.constant 0 : i32
    %dma_wait3A_873 = tpu.memref_slice %arg13[%add3A_794, %dma_wait3A_872] : memref<16400x64xf32, #tpu.memory_space<vmem_shared>> -> memref<64x64xf32, #tpu.memory_space<vmem_shared>>
    %dma_wait3A_874 = arith.constant 0 : i32
    %dma_wait3A_875 = tpu.memref_slice %arg13[%add3A_794, %dma_wait3A_874] : memref<16400x64xf32, #tpu.memory_space<vmem_shared>> -> memref<64x64xf32, #tpu.memory_space<vmem_shared>>
    tpu.wait_dma2 semaphore(%arg14 : memref<!tpu.dma_semaphore, #tpu.memory_space<semaphore_mem>>) src(%arg12 : memref<64x64xf32, #tpu.memory_space<vmem>>) dst(%dma_wait3A_875 : memref<64x64xf32, #tpu.memory_space<vmem_shared>>)
    %dma_wait3A_876 = arith.constant 0 : i32
    %dma_wait3A_877 = tpu.memref_slice %arg13[%add3A_800, %dma_wait3A_876] : memref<16400x64xf32, #tpu.memory_space<vmem_shared>> -> memref<64x64xf32, #tpu.memory_space<vmem_shared>>
    %dma_wait3A_878 = arith.constant 0 : i32
    %dma_wait3A_879 = tpu.memref_slice %arg13[%add3A_800, %dma_wait3A_878] : memref<16400x64xf32, #tpu.memory_space<vmem_shared>> -> memref<64x64xf32, #tpu.memory_space<vmem_shared>>
    tpu.wait_dma2 semaphore(%arg14 : memref<!tpu.dma_semaphore, #tpu.memory_space<semaphore_mem>>) src(%arg12 : memref<64x64xf32, #tpu.memory_space<vmem>>) dst(%dma_wait3A_879 : memref<64x64xf32, #tpu.memory_space<vmem_shared>>)
    %dma_wait3A_880 = arith.constant 0 : i32
    %dma_wait3A_881 = tpu.memref_slice %arg13[%add3A_806, %dma_wait3A_880] : memref<16400x64xf32, #tpu.memory_space<vmem_shared>> -> memref<64x64xf32, #tpu.memory_space<vmem_shared>>
    %dma_wait3A_882 = arith.constant 0 : i32
    %dma_wait3A_883 = tpu.memref_slice %arg13[%add3A_806, %dma_wait3A_882] : memref<16400x64xf32, #tpu.memory_space<vmem_shared>> -> memref<64x64xf32, #tpu.memory_space<vmem_shared>>
    tpu.wait_dma2 semaphore(%arg14 : memref<!tpu.dma_semaphore, #tpu.memory_space<semaphore_mem>>) src(%arg12 : memref<64x64xf32, #tpu.memory_space<vmem>>) dst(%dma_wait3A_883 : memref<64x64xf32, #tpu.memory_space<vmem_shared>>)
    %dma_wait3A_884 = arith.constant 0 : i32
    %dma_wait3A_885 = tpu.memref_slice %arg13[%add3A_812, %dma_wait3A_884] : memref<16400x64xf32, #tpu.memory_space<vmem_shared>> -> memref<64x64xf32, #tpu.memory_space<vmem_shared>>
    %dma_wait3A_886 = arith.constant 0 : i32
    %dma_wait3A_887 = tpu.memref_slice %arg13[%add3A_812, %dma_wait3A_886] : memref<16400x64xf32, #tpu.memory_space<vmem_shared>> -> memref<64x64xf32, #tpu.memory_space<vmem_shared>>
    tpu.wait_dma2 semaphore(%arg14 : memref<!tpu.dma_semaphore, #tpu.memory_space<semaphore_mem>>) src(%arg12 : memref<64x64xf32, #tpu.memory_space<vmem>>) dst(%dma_wait3A_887 : memref<64x64xf32, #tpu.memory_space<vmem_shared>>)
    %dma_wait3A_888 = arith.constant 0 : i32
    %dma_wait3A_889 = tpu.memref_slice %arg13[%add3A_818, %dma_wait3A_888] : memref<16400x64xf32, #tpu.memory_space<vmem_shared>> -> memref<64x64xf32, #tpu.memory_space<vmem_shared>>
    %dma_wait3A_890 = arith.constant 0 : i32
    %dma_wait3A_891 = tpu.memref_slice %arg13[%add3A_818, %dma_wait3A_890] : memref<16400x64xf32, #tpu.memory_space<vmem_shared>> -> memref<64x64xf32, #tpu.memory_space<vmem_shared>>
    tpu.wait_dma2 semaphore(%arg14 : memref<!tpu.dma_semaphore, #tpu.memory_space<semaphore_mem>>) src(%arg12 : memref<64x64xf32, #tpu.memory_space<vmem>>) dst(%dma_wait3A_891 : memref<64x64xf32, #tpu.memory_space<vmem_shared>>)
    %barrier3A_892 = arith.constant 0 : index
    tpu.barrier barrier_id(%barrier3A_892)
    %while3A_893 = arith.constant 0 : i32
    %while3A_894 = arith.constant 0 : i32
    %while3A_895 = arith.subi %shift_right_arithmetic3A_709, %while3A_894 : i32
    %while3A_896 = arith.addi %while3A_894, %while3A_895 : i32
    %while3A_897 = arith.constant 1 : i32
    %while3A_898 = arith.divsi %while3A_895, %while3A_897 : i32
    %while3A_899 = arith.muli %while3A_898, %while3A_897 : i32
    %while3A_900 = arith.addi %while3A_894, %while3A_899 : i32
    %while3A_901 = arith.constant 1 : i32
    scf.for %while3A_925 = %while3A_894 to %while3A_900 step %while3A_901  : i32 {
      %and3A = arith.constant 1 : i32
      %and3A_926 = arith.andi %while3A_925, %and3A : i32
      %ge3A = arith.constant 2 : i32
      %ge3A_927 = arith.cmpi sge, %while3A_925, %ge3A : i32
      %convert_element_type3A_928 = arith.extui %ge3A_927 : i1 to i32
      %cond3A_929 = arith.constant 0 : i32
      %cond3A_930 = arith.cmpi ne, %convert_element_type3A_928, %cond3A_929 : i32
      scf.if %cond3A_930 {
        %dma_wait3A_961 = arith.constant 0 : i32
        %dma_wait3A_962 = arith.constant 0 : i32
        %dma_wait3A_963 = tpu.memref_slice %arg11[%and3A_926, %dma_wait3A_961, %dma_wait3A_962] : memref<2x128x64xf32, #tpu.memory_space<vmem>> -> memref<1x128x64xf32, #tpu.memory_space<vmem>>
        %dma_wait3A_964 = tpu.memref_squeeze %dma_wait3A_963 : memref<1x128x64xf32, #tpu.memory_space<vmem>> -> memref<128x64xf32, #tpu.memory_space<vmem>>
        %dma_wait3A_965 = arith.constant 0 : i32
        %dma_wait3A_966 = arith.constant 0 : i32
        %dma_wait3A_967 = tpu.memref_slice %arg2[%dma_wait3A_965, %dma_wait3A_966] : memref<100000x64xf32, #tpu.memory_space<hbm>> -> memref<128x64xf32, #tpu.memory_space<hbm>>
        %dma_wait3A_968 = arith.constant 0 : i32
        %dma_wait3A_969 = arith.constant 0 : i32
        %dma_wait3A_970 = tpu.memref_slice %arg11[%and3A_926, %dma_wait3A_968, %dma_wait3A_969] : memref<2x128x64xf32, #tpu.memory_space<vmem>> -> memref<1x128x64xf32, #tpu.memory_space<vmem>>
        %dma_wait3A_971 = tpu.memref_squeeze %dma_wait3A_970 : memref<1x128x64xf32, #tpu.memory_space<vmem>> -> memref<128x64xf32, #tpu.memory_space<vmem>>
        %dma_wait3A_972 = arith.constant 0 : i32
        %dma_wait3A_973 = arith.constant 0 : i32
        %dma_wait3A_974 = tpu.memref_slice %arg2[%dma_wait3A_972, %dma_wait3A_973] : memref<100000x64xf32, #tpu.memory_space<hbm>> -> memref<128x64xf32, #tpu.memory_space<hbm>>
        tpu.wait_dma2 semaphore(%arg17 : memref<!tpu.dma_semaphore, #tpu.memory_space<semaphore_mem>>) src(%dma_wait3A_974 : memref<128x64xf32, #tpu.memory_space<hbm>>) dst(%dma_wait3A_971 : memref<128x64xf32, #tpu.memory_space<vmem>>)
      } else {
      }
      %dma_start3A_931 = arith.constant 0 : i32
      %dma_start3A_932 = arith.constant 0 : i32
      %dma_start3A_933 = tpu.memref_slice %arg11[%and3A_926, %dma_start3A_931, %dma_start3A_932] : memref<2x128x64xf32, #tpu.memory_space<vmem>> -> memref<1x128x64xf32, #tpu.memory_space<vmem>>
      %dma_start3A_934 = tpu.memref_squeeze %dma_start3A_933 : memref<1x128x64xf32, #tpu.memory_space<vmem>> -> memref<128x64xf32, #tpu.memory_space<vmem>>
      %dma_start3A_935 = arith.constant 0 : i32
      %dma_start3A_936 = tpu.memref_slice %arg9[%while3A_925, %dma_start3A_935] : memref<52x128xi32, #tpu.memory_space<vmem>> -> memref<1x128xi32, #tpu.memory_space<vmem>>
      %dma_start3A_937 = tpu.memref_squeeze %dma_start3A_936 : memref<1x128xi32, #tpu.memory_space<vmem>> -> memref<128xi32, #tpu.memory_space<vmem>>
      %dma_start3A_938 = arith.constant 0 : i32
      %dma_start3A_939 = arith.constant 0 : i32
      %dma_start3A_940 = tpu.memref_slice %arg2[%dma_start3A_938, %dma_start3A_939] : memref<100000x64xf32, #tpu.memory_space<hbm>> -> memref<100000x64xf32, #tpu.memory_space<hbm>>
      tpu.enqueue_indirect_dma source(%dma_start3A_940 : memref<100000x64xf32, #tpu.memory_space<hbm>>) target(%dma_start3A_934 : memref<128x64xf32, #tpu.memory_space<vmem>>) offsets(%dma_start3A_937 : memref<128xi32, #tpu.memory_space<vmem>>) semaphore(%arg16 : memref<!tpu.dma_semaphore, #tpu.memory_space<semaphore_mem>>)
      %dma_wait3A_941 = arith.constant 0 : i32
      %dma_wait3A_942 = arith.constant 0 : i32
      %dma_wait3A_943 = tpu.memref_slice %arg11[%and3A_926, %dma_wait3A_941, %dma_wait3A_942] : memref<2x128x64xf32, #tpu.memory_space<vmem>> -> memref<1x128x64xf32, #tpu.memory_space<vmem>>
      %dma_wait3A_944 = tpu.memref_squeeze %dma_wait3A_943 : memref<1x128x64xf32, #tpu.memory_space<vmem>> -> memref<128x64xf32, #tpu.memory_space<vmem>>
      %dma_wait3A_945 = arith.constant 0 : i32
      %dma_wait3A_946 = tpu.memref_slice %arg9[%while3A_925, %dma_wait3A_945] : memref<52x128xi32, #tpu.memory_space<vmem>> -> memref<1x128xi32, #tpu.memory_space<vmem>>
      %dma_wait3A_947 = tpu.memref_squeeze %dma_wait3A_946 : memref<1x128xi32, #tpu.memory_space<vmem>> -> memref<128xi32, #tpu.memory_space<vmem>>
      %dma_wait3A_948 = arith.constant 0 : i32
      %dma_wait3A_949 = arith.constant 0 : i32
      %dma_wait3A_950 = tpu.memref_slice %arg2[%dma_wait3A_948, %dma_wait3A_949] : memref<100000x64xf32, #tpu.memory_space<hbm>> -> memref<100000x64xf32, #tpu.memory_space<hbm>>
      tpu.wait_indirect_dma semaphore(%arg16 : memref<!tpu.dma_semaphore, #tpu.memory_space<semaphore_mem>>) src(%dma_wait3A_950 : memref<100000x64xf32, #tpu.memory_space<hbm>>) dst(%dma_wait3A_944 : memref<128x64xf32, #tpu.memory_space<vmem>>)
      %dma_start3A_951 = arith.constant 0 : i32
      %dma_start3A_952 = arith.constant 0 : i32
      %dma_start3A_953 = tpu.memref_slice %arg11[%and3A_926, %dma_start3A_951, %dma_start3A_952] : memref<2x128x64xf32, #tpu.memory_space<vmem>> -> memref<1x128x64xf32, #tpu.memory_space<vmem>>
      %dma_start3A_954 = tpu.memref_squeeze %dma_start3A_953 : memref<1x128x64xf32, #tpu.memory_space<vmem>> -> memref<128x64xf32, #tpu.memory_space<vmem>>
      %dma_start3A_955 = arith.constant 0 : i32
      %dma_start3A_956 = tpu.memref_slice %arg10[%while3A_925, %dma_start3A_955] : memref<52x128xi32, #tpu.memory_space<vmem>> -> memref<1x128xi32, #tpu.memory_space<vmem>>
      %dma_start3A_957 = tpu.memref_squeeze %dma_start3A_956 : memref<1x128xi32, #tpu.memory_space<vmem>> -> memref<128xi32, #tpu.memory_space<vmem>>
      %dma_start3A_958 = arith.constant 0 : i32
      %dma_start3A_959 = arith.constant 0 : i32
      %dma_start3A_960 = tpu.memref_slice %arg13[%dma_start3A_958, %dma_start3A_959] : memref<16400x64xf32, #tpu.memory_space<vmem_shared>> -> memref<16400x64xf32, #tpu.memory_space<vmem_shared>>
      tpu.enqueue_indirect_dma source(%dma_start3A_954 : memref<128x64xf32, #tpu.memory_space<vmem>>) target(%dma_start3A_960 : memref<16400x64xf32, #tpu.memory_space<vmem_shared>>) offsets(%dma_start3A_957 : memref<128xi32, #tpu.memory_space<vmem>>) semaphore(%arg17 : memref<!tpu.dma_semaphore, #tpu.memory_space<semaphore_mem>>) {add = true}
    }
    %while3A_902 = arith.constant 1 : i32
    scf.for %while3A_925 = %while3A_900 to %while3A_896 step %while3A_902  : i32 {
      %and3A = arith.constant 1 : i32
      %and3A_926 = arith.andi %while3A_925, %and3A : i32
      %ge3A = arith.constant 2 : i32
      %ge3A_927 = arith.cmpi sge, %while3A_925, %ge3A : i32
      %convert_element_type3A_928 = arith.extui %ge3A_927 : i1 to i32
      %cond3A_929 = arith.constant 0 : i32
      %cond3A_930 = arith.cmpi ne, %convert_element_type3A_928, %cond3A_929 : i32
      scf.if %cond3A_930 {
        %dma_wait3A_961 = arith.constant 0 : i32
        %dma_wait3A_962 = arith.constant 0 : i32
        %dma_wait3A_963 = tpu.memref_slice %arg11[%and3A_926, %dma_wait3A_961, %dma_wait3A_962] : memref<2x128x64xf32, #tpu.memory_space<vmem>> -> memref<1x128x64xf32, #tpu.memory_space<vmem>>
        %dma_wait3A_964 = tpu.memref_squeeze %dma_wait3A_963 : memref<1x128x64xf32, #tpu.memory_space<vmem>> -> memref<128x64xf32, #tpu.memory_space<vmem>>
        %dma_wait3A_965 = arith.constant 0 : i32
        %dma_wait3A_966 = arith.constant 0 : i32
        %dma_wait3A_967 = tpu.memref_slice %arg2[%dma_wait3A_965, %dma_wait3A_966] : memref<100000x64xf32, #tpu.memory_space<hbm>> -> memref<128x64xf32, #tpu.memory_space<hbm>>
        %dma_wait3A_968 = arith.constant 0 : i32
        %dma_wait3A_969 = arith.constant 0 : i32
        %dma_wait3A_970 = tpu.memref_slice %arg11[%and3A_926, %dma_wait3A_968, %dma_wait3A_969] : memref<2x128x64xf32, #tpu.memory_space<vmem>> -> memref<1x128x64xf32, #tpu.memory_space<vmem>>
        %dma_wait3A_971 = tpu.memref_squeeze %dma_wait3A_970 : memref<1x128x64xf32, #tpu.memory_space<vmem>> -> memref<128x64xf32, #tpu.memory_space<vmem>>
        %dma_wait3A_972 = arith.constant 0 : i32
        %dma_wait3A_973 = arith.constant 0 : i32
        %dma_wait3A_974 = tpu.memref_slice %arg2[%dma_wait3A_972, %dma_wait3A_973] : memref<100000x64xf32, #tpu.memory_space<hbm>> -> memref<128x64xf32, #tpu.memory_space<hbm>>
        tpu.wait_dma2 semaphore(%arg17 : memref<!tpu.dma_semaphore, #tpu.memory_space<semaphore_mem>>) src(%dma_wait3A_974 : memref<128x64xf32, #tpu.memory_space<hbm>>) dst(%dma_wait3A_971 : memref<128x64xf32, #tpu.memory_space<vmem>>)
      } else {
      }
      %dma_start3A_931 = arith.constant 0 : i32
      %dma_start3A_932 = arith.constant 0 : i32
      %dma_start3A_933 = tpu.memref_slice %arg11[%and3A_926, %dma_start3A_931, %dma_start3A_932] : memref<2x128x64xf32, #tpu.memory_space<vmem>> -> memref<1x128x64xf32, #tpu.memory_space<vmem>>
      %dma_start3A_934 = tpu.memref_squeeze %dma_start3A_933 : memref<1x128x64xf32, #tpu.memory_space<vmem>> -> memref<128x64xf32, #tpu.memory_space<vmem>>
      %dma_start3A_935 = arith.constant 0 : i32
      %dma_start3A_936 = tpu.memref_slice %arg9[%while3A_925, %dma_start3A_935] : memref<52x128xi32, #tpu.memory_space<vmem>> -> memref<1x128xi32, #tpu.memory_space<vmem>>
      %dma_start3A_937 = tpu.memref_squeeze %dma_start3A_936 : memref<1x128xi32, #tpu.memory_space<vmem>> -> memref<128xi32, #tpu.memory_space<vmem>>
      %dma_start3A_938 = arith.constant 0 : i32
      %dma_start3A_939 = arith.constant 0 : i32
      %dma_start3A_940 = tpu.memref_slice %arg2[%dma_start3A_938, %dma_start3A_939] : memref<100000x64xf32, #tpu.memory_space<hbm>> -> memref<100000x64xf32, #tpu.memory_space<hbm>>
      tpu.enqueue_indirect_dma source(%dma_start3A_940 : memref<100000x64xf32, #tpu.memory_space<hbm>>) target(%dma_start3A_934 : memref<128x64xf32, #tpu.memory_space<vmem>>) offsets(%dma_start3A_937 : memref<128xi32, #tpu.memory_space<vmem>>) semaphore(%arg16 : memref<!tpu.dma_semaphore, #tpu.memory_space<semaphore_mem>>)
      %dma_wait3A_941 = arith.constant 0 : i32
      %dma_wait3A_942 = arith.constant 0 : i32
      %dma_wait3A_943 = tpu.memref_slice %arg11[%and3A_926, %dma_wait3A_941, %dma_wait3A_942] : memref<2x128x64xf32, #tpu.memory_space<vmem>> -> memref<1x128x64xf32, #tpu.memory_space<vmem>>
      %dma_wait3A_944 = tpu.memref_squeeze %dma_wait3A_943 : memref<1x128x64xf32, #tpu.memory_space<vmem>> -> memref<128x64xf32, #tpu.memory_space<vmem>>
      %dma_wait3A_945 = arith.constant 0 : i32
      %dma_wait3A_946 = tpu.memref_slice %arg9[%while3A_925, %dma_wait3A_945] : memref<52x128xi32, #tpu.memory_space<vmem>> -> memref<1x128xi32, #tpu.memory_space<vmem>>
      %dma_wait3A_947 = tpu.memref_squeeze %dma_wait3A_946 : memref<1x128xi32, #tpu.memory_space<vmem>> -> memref<128xi32, #tpu.memory_space<vmem>>
      %dma_wait3A_948 = arith.constant 0 : i32
      %dma_wait3A_949 = arith.constant 0 : i32
      %dma_wait3A_950 = tpu.memref_slice %arg2[%dma_wait3A_948, %dma_wait3A_949] : memref<100000x64xf32, #tpu.memory_space<hbm>> -> memref<100000x64xf32, #tpu.memory_space<hbm>>
      tpu.wait_indirect_dma semaphore(%arg16 : memref<!tpu.dma_semaphore, #tpu.memory_space<semaphore_mem>>) src(%dma_wait3A_950 : memref<100000x64xf32, #tpu.memory_space<hbm>>) dst(%dma_wait3A_944 : memref<128x64xf32, #tpu.memory_space<vmem>>)
      %dma_start3A_951 = arith.constant 0 : i32
      %dma_start3A_952 = arith.constant 0 : i32
      %dma_start3A_953 = tpu.memref_slice %arg11[%and3A_926, %dma_start3A_951, %dma_start3A_952] : memref<2x128x64xf32, #tpu.memory_space<vmem>> -> memref<1x128x64xf32, #tpu.memory_space<vmem>>
      %dma_start3A_954 = tpu.memref_squeeze %dma_start3A_953 : memref<1x128x64xf32, #tpu.memory_space<vmem>> -> memref<128x64xf32, #tpu.memory_space<vmem>>
      %dma_start3A_955 = arith.constant 0 : i32
      %dma_start3A_956 = tpu.memref_slice %arg10[%while3A_925, %dma_start3A_955] : memref<52x128xi32, #tpu.memory_space<vmem>> -> memref<1x128xi32, #tpu.memory_space<vmem>>
      %dma_start3A_957 = tpu.memref_squeeze %dma_start3A_956 : memref<1x128xi32, #tpu.memory_space<vmem>> -> memref<128xi32, #tpu.memory_space<vmem>>
      %dma_start3A_958 = arith.constant 0 : i32
      %dma_start3A_959 = arith.constant 0 : i32
      %dma_start3A_960 = tpu.memref_slice %arg13[%dma_start3A_958, %dma_start3A_959] : memref<16400x64xf32, #tpu.memory_space<vmem_shared>> -> memref<16400x64xf32, #tpu.memory_space<vmem_shared>>
      tpu.enqueue_indirect_dma source(%dma_start3A_954 : memref<128x64xf32, #tpu.memory_space<vmem>>) target(%dma_start3A_960 : memref<16400x64xf32, #tpu.memory_space<vmem_shared>>) offsets(%dma_start3A_957 : memref<128xi32, #tpu.memory_space<vmem>>) semaphore(%arg17 : memref<!tpu.dma_semaphore, #tpu.memory_space<semaphore_mem>>) {add = true}
    }
    %min3A_903 = arith.constant 2 : i32
    %min3A_904 = arith.minsi %shift_right_arithmetic3A_709, %min3A_903 : i32
    %while3A_905 = arith.constant 0 : i32
    %while3A_906 = arith.constant 0 : i32
    %while3A_907 = arith.subi %min3A_904, %while3A_906 : i32
    %while3A_908 = arith.addi %while3A_906, %while3A_907 : i32
    %while3A_909 = arith.constant 1 : i32
    %while3A_910 = arith.divsi %while3A_907, %while3A_909 : i32
    %while3A_911 = arith.muli %while3A_910, %while3A_909 : i32
    %while3A_912 = arith.addi %while3A_906, %while3A_911 : i32
    %while3A_913 = arith.constant 1 : i32
    scf.for %while3A_925 = %while3A_906 to %while3A_912 step %while3A_913  : i32 {
      %dma_wait3A_926 = arith.constant 0 : i32
      %dma_wait3A_927 = arith.constant 0 : i32
      %dma_wait3A_928 = arith.constant 0 : i32
      %dma_wait3A_929 = tpu.memref_slice %arg11[%dma_wait3A_926, %dma_wait3A_927, %dma_wait3A_928] : memref<2x128x64xf32, #tpu.memory_space<vmem>> -> memref<1x128x64xf32, #tpu.memory_space<vmem>>
      %dma_wait3A_930 = tpu.memref_squeeze %dma_wait3A_929 : memref<1x128x64xf32, #tpu.memory_space<vmem>> -> memref<128x64xf32, #tpu.memory_space<vmem>>
      %dma_wait3A_931 = arith.constant 0 : i32
      %dma_wait3A_932 = arith.constant 0 : i32
      %dma_wait3A_933 = tpu.memref_slice %arg2[%dma_wait3A_931, %dma_wait3A_932] : memref<100000x64xf32, #tpu.memory_space<hbm>> -> memref<128x64xf32, #tpu.memory_space<hbm>>
      %dma_wait3A_934 = arith.constant 0 : i32
      %dma_wait3A_935 = arith.constant 0 : i32
      %dma_wait3A_936 = tpu.memref_slice %arg11[%dma_wait3A_926, %dma_wait3A_934, %dma_wait3A_935] : memref<2x128x64xf32, #tpu.memory_space<vmem>> -> memref<1x128x64xf32, #tpu.memory_space<vmem>>
      %dma_wait3A_937 = tpu.memref_squeeze %dma_wait3A_936 : memref<1x128x64xf32, #tpu.memory_space<vmem>> -> memref<128x64xf32, #tpu.memory_space<vmem>>
      %dma_wait3A_938 = arith.constant 0 : i32
      %dma_wait3A_939 = arith.constant 0 : i32
      %dma_wait3A_940 = tpu.memref_slice %arg2[%dma_wait3A_938, %dma_wait3A_939] : memref<100000x64xf32, #tpu.memory_space<hbm>> -> memref<128x64xf32, #tpu.memory_space<hbm>>
      tpu.wait_dma2 semaphore(%arg17 : memref<!tpu.dma_semaphore, #tpu.memory_space<semaphore_mem>>) src(%dma_wait3A_940 : memref<128x64xf32, #tpu.memory_space<hbm>>) dst(%dma_wait3A_937 : memref<128x64xf32, #tpu.memory_space<vmem>>)
    }
    %while3A_914 = arith.constant 1 : i32
    scf.for %while3A_925 = %while3A_912 to %while3A_908 step %while3A_914  : i32 {
      %dma_wait3A_926 = arith.constant 0 : i32
      %dma_wait3A_927 = arith.constant 0 : i32
      %dma_wait3A_928 = arith.constant 0 : i32
      %dma_wait3A_929 = tpu.memref_slice %arg11[%dma_wait3A_926, %dma_wait3A_927, %dma_wait3A_928] : memref<2x128x64xf32, #tpu.memory_space<vmem>> -> memref<1x128x64xf32, #tpu.memory_space<vmem>>
      %dma_wait3A_930 = tpu.memref_squeeze %dma_wait3A_929 : memref<1x128x64xf32, #tpu.memory_space<vmem>> -> memref<128x64xf32, #tpu.memory_space<vmem>>
      %dma_wait3A_931 = arith.constant 0 : i32
      %dma_wait3A_932 = arith.constant 0 : i32
      %dma_wait3A_933 = tpu.memref_slice %arg2[%dma_wait3A_931, %dma_wait3A_932] : memref<100000x64xf32, #tpu.memory_space<hbm>> -> memref<128x64xf32, #tpu.memory_space<hbm>>
      %dma_wait3A_934 = arith.constant 0 : i32
      %dma_wait3A_935 = arith.constant 0 : i32
      %dma_wait3A_936 = tpu.memref_slice %arg11[%dma_wait3A_926, %dma_wait3A_934, %dma_wait3A_935] : memref<2x128x64xf32, #tpu.memory_space<vmem>> -> memref<1x128x64xf32, #tpu.memory_space<vmem>>
      %dma_wait3A_937 = tpu.memref_squeeze %dma_wait3A_936 : memref<1x128x64xf32, #tpu.memory_space<vmem>> -> memref<128x64xf32, #tpu.memory_space<vmem>>
      %dma_wait3A_938 = arith.constant 0 : i32
      %dma_wait3A_939 = arith.constant 0 : i32
      %dma_wait3A_940 = tpu.memref_slice %arg2[%dma_wait3A_938, %dma_wait3A_939] : memref<100000x64xf32, #tpu.memory_space<hbm>> -> memref<128x64xf32, #tpu.memory_space<hbm>>
      tpu.wait_dma2 semaphore(%arg17 : memref<!tpu.dma_semaphore, #tpu.memory_space<semaphore_mem>>) src(%dma_wait3A_940 : memref<128x64xf32, #tpu.memory_space<hbm>>) dst(%dma_wait3A_937 : memref<128x64xf32, #tpu.memory_space<vmem>>)
    }
    %barrier3A_915 = arith.constant 0 : index
    tpu.barrier barrier_id(%barrier3A_915)
    %add3A_916 = arith.addi %add3A_694, %mul3A_696 : i32
    %dma_start3A_917 = arith.constant 0 : i32
    %dma_start3A_918 = tpu.memref_slice %arg5[%add3A_916, %dma_start3A_917] : memref<131072x64xf32, #tpu.memory_space<hbm>> -> memref<1024x64xf32, #tpu.memory_space<hbm>>
    %dma_start3A_919 = arith.constant 0 : i32
    %dma_start3A_920 = tpu.memref_slice %arg13[%mul3A_696, %dma_start3A_919] : memref<16400x64xf32, #tpu.memory_space<vmem_shared>> -> memref<1024x64xf32, #tpu.memory_space<vmem_shared>>
    tpu.enqueue_dma source(%dma_start3A_920 : memref<1024x64xf32, #tpu.memory_space<vmem_shared>>) target(%dma_start3A_918 : memref<1024x64xf32, #tpu.memory_space<hbm>>) target_semaphore(%arg15 : memref<!tpu.dma_semaphore, #tpu.memory_space<semaphore_mem>>)
    %dma_wait3A_921 = arith.constant 0 : i32
    %dma_wait3A_922 = tpu.memref_slice %arg5[%add3A_916, %dma_wait3A_921] : memref<131072x64xf32, #tpu.memory_space<hbm>> -> memref<1024x64xf32, #tpu.memory_space<hbm>>
    %dma_wait3A_923 = arith.constant 0 : i32
    %dma_wait3A_924 = tpu.memref_slice %arg13[%mul3A_696, %dma_wait3A_923] : memref<16400x64xf32, #tpu.memory_space<vmem_shared>> -> memref<1024x64xf32, #tpu.memory_space<vmem_shared>>
    tpu.wait_dma2 semaphore(%arg15 : memref<!tpu.dma_semaphore, #tpu.memory_space<semaphore_mem>>) src(%dma_wait3A_924 : memref<1024x64xf32, #tpu.memory_space<vmem_shared>>) dst(%dma_wait3A_922 : memref<1024x64xf32, #tpu.memory_space<hbm>>)
    return
  }
}

module attributes {stable_mosaic.version = 14 : i64} {
  func.func @_conv_body(%arg0: i32, %arg1: memref<2x1x4096x128xf32, #tpu.memory_space<vmem>>, %arg2: memref<9x64x64xf32, #tpu.memory_space<vmem>>, %arg3: memref<1x1xf32, #tpu.memory_space<smem>>, %arg4: memref<4096x64xf32, #tpu.memory_space<vmem>>, %arg5: memref<1x1xf32, #tpu.memory_space<smem>>) attributes {dimension_semantics = [#tpu.dimension_semantics<arbitrary>], iteration_bounds = array<i64: 8>, scalar_prefetch = 0 : i64, scratch_operands = 0 : i64, tpu.core_type = #tpu.core_type<tc>, window_params = [{transform_indices = @transform_0, window_bounds = array<i64: 2, 1, 4096, 128>}, {pipeline_mode = #tpu.pipeline_mode<synchronous>, transform_indices = @transform_1, window_bounds = array<i64: 9, 64, 64>}, {transform_indices = @transform_2, window_bounds = array<i64: 1, 1>}, {transform_indices = @transform_3, window_bounds = array<i64: 4096, 64>}, {transform_indices = @transform_4, window_bounds = array<i64: 1, 1>}]} {
    %get3A = arith.constant 0 : index
    %get3A_0 = arith.constant 0 : index
    %get3A_1 = arith.constant 0 : index
    %get3A_2 = vector.load %arg2[%get3A, %get3A_0, %get3A_1] : memref<9x64x64xf32, #tpu.memory_space<vmem>>, vector<9x64x64xf32>
    %broadcast_in_dim3A = arith.constant 0.000000e+00 : f32
    %broadcast_in_dim3A_3 = vector.broadcast %broadcast_in_dim3A : f32 to vector<64x64xf32>
    %get3A_4 = arith.constant 0 : index
    %get3A_5 = arith.constant 0 : index
    %get3A_6 = arith.constant 0 : index
    %get3A_7 = arith.constant 0 : index
    %get3A_8 = vector.load %arg1[%get3A_4, %get3A_5, %get3A_6, %get3A_7] : memref<2x1x4096x128xf32, #tpu.memory_space<vmem>>, vector<1x1x4096x128xf32>
    %get3A_9 = vector.shape_cast %get3A_8 : vector<1x1x4096x128xf32> to vector<4096x128xf32>
    %get3A_10 = arith.constant 1 : index
    %get3A_11 = arith.constant 0 : index
    %get3A_12 = arith.constant 0 : index
    %get3A_13 = arith.constant 0 : index
    %get3A_14 = vector.load %arg1[%get3A_10, %get3A_11, %get3A_12, %get3A_13] : memref<2x1x4096x128xf32, #tpu.memory_space<vmem>>, vector<1x1x4096x128xf32>
    %get3A_15 = vector.shape_cast %get3A_14 : vector<1x1x4096x128xf32> to vector<4096x128xf32>
    %slice3A = vector.extract_strided_slice %get3A_2 {offsets = [4, 0, 0], sizes = [1, 64, 64], strides = [1, 1, 1]} : vector<9x64x64xf32> to vector<1x64x64xf32>
    %squeeze3A = vector.shape_cast %slice3A : vector<1x64x64xf32> to vector<64x64xf32>
    %concatenate3A = tpu.concatenate %squeeze3A, %broadcast_in_dim3A_3 in 1 : vector<64x64xf32>, vector<64x64xf32> -> vector<64x128xf32>
    %slice3A_16 = vector.extract_strided_slice %get3A_2 {offsets = [5, 0, 0], sizes = [1, 64, 64], strides = [1, 1, 1]} : vector<9x64x64xf32> to vector<1x64x64xf32>
    %squeeze3A_17 = vector.shape_cast %slice3A_16 : vector<1x64x64xf32> to vector<64x64xf32>
    %slice3A_18 = vector.extract_strided_slice %get3A_2 {offsets = [3, 0, 0], sizes = [1, 64, 64], strides = [1, 1, 1]} : vector<9x64x64xf32> to vector<1x64x64xf32>
    %squeeze3A_19 = vector.shape_cast %slice3A_18 : vector<1x64x64xf32> to vector<64x64xf32>
    %concatenate3A_20 = tpu.concatenate %squeeze3A_17, %squeeze3A_19 in 1 : vector<64x64xf32>, vector<64x64xf32> -> vector<64x128xf32>
    %concatenate3A_21 = tpu.concatenate %concatenate3A, %concatenate3A_20 in 0 : vector<64x128xf32>, vector<64x128xf32> -> vector<128x128xf32>
    %dot_general3A = arith.constant dense<0.000000e+00> : vector<4096x128xf32>
    %dot_general3A_22 = tpu.matmul %get3A_9, %concatenate3A_21, %dot_general3A {dimension_numbers = #tpu.dot_dimension_numbers<[1], [0], [0], [1], [0, 0, 1, 1], [], []>, transpose_lhs_hint = false} : vector<4096x128xf32>, vector<128x128xf32>, vector<4096x128xf32> -> vector<4096x128xf32>
    %slice3A_23 = vector.extract_strided_slice %get3A_2 {offsets = [7, 0, 0], sizes = [1, 64, 64], strides = [1, 1, 1]} : vector<9x64x64xf32> to vector<1x64x64xf32>
    %squeeze3A_24 = vector.shape_cast %slice3A_23 : vector<1x64x64xf32> to vector<64x64xf32>
    %concatenate3A_25 = tpu.concatenate %squeeze3A_24, %broadcast_in_dim3A_3 in 1 : vector<64x64xf32>, vector<64x64xf32> -> vector<64x128xf32>
    %slice3A_26 = vector.extract_strided_slice %get3A_2 {offsets = [8, 0, 0], sizes = [1, 64, 64], strides = [1, 1, 1]} : vector<9x64x64xf32> to vector<1x64x64xf32>
    %squeeze3A_27 = vector.shape_cast %slice3A_26 : vector<1x64x64xf32> to vector<64x64xf32>
    %slice3A_28 = vector.extract_strided_slice %get3A_2 {offsets = [6, 0, 0], sizes = [1, 64, 64], strides = [1, 1, 1]} : vector<9x64x64xf32> to vector<1x64x64xf32>
    %squeeze3A_29 = vector.shape_cast %slice3A_28 : vector<1x64x64xf32> to vector<64x64xf32>
    %concatenate3A_30 = tpu.concatenate %squeeze3A_27, %squeeze3A_29 in 1 : vector<64x64xf32>, vector<64x64xf32> -> vector<64x128xf32>
    %concatenate3A_31 = tpu.concatenate %concatenate3A_25, %concatenate3A_30 in 0 : vector<64x128xf32>, vector<64x128xf32> -> vector<128x128xf32>
    %dot_general3A_32 = arith.constant dense<0.000000e+00> : vector<4096x128xf32>
    %dot_general3A_33 = tpu.matmul %get3A_15, %concatenate3A_31, %dot_general3A_32 {dimension_numbers = #tpu.dot_dimension_numbers<[1], [0], [0], [1], [0, 0, 1, 1], [], []>, transpose_lhs_hint = false} : vector<4096x128xf32>, vector<128x128xf32>, vector<4096x128xf32> -> vector<4096x128xf32>
    %slice3A_34 = vector.extract_strided_slice %get3A_2 {offsets = [1, 0, 0], sizes = [1, 64, 64], strides = [1, 1, 1]} : vector<9x64x64xf32> to vector<1x64x64xf32>
    %squeeze3A_35 = vector.shape_cast %slice3A_34 : vector<1x64x64xf32> to vector<64x64xf32>
    %concatenate3A_36 = tpu.concatenate %squeeze3A_35, %broadcast_in_dim3A_3 in 1 : vector<64x64xf32>, vector<64x64xf32> -> vector<64x128xf32>
    %slice3A_37 = vector.extract_strided_slice %get3A_2 {offsets = [2, 0, 0], sizes = [1, 64, 64], strides = [1, 1, 1]} : vector<9x64x64xf32> to vector<1x64x64xf32>
    %squeeze3A_38 = vector.shape_cast %slice3A_37 : vector<1x64x64xf32> to vector<64x64xf32>
    %slice3A_39 = vector.extract_strided_slice %get3A_2 {offsets = [0, 0, 0], sizes = [1, 64, 64], strides = [1, 1, 1]} : vector<9x64x64xf32> to vector<1x64x64xf32>
    %squeeze3A_40 = vector.shape_cast %slice3A_39 : vector<1x64x64xf32> to vector<64x64xf32>
    %concatenate3A_41 = tpu.concatenate %squeeze3A_38, %squeeze3A_40 in 1 : vector<64x64xf32>, vector<64x64xf32> -> vector<64x128xf32>
    %concatenate3A_42 = tpu.concatenate %concatenate3A_36, %concatenate3A_41 in 0 : vector<64x128xf32>, vector<64x128xf32> -> vector<128x128xf32>
    %dot_general3A_43 = arith.constant dense<0.000000e+00> : vector<4096x128xf32>
    %dot_general3A_44 = tpu.matmul %get3A_15, %concatenate3A_42, %dot_general3A_43 {dimension_numbers = #tpu.dot_dimension_numbers<[1], [0], [0], [1], [0, 0, 1, 1], [], []>, transpose_lhs_hint = false} : vector<4096x128xf32>, vector<128x128xf32>, vector<4096x128xf32> -> vector<4096x128xf32>
    %add3A = arith.addf %dot_general3A_22, %dot_general3A_33 : vector<4096x128xf32>
    %broadcast_in_dim3A_45 = arith.constant 0.000000e+00 : f32
    %broadcast_in_dim3A_46 = vector.broadcast %broadcast_in_dim3A_45 : f32 to vector<64x128xf32>
    %slice3A_47 = vector.extract_strided_slice %dot_general3A_44 {offsets = [0, 0], sizes = [4032, 128], strides = [1, 1]} : vector<4096x128xf32> to vector<4032x128xf32>
    %concatenate3A_48 = tpu.concatenate %broadcast_in_dim3A_46, %slice3A_47 in 0 : vector<64x128xf32>, vector<4032x128xf32> -> vector<4096x128xf32>
    %add3A_49 = arith.addf %add3A, %concatenate3A_48 : vector<4096x128xf32>
    %broadcast_in_dim3A_50 = arith.constant 0.000000e+00 : f32
    %broadcast_in_dim3A_51 = vector.broadcast %broadcast_in_dim3A_50 : f32 to vector<1x64xf32>
    %slice3A_52 = vector.extract_strided_slice %add3A_49 {offsets = [0, 64], sizes = [4095, 64], strides = [1, 1]} : vector<4096x128xf32> to vector<4095x64xf32>
    %concatenate3A_53 = tpu.concatenate %broadcast_in_dim3A_51, %slice3A_52 in 0 : vector<1x64xf32>, vector<4095x64xf32> -> vector<4096x64xf32>
    %iota3A = tpu.iota {dimensions = array<i32: 0>} : vector<4096x1xi32>
    %and3A = arith.constant 63 : i32
    %and3A_54 = vector.broadcast %and3A : i32 to vector<4096x1xi32>
    %and3A_55 = arith.andi %iota3A, %and3A_54 : vector<4096x1xi32>
    %eq3A = arith.constant 0 : i32
    %eq3A_56 = vector.broadcast %eq3A : i32 to vector<4096x1xi32>
    %eq3A_57 = arith.cmpi eq, %and3A_55, %eq3A_56 : vector<4096x1xi32>
    %slice3A_58 = vector.extract_strided_slice %add3A_49 {offsets = [0, 0], sizes = [4096, 64], strides = [1, 1]} : vector<4096x128xf32> to vector<4096x64xf32>
    %jit3A = arith.constant 0.000000e+00 : f32
    %broadcast_in_dim3A_59 = vector.shape_cast %eq3A_57 : vector<4096x1xi1> to vector<4096x1xi1>
    %broadcast_in_dim3A_60 = vector.broadcast %broadcast_in_dim3A_59 : vector<4096x1xi1> to vector<4096x64xi1>
    %broadcast_in_dim3A_61 = vector.broadcast %jit3A : f32 to vector<4096x64xf32>
    %select_n3A = arith.select %broadcast_in_dim3A_60, %broadcast_in_dim3A_61, %concatenate3A_53 : vector<4096x64xi1>, vector<4096x64xf32>
    %add3A_62 = arith.addf %slice3A_58, %select_n3A : vector<4096x64xf32>
    %swap3A = arith.constant 0 : index
    %swap3A_63 = arith.constant 0 : index
    %swap3A_64 = vector.load %arg4[%swap3A, %swap3A_63] : memref<4096x64xf32, #tpu.memory_space<vmem>>, vector<4096x64xf32>
    tpu.vector_store %arg4[%swap3A, %swap3A_63], %add3A_62 {strides = array<i32>} : memref<4096x64xf32, #tpu.memory_space<vmem>>, vector<4096x64xf32>,
    %get3A_65 = arith.constant 0 : index
    %get3A_66 = arith.constant 0 : index
    %get3A_67 = memref.load %arg3[%get3A_65, %get3A_66] : memref<1x1xf32, #tpu.memory_space<smem>>
    %mul3A = arith.mulf %get3A_2, %get3A_2 : vector<9x64x64xf32>
    %reduce_sum3A = vector.shape_cast %mul3A : vector<9x64x64xf32> to vector<1x9x64x64xf32>
    %reduce_sum3A_68 = arith.constant dense<0.000000e+00> : vector<1xf32>
    %reduce_sum3A_69 = vector.multi_reduction <add>, %reduce_sum3A, %reduce_sum3A_68 [1, 2, 3] : vector<1x9x64x64xf32> to vector<1xf32>
    %reduce_sum3A_70 = vector.shape_cast %reduce_sum3A_69 : vector<1xf32> to vector<1x1x1x1xf32>
    %reduce_sum3A_71 = vector.extract %reduce_sum3A_70[0, 0, 0, 0] : f32 from vector<1x1x1x1xf32>
    %sqrt3A = math.sqrt %reduce_sum3A_71 : f32
    %mul3A_72 = arith.mulf %get3A_67, %sqrt3A : f32
    %swap3A_73 = arith.constant 0 : index
    %swap3A_74 = arith.constant 0 : index
    %swap3A_75 = memref.load %arg5[%swap3A_73, %swap3A_74] : memref<1x1xf32, #tpu.memory_space<smem>>
    memref.store %mul3A_72, %arg5[%swap3A_73, %swap3A_74] : memref<1x1xf32, #tpu.memory_space<smem>>
    return
  }
  func.func @transform_0(%arg0: i32) -> (i32, i32, i32, i32) {
    %c0_i32 = arith.constant 0 : i32
    %c0_i32_0 = arith.constant 0 : i32
    %c0_i32_1 = arith.constant 0 : i32
    %c0_i32_2 = arith.constant 0 : i32
    return %c0_i32, %arg0, %c0_i32_0, %c0_i32_1 : i32, i32, i32, i32
  }
  func.func @transform_1(%arg0: i32) -> (i32, i32, i32) {
    %c0_i32 = arith.constant 0 : i32
    %c0_i32_0 = arith.constant 0 : i32
    %c0_i32_1 = arith.constant 0 : i32
    %c0_i32_2 = arith.constant 0 : i32
    return %c0_i32, %c0_i32_0, %c0_i32_1 : i32, i32, i32
  }
  func.func @transform_2(%arg0: i32) -> (i32, i32) {
    %c0_i32 = arith.constant 0 : i32
    %c0_i32_0 = arith.constant 0 : i32
    %c0_i32_1 = arith.constant 0 : i32
    return %c0_i32, %c0_i32_0 : i32, i32
  }
  func.func @transform_3(%arg0: i32) -> (i32, i32) {
    %c0_i32 = arith.constant 0 : i32
    %c0_i32_0 = arith.constant 0 : i32
    return %arg0, %c0_i32 : i32, i32
  }
  func.func @transform_4(%arg0: i32) -> (i32, i32) {
    %c0_i32 = arith.constant 0 : i32
    %c0_i32_0 = arith.constant 0 : i32
    %c0_i32_1 = arith.constant 0 : i32
    return %c0_i32, %c0_i32_0 : i32, i32
  }
}

</mosaic_0001>

<sc_bundles>
// kernel: kernel.4.cloned.1.call-start
scs
__scs_entry_jumppad:
0x0: {  	(pc) =	sbr.rel $0x88, $3  }
0x1: {  	(tag) =	ssettag $0x0;
	lr =	simm.s32 $0x1  }
0x2: {  	[smem:$0x3F9C] =	sst lr;
	_ =	strace $0xD0000000  }
0x3: {  	_ = 	snop  }
0x4: {  	_ = 	snop  }
0x5: {  	_ = 	snop  }
0x6: {  	_ = 	snop  }
0x7: {  	_ = 	snop  }
__scs_overlays_trampoline_lowered:
0x8: {  	[smem:$0x3FAB] =	sst s0  }
0x9: {  	[smem:$0x3FAC] =	sst s1  }
0xa: {  	[smem:$0x3FAD] =	sst s2  }
0xb: {  	[smem:$0x3FAE] =	sst s3  }
0xc: {  	[smem:$0x3FAF] =	sst s4  }
0xd: {  	[smem:$0x3FB0] =	sst s5  }
0xe: {  	[smem:$0x3FB1] =	sst s6  }
0xf: {  	[smem:$0x3FB2] =	sst s7  }
0x10: {  	[smem:$0x3FB3] =	sst s8  }
0x11: {  	[smem:$0x3FB4] =	sst s9;
	s0 =	simm.s32 @!p0 $0x0  }
0x12: {  	s1 =	sld [smem:$0x3F9A];
	s0 =	simm.s32 @p0 $0x1  }
0x13: {  	[smem:$0x3FB5] =	sst s0;
	s0 =	simm.s32 @!p1 $0x0  }
0x14: {  	s2 =	sld [smem:$0x3F99];
	s0 =	simm.s32 @p1 $0x1  }
0x15: {  	[smem:$0x3FB6] =	sst s0;
	s0 =	simm.s32 @!p2 $0x0  }
0x16: {  	s3 =	sld [smem:$0x3FDB];
	s0 =	simm.s32 @p2 $0x1  }
0x17: {  	s4 =	simm.s32 $0x1BF5;
	[smem:$0x3FB8] =	sst s0  }
0x18: {  	s0 =	sld [smem:$0x3F9B];
	_ =	swait.ge [sflag:s4], $0x0  }
0x19: {  	s7 =	sld [smem:$0x3F9C]  }
0x1a: {  	s8 =	sadd.s32 $0xFFFFE003, lr  }
0x1b: {  	s9 =	sadd.s32 $0xFFFFFEF7, lr;
	s5 =	simm.s32 $0xFFFFFFFF;
	p2 =	slt.u32 s8, $0xFFFFF086  }
0x1c: {  	p1 =	slt.u32 s9, $0xF7A;
	s5 =	simm.s32 @!p2 $0x0  }
0x1d: {  	s5 =	simm.s32 @p1 $0x1;
	p0 =	seq.s32 s7, s2  }
0x1e: {  	s7 =	smul.u32 @!p0 $0xF7A, s2;
	p2 =	seq.s32 @!p0 s5, $0x0  }
0x1f: {  	s9 =	smul.u32 $0xF7A, s1;
	s8 =	simm.s32 @!p0 $0x1BF5;
	p2 =	por !p2, p0  }
0x20: {  	[sflag:s8] =	ssyncset.s32 @!p0 $0xFFFFF086;
	s6 =	sadd.s32 @!p0 s3, s7;
	s7 =	simm.s32 @!p0 $0x108  }
0x21: {  	s3 =	sadd.s32 s3, s9;
	s6 =	sadd.s32 @!p0 $0x88, s6;
	s7 =	simm.s32 @p2 $0x1082  }
0x22: {  	[simem:s7], [sflag:s8] =	dma.local @!p0 [hbm:s6], $0xF7A  }
0x23: {  	s9 =	sor.u32 $0xD0000000, s2;
	s6 =	simm.s32 $0x108;
	_ =	swait.ge @!p0 [sflag:s8], $0x0  }
0x24: {  	s3 =	sadd.s32 $0x88, s3;
	s6 =	simm.s32 @!p1 $0x1082;
	[sflag:s4] =	ssyncset.s32 $0xFFFFF086  }
0x25: {  	[simem:s6], [sflag:s4] =	dma.local [hbm:s3], $0xF7A  }
0x26: {  	[smem:$0x3F9C] =	sst s1;
	(tag) =	ssettag s2;
	_ =	strace s9  }
0x27: {  	s1 =	sld [smem:$0x3FAC]  }
0x28: {  	s2 =	sld [smem:$0x3FAD]  }
0x29: {  	s4 =	sld [smem:$0x3FAF]  }
0x2a: {  	p0 =	seq.s32 s5, $0x0;
	s5 =	sld [smem:$0x3FB0]  }
0x2b: {  	s6 =	sld [smem:$0x3FB1]  }
0x2c: {  	s7 =	sld [smem:$0x3FB2]  }
0x2d: {  	s3 =	simm.s32 $0x108;
	s8 =	sld [smem:$0x3FB3]  }
0x2e: {  	s3 =	simm.s32 @!p0 $0x1082;
	s9 =	sld [smem:$0x3FB4]  }
0x2f: {  	lr =	sadd.s32 s0, s3;
	s0 =	sld [smem:$0x3FAB]  }
0x30: {  	s3 =	sld [smem:$0x3FAE]  }
0x31: {  	[smem:$0x3FB7] =	sst s10  }
0x32: {  	s10 =	sld [smem:$0x3FB5];
	_ =	sdelay $0x3  }
0x33: {  	p0 =	seq.s32 s10, $0x1;
	s10 =	sld [smem:$0x3FB7];
	_ =	sdelay $0x3  }
0x34: {  	[smem:$0x3FB7] =	sst s10  }
0x35: {  	s10 =	sld [smem:$0x3FB6];
	_ =	sdelay $0x3  }
0x36: {  	p1 =	seq.s32 s10, $0x1;
	s10 =	sld [smem:$0x3FB7];
	_ =	sdelay $0x3  }
0x37: {  	[smem:$0x3FB7] =	sst s10  }
0x38: {  	s10 =	sld [smem:$0x3FB8]  }
0x39: {  	_ = 	snop;
	(pc) =	sbr.ind lr, $3  }
0x3a: {  	_ = 	snop  }
0x3b: {  	_ = 	snop  }
0x3c: {  	p2 =	seq.s32 s10, $0x1;
	s10 =	sld [smem:$0x3FB7]  }
0x3d: {  	_ =	shalt  }
0x3e: {  	_ =	shalt  }
0x3f: {  	_ =	shalt  }
0x40: {  	_ =	shalt  }
0x41: {  	_ =	shalt  }
0x42: {  	_ =	shalt  }
0x43: {  	_ =	shalt  }
0x44: {  	_ =	shalt  }
0x45: {  	_ =	shalt  }
0x46: {  	_ =	shalt  }
0x47: {  	_ =	shalt  }
0x48: {  	_ =	shalt  }
0x49: {  	_ =	shalt  }
0x4a: {  	_ =	shalt  }
0x4b: {  	_ =	shalt  }
0x4c: {  	_ =	shalt  }
0x4d: {  	_ =	shalt  }
0x4e: {  	_ =	shalt  }
0x4f: {  	_ =	shalt  }
0x50: {  	_ =	shalt  }
0x51: {  	_ =	shalt  }
0x52: {  	_ =	shalt  }
0x53: {  	_ =	shalt  }
0x54: {  	_ =	shalt  }
0x55: {  	_ =	shalt  }
0x56: {  	_ =	shalt  }
0x57: {  	_ =	shalt  }
0x58: {  	_ =	shalt  }
0x59: {  	_ =	shalt  }
0x5a: {  	_ =	shalt  }
0x5b: {  	_ =	shalt  }
0x5c: {  	_ =	shalt  }
0x5d: {  	_ =	shalt  }
0x5e: {  	_ =	shalt  }
0x5f: {  	_ =	shalt  }
0x60: {  	_ =	shalt  }
0x61: {  	_ =	shalt  }
0x62: {  	_ =	shalt  }
0x63: {  	_ =	shalt  }
0x64: {  	_ =	shalt  }
0x65: {  	_ =	shalt  }
0x66: {  	_ =	shalt  }
0x67: {  	_ =	shalt  }
0x68: {  	_ =	shalt  }
0x69: {  	_ =	shalt  }
0x6a: {  	_ =	shalt  }
0x6b: {  	_ =	shalt  }
0x6c: {  	_ =	shalt  }
0x6d: {  	_ =	shalt  }
0x6e: {  	_ =	shalt  }
0x6f: {  	_ =	shalt  }
0x70: {  	_ =	shalt  }
0x71: {  	_ =	shalt  }
0x72: {  	_ =	shalt  }
0x73: {  	_ =	shalt  }
0x74: {  	_ =	shalt  }
0x75: {  	_ =	shalt  }
0x76: {  	_ =	shalt  }
0x77: {  	_ =	shalt  }
0x78: {  	_ =	shalt  }
0x79: {  	_ =	shalt  }
0x7a: {  	_ =	shalt  }
0x7b: {  	_ =	shalt  }
0x7c: {  	_ =	shalt  }
0x7d: {  	_ =	shalt  }
0x7e: {  	_ =	shalt  }
0x7f: {  	_ =	shalt  }
0x80: {  	_ =	shalt  }
0x81: {  	_ =	shalt  }
0x82: {  	_ =	shalt  }
0x83: {  	_ =	shalt  }
0x84: {  	_ =	shalt  }
0x85: {  	_ =	shalt  }
0x86: {  	_ =	shalt  }
0x87: {  	_ =	shalt  }
.Lfunc_end0:
.L_simem_size_0:
called_computation_lowered:
.L_overlay_start_0:
0x88: {  	s2 =	sld [smem:$0x3FD9]  }
0x89: {  	s3 =	sld [smem:$0x3FFE];
	_ =	sdelay $0x1  }
0x8a: {  	s1 =	srdreg.scid  }
0x8b: {  	s0 =	sand.u32 $0x1, s1  }
0x8c: {  	s14 =	sshll.u32 s0, $0xA;
	s2 =	sadd.s32 s3, s2  }
0x8d: {  	s2 =	sadd.s32 s2, s14  }
0x8e: {  	[smem:$0x3FC3] =	sst s2  }
0x8f: {  	_ = 	snop  }
0x90: {  	s2 =	sld [smem:$0x3FD0];
	_ =	sdelay $0x2  }
0x91: {  	s4 =	simm.s32 $0xA;
	s5 =	simm.s32 $0x10;
	s15 =	sld [smem:$0x3FC8]  }
0x92: {  	[smem:s5], [sflag:s4] =	dma.local [hbm:s2], $0x1  }
0x93: {  	_ =	swait.eq [sflag:s4], $0x1  }
0x94: {  	[sflag:s4] =	ssyncset.done $0x0  }
0x95: {  	[sflag:s4] =	ssyncadd.s32 $0xFFFFFFFF  }
0x96: {  	s16 =	sld [smem:$0x10];
	(tm) =	ssettm $0x1  }
0x97: {  	s17 =	sld [smem:$0x3FFB];
	_ =	sdelay $0x3  }
0x98: {  	_ =	strace s17  }
0x99: {  	s4 =	sld [smem:$0x3FFC];
	_ =	sdelay $0x3  }
0x9a: {  	_ =	strace s4  }
0x9b: {  	s4 =	sld [smem:$0x3FFD];
	_ =	sdelay $0x3  }
0x9c: {  	_ =	strace s4  }
0x9d: {  	_ =	strace $0x8FFFFFFF  }
0x9e: {  	s18 =	sld [smem:$0x3FDB];
	_ =	sdelay $0x1  }
0x9f: {  	s19 =	simm.s32 $_scs_section_size  }
0xa0: {  	s6 =	simm.s32 $_size__tile_overlayer_lowered;
	s7 =	simm.s32 $_tile_overlayer_lowered  }
0xa1: {  	s22 =	simm.s32 $0x1BFF;
	s21 =	sshll.u32 s7, $0x1;
	s4 =	sadd.s32 s19, s18  }
0xa2: {  	s8 =	simm.s32 $0x0;
	s20 =	sshll.u32 s6, $0x1;
	s6 =	sadd.s32 s21, s4  }
0xa3: {  	[timem:s8], [sflag:s22] =	dma.local [hbm:s6], s20  }
0xa4: {  	_ =	swait.ge [sflag:s22], s20  }
0xa5: {  	s5 =	ssub.s32 $0x0, s20;
	[sflag:s22] =	ssyncset.done $0x0  }
0xa6: {  	[sflag:s22] =	ssyncadd.s32 s5;
	_ =	sdelay $0x1  }
0xa7: {  	s23 =	simm.s32 $0x1B8B  }
0xa8: {  	_ =	swait.ge [sflag:s23], $0x1  }
0xa9: {  	[sflag:s23] =	ssyncset.done $0x0  }
0xaa: {  	s25 =	simm.s32 $0x1B8E;
	s24 =	sld [smem:$0x3FFE];
	[sflag:s23] =	ssyncadd.s32 $0xFFFFFFFF  }
0xab: {  	s26 =	simm.s32 $execute0_lowered;
	[smem:$0x3FD2] =	sst s25  }
0xac: {  	s6 =	sshll.u32 s26, $0x1;
	_ =	strace $0x80000046;
	[dreg:$0x1] =	wrdreg $0xFFFFFFFF  }
0xad: {  	s28 =	simm.s32 $_size_execute0_lowered;
	s4 =	sadd.s32 s4, s6;
	[dreg:$0x0] =	wrdreg $0x0  }
0xae: {  	s6 =	sshll.u32 s28, $0x1;
	[dreg:$0x2] =	wrdreg s4  }
0xaf: {  	[dreg:$0x3] =	wrdreg s6  }
0xb0: {  	[dreg:$0x4] =	wrdreg $0xC0  }
0xb1: {  	_ =	task [dreg:s8], $0x5FFFF  }
0xb2: {  	[dreg:$0x1] =	wrdreg $0xFFFFFFFF  }
0xb3: {  	[dreg:$0x0] =	wrdreg $0x60  }
0xb4: {  	[dreg:$0x2] =	wrdreg s24  }
0xb5: {  	[dreg:$0x3] =	wrdreg s15  }
0xb6: {  	[dreg:$0x4] =	wrdreg s16  }
0xb7: {  	[dreg:$0x5] =	wrdreg $0xE8000  }
0xb8: {  	[dreg:$0x6] =	wrdreg $0x9  }
0xb9: {  	_ =	task.clear_ibuf [dreg:s8], $0x7FFFF;
	_ =	strace $0x90000046  }
0xba: {  	s29 =	simm.s32 $0x9;
	_ =	strace $0x80000048  }
0xbb: {  	_ =	swait.ge [sflag:s29], $0x1  }
0xbc: {  	[sflag:s29] =	ssyncadd.s32 $0xFFFFFFFF  }
0xbd: {  	_ =	strace $0x90000048  }
0xbe: {  	_ =	sfence  }
0xbf: {  	s30 =	sld [smem:$0x0];
	_ =	sdelay $0x2  }
0xc0: {  	s31 =	sshll.u32 s1, $0xD;
	s1 =	sshrl.u32 s1, $0x2  }
0xc1: {  	s3 =	sand.u32 $0x4000, s31;
	s1 =	sadd.s32 s1, s30  }
0xc2: {  	s0 =	sor.u32 s3, s0;
	s1 =	sshll.u32 s1, $0x11  }
0xc3: {  	s0 =	sor.u32 s1, s0  }
0xc4: {  	s0 =	sadd.s32 $0x8F2B, s0  }
0xc5: {  	[sflag:s0] =	ssyncadd.remote.s32 $0x1  }
0xc6: {  	_ =	sfence.sel $0xFFFF  }
0xc7: {  	[dreg:$0x0] =	wrdreg $0xFFFFFFFF;
	(pc) =	sbr.abs _section_cstart, $3  }
0xc8: {  	[dreg:$0x1] =	wrdreg $0xFFFFFFFF  }
0xc9: {  	_ =	task.clear_ibuf [dreg:s8], $0x2FFFF;
	_ =	strace $0x9FFFFFFF  }
0xca: {  	(tm) =	ssettm $0x7FFFFFFF  }
0xcb: {  	_ =	shalt  }
tec
execute0_lowered:
.L_overlay_start_1:
0x0: {  	(tag) =	ssettag $0x1  }
0x1: {  	s0 =	rddreg [dreg:$0x0]  }
0x2: {  	s3 =	rddreg [dreg:$0x1]  }
0x3: {  	s4 =	rddreg [dreg:$0x2]  }
0x4: {  	s1 =	rddreg [dreg:$0x3]  }
0x5: {  	s2 =	simm.s32 $0x0;
	s5 =	srdreg.scid;
	s13 =	stileid.u32  }
0x6: {  	[smem:$0x7FF] =	sst s2;
	s20 =	smul.u32 $0x1900, s13  }
0x7: {  	s6 =	sand.u32 $0x1, s5;
	s5 =	sadd.s32 $0x187400, s0;
	s10 =	smul.u32 $0x640, s13  }
0x8: {  	s0 =	sadd.s32 $0xA00, s0;
	s11 =	sadd.s32 $0x5DC0, s4;
	p1 =	seq.s32 s13, $0xF  }
0x9: {  	p0 =	sne.s32 s13, $0x0;
	_ =	strace $0x80000047;
	s7 =	ssub.s32 $0x2, s6  }
0xa: {  	s6 =	sshll.u32 s6, $0xE;
	[dreg:$0x9] =	wrdreg s11;
	s8 =	sshrl.u32 s7, $0x1  }
0xb: {  	s9 =	sshrl.u32 s20, $0x3;
	s26 =	sadd.s32 s4, s10;
	s10 =	sshll.u32 s13, $0xA  }
0xc: {  	s18 =	sor.u32 $0x8000, s6;
	s19 =	sor.u32 $0x10000, s6;
	s21 =	sor.u32 $0x18000, s6  }
0xd: {  	[dreg:$0x5] =	wrdreg s20;
	s7 =	ssub.s32 s7, s8;
	s25 =	sadd.s32 s3, s9  }
0xe: {  	[dreg:$0x7] =	wrdreg s26;
	s3 =	sadd.s32 $0x2EE0, s3;
	s9 =	sshll.u32 s13, $0x10  }
0xf: {  	s12 =	sor.u32 s10, s6;
	s11 =	sor.u32 s10, s18;
	s8 =	sor.u32 s10, s21  }
0x10: {  	v0 =	vmov s6;
	v1 =	vmov s18;
	s6 =	simm.s32 $0x6400;
	s18 =	simm.s32 $0x3;
	[dreg:$0x6] =	wrdreg s25  }
0x11: {  	v3 =	vmov s21;
	s21 =	simm.s32 $0x2;
	[dreg:$0x8] =	wrdreg s3;
	s9 =	sadd.s32 s9, s1  }
0x12: {  	s3 =	sshll.u32 s12, $0x3;
	s12 =	sor.u32 s10, s19;
	s11 =	sshll.u32 s11, $0x3  }
0x13: {  	s8 =	sshll.u32 s8, $0x3;
	s25 =	smax.u32 s7, $0x1;
	s7 =	simm.s32 $0x7E00  }
0x14: {  	v2 =	vmov s19;
	s10 =	simm.s32 $0x1;
	s19 =	simm.s32 $0x4;
	s22 =	sadd.s32 $0x1000, s9  }
0x15: {  	s14 =	sadd.s32 $0x2000, s9;
	s15 =	sadd.s32 $0x3000, s9;
	[dreg:$0x14] =	wrdreg s25  }
0x16: {  	s16 =	sadd.s32 $0x4000, s9;
	s17 =	sadd.s32 $0x5000, s9;
	[dreg:$0xb] =	wrdreg s14  }
0x17: {  	s3 =	sadd.s32 s0, s3;
	s12 =	sshll.u32 s12, $0x3;
	[dreg:$0xc] =	wrdreg s15  }
0x18: {  	s11 =	sadd.s32 s0, s11;
	s24 =	sadd.s32 $0x6000, s9;
	[dreg:$0xd] =	wrdreg s16  }
0x19: {  	s26 =	sadd.s32 $0x7000, s9;
	s25 =	sadd.s32 $0xA000, s9;
	[dreg:$0xe] =	wrdreg s17  }
0x1a: {  	s28 =	sadd.s32 $0xC000, s9;
	s29 =	sadd.s32 $0xD000, s9;
	[dreg:$0xf] =	wrdreg s3  }
0x1b: {  	s30 =	sadd.s32 $0xE000, s9;
	s31 =	sadd.s32 $0xF000, s9;
	[dreg:$0x10] =	wrdreg s11  }
.Ltmp0:
0x1c: {  	s23 =	sadd.s32 s0, s12;
	[dreg:$0x13] =	wrdreg s24;
	(pc) =	sbr.rel .LBB2_1-.Ltmp0, $4  }
0x1d: {  	s0 =	sadd.s32 s0, s8;
	[dreg:$0x15] =	wrdreg s26;
	s24 =	sadd.s32 $0x9000, s9  }
0x1e: {  	v5 =	vlaneseq.u32;
	v6 =	vimm.f32 $0.0e+00;
	s26 =	sadd.s32 $0xB000, s9;
	s3 =	simm.s32 $0x1900;
	[dreg:$0xa] =	wrdreg s22  }
0x1f: {  	v7 =	vimm.s32 $0x0;
	v10 =	vimm.s32 $0x4000;
	v8 =	vshrl.u32 v5, $0x3;
	s8 =	simm.s32 $0xD800;
	s16 =	simm.s32 $0x80;
	[dreg:$0x11] =	wrdreg s23  }
0x20: {  	v9 =	vand.u32 $0x7, v5;
	v8 =	vmul.u32 $0x8, v8;
	v4 =	vmov s20;
	[dreg:$0x12] =	wrdreg s0;
	s23 =	sadd.s32 $0x8000, s9;
	s0 =	sadd.s32 $0x100000, s1  }
.LBB2_58:
0x21: {  	[sflag:s19] =	ssyncadd.s32 $0xFFFFE000  }
.LBB2_59:
0x22: {  	[bflag:$0x0] =	sbarrier.arrive $0xFFFF  }
0x23: {  	s4 =	rddreg [dreg:$0x12]  }
0x24: {  	[hbm:s4], [sflag:s17] =	dma.local [spmem:s11], $0x2000  }
0x25: {  	_ =	swait.ge [sflag:s21], $0x2000  }
0x26: {  	s2 =	sadd.s32 $0x1, s2;
	s17 =	rddreg [dreg:$0x14]  }
0x27: {  	p2 =	sne.s32 s2, s17  }
.Ltmp1:
0x28: {  	_ = 	snop;
	(pc) =	sbr.rel @!p2 .LBB2_60-.Ltmp1, $3  }
0x29: {  	_ =	sdelay $0x1  }
0x2a: {  	[sflag:s21] =	ssyncset.done $0x0  }
0x2b: {  	[sflag:s21] =	ssyncadd.s32 $0xFFFFE000  }
.LBB2_1:
0x2c: {  	s4 =	simm.s32 @p1 $0x0;
	s11 =	rddreg [dreg:$0x8]  }
0x2d: {  	[tilespmem:s4], [sflag:$0x5] =	stream.linear.gather @p1 [hbm4b:s11+s4], $0xFA0, $0x38;
	[tilespmem:$0x1E840] =	vst v63  }
0x2e: {  	s11 =	simm.s32 @p1 $0x5  }
0x2f: {  	_ =	swait.ge @p1 [sflag:s11], $0xFA0  }
0x30: {  	[sflag:s11] =	ssyncset.done @p1 $0x0  }
0x31: {  	s12 =	simm.s32 @p1 $0x1900;
	s13 =	rddreg [dreg:$0x9];
	[sflag:s11] =	ssyncadd.s32 @p1 $0xFFFFF060  }
0x32: {  	[tilespmem:s12], [sflag:$0x5] =	stream.linear.gather @p1 [hbm4b:s13+s4], $0x1F40, $0x38;
	[tilespmem:$0x1E840] =	vst v63  }
0x33: {  	_ =	swait.ge @p1 [sflag:s11], $0x1F40  }
0x34: {  	[sflag:s11] =	ssyncset.done @p1 $0x0  }
0x35: {  	s4 =	simm.s32 @!p1 $0x0;
	[sflag:s11] =	ssyncadd.s32 @p1 $0xFFFFE0C0;
	s11 =	rddreg [dreg:$0x6]  }
0x36: {  	[tilespmem:s4], [sflag:$0x5] =	stream.linear.gather @!p1 [hbm4b:s11+s4], $0x1900, $0x38;
	[tilespmem:$0x1E840] =	vst v63  }
0x37: {  	s11 =	simm.s32 @!p1 $0x5  }
0x38: {  	_ =	swait.ge @!p1 [sflag:s11], $0x1900  }
0x39: {  	[sflag:s11] =	ssyncset.done @!p1 $0x0  }
0x3a: {  	s12 =	simm.s32 @!p1 $0x1900;
	s13 =	rddreg [dreg:$0x7];
	[sflag:s11] =	ssyncadd.s32 @!p1 $0xFFFFE700  }
0x3b: {  	[tilespmem:s12], [sflag:$0x5] =	stream.linear.gather @!p1 [hbm4b:s13+s4], $0x3200, $0x38;
	[tilespmem:$0x1E840] =	vst v63  }
0x3c: {  	_ =	swait.ge @!p1 [sflag:s11], $0x3200  }
0x3d: {  	[sflag:s11] =	ssyncset.done @!p1 $0x0  }
0x3e: {  	s4 =	simm.s32 $0x0;
	[sflag:s11] =	ssyncadd.s32 @!p1 $0xFFFFCE00  }
.LBB2_2:
0x3f: {  	p2 =	sne.s32 s4, $0x3F00  }
.Ltmp2:
0x40: {  	s11 =	sshra.s32 s4, $0x2;
	(pc) =	sbr.rel @p2 .LBB2_2-.Ltmp2, $4  }
0x41: {  	[tilespmem:s11+$0xD800] =	vst v6  }
0x42: {  	[tilespmem:s11+$0xD810] =	vst v6  }
0x43: {  	[tilespmem:s11+$0xD820] =	vst v6  }
0x44: {  	s4 =	sadd.s32 $0x100, s4;
	[tilespmem:s11+$0xD830] =	vst v6  }
0x45: {  	s4 =	simm.s32 $0x0  }
0x46: {  	v11 =	vor.u32 s4, v5  }
0x47: {  	v12 =	vshll.u32 v11, $0x1  }
0x48: {  	v13 =	vor.u32 $0x1, v12;
	_ =	sdelay $0x3  }
0x49: {  	v12 =	vld.idx.msk [tilespmem:v12+s3+$0x0], $0xffff  }
0x4a: {  	v13 =	vld.idx.msk [tilespmem:v13+s3+$0x0], $0xffff  }
0x4b: {  	v14 =	vld [tilespmem:s4+$0x0];
	_ =	sdelay $0x2  }
0x4c: {  	v15 =	vshll.u32 v12, $0x3;
	v12 =	vshll.u32 v12, $0x6  }
0x4d: {  	v15 =	vand.u32 $0x8, v15;
	v12 =	vand.u32 $0xFFFFFF80, v12;
	v16 =	vand.u32 $0xFFFFFFFE, v13  }
0x4e: {  	v13 =	vand.u32 $0x1, v13;
	v14 =	vadd.s32 v14, v15;
	v12 =	vadd.s32 v12, v16  }
0x4f: {  	v11 =	vadd.s32 v4, v11;
	v14 =	vshll.u32 v14, $0xD;
	v12 =	vor.u32 v13, v12  }
0x50: {  	vm0 =	vlt.u32 v11, $0x186A0;
	v12 =	vadd.s32 v14, v12  }
0x51: {  	v12 =	vnsel vm0, $0x40000000, v12  }
0x52: {  	v13 =	vsub.s32 v12, v0  }
0x53: {  	vm14 =	vlt.u32 v13, $0x4000  }
0x54: {  	v14 =	vsel vm14, $0x1, v7  }
0x55: {  	(xrf0) =	vadd.scan.msk.s32 $0xffff, v14;
	_ =	sdelay $0x2  }
0x56: {  	v14 =	vmov s4  }
0x57: {  	v14 =	vadd.s32 $0xFFFFFFFF, v14  }
0x58: {  	v14 =	vbroadcast v14, $0x0  }
0x59: {  	v15, _, _ =	vpop (xrf0)  }
0x5a: {  	s11 =	simm.s32 $0x10;
	v14 =	vadd.s32 v15, v14  }
0x5b: {  	v15 =	vor.u32 s11, v5  }
0x5c: {  	(v2sf) =	vpush v14, $0xF;
	v62 =	vshll.u32 v15, $0x1  }
0x5d: {  	s12 =	simm.s32 $0x4B00;
	v17 =	vor.u32 $0x1, v62  }
0x5e: {  	[tilespmem:s12+$0x0] =	vst v12  }
0x5f: {  	[tilespmem:v14+s6+$0x0] =	vst.idx.msk vm14, v11  }
0x60: {  	[tilespmem:v14+s7+$0x0] =	vst.idx.msk vm14, v13  }
0x61: {  	v11 =	vld.idx.msk [tilespmem:v62+s3+$0x0], $0xffff  }
0x62: {  	v12 =	vld.idx.msk [tilespmem:v17+s3+$0x0], $0xffff  }
0x63: {  	v13 =	vld [tilespmem:s11+$0x0];
	_ =	sdelay $0x2  }
0x64: {  	v14 =	vshll.u32 v11, $0x3;
	v11 =	vshll.u32 v11, $0x6  }
0x65: {  	v63 =	vand.u32 $0xFFFFFFFE, v12;
	v14 =	vand.u32 $0x8, v14;
	v11 =	vand.u32 $0xFFFFFF80, v11  }
0x66: {  	v12 =	vand.u32 $0x1, v12;
	v13 =	vadd.s32 v13, v14;
	v14 =	vadd.s32 v11, v63  }
0x67: {  	v11 =	vadd.s32 v4, v15;
	v13 =	vshll.u32 v13, $0xD;
	v12 =	vor.u32 v12, v14  }
0x68: {  	vm15 =	vlt.u32 v11, $0x186A0;
	v12 =	vadd.s32 v13, v12  }
0x69: {  	s15 =	spop (v2sf);
	v12 =	vnsel vm15, $0x40000000, v12  }
0x6a: {  	s17 =	simm.s32 $0x20;
	s13 =	simm.s32 $0x30;
	s4 =	sadd.s32 $0x1, s15;
	v13 =	vsub.s32 v12, v0  }
.LBB2_4:
0x6b: {  	p2 =	sne.s32 s13, $0x18F0;
	vm0 =	vlt.u32 v13, $0x4000  }
0x6c: {  	v14 =	vsel vm0, $0x1, v7  }
0x6d: {  	(xrf0) =	vadd.scan.msk.s32 $0xffff, v14;
	_ =	sdelay $0x2  }
0x6e: {  	v14 =	vmov s4  }
0x6f: {  	v14 =	vadd.s32 $0xFFFFFFFF, v14  }
0x70: {  	v14 =	vbroadcast v14, $0x0  }
0x71: {  	v15, _, _ =	vpop (xrf0)  }
0x72: {  	v14 =	vadd.s32 v15, v14  }
0x73: {  	v15 =	vor.u32 s17, v5;
	s17 =	smov.u32 s13;
	(v2sf) =	vpush v14, $0xF  }
0x74: {  	v16 =	vshll.u32 v15, $0x1  }
0x75: {  	s12 =	sadd.s32 $0x10, s12;
	v17 =	vor.u32 $0x1, v16  }
0x76: {  	[tilespmem:s12+$0x0] =	vst v12  }
0x77: {  	[tilespmem:v14+s6+$0x0] =	vst.idx.msk vm0, v11  }
0x78: {  	[tilespmem:v14+s7+$0x0] =	vst.idx.msk vm0, v13  }
0x79: {  	v11 =	vld.idx.msk [tilespmem:v16+s3+$0x0], $0xffff  }
0x7a: {  	s11 =	sadd.s32 $0x10, s11;
	v12 =	vld.idx.msk [tilespmem:v17+s3+$0x0], $0xffff  }
0x7b: {  	v13 =	vld [tilespmem:s11+$0x0];
	_ =	sdelay $0x3  }
0x7c: {  	v14 =	vshll.u32 v11, $0x3;
	v11 =	vshll.u32 v11, $0x6  }
0x7d: {  	v14 =	vand.u32 $0x8, v14;
	v11 =	vand.u32 $0xFFFFFF80, v11;
	v16 =	vand.u32 $0xFFFFFFFE, v12  }
.Ltmp3:
0x7e: {  	v12 =	vand.u32 $0x1, v12;
	v13 =	vadd.s32 v13, v14;
	v14 =	vadd.s32 v11, v16;
	(pc) =	sbr.rel @p2 .LBB2_4-.Ltmp3, $4  }
0x7f: {  	v11 =	vadd.s32 v4, v15;
	v13 =	vshll.u32 v13, $0xD;
	v12 =	vor.u32 v12, v14;
	s4 =	spop (v2sf)  }
0x80: {  	vm0 =	vlt.u32 v11, $0x186A0;
	v12 =	vadd.s32 v13, v12;
	s4 =	sadd.s32 $0x1, s4  }
0x81: {  	v12 =	vnsel vm0, $0x40000000, v12  }
0x82: {  	s13 =	sadd.s32 $0x10, s13;
	v13 =	vsub.s32 v12, v0  }
0x83: {  	vm0 =	vlt.u32 v13, $0x4000  }
0x84: {  	v14 =	vsel vm0, $0x1, v7  }
0x85: {  	(xrf0) =	vadd.scan.msk.s32 $0xffff, v14;
	_ =	sdelay $0x2  }
0x86: {  	v55 =	vmov s4  }
0x87: {  	v14 =	vadd.s32 $0xFFFFFFFF, v55  }
0x88: {  	v14 =	vbroadcast v14, $0x0  }
0x89: {  	v15, _, _ =	vpop (xrf0)  }
0x8a: {  	v14 =	vadd.s32 v15, v14  }
0x8b: {  	v56 =	vor.u32 s17, v5  }
0x8c: {  	v16 =	vshll.u32 v56, $0x1  }
0x8d: {  	s13 =	sadd.s32 $0x10, s12;
	v17 =	vor.u32 $0x1, v16  }
0x8e: {  	[tilespmem:s13+$0x0] =	vst v12  }
0x8f: {  	[tilespmem:v14+s6+$0x0] =	vst.idx.msk vm0, v11  }
0x90: {  	[tilespmem:v14+s7+$0x0] =	vst.idx.msk vm0, v13  }
0x91: {  	(v2sf) =	vpush v14, $0xF;
	v11 =	vld.idx.msk [tilespmem:v16+s3+$0x0], $0xffff  }
0x92: {  	s11 =	sadd.s32 $0x10, s11;
	v12 =	vld.idx.msk [tilespmem:v17+s3+$0x0], $0xffff  }
0x93: {  	v13 =	vld [tilespmem:s11+$0x0];
	_ =	sdelay $0x2  }
0x94: {  	v57 =	vshll.u32 v11, $0x3;
	v11 =	vshll.u32 v11, $0x6  }
0x95: {  	v58 =	vand.u32 $0xFFFFFFFE, v12;
	v14 =	vand.u32 $0x8, v57;
	v11 =	vand.u32 $0xFFFFFF80, v11  }
0x96: {  	v12 =	vand.u32 $0x1, v12;
	v13 =	vadd.s32 v13, v14;
	v11 =	vadd.s32 v11, v58  }
0x97: {  	v59 =	vadd.s32 v4, v56;
	v13 =	vshll.u32 v13, $0xD;
	v11 =	vor.u32 v12, v11  }
0x98: {  	vm14 =	vlt.u32 v59, $0x186A0;
	v11 =	vadd.s32 v13, v11  }
0x99: {  	v11 =	vnsel vm14, $0x40000000, v11  }
0x9a: {  	v60 =	vsub.s32 v11, v0  }
0x9b: {  	vm15 =	vlt.u32 v60, $0x4000  }
0x9c: {  	v61 =	vsel vm15, $0x1, v7  }
0x9d: {  	(xrf0) =	vadd.scan.msk.s32 $0xffff, v61  }
0x9e: {  	s14 =	spop (v2sf)  }
0x9f: {  	s11 =	sadd.s32 $0x1, s14  }
0xa0: {  	v62 =	vmov s11  }
0xa1: {  	v13 =	vadd.s32 $0xFFFFFFFF, v62  }
0xa2: {  	v13 =	vbroadcast v13, $0x0  }
0xa3: {  	v63, _, _ =	vpop (xrf0)  }
0xa4: {  	v13 =	vadd.s32 v63, v13  }
0xa5: {  	(v2sf) =	vpush v13, $0xF;
	_ =	sdelay $0xe  }
0xa6: {  	s15 =	spop (v2sf)  }
0xa7: {  	s17 =	sadd.s32 $0x80, s15  }
0xa8: {  	s13 =	sadd.s32 $0x10, s13;
	s4 =	sadd.s32 $0x1, s15;
	s11 =	sshra.s32 s17, $0x7  }
0xa9: {  	[tilespmem:s13+$0x0] =	vst v11;
	s12 =	sshra.s32 s4, $0x4;
	s13 =	sshll.u32 s11, $0x3  }
0xaa: {  	p2 =	sle.s32 s13, s12  }
.Ltmp4:
0xab: {  	_ = 	snop;
	(pc) =	sbr.rel @p2 .LBB2_9-.Ltmp4, $3  }
0xac: {  	_ =	sdelay $0x1  }
0xad: {  	[tilespmem:v13+s6+$0x0] =	vst.idx.msk vm15, v59  }
0xae: {  	[tilespmem:v13+s7+$0x0] =	vst.idx.msk vm15, v60  }
0xaf: {  	s14 =	sshll.u32 s12, $0x4;
	s17 =	ssub.s32 s13, s12  }
0xb0: {  	v12 =	vmov s14;
	p2 =	sne.s32 s17, $0x1  }
.Ltmp5:
0xb1: {  	v11 =	vmov s4;
	v13 =	vor.u32 s14, v5;
	v12 =	vand.u32 $0xFFFFFFF8, v12;
	(pc) =	sbr.rel @!p2 .LBB2_8-.Ltmp5, $3  }
0xb2: {  	vm0 =	vge.s32 v13, v11;
	v12 =	vor.u32 v8, v12  }
0xb3: {  	vm1 =	vmmov vm0;
	v12 =	vor.u32 v9, v12;
	_ =	sdelay $0x1  }
0xb4: {  	s4 =	sadd.s32 $0xFFFFFFFF, s17;
	s12 =	sadd.s32 $0x10, s14  }
.LBB2_7:
0xb5: {  	v13 =	vmov s12;
	p2 =	sne.s32 s4, $0x1  }
.Ltmp6:
0xb6: {  	v14 =	vor.u32 s12, v5;
	s4 =	sadd.s32 $0xFFFFFFFF, s4;
	v13 =	vand.u32 $0xFFFFFFF8, v13;
	(pc) =	sbr.rel @p2 .LBB2_7-.Ltmp6, $3  }
0xb7: {  	v13 =	vor.u32 v8, v13;
	[tilespmem:v12+s6+$0x0] =	vst.idx.msk vm0, v7;
	vm0 =	vge.s32 v14, v11  }
0xb8: {  	[tilespmem:v12+s7+$0x0] =	vst.idx.msk vm1, v10;
	v12 =	vor.u32 v9, v13;
	vm1 =	vmmov vm0;
	_ =	sdelay $0x1  }
0xb9: {  	s12 =	sadd.s32 $0x10, s12  }
.LBB2_8:
0xba: {  	_ =	sdelay $0x4  }
0xbb: {  	[tilespmem:v12+s6+$0x0] =	vst.idx.msk vm0, v7  }
0xbc: {  	[tilespmem:v12+s7+$0x0] =	vst.idx.msk vm1, v10  }
.LBB2_9:
0xbd: {  	[spmem:s9] =	stream.linear.scatter [tilespmem:s8], [sflag:$0x1], $0x1000, $0x38;
	[tilespmem:$0x1E840] =	vst v63  }
0xbe: {  	_ = 	snop  }
0xbf: {  	[spmem:s22] =	stream.linear.scatter [tilespmem:s8], [sflag:$0x1], $0x1000, $0x38;
	[tilespmem:$0x1E840] =	vst v63  }
0xc0: {  	s4 =	rddreg [dreg:$0xb]  }
0xc1: {  	[spmem:s4] =	stream.linear.scatter [tilespmem:s8], [sflag:$0x1], $0x1000, $0x38;
	[tilespmem:$0x1E840] =	vst v63  }
0xc2: {  	s12 =	rddreg [dreg:$0xc]  }
0xc3: {  	[spmem:s12] =	stream.linear.scatter [tilespmem:s8], [sflag:$0x1], $0x1000, $0x38;
	[tilespmem:$0x1E840] =	vst v63  }
0xc4: {  	s13 =	rddreg [dreg:$0xd]  }
0xc5: {  	[spmem:s13] =	stream.linear.scatter [tilespmem:s8], [sflag:$0x1], $0x1000, $0x38;
	[tilespmem:$0x1E840] =	vst v63  }
0xc6: {  	s14 =	rddreg [dreg:$0xe]  }
0xc7: {  	[spmem:s14] =	stream.linear.scatter [tilespmem:s8], [sflag:$0x1], $0x1000, $0x38;
	[tilespmem:$0x1E840] =	vst v63  }
0xc8: {  	s15 =	rddreg [dreg:$0x13]  }
0xc9: {  	[spmem:s15] =	stream.linear.scatter [tilespmem:s8], [sflag:$0x1], $0x1000, $0x38;
	[tilespmem:$0x1E840] =	vst v63  }
0xca: {  	s17 =	rddreg [dreg:$0x15]  }
0xcb: {  	[spmem:s17] =	stream.linear.scatter [tilespmem:s8], [sflag:$0x1], $0x1000, $0x38;
	[tilespmem:$0x1E840] =	vst v63  }
0xcc: {  	_ = 	snop  }
0xcd: {  	[spmem:s23] =	stream.linear.scatter [tilespmem:s8], [sflag:$0x1], $0x1000, $0x38;
	[tilespmem:$0x1E840] =	vst v63  }
0xce: {  	_ = 	snop  }
0xcf: {  	[spmem:s24] =	stream.linear.scatter [tilespmem:s8], [sflag:$0x1], $0x1000, $0x38;
	[tilespmem:$0x1E840] =	vst v63  }
0xd0: {  	_ = 	snop  }
0xd1: {  	[spmem:s25] =	stream.linear.scatter [tilespmem:s8], [sflag:$0x1], $0x1000, $0x38;
	[tilespmem:$0x1E840] =	vst v63  }
0xd2: {  	_ = 	snop  }
0xd3: {  	[spmem:s26] =	stream.linear.scatter [tilespmem:s8], [sflag:$0x1], $0x1000, $0x38;
	[tilespmem:$0x1E840] =	vst v63  }
0xd4: {  	_ = 	snop  }
0xd5: {  	[spmem:s28] =	stream.linear.scatter [tilespmem:s8], [sflag:$0x1], $0x1000, $0x38;
	[tilespmem:$0x1E840] =	vst v63  }
0xd6: {  	_ = 	snop  }
0xd7: {  	[spmem:s29] =	stream.linear.scatter [tilespmem:s8], [sflag:$0x1], $0x1000, $0x38;
	[tilespmem:$0x1E840] =	vst v63  }
0xd8: {  	_ = 	snop  }
0xd9: {  	[spmem:s30] =	stream.linear.scatter [tilespmem:s8], [sflag:$0x1], $0x1000, $0x38;
	[tilespmem:$0x1E840] =	vst v63  }
0xda: {  	_ = 	snop  }
0xdb: {  	[spmem:s31] =	stream.linear.scatter [tilespmem:s8], [sflag:$0x1], $0x1000, $0x38;
	[tilespmem:$0x1E840] =	vst v63  }
0xdc: {  	s4 =	simm.s32 @!p0 $0xD800  }
0xdd: {  	[spmem:s0] =	stream.linear.scatter @!p0 [tilespmem:s4], [sflag:$0x5], $0x400, $0x38;
	[tilespmem:$0x1E840] =	vst v63  }
0xde: {  	s4 =	simm.s32 @!p0 $0x5  }
0xdf: {  	_ =	swait.ge @!p0 [sflag:s4], $0x400  }
0xe0: {  	[sflag:s4] =	ssyncset.done @!p0 $0x0  }
0xe1: {  	[sflag:s4] =	ssyncadd.s32 @!p0 $0xFFFFFC00  }
0xe2: {  	_ =	swait.ge [sflag:s10], $0x1000  }
0xe3: {  	[sflag:s10] =	ssyncset.done $0x0  }
0xe4: {  	[sflag:s10] =	ssyncadd.s32 $0xFFFFF000  }
0xe5: {  	_ =	swait.ge [sflag:s10], $0x1000  }
0xe6: {  	[sflag:s10] =	ssyncset.done $0x0  }
0xe7: {  	[sflag:s10] =	ssyncadd.s32 $0xFFFFF000  }
0xe8: {  	_ =	swait.ge [sflag:s10], $0x1000  }
0xe9: {  	[sflag:s10] =	ssyncset.done $0x0  }
0xea: {  	[sflag:s10] =	ssyncadd.s32 $0xFFFFF000  }
0xeb: {  	_ =	swait.ge [sflag:s10], $0x1000  }
0xec: {  	[sflag:s10] =	ssyncset.done $0x0  }
0xed: {  	[sflag:s10] =	ssyncadd.s32 $0xFFFFF000  }
0xee: {  	_ =	swait.ge [sflag:s10], $0x1000  }
0xef: {  	[sflag:s10] =	ssyncset.done $0x0  }
0xf0: {  	[sflag:s10] =	ssyncadd.s32 $0xFFFFF000  }
0xf1: {  	_ =	swait.ge [sflag:s10], $0x1000  }
0xf2: {  	[sflag:s10] =	ssyncset.done $0x0  }
0xf3: {  	[sflag:s10] =	ssyncadd.s32 $0xFFFFF000  }
0xf4: {  	_ =	swait.ge [sflag:s10], $0x1000  }
0xf5: {  	[sflag:s10] =	ssyncset.done $0x0  }
0xf6: {  	[sflag:s10] =	ssyncadd.s32 $0xFFFFF000  }
0xf7: {  	_ =	swait.ge [sflag:s10], $0x1000  }
0xf8: {  	[sflag:s10] =	ssyncset.done $0x0  }
0xf9: {  	[sflag:s10] =	ssyncadd.s32 $0xFFFFF000  }
0xfa: {  	_ =	swait.ge [sflag:s10], $0x1000  }
0xfb: {  	[sflag:s10] =	ssyncset.done $0x0  }
0xfc: {  	[sflag:s10] =	ssyncadd.s32 $0xFFFFF000  }
0xfd: {  	_ =	swait.ge [sflag:s10], $0x1000  }
0xfe: {  	[sflag:s10] =	ssyncset.done $0x0  }
0xff: {  	[sflag:s10] =	ssyncadd.s32 $0xFFFFF000  }
0x100: {  	_ =	swait.ge [sflag:s10], $0x1000  }
0x101: {  	[sflag:s10] =	ssyncset.done $0x0  }
0x102: {  	[sflag:s10] =	ssyncadd.s32 $0xFFFFF000  }
0x103: {  	_ =	swait.ge [sflag:s10], $0x1000  }
0x104: {  	[sflag:s10] =	ssyncset.done $0x0  }
0x105: {  	[sflag:s10] =	ssyncadd.s32 $0xFFFFF000  }
0x106: {  	_ =	swait.ge [sflag:s10], $0x1000  }
0x107: {  	[sflag:s10] =	ssyncset.done $0x0  }
0x108: {  	[sflag:s10] =	ssyncadd.s32 $0xFFFFF000  }
0x109: {  	_ =	swait.ge [sflag:s10], $0x1000  }
0x10a: {  	[sflag:s10] =	ssyncset.done $0x0  }
0x10b: {  	[sflag:s10] =	ssyncadd.s32 $0xFFFFF000  }
0x10c: {  	_ =	swait.ge [sflag:s10], $0x1000  }
0x10d: {  	[sflag:s10] =	ssyncset.done $0x0  }
0x10e: {  	p2 =	slt.s32 s11, $0x1;
	[sflag:s10] =	ssyncadd.s32 $0xFFFFF000  }
.Ltmp7:
0x10f: {  	_ =	swait.ge [sflag:s10], $0x1000;
	(pc) =	sbr.rel @p2 .LBB2_17-.Ltmp7, $3  }
0x110: {  	[sflag:s10] =	ssyncset.done $0x0  }
0x111: {  	[sflag:s10] =	ssyncadd.s32 $0xFFFFF000  }
0x112: {  	[bflag:$0x0] =	sbarrier.arrive $0xFFFF;
	_ =	sdelay $0x1  }
0x113: {  	s4 =	simm.s32 $0x9800  }
0x114: {  	[tilespmem:s4], [sflag:$0x3] =	stream.indirect.gather [hbm4b:s5+s16], $0x40, s6, s16, $0xb8;
	[tilespmem:$0x1E840] =	vst v63  }
0x115: {  	_ =	swait.ge [sflag:s18], $0x2000  }
0x116: {  	[sflag:s18] =	ssyncset.done $0x0  }
0x117: {  	p2 =	seq.s32 s11, $0x1;
	[sflag:s18] =	ssyncadd.s32 $0xFFFFE000  }
0x118: {  	[spmem:s1] =	stream.indirect.scatter.add.f32 [tilespmem:s4], [sflag:$0x4], $0x40, s7, s16, $0xb8;
	[tilespmem:$0x1E840] =	vst v63  }
0x119: {  	s12 =	simm.s32 @!p2 $0x6480;
	s13 =	simm.s32 @!p2 $0xB800;
	s4 =	simm.s32 @!p2 $0x80  }
0x11a: {  	[tilespmem:s13], [sflag:$0x3] =	stream.indirect.gather @!p2 [hbm4b:s5+s4], $0x40, s12, s4, $0xb8;
	[tilespmem:$0x1E840] =	vst v63  }
0x11b: {  	s12 =	simm.s32 @!p2 $0x3  }
0x11c: {  	_ =	swait.ge @!p2 [sflag:s12], $0x2000  }
0x11d: {  	[sflag:s12] =	ssyncset.done @!p2 $0x0  }
0x11e: {  	p3 =	seq.s32 @!p2 s11, $0x2;
	[sflag:s12] =	ssyncadd.s32 @!p2 $0xFFFFE000;
	s12 =	simm.s32 @!p2 $0x7E80  }
0x11f: {  	[spmem:s1] =	stream.indirect.scatter.add.f32 @!p2 [tilespmem:s13], [sflag:$0x4], $0x40, s12, s4, $0xb8;
	[tilespmem:$0x1E840] =	vst v63  }
0x120: {  	p2 =	por p2, p3  }
.Ltmp8:
0x121: {  	_ = 	snop;
	(pc) =	sbr.rel @p2 .LBB2_14-.Ltmp8, $1  }
0x122: {  	_ =	sdelay $0x3  }
0x123: {  	s4 =	simm.s32 $0x4000  }
0x124: {  	_ =	swait.ge [sflag:s19], $0x2000;
	s12 =	sadd.s32 $0xFFFFFFFE, s11;
	s13 =	simm.s32 $0x6500  }
0x125: {  	[sflag:s19] =	ssyncset.done $0x0;
	s4 =	sand.u32 $0x2000, s4;
	p2 =	sne.s32 s12, $0x1  }
.Ltmp9:
0x126: {  	[sflag:s19] =	ssyncadd.s32 $0xFFFFE000;
	s17 =	sor.u32 $0x9800, s4;
	(pc) =	sbr.rel @!p2 .LBB2_13-.Ltmp9, $4  }
0x127: {  	[tilespmem:s17], [sflag:$0x3] =	stream.indirect.gather [hbm4b:s5+s16], $0x40, s13, s16, $0xb8;
	[tilespmem:$0x1E840] =	vst v63  }
0x128: {  	s14 =	simm.s32 $0x7F00;
	_ =	swait.ge [sflag:s18], $0x2000  }
0x129: {  	s15 =	simm.s32 $0x6580;
	s12 =	sadd.s32 $0xFFFFFFFF, s12;
	[sflag:s18] =	ssyncset.done $0x0  }
0x12a: {  	s4 =	simm.s32 $0x7F80;
	s13 =	simm.s32 $0x6000;
	[sflag:s18] =	ssyncadd.s32 $0xFFFFE000  }
.LBB2_12:
0x12b: {  	[spmem:s1] =	stream.indirect.scatter.add.f32 [tilespmem:s17], [sflag:$0x4], $0x40, s14, s16, $0xb8;
	[tilespmem:$0x1E840] =	vst v63  }
0x12c: {  	p2 =	sne.s32 s12, $0x1;
	s12 =	sadd.s32 $0xFFFFFFFF, s12;
	_ =	swait.ge [sflag:s19], $0x2000  }
0x12d: {  	s17 =	sand.u32 $0x2000, s13;
	s14 =	smov.u32 s4;
	[sflag:s19] =	ssyncset.done $0x0  }
.Ltmp10:
0x12e: {  	s17 =	sor.u32 $0x9800, s17;
	[sflag:s19] =	ssyncadd.s32 $0xFFFFE000;
	(pc) =	sbr.rel @p2 .LBB2_12-.Ltmp10, $4  }
0x12f: {  	[tilespmem:s17], [sflag:$0x3] =	stream.indirect.gather [hbm4b:s5+s16], $0x40, s15, s16, $0xb8;
	[tilespmem:$0x1E840] =	vst v63  }
0x130: {  	_ =	swait.ge [sflag:s18], $0x2000  }
0x131: {  	s13 =	sadd.s32 $0x2000, s13;
	[sflag:s18] =	ssyncset.done $0x0  }
0x132: {  	s4 =	sadd.s32 $0x80, s4;
	s15 =	sadd.s32 $0x80, s15;
	[sflag:s18] =	ssyncadd.s32 $0xFFFFE000  }
.LBB2_13:
0x133: {  	[spmem:s1] =	stream.indirect.scatter.add.f32 [tilespmem:s17], [sflag:$0x4], $0x40, s14, s16, $0xb8;
	[tilespmem:$0x1E840] =	vst v63  }
.LBB2_14:
0x134: {  	s4 =	smin.u32 s11, $0x2  }
0x135: {  	p2 =	sne.s32 s4, $0x1  }
.Ltmp11:
0x136: {  	_ = 	snop;
	(pc) =	sbr.rel @!p2 .LBB2_16-.Ltmp11, $3  }
0x137: {  	_ =	sdelay $0x1  }
0x138: {  	_ =	swait.ge [sflag:s19], $0x2000  }
0x139: {  	s4 =	sadd.s32 $0xFFFFFFFF, s4;
	[sflag:s19] =	ssyncset.done $0x0  }
.LBB2_15:
0x13a: {  	p2 =	sne.s32 s4, $0x1;
	s4 =	sadd.s32 $0xFFFFFFFF, s4;
	[sflag:s19] =	ssyncadd.s32 $0xFFFFE000  }
.Ltmp12:
0x13b: {  	(pc) =	sbr.rel @p2 .LBB2_15-.Ltmp12, $3  }
0x13c: {  	_ =	sdelay $0x1  }
0x13d: {  	_ =	swait.ge [sflag:s19], $0x2000  }
0x13e: {  	[sflag:s19] =	ssyncset.done $0x0  }
.LBB2_16:
0x13f: {  	[sflag:s19] =	ssyncadd.s32 $0xFFFFE000  }
.LBB2_17:
0x140: {  	s4 =	stileid.u32  }
0x141: {  	[bflag:$0x0] =	sbarrier.arrive $0xFFFF;
	s11 =	sshrl.u32 s9, $0x3;
	s4 =	sshll.u32 s4, $0x6  }
0x142: {  	s12 =	simm.s32 $0x0;
	s15 =	rddreg [dreg:$0xf];
	s17 =	sor.u32 $0x1C02, s4  }
0x143: {  	[hbm:s15], [sflag:s17] =	dma.local [spmem:s11], $0x2000  }
0x144: {  	v11 =	vld [tilespmem:s12+$0x4B00];
	_ =	sdelay $0x4  }
0x145: {  	v12 =	vsub.s32 v11, v1  }
0x146: {  	vm0 =	vlt.u32 v12, $0x4000  }
0x147: {  	v11 =	vsel vm0, $0x1, v7  }
0x148: {  	(xrf0) =	vadd.scan.msk.s32 $0xffff, v11;
	_ =	sdelay $0x1  }
0x149: {  	s13 =	simm.s32 $0x0  }
0x14a: {  	v11 =	vmov s13  }
0x14b: {  	v11 =	vadd.s32 $0xFFFFFFFF, v11  }
0x14c: {  	v11 =	vbroadcast v11, $0x0  }
0x14d: {  	v13, _, _ =	vpop (xrf0)  }
0x14e: {  	v13 =	vadd.s32 v13, v11  }
0x14f: {  	(v2sf) =	vpush v13, $0xF;
	_ =	sdelay $0x2  }
0x150: {  	v11 =	vor.u32 s20, v5  }
0x151: {  	[tilespmem:v13+s6+$0x0] =	vst.idx.msk vm0, v11  }
0x152: {  	s14 =	simm.s32 $0x10;
	[tilespmem:v13+s7+$0x0] =	vst.idx.msk vm0, v12  }
0x153: {  	v12 =	vld [tilespmem:s14+$0x4B00];
	_ =	sdelay $0x4  }
0x154: {  	v12 =	vsub.s32 v12, v1  }
0x155: {  	vm0 =	vlt.u32 v12, $0x4000  }
0x156: {  	v13 =	vsel vm0, $0x1, v7  }
0x157: {  	(xrf0) =	vadd.scan.msk.s32 $0xffff, v13  }
0x158: {  	s12 =	simm.s32 $0x80;
	s15 =	spop (v2sf)  }
0x159: {  	s13 =	smov.u32 s20;
	s14 =	simm.s32 $0xC0;
	s4 =	sadd.s32 $0x1, s15  }
.LBB2_18:
0x15a: {  	p2 =	sne.s32 s14, $0x63C0;
	v13 =	vmov s4  }
0x15b: {  	v13 =	vadd.s32 $0xFFFFFFFF, v13  }
0x15c: {  	v13 =	vbroadcast v13, $0x0  }
0x15d: {  	v14, _, _ =	vpop (xrf0)  }
0x15e: {  	v13 =	vadd.s32 v14, v13  }
0x15f: {  	(v2sf) =	vpush v13, $0xF;
	_ =	sdelay $0x1  }
0x160: {  	s13 =	sadd.s32 $0x10, s13  }
0x161: {  	v14 =	vor.u32 s13, v5  }
0x162: {  	[tilespmem:v13+s6+$0x0] =	vst.idx.msk vm0, v14  }
0x163: {  	s4 =	sshra.s32 s12, $0x2;
	s12 =	smov.u32 s14;
	[tilespmem:v13+s7+$0x0] =	vst.idx.msk vm0, v12  }
0x164: {  	v12 =	vld [tilespmem:s4+$0x4B00];
	_ =	sdelay $0x4  }
0x165: {  	v12 =	vsub.s32 v12, v1  }
.Ltmp13:
0x166: {  	vm0 =	vlt.u32 v12, $0x4000;
	(pc) =	sbr.rel @p2 .LBB2_18-.Ltmp13, $4  }
0x167: {  	v13 =	vsel vm0, $0x1, v7  }
0x168: {  	(xrf0) =	vadd.scan.msk.s32 $0xffff, v13  }
0x169: {  	s4 =	spop (v2sf)  }
0x16a: {  	s14 =	sadd.s32 $0x40, s14;
	s4 =	sadd.s32 $0x1, s4  }
0x16b: {  	v13 =	vmov s4  }
0x16c: {  	v13 =	vadd.s32 $0xFFFFFFFF, v13  }
0x16d: {  	v13 =	vbroadcast v13, $0x0  }
0x16e: {  	v14, _, _ =	vpop (xrf0)  }
0x16f: {  	v13 =	vadd.s32 v14, v13  }
0x170: {  	(v2sf) =	vpush v13, $0xF;
	_ =	sdelay $0x1  }
0x171: {  	s14 =	sadd.s32 $0x10, s13  }
0x172: {  	v59 =	vor.u32 s14, v5  }
0x173: {  	[tilespmem:v13+s6+$0x0] =	vst.idx.msk vm0, v59  }
0x174: {  	s12 =	sshra.s32 s12, $0x2;
	[tilespmem:v13+s7+$0x0] =	vst.idx.msk vm0, v12  }
0x175: {  	v12 =	vld [tilespmem:s12+$0x4B00];
	_ =	sdelay $0x4  }
0x176: {  	v12 =	vsub.s32 v12, v1  }
0x177: {  	vm15 =	vlt.u32 v12, $0x4000  }
0x178: {  	v60 =	vsel vm15, $0x1, v7  }
0x179: {  	(xrf0) =	vadd.scan.msk.s32 $0xffff, v60  }
0x17a: {  	s15 =	spop (v2sf)  }
0x17b: {  	s12 =	sadd.s32 $0x1, s15  }
0x17c: {  	v61 =	vmov s12  }
0x17d: {  	v13 =	vadd.s32 $0xFFFFFFFF, v61  }
0x17e: {  	v13 =	vbroadcast v13, $0x0  }
0x17f: {  	v62, _, _ =	vpop (xrf0)  }
0x180: {  	v13 =	vadd.s32 v62, v13  }
0x181: {  	(v2sf) =	vpush v13, $0xF;
	_ =	sdelay $0xe  }
0x182: {  	s13 =	spop (v2sf)  }
0x183: {  	s15 =	sadd.s32 $0x80, s13  }
0x184: {  	s14 =	sadd.s32 $0x10, s14;
	s4 =	sadd.s32 $0x1, s13;
	s12 =	sshra.s32 s15, $0x7  }
0x185: {  	v63 =	vor.u32 s14, v5;
	s13 =	sshra.s32 s4, $0x4;
	s14 =	sshll.u32 s12, $0x3  }
0x186: {  	p2 =	sle.s32 s14, s13  }
.Ltmp14:
0x187: {  	_ = 	snop;
	(pc) =	sbr.rel @p2 .LBB2_23-.Ltmp14, $3  }
0x188: {  	_ =	sdelay $0x1  }
0x189: {  	[tilespmem:v13+s6+$0x0] =	vst.idx.msk vm15, v63  }
0x18a: {  	[tilespmem:v13+s7+$0x0] =	vst.idx.msk vm15, v12  }
0x18b: {  	s15 =	sshll.u32 s13, $0x4;
	s14 =	ssub.s32 s14, s13  }
0x18c: {  	v13 =	vmov s15;
	p2 =	sne.s32 s14, $0x1  }
.Ltmp15:
0x18d: {  	v12 =	vmov s4;
	v14 =	vor.u32 s15, v5;
	v13 =	vand.u32 $0xFFFFFFF8, v13;
	(pc) =	sbr.rel @!p2 .LBB2_22-.Ltmp15, $3  }
0x18e: {  	vm0 =	vge.s32 v14, v12;
	v13 =	vor.u32 v8, v13  }
0x18f: {  	vm1 =	vmmov vm0;
	v13 =	vor.u32 v9, v13;
	_ =	sdelay $0x1  }
0x190: {  	s4 =	sadd.s32 $0xFFFFFFFF, s14;
	s13 =	sadd.s32 $0x10, s15  }
.LBB2_21:
0x191: {  	v14 =	vmov s13;
	p2 =	sne.s32 s4, $0x1  }
.Ltmp16:
0x192: {  	v15 =	vor.u32 s13, v5;
	s4 =	sadd.s32 $0xFFFFFFFF, s4;
	v14 =	vand.u32 $0xFFFFFFF8, v14;
	(pc) =	sbr.rel @p2 .LBB2_21-.Ltmp16, $3  }
0x193: {  	v14 =	vor.u32 v8, v14;
	[tilespmem:v13+s6+$0x0] =	vst.idx.msk vm0, v7;
	vm0 =	vge.s32 v15, v12  }
0x194: {  	[tilespmem:v13+s7+$0x0] =	vst.idx.msk vm1, v10;
	v13 =	vor.u32 v9, v14;
	vm1 =	vmmov vm0;
	_ =	sdelay $0x1  }
0x195: {  	s13 =	sadd.s32 $0x10, s13  }
.LBB2_22:
0x196: {  	_ =	sdelay $0x4  }
0x197: {  	[tilespmem:v13+s6+$0x0] =	vst.idx.msk vm0, v7  }
0x198: {  	[tilespmem:v13+s7+$0x0] =	vst.idx.msk vm1, v10  }
.LBB2_23:
0x199: {  	_ =	swait.ge [sflag:s21], $0x2000  }
0x19a: {  	[sflag:s21] =	ssyncset.done $0x0  }
0x19b: {  	[sflag:s21] =	ssyncadd.s32 $0xFFFFE000  }
0x19c: {  	[spmem:s9] =	stream.linear.scatter [tilespmem:s8], [sflag:$0x1], $0x1000, $0x38;
	[tilespmem:$0x1E840] =	vst v63  }
0x19d: {  	_ = 	snop  }
0x19e: {  	[spmem:s22] =	stream.linear.scatter [tilespmem:s8], [sflag:$0x1], $0x1000, $0x38;
	[tilespmem:$0x1E840] =	vst v63  }
0x19f: {  	s4 =	rddreg [dreg:$0xb]  }
0x1a0: {  	[spmem:s4] =	stream.linear.scatter [tilespmem:s8], [sflag:$0x1], $0x1000, $0x38;
	[tilespmem:$0x1E840] =	vst v63  }
0x1a1: {  	s14 =	rddreg [dreg:$0xc]  }
0x1a2: {  	[spmem:s14] =	stream.linear.scatter [tilespmem:s8], [sflag:$0x1], $0x1000, $0x38;
	[tilespmem:$0x1E840] =	vst v63  }
0x1a3: {  	s15 =	rddreg [dreg:$0xd]  }
0x1a4: {  	[spmem:s15] =	stream.linear.scatter [tilespmem:s8], [sflag:$0x1], $0x1000, $0x38;
	[tilespmem:$0x1E840] =	vst v63  }
0x1a5: {  	s13 =	rddreg [dreg:$0xe]  }
0x1a6: {  	[spmem:s13] =	stream.linear.scatter [tilespmem:s8], [sflag:$0x1], $0x1000, $0x38;
	[tilespmem:$0x1E840] =	vst v63  }
0x1a7: {  	s14 =	rddreg [dreg:$0x13]  }
0x1a8: {  	[spmem:s14] =	stream.linear.scatter [tilespmem:s8], [sflag:$0x1], $0x1000, $0x38;
	[tilespmem:$0x1E840] =	vst v63  }
0x1a9: {  	s15 =	rddreg [dreg:$0x15]  }
0x1aa: {  	[spmem:s15] =	stream.linear.scatter [tilespmem:s8], [sflag:$0x1], $0x1000, $0x38;
	[tilespmem:$0x1E840] =	vst v63  }
0x1ab: {  	_ = 	snop  }
0x1ac: {  	[spmem:s23] =	stream.linear.scatter [tilespmem:s8], [sflag:$0x1], $0x1000, $0x38;
	[tilespmem:$0x1E840] =	vst v63  }
0x1ad: {  	_ = 	snop  }
0x1ae: {  	[spmem:s24] =	stream.linear.scatter [tilespmem:s8], [sflag:$0x1], $0x1000, $0x38;
	[tilespmem:$0x1E840] =	vst v63  }
0x1af: {  	_ = 	snop  }
0x1b0: {  	[spmem:s25] =	stream.linear.scatter [tilespmem:s8], [sflag:$0x1], $0x1000, $0x38;
	[tilespmem:$0x1E840] =	vst v63  }
0x1b1: {  	_ = 	snop  }
0x1b2: {  	[spmem:s26] =	stream.linear.scatter [tilespmem:s8], [sflag:$0x1], $0x1000, $0x38;
	[tilespmem:$0x1E840] =	vst v63  }
0x1b3: {  	_ = 	snop  }
0x1b4: {  	[spmem:s28] =	stream.linear.scatter [tilespmem:s8], [sflag:$0x1], $0x1000, $0x38;
	[tilespmem:$0x1E840] =	vst v63  }
0x1b5: {  	_ = 	snop  }
0x1b6: {  	[spmem:s29] =	stream.linear.scatter [tilespmem:s8], [sflag:$0x1], $0x1000, $0x38;
	[tilespmem:$0x1E840] =	vst v63  }
0x1b7: {  	_ = 	snop  }
0x1b8: {  	[spmem:s30] =	stream.linear.scatter [tilespmem:s8], [sflag:$0x1], $0x1000, $0x38;
	[tilespmem:$0x1E840] =	vst v63  }
0x1b9: {  	_ = 	snop  }
0x1ba: {  	[spmem:s31] =	stream.linear.scatter [tilespmem:s8], [sflag:$0x1], $0x1000, $0x38;
	[tilespmem:$0x1E840] =	vst v63  }
0x1bb: {  	s4 =	simm.s32 @!p0 $0xD800  }
0x1bc: {  	[spmem:s0] =	stream.linear.scatter @!p0 [tilespmem:s4], [sflag:$0x5], $0x400, $0x38;
	[tilespmem:$0x1E840] =	vst v63  }
0x1bd: {  	s4 =	simm.s32 @!p0 $0x5  }
0x1be: {  	_ =	swait.ge @!p0 [sflag:s4], $0x400  }
0x1bf: {  	[sflag:s4] =	ssyncset.done @!p0 $0x0  }
0x1c0: {  	[sflag:s4] =	ssyncadd.s32 @!p0 $0xFFFFFC00  }
0x1c1: {  	_ =	swait.ge [sflag:s10], $0x1000  }
0x1c2: {  	[sflag:s10] =	ssyncset.done $0x0  }
0x1c3: {  	[sflag:s10] =	ssyncadd.s32 $0xFFFFF000  }
0x1c4: {  	_ =	swait.ge [sflag:s10], $0x1000  }
0x1c5: {  	[sflag:s10] =	ssyncset.done $0x0  }
0x1c6: {  	[sflag:s10] =	ssyncadd.s32 $0xFFFFF000  }
0x1c7: {  	_ =	swait.ge [sflag:s10], $0x1000  }
0x1c8: {  	[sflag:s10] =	ssyncset.done $0x0  }
0x1c9: {  	[sflag:s10] =	ssyncadd.s32 $0xFFFFF000  }
0x1ca: {  	_ =	swait.ge [sflag:s10], $0x1000  }
0x1cb: {  	[sflag:s10] =	ssyncset.done $0x0  }
0x1cc: {  	[sflag:s10] =	ssyncadd.s32 $0xFFFFF000  }
0x1cd: {  	_ =	swait.ge [sflag:s10], $0x1000  }
0x1ce: {  	[sflag:s10] =	ssyncset.done $0x0  }
0x1cf: {  	[sflag:s10] =	ssyncadd.s32 $0xFFFFF000  }
0x1d0: {  	_ =	swait.ge [sflag:s10], $0x1000  }
0x1d1: {  	[sflag:s10] =	ssyncset.done $0x0  }
0x1d2: {  	[sflag:s10] =	ssyncadd.s32 $0xFFFFF000  }
0x1d3: {  	_ =	swait.ge [sflag:s10], $0x1000  }
0x1d4: {  	[sflag:s10] =	ssyncset.done $0x0  }
0x1d5: {  	[sflag:s10] =	ssyncadd.s32 $0xFFFFF000  }
0x1d6: {  	_ =	swait.ge [sflag:s10], $0x1000  }
0x1d7: {  	[sflag:s10] =	ssyncset.done $0x0  }
0x1d8: {  	[sflag:s10] =	ssyncadd.s32 $0xFFFFF000  }
0x1d9: {  	_ =	swait.ge [sflag:s10], $0x1000  }
0x1da: {  	[sflag:s10] =	ssyncset.done $0x0  }
0x1db: {  	[sflag:s10] =	ssyncadd.s32 $0xFFFFF000  }
0x1dc: {  	_ =	swait.ge [sflag:s10], $0x1000  }
0x1dd: {  	[sflag:s10] =	ssyncset.done $0x0  }
0x1de: {  	[sflag:s10] =	ssyncadd.s32 $0xFFFFF000  }
0x1df: {  	_ =	swait.ge [sflag:s10], $0x1000  }
0x1e0: {  	[sflag:s10] =	ssyncset.done $0x0  }
0x1e1: {  	[sflag:s10] =	ssyncadd.s32 $0xFFFFF000  }
0x1e2: {  	_ =	swait.ge [sflag:s10], $0x1000  }
0x1e3: {  	[sflag:s10] =	ssyncset.done $0x0  }
0x1e4: {  	[sflag:s10] =	ssyncadd.s32 $0xFFFFF000  }
0x1e5: {  	_ =	swait.ge [sflag:s10], $0x1000  }
0x1e6: {  	[sflag:s10] =	ssyncset.done $0x0  }
0x1e7: {  	[sflag:s10] =	ssyncadd.s32 $0xFFFFF000  }
0x1e8: {  	_ =	swait.ge [sflag:s10], $0x1000  }
0x1e9: {  	[sflag:s10] =	ssyncset.done $0x0  }
0x1ea: {  	[sflag:s10] =	ssyncadd.s32 $0xFFFFF000  }
0x1eb: {  	_ =	swait.ge [sflag:s10], $0x1000  }
0x1ec: {  	[sflag:s10] =	ssyncset.done $0x0  }
0x1ed: {  	p2 =	slt.s32 s12, $0x1;
	[sflag:s10] =	ssyncadd.s32 $0xFFFFF000  }
.Ltmp17:
0x1ee: {  	_ =	swait.ge [sflag:s10], $0x1000;
	(pc) =	sbr.rel @p2 .LBB2_31-.Ltmp17, $3  }
0x1ef: {  	[sflag:s10] =	ssyncset.done $0x0  }
0x1f0: {  	[sflag:s10] =	ssyncadd.s32 $0xFFFFF000  }
0x1f1: {  	[bflag:$0x0] =	sbarrier.arrive $0xFFFF;
	_ =	sdelay $0x1  }
0x1f2: {  	s4 =	simm.s32 $0x9800  }
0x1f3: {  	[tilespmem:s4], [sflag:$0x3] =	stream.indirect.gather [hbm4b:s5+s16], $0x40, s6, s16, $0xb8;
	[tilespmem:$0x1E840] =	vst v63  }
0x1f4: {  	_ =	swait.ge [sflag:s18], $0x2000  }
0x1f5: {  	[sflag:s18] =	ssyncset.done $0x0  }
0x1f6: {  	p2 =	seq.s32 s12, $0x1;
	[sflag:s18] =	ssyncadd.s32 $0xFFFFE000  }
0x1f7: {  	[spmem:s1] =	stream.indirect.scatter.add.f32 [tilespmem:s4], [sflag:$0x4], $0x40, s7, s16, $0xb8;
	[tilespmem:$0x1E840] =	vst v63  }
0x1f8: {  	s13 =	simm.s32 @!p2 $0x6480;
	s14 =	simm.s32 @!p2 $0xB800;
	s4 =	simm.s32 @!p2 $0x80  }
0x1f9: {  	[tilespmem:s14], [sflag:$0x3] =	stream.indirect.gather @!p2 [hbm4b:s5+s4], $0x40, s13, s4, $0xb8;
	[tilespmem:$0x1E840] =	vst v63  }
0x1fa: {  	s13 =	simm.s32 @!p2 $0x3  }
0x1fb: {  	_ =	swait.ge @!p2 [sflag:s13], $0x2000  }
0x1fc: {  	[sflag:s13] =	ssyncset.done @!p2 $0x0  }
0x1fd: {  	p3 =	seq.s32 @!p2 s12, $0x2;
	[sflag:s13] =	ssyncadd.s32 @!p2 $0xFFFFE000;
	s13 =	simm.s32 @!p2 $0x7E80  }
0x1fe: {  	[spmem:s1] =	stream.indirect.scatter.add.f32 @!p2 [tilespmem:s14], [sflag:$0x4], $0x40, s13, s4, $0xb8;
	[tilespmem:$0x1E840] =	vst v63  }
0x1ff: {  	p2 =	por p2, p3  }
.Ltmp18:
0x200: {  	_ = 	snop;
	(pc) =	sbr.rel @p2 .LBB2_28-.Ltmp18, $1  }
0x201: {  	_ =	sdelay $0x3  }
0x202: {  	s4 =	simm.s32 $0x4000  }
0x203: {  	_ =	swait.ge [sflag:s19], $0x2000;
	s13 =	sadd.s32 $0xFFFFFFFE, s12;
	s14 =	simm.s32 $0x6500  }
0x204: {  	[sflag:s19] =	ssyncset.done $0x0;
	s4 =	sand.u32 $0x2000, s4;
	p2 =	sne.s32 s13, $0x1  }
.Ltmp19:
0x205: {  	[sflag:s19] =	ssyncadd.s32 $0xFFFFE000;
	s4 =	sor.u32 $0x9800, s4;
	(pc) =	sbr.rel @!p2 .LBB2_27-.Ltmp19, $4  }
0x206: {  	[tilespmem:s4], [sflag:$0x3] =	stream.indirect.gather [hbm4b:s5+s16], $0x40, s14, s16, $0xb8;
	[tilespmem:$0x1E840] =	vst v63  }
0x207: {  	s15 =	simm.s32 $0x7F00;
	_ =	swait.ge [sflag:s18], $0x2000  }
0x208: {  	s20 =	simm.s32 $0x6580;
	s22 =	simm.s32 $0x7F80;
	[sflag:s18] =	ssyncset.done $0x0  }
0x209: {  	s13 =	sadd.s32 $0xFFFFFFFF, s13;
	s14 =	simm.s32 $0x6000;
	[sflag:s18] =	ssyncadd.s32 $0xFFFFE000  }
.LBB2_26:
0x20a: {  	[spmem:s1] =	stream.indirect.scatter.add.f32 [tilespmem:s4], [sflag:$0x4], $0x40, s15, s16, $0xb8;
	[tilespmem:$0x1E840] =	vst v63  }
0x20b: {  	p2 =	sne.s32 s13, $0x1;
	s13 =	sadd.s32 $0xFFFFFFFF, s13;
	_ =	swait.ge [sflag:s19], $0x2000  }
0x20c: {  	s4 =	sand.u32 $0x2000, s14;
	s15 =	smov.u32 s22;
	[sflag:s19] =	ssyncset.done $0x0  }
.Ltmp20:
0x20d: {  	s4 =	sor.u32 $0x9800, s4;
	[sflag:s19] =	ssyncadd.s32 $0xFFFFE000;
	(pc) =	sbr.rel @p2 .LBB2_26-.Ltmp20, $4  }
0x20e: {  	[tilespmem:s4], [sflag:$0x3] =	stream.indirect.gather [hbm4b:s5+s16], $0x40, s20, s16, $0xb8;
	[tilespmem:$0x1E840] =	vst v63  }
0x20f: {  	_ =	swait.ge [sflag:s18], $0x2000  }
0x210: {  	s14 =	sadd.s32 $0x2000, s14;
	[sflag:s18] =	ssyncset.done $0x0  }
0x211: {  	s22 =	sadd.s32 $0x80, s22;
	s20 =	sadd.s32 $0x80, s20;
	[sflag:s18] =	ssyncadd.s32 $0xFFFFE000  }
.LBB2_27:
0x212: {  	[spmem:s1] =	stream.indirect.scatter.add.f32 [tilespmem:s4], [sflag:$0x4], $0x40, s15, s16, $0xb8;
	[tilespmem:$0x1E840] =	vst v63  }
0x213: {  	s20 =	rddreg [dreg:$0x5]  }
0x214: {  	s22 =	rddreg [dreg:$0xa]  }
.LBB2_28:
0x215: {  	s4 =	smin.u32 s12, $0x2  }
0x216: {  	p2 =	sne.s32 s4, $0x1  }
.Ltmp21:
0x217: {  	_ = 	snop;
	(pc) =	sbr.rel @!p2 .LBB2_30-.Ltmp21, $3  }
0x218: {  	_ =	sdelay $0x1  }
0x219: {  	_ =	swait.ge [sflag:s19], $0x2000  }
0x21a: {  	s4 =	sadd.s32 $0xFFFFFFFF, s4;
	[sflag:s19] =	ssyncset.done $0x0  }
.LBB2_29:
0x21b: {  	p2 =	sne.s32 s4, $0x1;
	s4 =	sadd.s32 $0xFFFFFFFF, s4;
	[sflag:s19] =	ssyncadd.s32 $0xFFFFE000  }
.Ltmp22:
0x21c: {  	(pc) =	sbr.rel @p2 .LBB2_29-.Ltmp22, $3  }
0x21d: {  	_ =	sdelay $0x1  }
0x21e: {  	_ =	swait.ge [sflag:s19], $0x2000  }
0x21f: {  	[sflag:s19] =	ssyncset.done $0x0  }
.LBB2_30:
0x220: {  	[sflag:s19] =	ssyncadd.s32 $0xFFFFE000  }
.LBB2_31:
0x221: {  	[bflag:$0x0] =	sbarrier.arrive $0xFFFF  }
0x222: {  	s12 =	simm.s32 $0x0;
	s4 =	rddreg [dreg:$0x10]  }
0x223: {  	[hbm:s4], [sflag:s17] =	dma.local [spmem:s11], $0x2000  }
0x224: {  	v12 =	vld [tilespmem:s12+$0x4B00];
	_ =	sdelay $0x4  }
0x225: {  	v12 =	vsub.s32 v12, v2  }
0x226: {  	vm0 =	vlt.u32 v12, $0x4000  }
0x227: {  	v13 =	vsel vm0, $0x1, v7  }
0x228: {  	(xrf0) =	vadd.scan.msk.s32 $0xffff, v13;
	_ =	sdelay $0x1  }
0x229: {  	s13 =	simm.s32 $0x0  }
0x22a: {  	v13 =	vmov s13  }
0x22b: {  	v13 =	vadd.s32 $0xFFFFFFFF, v13  }
0x22c: {  	v13 =	vbroadcast v13, $0x0  }
0x22d: {  	v14, _, _ =	vpop (xrf0)  }
0x22e: {  	v13 =	vadd.s32 v14, v13  }
0x22f: {  	(v2sf) =	vpush v13, $0xF;
	_ =	sdelay $0x3  }
0x230: {  	[tilespmem:v13+s6+$0x0] =	vst.idx.msk vm0, v11  }
0x231: {  	s14 =	simm.s32 $0x10;
	[tilespmem:v13+s7+$0x0] =	vst.idx.msk vm0, v12  }
0x232: {  	v12 =	vld [tilespmem:s14+$0x4B00];
	_ =	sdelay $0x4  }
0x233: {  	v12 =	vsub.s32 v12, v2  }
0x234: {  	vm0 =	vlt.u32 v12, $0x4000  }
0x235: {  	v13 =	vsel vm0, $0x1, v7  }
0x236: {  	(xrf0) =	vadd.scan.msk.s32 $0xffff, v13  }
0x237: {  	s12 =	simm.s32 $0x80;
	s15 =	spop (v2sf)  }
0x238: {  	s13 =	smov.u32 s20;
	s14 =	simm.s32 $0xC0;
	s4 =	sadd.s32 $0x1, s15  }
.LBB2_32:
0x239: {  	p2 =	sne.s32 s14, $0x63C0;
	v13 =	vmov s4  }
0x23a: {  	v13 =	vadd.s32 $0xFFFFFFFF, v13  }
0x23b: {  	v13 =	vbroadcast v13, $0x0  }
0x23c: {  	v14, _, _ =	vpop (xrf0)  }
0x23d: {  	v13 =	vadd.s32 v14, v13  }
0x23e: {  	(v2sf) =	vpush v13, $0xF;
	_ =	sdelay $0x1  }
0x23f: {  	s13 =	sadd.s32 $0x10, s13  }
0x240: {  	v14 =	vor.u32 s13, v5  }
0x241: {  	[tilespmem:v13+s6+$0x0] =	vst.idx.msk vm0, v14  }
0x242: {  	s4 =	sshra.s32 s12, $0x2;
	s12 =	smov.u32 s14;
	[tilespmem:v13+s7+$0x0] =	vst.idx.msk vm0, v12  }
0x243: {  	v12 =	vld [tilespmem:s4+$0x4B00];
	_ =	sdelay $0x4  }
0x244: {  	v12 =	vsub.s32 v12, v2  }
.Ltmp23:
0x245: {  	vm0 =	vlt.u32 v12, $0x4000;
	(pc) =	sbr.rel @p2 .LBB2_32-.Ltmp23, $4  }
0x246: {  	v13 =	vsel vm0, $0x1, v7  }
0x247: {  	(xrf0) =	vadd.scan.msk.s32 $0xffff, v13  }
0x248: {  	s4 =	spop (v2sf)  }
0x249: {  	s14 =	sadd.s32 $0x40, s14;
	s4 =	sadd.s32 $0x1, s4  }
0x24a: {  	v13 =	vmov s4  }
0x24b: {  	v13 =	vadd.s32 $0xFFFFFFFF, v13  }
0x24c: {  	v13 =	vbroadcast v13, $0x0  }
0x24d: {  	v14, _, _ =	vpop (xrf0)  }
0x24e: {  	v13 =	vadd.s32 v14, v13  }
0x24f: {  	(v2sf) =	vpush v13, $0xF;
	_ =	sdelay $0x1  }
0x250: {  	s14 =	sadd.s32 $0x10, s13  }
0x251: {  	v59 =	vor.u32 s14, v5  }
0x252: {  	[tilespmem:v13+s6+$0x0] =	vst.idx.msk vm0, v59  }
0x253: {  	s12 =	sshra.s32 s12, $0x2;
	[tilespmem:v13+s7+$0x0] =	vst.idx.msk vm0, v12  }
0x254: {  	v12 =	vld [tilespmem:s12+$0x4B00];
	_ =	sdelay $0x4  }
0x255: {  	v12 =	vsub.s32 v12, v2  }
0x256: {  	vm15 =	vlt.u32 v12, $0x4000  }
0x257: {  	v60 =	vsel vm15, $0x1, v7  }
0x258: {  	(xrf0) =	vadd.scan.msk.s32 $0xffff, v60  }
0x259: {  	s15 =	spop (v2sf)  }
0x25a: {  	s12 =	sadd.s32 $0x1, s15  }
0x25b: {  	v61 =	vmov s12  }
0x25c: {  	v13 =	vadd.s32 $0xFFFFFFFF, v61  }
0x25d: {  	v13 =	vbroadcast v13, $0x0  }
0x25e: {  	v62, _, _ =	vpop (xrf0)  }
0x25f: {  	v13 =	vadd.s32 v62, v13  }
0x260: {  	(v2sf) =	vpush v13, $0xF;
	_ =	sdelay $0xe  }
0x261: {  	s13 =	spop (v2sf)  }
0x262: {  	s15 =	sadd.s32 $0x80, s13  }
0x263: {  	s14 =	sadd.s32 $0x10, s14;
	s4 =	sadd.s32 $0x1, s13;
	s12 =	sshra.s32 s15, $0x7  }
0x264: {  	v63 =	vor.u32 s14, v5;
	s13 =	sshra.s32 s4, $0x4;
	s14 =	sshll.u32 s12, $0x3  }
0x265: {  	p2 =	sle.s32 s14, s13  }
.Ltmp24:
0x266: {  	_ = 	snop;
	(pc) =	sbr.rel @p2 .LBB2_37-.Ltmp24, $3  }
0x267: {  	_ =	sdelay $0x1  }
0x268: {  	[tilespmem:v13+s6+$0x0] =	vst.idx.msk vm15, v63  }
0x269: {  	[tilespmem:v13+s7+$0x0] =	vst.idx.msk vm15, v12  }
0x26a: {  	s15 =	sshll.u32 s13, $0x4;
	s14 =	ssub.s32 s14, s13  }
0x26b: {  	v13 =	vmov s15;
	p2 =	sne.s32 s14, $0x1  }
.Ltmp25:
0x26c: {  	v12 =	vmov s4;
	v14 =	vor.u32 s15, v5;
	v13 =	vand.u32 $0xFFFFFFF8, v13;
	(pc) =	sbr.rel @!p2 .LBB2_36-.Ltmp25, $3  }
0x26d: {  	vm0 =	vge.s32 v14, v12;
	v13 =	vor.u32 v8, v13  }
0x26e: {  	vm1 =	vmmov vm0;
	v13 =	vor.u32 v9, v13;
	_ =	sdelay $0x1  }
0x26f: {  	s4 =	sadd.s32 $0xFFFFFFFF, s14;
	s13 =	sadd.s32 $0x10, s15  }
.LBB2_35:
0x270: {  	v14 =	vmov s13;
	p2 =	sne.s32 s4, $0x1  }
.Ltmp26:
0x271: {  	v15 =	vor.u32 s13, v5;
	s4 =	sadd.s32 $0xFFFFFFFF, s4;
	v14 =	vand.u32 $0xFFFFFFF8, v14;
	(pc) =	sbr.rel @p2 .LBB2_35-.Ltmp26, $3  }
0x272: {  	v14 =	vor.u32 v8, v14;
	[tilespmem:v13+s6+$0x0] =	vst.idx.msk vm0, v7;
	vm0 =	vge.s32 v15, v12  }
0x273: {  	[tilespmem:v13+s7+$0x0] =	vst.idx.msk vm1, v10;
	v13 =	vor.u32 v9, v14;
	vm1 =	vmmov vm0;
	_ =	sdelay $0x1  }
0x274: {  	s13 =	sadd.s32 $0x10, s13  }
.LBB2_36:
0x275: {  	_ =	sdelay $0x4  }
0x276: {  	[tilespmem:v13+s6+$0x0] =	vst.idx.msk vm0, v7  }
0x277: {  	[tilespmem:v13+s7+$0x0] =	vst.idx.msk vm1, v10  }
.LBB2_37:
0x278: {  	_ =	swait.ge [sflag:s21], $0x2000  }
0x279: {  	[sflag:s21] =	ssyncset.done $0x0  }
0x27a: {  	[sflag:s21] =	ssyncadd.s32 $0xFFFFE000  }
0x27b: {  	[spmem:s9] =	stream.linear.scatter [tilespmem:s8], [sflag:$0x1], $0x1000, $0x38;
	[tilespmem:$0x1E840] =	vst v63  }
0x27c: {  	_ = 	snop  }
0x27d: {  	[spmem:s22] =	stream.linear.scatter [tilespmem:s8], [sflag:$0x1], $0x1000, $0x38;
	[tilespmem:$0x1E840] =	vst v63  }
0x27e: {  	s4 =	rddreg [dreg:$0xb]  }
0x27f: {  	[spmem:s4] =	stream.linear.scatter [tilespmem:s8], [sflag:$0x1], $0x1000, $0x38;
	[tilespmem:$0x1E840] =	vst v63  }
0x280: {  	s14 =	rddreg [dreg:$0xc]  }
0x281: {  	[spmem:s14] =	stream.linear.scatter [tilespmem:s8], [sflag:$0x1], $0x1000, $0x38;
	[tilespmem:$0x1E840] =	vst v63  }
0x282: {  	s15 =	rddreg [dreg:$0xd]  }
0x283: {  	[spmem:s15] =	stream.linear.scatter [tilespmem:s8], [sflag:$0x1], $0x1000, $0x38;
	[tilespmem:$0x1E840] =	vst v63  }
0x284: {  	s13 =	rddreg [dreg:$0xe]  }
0x285: {  	[spmem:s13] =	stream.linear.scatter [tilespmem:s8], [sflag:$0x1], $0x1000, $0x38;
	[tilespmem:$0x1E840] =	vst v63  }
0x286: {  	s14 =	rddreg [dreg:$0x13]  }
0x287: {  	[spmem:s14] =	stream.linear.scatter [tilespmem:s8], [sflag:$0x1], $0x1000, $0x38;
	[tilespmem:$0x1E840] =	vst v63  }
0x288: {  	s15 =	rddreg [dreg:$0x15]  }
0x289: {  	[spmem:s15] =	stream.linear.scatter [tilespmem:s8], [sflag:$0x1], $0x1000, $0x38;
	[tilespmem:$0x1E840] =	vst v63  }
0x28a: {  	_ = 	snop  }
0x28b: {  	[spmem:s23] =	stream.linear.scatter [tilespmem:s8], [sflag:$0x1], $0x1000, $0x38;
	[tilespmem:$0x1E840] =	vst v63  }
0x28c: {  	_ = 	snop  }
0x28d: {  	[spmem:s24] =	stream.linear.scatter [tilespmem:s8], [sflag:$0x1], $0x1000, $0x38;
	[tilespmem:$0x1E840] =	vst v63  }
0x28e: {  	_ = 	snop  }
0x28f: {  	[spmem:s25] =	stream.linear.scatter [tilespmem:s8], [sflag:$0x1], $0x1000, $0x38;
	[tilespmem:$0x1E840] =	vst v63  }
0x290: {  	_ = 	snop  }
0x291: {  	[spmem:s26] =	stream.linear.scatter [tilespmem:s8], [sflag:$0x1], $0x1000, $0x38;
	[tilespmem:$0x1E840] =	vst v63  }
0x292: {  	_ = 	snop  }
0x293: {  	[spmem:s28] =	stream.linear.scatter [tilespmem:s8], [sflag:$0x1], $0x1000, $0x38;
	[tilespmem:$0x1E840] =	vst v63  }
0x294: {  	_ = 	snop  }
0x295: {  	[spmem:s29] =	stream.linear.scatter [tilespmem:s8], [sflag:$0x1], $0x1000, $0x38;
	[tilespmem:$0x1E840] =	vst v63  }
0x296: {  	_ = 	snop  }
0x297: {  	[spmem:s30] =	stream.linear.scatter [tilespmem:s8], [sflag:$0x1], $0x1000, $0x38;
	[tilespmem:$0x1E840] =	vst v63  }
0x298: {  	_ = 	snop  }
0x299: {  	[spmem:s31] =	stream.linear.scatter [tilespmem:s8], [sflag:$0x1], $0x1000, $0x38;
	[tilespmem:$0x1E840] =	vst v63  }
0x29a: {  	s4 =	simm.s32 @!p0 $0xD800  }
0x29b: {  	[spmem:s0] =	stream.linear.scatter @!p0 [tilespmem:s4], [sflag:$0x5], $0x400, $0x38;
	[tilespmem:$0x1E840] =	vst v63  }
0x29c: {  	s4 =	simm.s32 @!p0 $0x5  }
0x29d: {  	_ =	swait.ge @!p0 [sflag:s4], $0x400  }
0x29e: {  	[sflag:s4] =	ssyncset.done @!p0 $0x0  }
0x29f: {  	[sflag:s4] =	ssyncadd.s32 @!p0 $0xFFFFFC00  }
0x2a0: {  	_ =	swait.ge [sflag:s10], $0x1000  }
0x2a1: {  	[sflag:s10] =	ssyncset.done $0x0  }
0x2a2: {  	[sflag:s10] =	ssyncadd.s32 $0xFFFFF000  }
0x2a3: {  	_ =	swait.ge [sflag:s10], $0x1000  }
0x2a4: {  	[sflag:s10] =	ssyncset.done $0x0  }
0x2a5: {  	[sflag:s10] =	ssyncadd.s32 $0xFFFFF000  }
0x2a6: {  	_ =	swait.ge [sflag:s10], $0x1000  }
0x2a7: {  	[sflag:s10] =	ssyncset.done $0x0  }
0x2a8: {  	[sflag:s10] =	ssyncadd.s32 $0xFFFFF000  }
0x2a9: {  	_ =	swait.ge [sflag:s10], $0x1000  }
0x2aa: {  	[sflag:s10] =	ssyncset.done $0x0  }
0x2ab: {  	[sflag:s10] =	ssyncadd.s32 $0xFFFFF000  }
0x2ac: {  	_ =	swait.ge [sflag:s10], $0x1000  }
0x2ad: {  	[sflag:s10] =	ssyncset.done $0x0  }
0x2ae: {  	[sflag:s10] =	ssyncadd.s32 $0xFFFFF000  }
0x2af: {  	_ =	swait.ge [sflag:s10], $0x1000  }
0x2b0: {  	[sflag:s10] =	ssyncset.done $0x0  }
0x2b1: {  	[sflag:s10] =	ssyncadd.s32 $0xFFFFF000  }
0x2b2: {  	_ =	swait.ge [sflag:s10], $0x1000  }
0x2b3: {  	[sflag:s10] =	ssyncset.done $0x0  }
0x2b4: {  	[sflag:s10] =	ssyncadd.s32 $0xFFFFF000  }
0x2b5: {  	_ =	swait.ge [sflag:s10], $0x1000  }
0x2b6: {  	[sflag:s10] =	ssyncset.done $0x0  }
0x2b7: {  	[sflag:s10] =	ssyncadd.s32 $0xFFFFF000  }
0x2b8: {  	_ =	swait.ge [sflag:s10], $0x1000  }
0x2b9: {  	[sflag:s10] =	ssyncset.done $0x0  }
0x2ba: {  	[sflag:s10] =	ssyncadd.s32 $0xFFFFF000  }
0x2bb: {  	_ =	swait.ge [sflag:s10], $0x1000  }
0x2bc: {  	[sflag:s10] =	ssyncset.done $0x0  }
0x2bd: {  	[sflag:s10] =	ssyncadd.s32 $0xFFFFF000  }
0x2be: {  	_ =	swait.ge [sflag:s10], $0x1000  }
0x2bf: {  	[sflag:s10] =	ssyncset.done $0x0  }
0x2c0: {  	[sflag:s10] =	ssyncadd.s32 $0xFFFFF000  }
0x2c1: {  	_ =	swait.ge [sflag:s10], $0x1000  }
0x2c2: {  	[sflag:s10] =	ssyncset.done $0x0  }
0x2c3: {  	[sflag:s10] =	ssyncadd.s32 $0xFFFFF000  }
0x2c4: {  	_ =	swait.ge [sflag:s10], $0x1000  }
0x2c5: {  	[sflag:s10] =	ssyncset.done $0x0  }
0x2c6: {  	[sflag:s10] =	ssyncadd.s32 $0xFFFFF000  }
0x2c7: {  	_ =	swait.ge [sflag:s10], $0x1000  }
0x2c8: {  	[sflag:s10] =	ssyncset.done $0x0  }
0x2c9: {  	[sflag:s10] =	ssyncadd.s32 $0xFFFFF000  }
0x2ca: {  	_ =	swait.ge [sflag:s10], $0x1000  }
0x2cb: {  	[sflag:s10] =	ssyncset.done $0x0  }
0x2cc: {  	p2 =	slt.s32 s12, $0x1;
	[sflag:s10] =	ssyncadd.s32 $0xFFFFF000  }
.Ltmp27:
0x2cd: {  	_ =	swait.ge [sflag:s10], $0x1000;
	(pc) =	sbr.rel @p2 .LBB2_45-.Ltmp27, $3  }
0x2ce: {  	[sflag:s10] =	ssyncset.done $0x0  }
0x2cf: {  	[sflag:s10] =	ssyncadd.s32 $0xFFFFF000  }
0x2d0: {  	[bflag:$0x0] =	sbarrier.arrive $0xFFFF;
	_ =	sdelay $0x1  }
0x2d1: {  	s4 =	simm.s32 $0x9800  }
0x2d2: {  	[tilespmem:s4], [sflag:$0x3] =	stream.indirect.gather [hbm4b:s5+s16], $0x40, s6, s16, $0xb8;
	[tilespmem:$0x1E840] =	vst v63  }
0x2d3: {  	_ =	swait.ge [sflag:s18], $0x2000  }
0x2d4: {  	[sflag:s18] =	ssyncset.done $0x0  }
0x2d5: {  	p2 =	seq.s32 s12, $0x1;
	[sflag:s18] =	ssyncadd.s32 $0xFFFFE000  }
0x2d6: {  	[spmem:s1] =	stream.indirect.scatter.add.f32 [tilespmem:s4], [sflag:$0x4], $0x40, s7, s16, $0xb8;
	[tilespmem:$0x1E840] =	vst v63  }
0x2d7: {  	s13 =	simm.s32 @!p2 $0x6480;
	s14 =	simm.s32 @!p2 $0xB800;
	s4 =	simm.s32 @!p2 $0x80  }
0x2d8: {  	[tilespmem:s14], [sflag:$0x3] =	stream.indirect.gather @!p2 [hbm4b:s5+s4], $0x40, s13, s4, $0xb8;
	[tilespmem:$0x1E840] =	vst v63  }
0x2d9: {  	s13 =	simm.s32 @!p2 $0x3  }
0x2da: {  	_ =	swait.ge @!p2 [sflag:s13], $0x2000  }
0x2db: {  	[sflag:s13] =	ssyncset.done @!p2 $0x0  }
0x2dc: {  	p3 =	seq.s32 @!p2 s12, $0x2;
	[sflag:s13] =	ssyncadd.s32 @!p2 $0xFFFFE000;
	s13 =	simm.s32 @!p2 $0x7E80  }
0x2dd: {  	[spmem:s1] =	stream.indirect.scatter.add.f32 @!p2 [tilespmem:s14], [sflag:$0x4], $0x40, s13, s4, $0xb8;
	[tilespmem:$0x1E840] =	vst v63  }
0x2de: {  	p2 =	por p2, p3  }
.Ltmp28:
0x2df: {  	_ = 	snop;
	(pc) =	sbr.rel @p2 .LBB2_42-.Ltmp28, $1  }
0x2e0: {  	_ =	sdelay $0x3  }
0x2e1: {  	s4 =	simm.s32 $0x4000  }
0x2e2: {  	_ =	swait.ge [sflag:s19], $0x2000;
	s13 =	sadd.s32 $0xFFFFFFFE, s12;
	s14 =	simm.s32 $0x6500  }
0x2e3: {  	[sflag:s19] =	ssyncset.done $0x0;
	s4 =	sand.u32 $0x2000, s4;
	p2 =	sne.s32 s13, $0x1  }
.Ltmp29:
0x2e4: {  	[sflag:s19] =	ssyncadd.s32 $0xFFFFE000;
	s4 =	sor.u32 $0x9800, s4;
	(pc) =	sbr.rel @!p2 .LBB2_41-.Ltmp29, $4  }
0x2e5: {  	[tilespmem:s4], [sflag:$0x3] =	stream.indirect.gather [hbm4b:s5+s16], $0x40, s14, s16, $0xb8;
	[tilespmem:$0x1E840] =	vst v63  }
0x2e6: {  	s15 =	simm.s32 $0x7F00;
	_ =	swait.ge [sflag:s18], $0x2000  }
0x2e7: {  	s20 =	simm.s32 $0x6580;
	s22 =	simm.s32 $0x7F80;
	[sflag:s18] =	ssyncset.done $0x0  }
0x2e8: {  	s13 =	sadd.s32 $0xFFFFFFFF, s13;
	s14 =	simm.s32 $0x6000;
	[sflag:s18] =	ssyncadd.s32 $0xFFFFE000  }
.LBB2_40:
0x2e9: {  	[spmem:s1] =	stream.indirect.scatter.add.f32 [tilespmem:s4], [sflag:$0x4], $0x40, s15, s16, $0xb8;
	[tilespmem:$0x1E840] =	vst v63  }
0x2ea: {  	p2 =	sne.s32 s13, $0x1;
	s13 =	sadd.s32 $0xFFFFFFFF, s13;
	_ =	swait.ge [sflag:s19], $0x2000  }
0x2eb: {  	s4 =	sand.u32 $0x2000, s14;
	s15 =	smov.u32 s22;
	[sflag:s19] =	ssyncset.done $0x0  }
.Ltmp30:
0x2ec: {  	s4 =	sor.u32 $0x9800, s4;
	[sflag:s19] =	ssyncadd.s32 $0xFFFFE000;
	(pc) =	sbr.rel @p2 .LBB2_40-.Ltmp30, $4  }
0x2ed: {  	[tilespmem:s4], [sflag:$0x3] =	stream.indirect.gather [hbm4b:s5+s16], $0x40, s20, s16, $0xb8;
	[tilespmem:$0x1E840] =	vst v63  }
0x2ee: {  	_ =	swait.ge [sflag:s18], $0x2000  }
0x2ef: {  	s14 =	sadd.s32 $0x2000, s14;
	[sflag:s18] =	ssyncset.done $0x0  }
0x2f0: {  	s22 =	sadd.s32 $0x80, s22;
	s20 =	sadd.s32 $0x80, s20;
	[sflag:s18] =	ssyncadd.s32 $0xFFFFE000  }
.LBB2_41:
0x2f1: {  	[spmem:s1] =	stream.indirect.scatter.add.f32 [tilespmem:s4], [sflag:$0x4], $0x40, s15, s16, $0xb8;
	[tilespmem:$0x1E840] =	vst v63  }
0x2f2: {  	s20 =	rddreg [dreg:$0x5]  }
0x2f3: {  	s22 =	rddreg [dreg:$0xa]  }
.LBB2_42:
0x2f4: {  	s4 =	smin.u32 s12, $0x2  }
0x2f5: {  	p2 =	sne.s32 s4, $0x1  }
.Ltmp31:
0x2f6: {  	_ = 	snop;
	(pc) =	sbr.rel @!p2 .LBB2_44-.Ltmp31, $3  }
0x2f7: {  	_ =	sdelay $0x1  }
0x2f8: {  	_ =	swait.ge [sflag:s19], $0x2000  }
0x2f9: {  	s4 =	sadd.s32 $0xFFFFFFFF, s4;
	[sflag:s19] =	ssyncset.done $0x0  }
.LBB2_43:
0x2fa: {  	p2 =	sne.s32 s4, $0x1;
	s4 =	sadd.s32 $0xFFFFFFFF, s4;
	[sflag:s19] =	ssyncadd.s32 $0xFFFFE000  }
.Ltmp32:
0x2fb: {  	(pc) =	sbr.rel @p2 .LBB2_43-.Ltmp32, $3  }
0x2fc: {  	_ =	sdelay $0x1  }
0x2fd: {  	_ =	swait.ge [sflag:s19], $0x2000  }
0x2fe: {  	[sflag:s19] =	ssyncset.done $0x0  }
.LBB2_44:
0x2ff: {  	[sflag:s19] =	ssyncadd.s32 $0xFFFFE000  }
.LBB2_45:
0x300: {  	[bflag:$0x0] =	sbarrier.arrive $0xFFFF  }
0x301: {  	s12 =	simm.s32 $0x0;
	s4 =	rddreg [dreg:$0x11]  }
0x302: {  	[hbm:s4], [sflag:s17] =	dma.local [spmem:s11], $0x2000  }
0x303: {  	v12 =	vld [tilespmem:s12+$0x4B00];
	_ =	sdelay $0x4  }
0x304: {  	v12 =	vsub.s32 v12, v3  }
0x305: {  	vm0 =	vlt.u32 v12, $0x4000  }
0x306: {  	v13 =	vsel vm0, $0x1, v7  }
0x307: {  	(xrf0) =	vadd.scan.msk.s32 $0xffff, v13;
	_ =	sdelay $0x1  }
0x308: {  	s13 =	simm.s32 $0x0  }
0x309: {  	v62 =	vmov s13  }
0x30a: {  	v13 =	vadd.s32 $0xFFFFFFFF, v62  }
0x30b: {  	v13 =	vbroadcast v13, $0x0  }
0x30c: {  	v14, _, _ =	vpop (xrf0)  }
0x30d: {  	v13 =	vadd.s32 v14, v13  }
0x30e: {  	(v2sf) =	vpush v13, $0xF;
	_ =	sdelay $0x3  }
0x30f: {  	[tilespmem:v13+s6+$0x0] =	vst.idx.msk vm0, v11  }
0x310: {  	s14 =	simm.s32 $0x10;
	[tilespmem:v13+s7+$0x0] =	vst.idx.msk vm0, v12  }
0x311: {  	v11 =	vld [tilespmem:s14+$0x4B00];
	_ =	sdelay $0x4  }
0x312: {  	v11 =	vsub.s32 v11, v3  }
0x313: {  	vm0 =	vlt.u32 v11, $0x4000  }
0x314: {  	v63 =	vsel vm0, $0x1, v7  }
0x315: {  	(xrf0) =	vadd.scan.msk.s32 $0xffff, v63  }
0x316: {  	s13 =	smov.u32 s20;
	s15 =	spop (v2sf)  }
0x317: {  	s12 =	simm.s32 $0x80;
	s14 =	simm.s32 $0xC0;
	s4 =	sadd.s32 $0x1, s15  }
.LBB2_46:
0x318: {  	p2 =	sne.s32 s14, $0x63C0;
	v12 =	vmov s4  }
0x319: {  	v12 =	vadd.s32 $0xFFFFFFFF, v12  }
0x31a: {  	v12 =	vbroadcast v12, $0x0  }
0x31b: {  	v13, _, _ =	vpop (xrf0)  }
0x31c: {  	v12 =	vadd.s32 v13, v12  }
0x31d: {  	(v2sf) =	vpush v12, $0xF;
	_ =	sdelay $0x1  }
0x31e: {  	s13 =	sadd.s32 $0x10, s13  }
0x31f: {  	v13 =	vor.u32 s13, v5  }
0x320: {  	[tilespmem:v12+s6+$0x0] =	vst.idx.msk vm0, v13  }
0x321: {  	s4 =	sshra.s32 s12, $0x2;
	s12 =	smov.u32 s14;
	[tilespmem:v12+s7+$0x0] =	vst.idx.msk vm0, v11  }
0x322: {  	v11 =	vld [tilespmem:s4+$0x4B00];
	_ =	sdelay $0x4  }
0x323: {  	v11 =	vsub.s32 v11, v3  }
.Ltmp33:
0x324: {  	vm0 =	vlt.u32 v11, $0x4000;
	(pc) =	sbr.rel @p2 .LBB2_46-.Ltmp33, $4  }
0x325: {  	v12 =	vsel vm0, $0x1, v7  }
0x326: {  	(xrf0) =	vadd.scan.msk.s32 $0xffff, v12  }
0x327: {  	s4 =	spop (v2sf)  }
0x328: {  	s14 =	sadd.s32 $0x40, s14;
	s4 =	sadd.s32 $0x1, s4  }
0x329: {  	v12 =	vmov s4  }
0x32a: {  	v12 =	vadd.s32 $0xFFFFFFFF, v12  }
0x32b: {  	v12 =	vbroadcast v12, $0x0  }
0x32c: {  	v13, _, _ =	vpop (xrf0)  }
0x32d: {  	v12 =	vadd.s32 v13, v12  }
0x32e: {  	(v2sf) =	vpush v12, $0xF;
	_ =	sdelay $0x1  }
0x32f: {  	s14 =	sadd.s32 $0x10, s13  }
0x330: {  	v59 =	vor.u32 s14, v5  }
0x331: {  	[tilespmem:v12+s6+$0x0] =	vst.idx.msk vm0, v59  }
0x332: {  	s12 =	sshra.s32 s12, $0x2;
	[tilespmem:v12+s7+$0x0] =	vst.idx.msk vm0, v11  }
0x333: {  	v11 =	vld [tilespmem:s12+$0x4B00];
	_ =	sdelay $0x4  }
0x334: {  	v11 =	vsub.s32 v11, v3  }
0x335: {  	vm15 =	vlt.u32 v11, $0x4000  }
0x336: {  	v60 =	vsel vm15, $0x1, v7  }
0x337: {  	(xrf0) =	vadd.scan.msk.s32 $0xffff, v60  }
0x338: {  	s15 =	spop (v2sf)  }
0x339: {  	s12 =	sadd.s32 $0x1, s15  }
0x33a: {  	v61 =	vmov s12  }
0x33b: {  	v12 =	vadd.s32 $0xFFFFFFFF, v61  }
0x33c: {  	v12 =	vbroadcast v12, $0x0  }
0x33d: {  	v62, _, _ =	vpop (xrf0)  }
0x33e: {  	v12 =	vadd.s32 v62, v12  }
0x33f: {  	(v2sf) =	vpush v12, $0xF;
	_ =	sdelay $0xe  }
0x340: {  	s13 =	spop (v2sf)  }
0x341: {  	s15 =	sadd.s32 $0x80, s13  }
0x342: {  	s14 =	sadd.s32 $0x10, s14;
	s4 =	sadd.s32 $0x1, s13;
	s12 =	sshra.s32 s15, $0x7  }
0x343: {  	v63 =	vor.u32 s14, v5;
	s13 =	sshra.s32 s4, $0x4;
	s14 =	sshll.u32 s12, $0x3  }
0x344: {  	p2 =	sle.s32 s14, s13  }
.Ltmp34:
0x345: {  	_ = 	snop;
	(pc) =	sbr.rel @p2 .LBB2_51-.Ltmp34, $3  }
0x346: {  	_ =	sdelay $0x1  }
0x347: {  	[tilespmem:v12+s6+$0x0] =	vst.idx.msk vm15, v63  }
0x348: {  	[tilespmem:v12+s7+$0x0] =	vst.idx.msk vm15, v11  }
0x349: {  	s15 =	sshll.u32 s13, $0x4;
	s14 =	ssub.s32 s14, s13  }
0x34a: {  	v12 =	vmov s15;
	p2 =	sne.s32 s14, $0x1  }
.Ltmp35:
0x34b: {  	v11 =	vmov s4;
	v13 =	vor.u32 s15, v5;
	v12 =	vand.u32 $0xFFFFFFF8, v12;
	(pc) =	sbr.rel @!p2 .LBB2_50-.Ltmp35, $3  }
0x34c: {  	vm0 =	vge.s32 v13, v11;
	v12 =	vor.u32 v8, v12  }
0x34d: {  	vm1 =	vmmov vm0;
	v12 =	vor.u32 v9, v12;
	_ =	sdelay $0x1  }
0x34e: {  	s4 =	sadd.s32 $0xFFFFFFFF, s14;
	s13 =	sadd.s32 $0x10, s15  }
.LBB2_49:
0x34f: {  	v13 =	vmov s13;
	p2 =	sne.s32 s4, $0x1  }
.Ltmp36:
0x350: {  	v14 =	vor.u32 s13, v5;
	s4 =	sadd.s32 $0xFFFFFFFF, s4;
	v13 =	vand.u32 $0xFFFFFFF8, v13;
	(pc) =	sbr.rel @p2 .LBB2_49-.Ltmp36, $3  }
0x351: {  	v13 =	vor.u32 v8, v13;
	[tilespmem:v12+s6+$0x0] =	vst.idx.msk vm0, v7;
	vm0 =	vge.s32 v14, v11  }
0x352: {  	[tilespmem:v12+s7+$0x0] =	vst.idx.msk vm1, v10;
	v12 =	vor.u32 v9, v13;
	vm1 =	vmmov vm0;
	_ =	sdelay $0x1  }
0x353: {  	s13 =	sadd.s32 $0x10, s13  }
.LBB2_50:
0x354: {  	_ =	sdelay $0x4  }
0x355: {  	[tilespmem:v12+s6+$0x0] =	vst.idx.msk vm0, v7  }
0x356: {  	[tilespmem:v12+s7+$0x0] =	vst.idx.msk vm1, v10  }
.LBB2_51:
0x357: {  	_ =	swait.ge [sflag:s21], $0x2000  }
0x358: {  	[sflag:s21] =	ssyncset.done $0x0  }
0x359: {  	[sflag:s21] =	ssyncadd.s32 $0xFFFFE000  }
0x35a: {  	[spmem:s9] =	stream.linear.scatter [tilespmem:s8], [sflag:$0x1], $0x1000, $0x38;
	[tilespmem:$0x1E840] =	vst v63  }
0x35b: {  	_ = 	snop  }
0x35c: {  	[spmem:s22] =	stream.linear.scatter [tilespmem:s8], [sflag:$0x1], $0x1000, $0x38;
	[tilespmem:$0x1E840] =	vst v63  }
0x35d: {  	s4 =	rddreg [dreg:$0xb]  }
0x35e: {  	[spmem:s4] =	stream.linear.scatter [tilespmem:s8], [sflag:$0x1], $0x1000, $0x38;
	[tilespmem:$0x1E840] =	vst v63  }
0x35f: {  	s14 =	rddreg [dreg:$0xc]  }
0x360: {  	[spmem:s14] =	stream.linear.scatter [tilespmem:s8], [sflag:$0x1], $0x1000, $0x38;
	[tilespmem:$0x1E840] =	vst v63  }
0x361: {  	s15 =	rddreg [dreg:$0xd]  }
0x362: {  	[spmem:s15] =	stream.linear.scatter [tilespmem:s8], [sflag:$0x1], $0x1000, $0x38;
	[tilespmem:$0x1E840] =	vst v63  }
0x363: {  	s13 =	rddreg [dreg:$0xe]  }
0x364: {  	[spmem:s13] =	stream.linear.scatter [tilespmem:s8], [sflag:$0x1], $0x1000, $0x38;
	[tilespmem:$0x1E840] =	vst v63  }
0x365: {  	s14 =	rddreg [dreg:$0x13]  }
0x366: {  	[spmem:s14] =	stream.linear.scatter [tilespmem:s8], [sflag:$0x1], $0x1000, $0x38;
	[tilespmem:$0x1E840] =	vst v63  }
0x367: {  	s15 =	rddreg [dreg:$0x15]  }
0x368: {  	[spmem:s15] =	stream.linear.scatter [tilespmem:s8], [sflag:$0x1], $0x1000, $0x38;
	[tilespmem:$0x1E840] =	vst v63  }
0x369: {  	_ = 	snop  }
0x36a: {  	[spmem:s23] =	stream.linear.scatter [tilespmem:s8], [sflag:$0x1], $0x1000, $0x38;
	[tilespmem:$0x1E840] =	vst v63  }
0x36b: {  	_ = 	snop  }
0x36c: {  	[spmem:s24] =	stream.linear.scatter [tilespmem:s8], [sflag:$0x1], $0x1000, $0x38;
	[tilespmem:$0x1E840] =	vst v63  }
0x36d: {  	_ = 	snop  }
0x36e: {  	[spmem:s25] =	stream.linear.scatter [tilespmem:s8], [sflag:$0x1], $0x1000, $0x38;
	[tilespmem:$0x1E840] =	vst v63  }
0x36f: {  	_ = 	snop  }
0x370: {  	[spmem:s26] =	stream.linear.scatter [tilespmem:s8], [sflag:$0x1], $0x1000, $0x38;
	[tilespmem:$0x1E840] =	vst v63  }
0x371: {  	_ = 	snop  }
0x372: {  	[spmem:s28] =	stream.linear.scatter [tilespmem:s8], [sflag:$0x1], $0x1000, $0x38;
	[tilespmem:$0x1E840] =	vst v63  }
0x373: {  	_ = 	snop  }
0x374: {  	[spmem:s29] =	stream.linear.scatter [tilespmem:s8], [sflag:$0x1], $0x1000, $0x38;
	[tilespmem:$0x1E840] =	vst v63  }
0x375: {  	_ = 	snop  }
0x376: {  	[spmem:s30] =	stream.linear.scatter [tilespmem:s8], [sflag:$0x1], $0x1000, $0x38;
	[tilespmem:$0x1E840] =	vst v63  }
0x377: {  	_ = 	snop  }
0x378: {  	[spmem:s31] =	stream.linear.scatter [tilespmem:s8], [sflag:$0x1], $0x1000, $0x38;
	[tilespmem:$0x1E840] =	vst v63  }
0x379: {  	s4 =	simm.s32 @!p0 $0xD800  }
0x37a: {  	[spmem:s0] =	stream.linear.scatter @!p0 [tilespmem:s4], [sflag:$0x5], $0x400, $0x38;
	[tilespmem:$0x1E840] =	vst v63  }
0x37b: {  	s4 =	simm.s32 @!p0 $0x5  }
0x37c: {  	_ =	swait.ge @!p0 [sflag:s4], $0x400  }
0x37d: {  	[sflag:s4] =	ssyncset.done @!p0 $0x0  }
0x37e: {  	[sflag:s4] =	ssyncadd.s32 @!p0 $0xFFFFFC00  }
0x37f: {  	_ =	swait.ge [sflag:s10], $0x1000  }
0x380: {  	[sflag:s10] =	ssyncset.done $0x0  }
0x381: {  	[sflag:s10] =	ssyncadd.s32 $0xFFFFF000  }
0x382: {  	_ =	swait.ge [sflag:s10], $0x1000  }
0x383: {  	[sflag:s10] =	ssyncset.done $0x0  }
0x384: {  	[sflag:s10] =	ssyncadd.s32 $0xFFFFF000  }
0x385: {  	_ =	swait.ge [sflag:s10], $0x1000  }
0x386: {  	[sflag:s10] =	ssyncset.done $0x0  }
0x387: {  	[sflag:s10] =	ssyncadd.s32 $0xFFFFF000  }
0x388: {  	_ =	swait.ge [sflag:s10], $0x1000  }
0x389: {  	[sflag:s10] =	ssyncset.done $0x0  }
0x38a: {  	[sflag:s10] =	ssyncadd.s32 $0xFFFFF000  }
0x38b: {  	_ =	swait.ge [sflag:s10], $0x1000  }
0x38c: {  	[sflag:s10] =	ssyncset.done $0x0  }
0x38d: {  	[sflag:s10] =	ssyncadd.s32 $0xFFFFF000  }
0x38e: {  	_ =	swait.ge [sflag:s10], $0x1000  }
0x38f: {  	[sflag:s10] =	ssyncset.done $0x0  }
0x390: {  	[sflag:s10] =	ssyncadd.s32 $0xFFFFF000  }
0x391: {  	_ =	swait.ge [sflag:s10], $0x1000  }
0x392: {  	[sflag:s10] =	ssyncset.done $0x0  }
0x393: {  	[sflag:s10] =	ssyncadd.s32 $0xFFFFF000  }
0x394: {  	_ =	swait.ge [sflag:s10], $0x1000  }
0x395: {  	[sflag:s10] =	ssyncset.done $0x0  }
0x396: {  	[sflag:s10] =	ssyncadd.s32 $0xFFFFF000  }
0x397: {  	_ =	swait.ge [sflag:s10], $0x1000  }
0x398: {  	[sflag:s10] =	ssyncset.done $0x0  }
0x399: {  	[sflag:s10] =	ssyncadd.s32 $0xFFFFF000  }
0x39a: {  	_ =	swait.ge [sflag:s10], $0x1000  }
0x39b: {  	[sflag:s10] =	ssyncset.done $0x0  }
0x39c: {  	[sflag:s10] =	ssyncadd.s32 $0xFFFFF000  }
0x39d: {  	_ =	swait.ge [sflag:s10], $0x1000  }
0x39e: {  	[sflag:s10] =	ssyncset.done $0x0  }
0x39f: {  	[sflag:s10] =	ssyncadd.s32 $0xFFFFF000  }
0x3a0: {  	_ =	swait.ge [sflag:s10], $0x1000  }
0x3a1: {  	[sflag:s10] =	ssyncset.done $0x0  }
0x3a2: {  	[sflag:s10] =	ssyncadd.s32 $0xFFFFF000  }
0x3a3: {  	_ =	swait.ge [sflag:s10], $0x1000  }
0x3a4: {  	[sflag:s10] =	ssyncset.done $0x0  }
0x3a5: {  	[sflag:s10] =	ssyncadd.s32 $0xFFFFF000  }
0x3a6: {  	_ =	swait.ge [sflag:s10], $0x1000  }
0x3a7: {  	[sflag:s10] =	ssyncset.done $0x0  }
0x3a8: {  	[sflag:s10] =	ssyncadd.s32 $0xFFFFF000  }
0x3a9: {  	_ =	swait.ge [sflag:s10], $0x1000  }
0x3aa: {  	[sflag:s10] =	ssyncset.done $0x0  }
0x3ab: {  	p2 =	slt.s32 s12, $0x1;
	[sflag:s10] =	ssyncadd.s32 $0xFFFFF000  }
.Ltmp37:
0x3ac: {  	_ =	swait.ge [sflag:s10], $0x1000;
	(pc) =	sbr.rel @p2 .LBB2_59-.Ltmp37, $3  }
0x3ad: {  	[sflag:s10] =	ssyncset.done $0x0  }
0x3ae: {  	[sflag:s10] =	ssyncadd.s32 $0xFFFFF000  }
0x3af: {  	[bflag:$0x0] =	sbarrier.arrive $0xFFFF;
	_ =	sdelay $0x1  }
0x3b0: {  	s4 =	simm.s32 $0x9800  }
0x3b1: {  	[tilespmem:s4], [sflag:$0x3] =	stream.indirect.gather [hbm4b:s5+s16], $0x40, s6, s16, $0xb8;
	[tilespmem:$0x1E840] =	vst v63  }
0x3b2: {  	_ =	swait.ge [sflag:s18], $0x2000  }
0x3b3: {  	[sflag:s18] =	ssyncset.done $0x0  }
0x3b4: {  	p2 =	seq.s32 s12, $0x1;
	[sflag:s18] =	ssyncadd.s32 $0xFFFFE000  }
0x3b5: {  	[spmem:s1] =	stream.indirect.scatter.add.f32 [tilespmem:s4], [sflag:$0x4], $0x40, s7, s16, $0xb8;
	[tilespmem:$0x1E840] =	vst v63  }
0x3b6: {  	s13 =	simm.s32 @!p2 $0x6480;
	s14 =	simm.s32 @!p2 $0xB800;
	s4 =	simm.s32 @!p2 $0x80  }
0x3b7: {  	[tilespmem:s14], [sflag:$0x3] =	stream.indirect.gather @!p2 [hbm4b:s5+s4], $0x40, s13, s4, $0xb8;
	[tilespmem:$0x1E840] =	vst v63  }
0x3b8: {  	s13 =	simm.s32 @!p2 $0x3  }
0x3b9: {  	_ =	swait.ge @!p2 [sflag:s13], $0x2000  }
0x3ba: {  	[sflag:s13] =	ssyncset.done @!p2 $0x0  }
0x3bb: {  	p3 =	seq.s32 @!p2 s12, $0x2;
	[sflag:s13] =	ssyncadd.s32 @!p2 $0xFFFFE000;
	s13 =	simm.s32 @!p2 $0x7E80  }
0x3bc: {  	[spmem:s1] =	stream.indirect.scatter.add.f32 @!p2 [tilespmem:s14], [sflag:$0x4], $0x40, s13, s4, $0xb8;
	[tilespmem:$0x1E840] =	vst v63  }
0x3bd: {  	p2 =	por p2, p3  }
.Ltmp38:
0x3be: {  	_ = 	snop;
	(pc) =	sbr.rel @p2 .LBB2_56-.Ltmp38, $1  }
0x3bf: {  	_ =	sdelay $0x3  }
0x3c0: {  	s4 =	simm.s32 $0x4000  }
0x3c1: {  	_ =	swait.ge [sflag:s19], $0x2000;
	s13 =	sadd.s32 $0xFFFFFFFE, s12;
	s14 =	simm.s32 $0x6500  }
0x3c2: {  	[sflag:s19] =	ssyncset.done $0x0;
	s4 =	sand.u32 $0x2000, s4;
	p2 =	sne.s32 s13, $0x1  }
.Ltmp39:
0x3c3: {  	[sflag:s19] =	ssyncadd.s32 $0xFFFFE000;
	s4 =	sor.u32 $0x9800, s4;
	(pc) =	sbr.rel @!p2 .LBB2_55-.Ltmp39, $4  }
0x3c4: {  	[tilespmem:s4], [sflag:$0x3] =	stream.indirect.gather [hbm4b:s5+s16], $0x40, s14, s16, $0xb8;
	[tilespmem:$0x1E840] =	vst v63  }
0x3c5: {  	s15 =	simm.s32 $0x7F00;
	_ =	swait.ge [sflag:s18], $0x2000  }
0x3c6: {  	s20 =	simm.s32 $0x6580;
	s22 =	simm.s32 $0x7F80;
	[sflag:s18] =	ssyncset.done $0x0  }
0x3c7: {  	s13 =	sadd.s32 $0xFFFFFFFF, s13;
	s14 =	simm.s32 $0x6000;
	[sflag:s18] =	ssyncadd.s32 $0xFFFFE000  }
.LBB2_54:
0x3c8: {  	[spmem:s1] =	stream.indirect.scatter.add.f32 [tilespmem:s4], [sflag:$0x4], $0x40, s15, s16, $0xb8;
	[tilespmem:$0x1E840] =	vst v63  }
0x3c9: {  	p2 =	sne.s32 s13, $0x1;
	s13 =	sadd.s32 $0xFFFFFFFF, s13;
	_ =	swait.ge [sflag:s19], $0x2000  }
0x3ca: {  	s4 =	sand.u32 $0x2000, s14;
	s15 =	smov.u32 s22;
	[sflag:s19] =	ssyncset.done $0x0  }
.Ltmp40:
0x3cb: {  	s4 =	sor.u32 $0x9800, s4;
	[sflag:s19] =	ssyncadd.s32 $0xFFFFE000;
	(pc) =	sbr.rel @p2 .LBB2_54-.Ltmp40, $4  }
0x3cc: {  	[tilespmem:s4], [sflag:$0x3] =	stream.indirect.gather [hbm4b:s5+s16], $0x40, s20, s16, $0xb8;
	[tilespmem:$0x1E840] =	vst v63  }
0x3cd: {  	_ =	swait.ge [sflag:s18], $0x2000  }
0x3ce: {  	s14 =	sadd.s32 $0x2000, s14;
	[sflag:s18] =	ssyncset.done $0x0  }
0x3cf: {  	s22 =	sadd.s32 $0x80, s22;
	s20 =	sadd.s32 $0x80, s20;
	[sflag:s18] =	ssyncadd.s32 $0xFFFFE000  }
.LBB2_55:
0x3d0: {  	[spmem:s1] =	stream.indirect.scatter.add.f32 [tilespmem:s4], [sflag:$0x4], $0x40, s15, s16, $0xb8;
	[tilespmem:$0x1E840] =	vst v63  }
0x3d1: {  	s20 =	rddreg [dreg:$0x5]  }
0x3d2: {  	s22 =	rddreg [dreg:$0xa]  }
.LBB2_56:
0x3d3: {  	s4 =	smin.u32 s12, $0x2  }
0x3d4: {  	p2 =	sne.s32 s4, $0x1  }
.Ltmp41:
0x3d5: {  	_ = 	snop;
	(pc) =	sbr.rel @!p2 .LBB2_58-.Ltmp41, $3  }
0x3d6: {  	_ =	sdelay $0x1  }
0x3d7: {  	_ =	swait.ge [sflag:s19], $0x2000  }
0x3d8: {  	s4 =	sadd.s32 $0xFFFFFFFF, s4;
	[sflag:s19] =	ssyncset.done $0x0  }
.LBB2_57:
0x3d9: {  	p2 =	sne.s32 s4, $0x1;
	s4 =	sadd.s32 $0xFFFFFFFF, s4;
	[sflag:s19] =	ssyncadd.s32 $0xFFFFE000  }
.Ltmp42:
0x3da: {  	(pc) =	sbr.rel @p2 .LBB2_57-.Ltmp42, $3  }
0x3db: {  	_ =	sdelay $0x1  }
0x3dc: {  	_ =	swait.ge [sflag:s19], $0x2000  }
0x3dd: {  	[sflag:s19] =	ssyncset.done $0x0  }
.Ltmp43:
0x3de: {  	_ = 	snop;
	(pc) =	sbr.rel .LBB2_58-.Ltmp43, $1  }
0x3df: {  	_ =	sdelay $0x3  }
.LBB2_60:
0x3e0: {  	_ =	sfence.sel $0x180000  }
0x3e1: {  	[bflag:$0x0] =	sbarrier.arrive $0xFFFF  }
0x3e2: {  	_ =	strace $0x90000047  }
0x3e3: {  	[bflag:$0x2] =	sbarrier.arrive $0xFFFF  }
0x3e4: {  	s0 =	rddreg [dreg:$0x4]  }
0x3e5: {  	s0 =	sadd.s32 @!p0 $0x100000, s0  }
0x3e6: {  	[sflag:s0] =	ssyncadd.tile.s32 @!p0 $0x1;
	_ =	shalt  }
.Lfunc_end2:
_tile_overlayer_lowered:
.L_overlay_start_2:
0x3e7: {  	(tag) =	ssettag $0x2  }
0x3e8: {  	s0 =	rddreg [dreg:$0x0];
	s2 =	stileid.u32  }
0x3e9: {  	s1 =	rddreg [dreg:$0x1];
	p0 =	sne.s32 s2, $0x0  }
0x3ea: {  	s3 =	rddreg [dreg:$0x2];
	[bflag:$0x3] =	sbarrier.arrive $0xFFFF;
	s2 =	simm.s32 @!p0 $0x1C05  }
0x3eb: {  	[timem:s3], [sflag:s2] =	dma.local @!p0 [hbm:s0], s1  }
0x3ec: {  	s0 =	simm.s32 @!p0 $0x5  }
0x3ed: {  	_ =	swait.ge @!p0 [sflag:s0], s1  }
0x3ee: {  	s1 =	ssub.s32 @!p0 $0x0, s1;
	[sflag:s0] =	ssyncset.done @!p0 $0x0  }
0x3ef: {  	[sflag:s0] =	ssyncadd.s32 @!p0 s1  }
0x3f0: {  	[bflag:$0x3] =	sbarrier.arrive $0xFFFF  }
0x3f1: {  	_ =	shalt  }

</sc_bundles>
